<compile_context>
chip_gen: v7x
topology: tpu7x:2x2x1
jax: 0.10.2.dev20260603
libtpu: 0.0.44.dev20260713+nightly
codegen_flags: <defaults>
</compile_context>

<pallas_src>
import functools
import jax
import jax.numpy as jnp
from jax import lax
from jax.experimental import pallas as pl
from jax.experimental.pallas import tpu as pltpu
from jax.experimental.pallas import tpu_sc as plsc

NN = 100000
EE = 3200000
EPAD = 3244032
NROWS = EPAD // 128
NC, NS = 2, 16
DEG_ACC = 131072
ACC_ROWS = 100096
CH = 4
CHP = 4
L1_RPS = NROWS // NS
L2_RPW = NROWS // (NC * NS)
STRIPE = 6256
ZROWS = 1568


def _sc_mesh():
    return plsc.VectorSubcoreMesh(core_axis_name="c", subcore_axis_name="s",
                                  num_cores=NC, num_subcores=NS)


@functools.partial(
    pl.kernel,
    out_type=jax.ShapeDtypeStruct((NC * DEG_ACC,), jnp.float32),
    mesh=_sc_mesh(),
    compiler_params=pltpu.CompilerParams(use_tc_tiling_on_sc=False),
    scratch_types=[
        pltpu.VMEM((CH, 128), jnp.int32),
        pltpu.VMEM((CH, 128), jnp.int32),
        pltpu.VMEM((128,), jnp.float32),
        pltpu.VMEM_SHARED((DEG_ACC,), jnp.float32),
        pltpu.SemaphoreType.DMA,
        pltpu.SemaphoreType.DMA,
    ])
def _degree_sc(dst_hbm, ones_hbm, zeros_hbm, out_hbm, idx0, idx1, ones_v,
               acc_sh, isem, ssem):
    cid = lax.axis_index("c")
    sid = lax.axis_index("s")
    pltpu.sync_copy(ones_hbm, ones_v)
    pltpu.sync_copy(zeros_hbm, acc_sh.at[pl.ds(sid * 8192, 8192)])
    plsc.subcore_barrier()
    base = (cid * NS + sid) * L2_RPW
    nt = L2_RPW // CH
    bufs = [idx0, idx1]

    def idx_cp(t, b):
        return pltpu.make_async_copy(dst_hbm.at[pl.ds(base + t * CH, CH)],
                                     bufs[b], isem)

    idx_cp(0, 0).start()

    def group(g, c):
        for b in range(2):
            t = g * 2 + b
            idx_cp(t, b).wait()

            @pl.when(t > 0)
            def _():
                for _j in range(CH):
                    pltpu.make_async_copy(ones_hbm, ones_v, ssem).wait()

            @pl.when(t + 1 < nt)
            def _():
                idx_cp(t + 1, 1 - b).start()

            for j in range(CH):
                pltpu.async_copy(ones_v, acc_sh.at[bufs[b].at[j]], ssem,
                                 add=True)
        return c

    lax.fori_loop(0, nt // 2, group, 0)
    for _j in range(CH):
        pltpu.make_async_copy(ones_hbm, ones_v, ssem).wait()
    plsc.subcore_barrier()
    pltpu.sync_copy(acc_sh.at[pl.ds(sid * 8192, 8192)],
                    out_hbm.at[pl.ds(cid * DEG_ACC + sid * 8192, 8192)])


def _make_prop(feature_split):
    @functools.partial(
        pl.kernel,
        out_type=jax.ShapeDtypeStruct((NC, NN, 16), jnp.float32),
        mesh=_sc_mesh(),
        compiler_params=pltpu.CompilerParams(use_tc_tiling_on_sc=False),
        scratch_types=[
            pltpu.VMEM((CHP, 128), jnp.int32),
            pltpu.VMEM((CHP, 128), jnp.int32),
            pltpu.VMEM((CHP, 128), jnp.int32),
            pltpu.VMEM((CHP, 128), jnp.int32),
            pltpu.VMEM((CHP, 128), jnp.int32),
            pltpu.VMEM((CHP, 128), jnp.int32),
            pltpu.VMEM((CHP, 128, 16), jnp.float32),
            pltpu.VMEM((CHP, 128, 16), jnp.float32),
            pltpu.VMEM((CHP, 128, 16), jnp.float32),
            pltpu.VMEM_SHARED((ACC_ROWS, 16), jnp.float32),
            pltpu.SemaphoreType.DMA,
            pltpu.SemaphoreType.DMA,
            pltpu.SemaphoreType.DMA,
            pltpu.SemaphoreType.DMA,
            pltpu.SemaphoreType.DMA,
        ])
    def prop(src_hbm, dst_hbm, t0_hbm, t1_hbm, zeros_hbm, out_hbm,
             sidx0, sidx1, sidx2, didx0, didx1, didx2,
             rows0, rows1, rows2, acc_sh,
             isem, gsem0, gsem1, gsem2, ssem):
        gsems = [gsem0, gsem1, gsem2]
        cid = lax.axis_index("c")
        sid = lax.axis_index("s")
        for q in range(3):
            pltpu.sync_copy(zeros_hbm,
                            acc_sh.at[pl.ds(sid * STRIPE + q * ZROWS, ZROWS)])
        pltpu.sync_copy(zeros_hbm.at[pl.ds(0, 1552)],
                        acc_sh.at[pl.ds(sid * STRIPE + 3 * ZROWS, 1552)])
        plsc.subcore_barrier()
        if feature_split:
            nrows, base = L1_RPS, sid * L1_RPS
        else:
            nrows, base = L2_RPW, (cid * NS + sid) * L2_RPW
        nt = nrows // CHP
        sbufs = [sidx0, sidx1, sidx2]
        dbufs = [didx0, didx1, didx2]
        rbufs = [rows0, rows1, rows2]

        def idx_cps(t, b):
            r0 = base + t * CHP
            return (pltpu.make_async_copy(src_hbm.at[pl.ds(r0, CHP)],
                                          sbufs[b], isem),
                    pltpu.make_async_copy(dst_hbm.at[pl.ds(r0, CHP)],
                                          dbufs[b], isem))

        def gath(tab, b):
            return [pltpu.async_copy(tab.at[sbufs[b].at[j]],
                                     rbufs[b].at[j], gsems[b])
                    for j in range(CHP)]

        def fire_gathers(b):
            if feature_split:
                @pl.when(cid == 0)
                def _():
                    gath(t0_hbm, b)

                @pl.when(cid == 1)
                def _():
                    gath(t1_hbm, b)
            else:
                gath(t0_hbm, b)

        def wait_gathers(b):
            for j in range(CHP):
                pltpu.make_async_copy(t0_hbm.at[pl.ds(0, 128)],
                                      rbufs[b].at[j], gsems[b]).wait()

        def drain_scatters(b):
            for j in range(CHP):
                pltpu.make_async_copy(t0_hbm.at[pl.ds(0, 128)],
                                      rbufs[b].at[j], ssem).wait()

        for cp in idx_cps(0, 0):
            cp.start()
        for cp in idx_cps(1, 1):
            cp.start()
        for cp in idx_cps(0, 0):
            cp.wait()
        fire_gathers(0)

        def group(g, c):
            for b in range(3):
                t = g * 3 + b
                bn, bp = (b + 1) % 3, (b + 2) % 3

                @pl.when(t + 1 < nt)
                def _():
                    for cp in idx_cps(t + 1, bn):
                        cp.wait()

                @pl.when(t > 0)
                def _():
                    drain_scatters(bp)

                @pl.when(t + 2 < nt)
                def _():
                    for cp in idx_cps(t + 2, bp):
                        cp.start()

                @pl.when(t + 1 < nt)
                def _():
                    fire_gathers(bn)

                wait_gathers(b)
                for j in range(CHP):
                    pltpu.async_copy(rbufs[b].at[j], acc_sh.at[dbufs[b].at[j]],
                                     ssem, add=True)
            return c

        lax.fori_loop(0, nt // 3, group, 0)
        drain_scatters((nt - 1) % 3)
        plsc.subcore_barrier()

        @pl.when(sid < NS - 1)
        def _():
            lo = sid * STRIPE
            pltpu.sync_copy(acc_sh.at[pl.ds(lo, STRIPE)],
                            out_hbm.at[cid, pl.ds(lo, STRIPE)])

        @pl.when(sid == NS - 1)
        def _():
            lo = (NS - 1) * STRIPE
            pltpu.sync_copy(acc_sh.at[pl.ds(lo, NN - lo)],
                            out_hbm.at[cid, pl.ds(lo, NN - lo)])

    return prop


_prop_fsplit = _make_prop(True)
_prop_esplit = _make_prop(False)


GW, RB = 10, 1250
_W3 = (GW, RB, 128)


def _stage_a_body(x_ref, w1a_ref, w1b_ref, dinv_ref, xs0_ref, xs1_ref,
                  xw0_ref, xw1_ref):
    x = x_ref[0]
    dinv = dinv_ref[0]
    xw0 = jnp.dot(x, w1a_ref[...], preferred_element_type=jnp.float32)
    xw1 = jnp.dot(x, w1b_ref[...], preferred_element_type=jnp.float32)
    xw0_ref[0] = xw0
    xw1_ref[0] = xw1
    xs0_ref[0] = xw0 * dinv
    xs1_ref[0] = xw1 * dinv


_BS = pl.BlockSpec((1, RB, 128), lambda i: (i, 0, 0))
_WS = pl.BlockSpec((128, 128), lambda i: (0, 0))
_VS = pl.BlockSpec((1, 128), lambda i: (0, 0))
_AS0 = pl.BlockSpec((1, 1, RB, 128), lambda i: (0, i, 0, 0))
_AS1 = pl.BlockSpec((1, 1, RB, 128), lambda i: (1, i, 0, 0))
_OW = jax.ShapeDtypeStruct(_W3, jnp.float32)


def _stage_a(xw_wide, w1a, w1b, dinvw):
    return pl.pallas_call(
        _stage_a_body,
        grid=(GW,),
        in_specs=[_BS, _WS, _WS, _BS],
        out_specs=[_BS, _BS, _BS, _BS],
        out_shape=[_OW, _OW, _OW, _OW],
    )(xw_wide, w1a, w1b, dinvw)


def _stage_b_body(a0_ref, a1_ref, xw0_ref, xw1_ref, dinv_ref, b1lo_ref,
                  b1hi_ref, w2a_ref, w2b_ref, hs_ref, hw_ref):
    dinv = dinv_ref[0]
    d2 = dinv * dinv
    h0 = jnp.maximum(a0_ref[0, 0] * dinv + xw0_ref[0] * d2 + b1lo_ref[...], 0.)
    h1 = jnp.maximum(a1_ref[0, 0] * dinv + xw1_ref[0] * d2 + b1hi_ref[...], 0.)
    hw = (jnp.dot(h0, w2a_ref[...], preferred_element_type=jnp.float32)
          + jnp.dot(h1, w2b_ref[...], preferred_element_type=jnp.float32))
    hw_ref[0] = hw
    hs_ref[0] = hw * dinv


def _stage_b(aggw, xw0, xw1, dinvw, b1lo, b1hi, w2a, w2b):
    return pl.pallas_call(
        _stage_b_body,
        grid=(GW,),
        in_specs=[_AS0, _AS1, _BS, _BS, _BS, _VS, _VS, _WS, _WS],
        out_specs=[_BS, _BS],
        out_shape=[_OW, _OW],
    )(aggw, aggw, xw0, xw1, dinvw, b1lo, b1hi, w2a, w2b)


def _stage_c_body(a0_ref, a1_ref, hw_ref, dinv_ref, b2_ref, out_ref):
    dinv = dinv_ref[0]
    agg = a0_ref[0, 0] + a1_ref[0, 0]
    out_ref[0] = dinv * agg + dinv * dinv * hw_ref[0] + b2_ref[...]


def _stage_c(agg2w, hw, dinvw, b2w):
    return pl.pallas_call(
        _stage_c_body,
        grid=(GW,),
        in_specs=[_AS0, _AS1, _BS, _BS, _VS],
        out_specs=_BS,
        out_shape=_OW,
    )(agg2w, agg2w, hw, dinvw, b2w)


def kernel(x, edge_index, W1, b1, W2, b2):
    src = edge_index[0].astype(jnp.int32)
    dst = edge_index[1].astype(jnp.int32)

    npad = EPAD - EE
    pad_i = jnp.arange(npad, dtype=jnp.int32)
    src_p = jnp.concatenate([src, pad_i % 128]).reshape(NROWS, 128)
    dst_p = jnp.concatenate([dst, NN + (pad_i % 32)]).reshape(NROWS, 128)

    ones128 = jnp.ones((128,), jnp.float32)
    zeros1d = jnp.zeros((8192,), jnp.float32)
    zeros2d = jnp.zeros((ZROWS, 16), jnp.float32)

    eye8 = jnp.eye(8, dtype=jnp.float32)
    w1a = jnp.kron(eye8, W1[:, :16])
    w1b = jnp.kron(eye8, W1[:, 16:])
    w2p = jnp.pad(W2, ((0, 0), (0, 14)))
    w2a = jnp.kron(eye8, w2p[:16, :])
    w2b = jnp.kron(eye8, w2p[16:, :])
    b1lo = jnp.tile(b1[:16], 8)[None, :]
    b1hi = jnp.tile(b1[16:], 8)[None, :]
    b2w = jnp.tile(jnp.pad(b2, (0, 14)), 8)[None, :]

    deg_flat = _degree_sc(dst_p, ones128, zeros1d)
    deg1d = deg_flat[:NN] + deg_flat[DEG_ACC:DEG_ACC + NN] + 1.0
    dinvw = jnp.broadcast_to(lax.rsqrt(deg1d)[:, None], (NN, 16)).reshape(_W3)

    x_wide = x.reshape(_W3)
    xs0w, xs1w, xw0w, xw1w = _stage_a(x_wide, w1a, w1b, dinvw)
    agg1 = _prop_fsplit(src_p, dst_p, xs0w.reshape(NN, 16),
                        xs1w.reshape(NN, 16), zeros2d)
    hsw, hww = _stage_b(agg1.reshape((NC,) + _W3), xw0w, xw1w, dinvw,
                        b1lo, b1hi, w2a, w2b)

    hs = hsw.reshape(NN, 16)
    agg2 = _prop_esplit(src_p, dst_p, hs, hs, zeros2d)
    out16w = _stage_c(agg2.reshape((NC,) + _W3), hww, dinvw, b2w)
    return out16w.reshape(NN, 16)[:, :2]

# --- scband reference (transcript-rebuilt; emitter-appended) ---
"""Pipeline reference for scband-simple-gcn-16999480557921 (READ-ONLY COPY).

The authoritative reference and input builder live on the scoring server;
editing this copy changes nothing except your own understanding.
"""

import jax, jax.numpy as jnp
import numpy as np

N = 100000
E = 3200000

def gcn_conv(x, W, b, src, dst, num_nodes):
    # add self-loops
    loop = jnp.arange(num_nodes, dtype=src.dtype)
    s = jnp.concatenate([src, loop])
    d = jnp.concatenate([dst, loop])
    # symmetric normalization (PyG GCNConv default: deg over dst after self-loops)
    deg = jnp.zeros((num_nodes,), dtype=x.dtype).at[d].add(1.0)
    dinv = jnp.where(deg > 0, deg ** -0.5, 0.0)
    norm = dinv[s] * dinv[d]
    xw = x @ W
    msg = xw[s] * norm[:, None]
    out = jnp.zeros((num_nodes, W.shape[1]), dtype=x.dtype).at[d].add(msg)
    return out + b

def setup_inputs(seed: int = 0) -> dict:
    key = jax.random.key(seed)
    k1, k2, k3, k4 = jax.random.split(key, 4)
    x = jax.random.normal(k1, (N, 16), dtype=jnp.float32)
    edge_index = jax.random.randint(k2, (2, E), 0, N, dtype=jnp.int64)
    W1 = jax.random.normal(k3, (16, 32), dtype=jnp.float32) * (1.0 / np.sqrt(16))
    b1 = jnp.zeros((32,), dtype=jnp.float32)
    W2 = jax.random.normal(k4, (32, 2), dtype=jnp.float32) * (1.0 / np.sqrt(32))
    b2 = jnp.zeros((2,), dtype=jnp.float32)
    return {"x": x, "edge_index": edge_index, "W1": W1, "b1": b1, "W2": W2, "b2": b2}

def reference(x, edge_index, W1, b1, W2, b2):
    src, dst = edge_index[0], edge_index[1]
    h = gcn_conv(x, W1, b1, src, dst, N)
    h = jax.nn.relu(h)
    out = gcn_conv(h, W2, b2, src, dst, N)
    return out

if __name__ == "__main__":
    import jax
    _d = setup_inputs()
    print(jax.jit(kernel)(*tuple(_d.values())))

</pallas_src>

<mosaic_0001>
#map = affine_map<(d0, d1) -> (0, 0)>
#map1 = affine_map<(d0, d1) -> (0, 0, 0)>
module attributes {stable_mosaic.version = 14 : i64} {
  func.func @prop(%arg0: i32, %arg1: i32, %arg2: memref<25344x128xi32, #tpu.memory_space<hbm>>, %arg3: memref<25344x128xi32, #tpu.memory_space<hbm>>, %arg4: memref<100000x16xf32, #tpu.memory_space<hbm>>, %arg5: memref<100000x16xf32, #tpu.memory_space<hbm>>, %arg6: memref<1568x16xf32, #tpu.memory_space<hbm>>, %arg7: memref<2x100000x16xf32, #tpu.memory_space<hbm>>, %arg8: memref<4x128xi32, #tpu.memory_space<vmem>>, %arg9: memref<4x128xi32, #tpu.memory_space<vmem>>, %arg10: memref<4x128xi32, #tpu.memory_space<vmem>>, %arg11: memref<4x128xi32, #tpu.memory_space<vmem>>, %arg12: memref<4x128xi32, #tpu.memory_space<vmem>>, %arg13: memref<4x128xi32, #tpu.memory_space<vmem>>, %arg14: memref<4x128x16xf32, #tpu.memory_space<vmem>>, %arg15: memref<4x128x16xf32, #tpu.memory_space<vmem>>, %arg16: memref<4x128x16xf32, #tpu.memory_space<vmem>>, %arg17: memref<100096x16xf32, #tpu.memory_space<vmem_shared>>, %arg18: memref<!tpu.dma_semaphore, #tpu.memory_space<semaphore_mem>>, %arg19: memref<!tpu.dma_semaphore, #tpu.memory_space<semaphore_mem>>, %arg20: memref<!tpu.dma_semaphore, #tpu.memory_space<semaphore_mem>>, %arg21: memref<!tpu.dma_semaphore, #tpu.memory_space<semaphore_mem>>, %arg22: memref<!tpu.dma_semaphore, #tpu.memory_space<semaphore_mem>>) attributes {dimension_semantics = [#tpu.dimension_semantics<core_parallel>, #tpu.dimension_semantics<subcore_parallel>], iteration_bounds = array<i64: 2, 16>, scalar_prefetch = 0 : i64, scratch_operands = 15 : i64, tpu.core_type = #tpu.core_type<sc_vector_subcore>, window_params = [{transform_indices = #map}, {transform_indices = #map}, {transform_indices = #map}, {transform_indices = #map}, {transform_indices = #map}, {transform_indices = #map1}]} {
    %mul3A = arith.constant 6256 : i32
    %mul3A_0 = arith.muli %arg1, %mul3A : i32
    %add3A = arith.constant 0 : i32
    %add3A_1 = arith.addi %mul3A_0, %add3A : i32
    "tpu.region"() ({
      %run_scoped3A = tpu.sem_alloc : memref<!tpu.dma_semaphore, #tpu.memory_space<semaphore_mem>>
      %dma_start3A_126 = arith.constant 0 : i32
      %dma_start3A_127 = tpu.memref_slice %arg17[%add3A_1, %dma_start3A_126] : memref<100096x16xf32, #tpu.memory_space<vmem_shared>> -> memref<1568x16xf32, #tpu.memory_space<vmem_shared>>
      tpu.enqueue_dma source(%arg6 : memref<1568x16xf32, #tpu.memory_space<hbm>>) target(%dma_start3A_127 : memref<1568x16xf32, #tpu.memory_space<vmem_shared>>) target_semaphore(%run_scoped3A : memref<!tpu.dma_semaphore, #tpu.memory_space<semaphore_mem>>)
      %dma_wait3A_128 = arith.constant 0 : i32
      %dma_wait3A_129 = tpu.memref_slice %arg17[%add3A_1, %dma_wait3A_128] : memref<100096x16xf32, #tpu.memory_space<vmem_shared>> -> memref<1568x16xf32, #tpu.memory_space<vmem_shared>>
      tpu.wait_dma2 semaphore(%run_scoped3A : memref<!tpu.dma_semaphore, #tpu.memory_space<semaphore_mem>>) src(%arg6 : memref<1568x16xf32, #tpu.memory_space<hbm>>) dst(%dma_wait3A_129 : memref<1568x16xf32, #tpu.memory_space<vmem_shared>>)
      tpu.yield
    }) : () -> ()
    %mul3A_2 = arith.constant 6256 : i32
    %mul3A_3 = arith.muli %arg1, %mul3A_2 : i32
    %add3A_4 = arith.constant 1568 : i32
    %add3A_5 = arith.addi %mul3A_3, %add3A_4 : i32
    "tpu.region"() ({
      %run_scoped3A = tpu.sem_alloc : memref<!tpu.dma_semaphore, #tpu.memory_space<semaphore_mem>>
      %dma_start3A_126 = arith.constant 0 : i32
      %dma_start3A_127 = tpu.memref_slice %arg17[%add3A_5, %dma_start3A_126] : memref<100096x16xf32, #tpu.memory_space<vmem_shared>> -> memref<1568x16xf32, #tpu.memory_space<vmem_shared>>
      tpu.enqueue_dma source(%arg6 : memref<1568x16xf32, #tpu.memory_space<hbm>>) target(%dma_start3A_127 : memref<1568x16xf32, #tpu.memory_space<vmem_shared>>) target_semaphore(%run_scoped3A : memref<!tpu.dma_semaphore, #tpu.memory_space<semaphore_mem>>)
      %dma_wait3A_128 = arith.constant 0 : i32
      %dma_wait3A_129 = tpu.memref_slice %arg17[%add3A_5, %dma_wait3A_128] : memref<100096x16xf32, #tpu.memory_space<vmem_shared>> -> memref<1568x16xf32, #tpu.memory_space<vmem_shared>>
      tpu.wait_dma2 semaphore(%run_scoped3A : memref<!tpu.dma_semaphore, #tpu.memory_space<semaphore_mem>>) src(%arg6 : memref<1568x16xf32, #tpu.memory_space<hbm>>) dst(%dma_wait3A_129 : memref<1568x16xf32, #tpu.memory_space<vmem_shared>>)
      tpu.yield
    }) : () -> ()
    %mul3A_6 = arith.constant 6256 : i32
    %mul3A_7 = arith.muli %arg1, %mul3A_6 : i32
    %add3A_8 = arith.constant 3136 : i32
    %add3A_9 = arith.addi %mul3A_7, %add3A_8 : i32
    "tpu.region"() ({
      %run_scoped3A = tpu.sem_alloc : memref<!tpu.dma_semaphore, #tpu.memory_space<semaphore_mem>>
      %dma_start3A_126 = arith.constant 0 : i32
      %dma_start3A_127 = tpu.memref_slice %arg17[%add3A_9, %dma_start3A_126] : memref<100096x16xf32, #tpu.memory_space<vmem_shared>> -> memref<1568x16xf32, #tpu.memory_space<vmem_shared>>
      tpu.enqueue_dma source(%arg6 : memref<1568x16xf32, #tpu.memory_space<hbm>>) target(%dma_start3A_127 : memref<1568x16xf32, #tpu.memory_space<vmem_shared>>) target_semaphore(%run_scoped3A : memref<!tpu.dma_semaphore, #tpu.memory_space<semaphore_mem>>)
      %dma_wait3A_128 = arith.constant 0 : i32
      %dma_wait3A_129 = tpu.memref_slice %arg17[%add3A_9, %dma_wait3A_128] : memref<100096x16xf32, #tpu.memory_space<vmem_shared>> -> memref<1568x16xf32, #tpu.memory_space<vmem_shared>>
      tpu.wait_dma2 semaphore(%run_scoped3A : memref<!tpu.dma_semaphore, #tpu.memory_space<semaphore_mem>>) src(%arg6 : memref<1568x16xf32, #tpu.memory_space<hbm>>) dst(%dma_wait3A_129 : memref<1568x16xf32, #tpu.memory_space<vmem_shared>>)
      tpu.yield
    }) : () -> ()
    %mul3A_10 = arith.constant 6256 : i32
    %mul3A_11 = arith.muli %arg1, %mul3A_10 : i32
    %add3A_12 = arith.constant 4704 : i32
    %add3A_13 = arith.addi %mul3A_11, %add3A_12 : i32
    "tpu.region"() ({
      %run_scoped3A = tpu.sem_alloc : memref<!tpu.dma_semaphore, #tpu.memory_space<semaphore_mem>>
      %dma_start3A_126 = arith.constant 0 : i32
      %dma_start3A_127 = tpu.memref_slice %arg17[%add3A_13, %dma_start3A_126] : memref<100096x16xf32, #tpu.memory_space<vmem_shared>> -> memref<1552x16xf32, #tpu.memory_space<vmem_shared>>
      %dma_start3A_128 = arith.constant 0 : i32
      %dma_start3A_129 = arith.constant 0 : i32
      %dma_start3A_130 = tpu.memref_slice %arg6[%dma_start3A_128, %dma_start3A_129] : memref<1568x16xf32, #tpu.memory_space<hbm>> -> memref<1552x16xf32, #tpu.memory_space<hbm>>
      tpu.enqueue_dma source(%dma_start3A_130 : memref<1552x16xf32, #tpu.memory_space<hbm>>) target(%dma_start3A_127 : memref<1552x16xf32, #tpu.memory_space<vmem_shared>>) target_semaphore(%run_scoped3A : memref<!tpu.dma_semaphore, #tpu.memory_space<semaphore_mem>>)
      %dma_wait3A_131 = arith.constant 0 : i32
      %dma_wait3A_132 = tpu.memref_slice %arg17[%add3A_13, %dma_wait3A_131] : memref<100096x16xf32, #tpu.memory_space<vmem_shared>> -> memref<1552x16xf32, #tpu.memory_space<vmem_shared>>
      %dma_wait3A_133 = arith.constant 0 : i32
      %dma_wait3A_134 = arith.constant 0 : i32
      %dma_wait3A_135 = tpu.memref_slice %arg6[%dma_wait3A_133, %dma_wait3A_134] : memref<1568x16xf32, #tpu.memory_space<hbm>> -> memref<1552x16xf32, #tpu.memory_space<hbm>>
      tpu.wait_dma2 semaphore(%run_scoped3A : memref<!tpu.dma_semaphore, #tpu.memory_space<semaphore_mem>>) src(%dma_wait3A_135 : memref<1552x16xf32, #tpu.memory_space<hbm>>) dst(%dma_wait3A_132 : memref<1552x16xf32, #tpu.memory_space<vmem_shared>>)
      tpu.yield
    }) : () -> ()
    %barrier3A = arith.constant 0 : index
    tpu.barrier barrier_id(%barrier3A)
    %mul3A_14 = arith.constant 1584 : i32
    %mul3A_15 = arith.muli %arg1, %mul3A_14 : i32
    %add3A_16 = arith.constant 0 : i32
    %add3A_17 = arith.addi %mul3A_15, %add3A_16 : i32
    %dma_start3A = arith.constant 0 : i32
    %dma_start3A_18 = tpu.memref_slice %arg2[%add3A_17, %dma_start3A] : memref<25344x128xi32, #tpu.memory_space<hbm>> -> memref<4x128xi32, #tpu.memory_space<hbm>>
    %dma_start3A_19 = arith.constant 0 : i32
    %dma_start3A_20 = tpu.memref_slice %arg2[%add3A_17, %dma_start3A_19] : memref<25344x128xi32, #tpu.memory_space<hbm>> -> memref<4x128xi32, #tpu.memory_space<hbm>>
    tpu.enqueue_dma source(%dma_start3A_20 : memref<4x128xi32, #tpu.memory_space<hbm>>) target(%arg8 : memref<4x128xi32, #tpu.memory_space<vmem>>) target_semaphore(%arg18 : memref<!tpu.dma_semaphore, #tpu.memory_space<semaphore_mem>>)
    %dma_start3A_21 = arith.constant 0 : i32
    %dma_start3A_22 = tpu.memref_slice %arg3[%add3A_17, %dma_start3A_21] : memref<25344x128xi32, #tpu.memory_space<hbm>> -> memref<4x128xi32, #tpu.memory_space<hbm>>
    %dma_start3A_23 = arith.constant 0 : i32
    %dma_start3A_24 = tpu.memref_slice %arg3[%add3A_17, %dma_start3A_23] : memref<25344x128xi32, #tpu.memory_space<hbm>> -> memref<4x128xi32, #tpu.memory_space<hbm>>
    tpu.enqueue_dma source(%dma_start3A_24 : memref<4x128xi32, #tpu.memory_space<hbm>>) target(%arg11 : memref<4x128xi32, #tpu.memory_space<vmem>>) target_semaphore(%arg18 : memref<!tpu.dma_semaphore, #tpu.memory_space<semaphore_mem>>)
    %add3A_25 = arith.constant 4 : i32
    %add3A_26 = arith.addi %mul3A_15, %add3A_25 : i32
    %dma_start3A_27 = arith.constant 0 : i32
    %dma_start3A_28 = tpu.memref_slice %arg2[%add3A_26, %dma_start3A_27] : memref<25344x128xi32, #tpu.memory_space<hbm>> -> memref<4x128xi32, #tpu.memory_space<hbm>>
    %dma_start3A_29 = arith.constant 0 : i32
    %dma_start3A_30 = tpu.memref_slice %arg2[%add3A_26, %dma_start3A_29] : memref<25344x128xi32, #tpu.memory_space<hbm>> -> memref<4x128xi32, #tpu.memory_space<hbm>>
    tpu.enqueue_dma source(%dma_start3A_30 : memref<4x128xi32, #tpu.memory_space<hbm>>) target(%arg9 : memref<4x128xi32, #tpu.memory_space<vmem>>) target_semaphore(%arg18 : memref<!tpu.dma_semaphore, #tpu.memory_space<semaphore_mem>>)
    %dma_start3A_31 = arith.constant 0 : i32
    %dma_start3A_32 = tpu.memref_slice %arg3[%add3A_26, %dma_start3A_31] : memref<25344x128xi32, #tpu.memory_space<hbm>> -> memref<4x128xi32, #tpu.memory_space<hbm>>
    %dma_start3A_33 = arith.constant 0 : i32
    %dma_start3A_34 = tpu.memref_slice %arg3[%add3A_26, %dma_start3A_33] : memref<25344x128xi32, #tpu.memory_space<hbm>> -> memref<4x128xi32, #tpu.memory_space<hbm>>
    tpu.enqueue_dma source(%dma_start3A_34 : memref<4x128xi32, #tpu.memory_space<hbm>>) target(%arg12 : memref<4x128xi32, #tpu.memory_space<vmem>>) target_semaphore(%arg18 : memref<!tpu.dma_semaphore, #tpu.memory_space<semaphore_mem>>)
    %add3A_35 = arith.constant 0 : i32
    %add3A_36 = arith.addi %mul3A_15, %add3A_35 : i32
    %dma_wait3A = arith.constant 0 : i32
    %dma_wait3A_37 = tpu.memref_slice %arg2[%add3A_36, %dma_wait3A] : memref<25344x128xi32, #tpu.memory_space<hbm>> -> memref<4x128xi32, #tpu.memory_space<hbm>>
    %dma_wait3A_38 = arith.constant 0 : i32
    %dma_wait3A_39 = tpu.memref_slice %arg2[%add3A_36, %dma_wait3A_38] : memref<25344x128xi32, #tpu.memory_space<hbm>> -> memref<4x128xi32, #tpu.memory_space<hbm>>
    tpu.wait_dma2 semaphore(%arg18 : memref<!tpu.dma_semaphore, #tpu.memory_space<semaphore_mem>>) src(%dma_wait3A_39 : memref<4x128xi32, #tpu.memory_space<hbm>>) dst(%arg8 : memref<4x128xi32, #tpu.memory_space<vmem>>)
    %dma_wait3A_40 = arith.constant 0 : i32
    %dma_wait3A_41 = tpu.memref_slice %arg3[%add3A_36, %dma_wait3A_40] : memref<25344x128xi32, #tpu.memory_space<hbm>> -> memref<4x128xi32, #tpu.memory_space<hbm>>
    %dma_wait3A_42 = arith.constant 0 : i32
    %dma_wait3A_43 = tpu.memref_slice %arg3[%add3A_36, %dma_wait3A_42] : memref<25344x128xi32, #tpu.memory_space<hbm>> -> memref<4x128xi32, #tpu.memory_space<hbm>>
    tpu.wait_dma2 semaphore(%arg18 : memref<!tpu.dma_semaphore, #tpu.memory_space<semaphore_mem>>) src(%dma_wait3A_43 : memref<4x128xi32, #tpu.memory_space<hbm>>) dst(%arg11 : memref<4x128xi32, #tpu.memory_space<vmem>>)
    %eq3A = arith.constant 0 : i32
    %eq3A_44 = arith.cmpi eq, %arg0, %eq3A : i32
    %convert_element_type3A = arith.extui %eq3A_44 : i1 to i32
    %cond3A = arith.constant 0 : i32
    %cond3A_45 = arith.cmpi ne, %convert_element_type3A, %cond3A : i32
    scf.if %cond3A_45 {
      %dma_start3A_126 = arith.constant 0 : i32
      %dma_start3A_127 = arith.constant 0 : i32
      %dma_start3A_128 = arith.constant 0 : i32
      %dma_start3A_129 = arith.constant 0 : i32
      %dma_start3A_130 = tpu.memref_slice %arg14[%dma_start3A_127, %dma_start3A_128, %dma_start3A_129] : memref<4x128x16xf32, #tpu.memory_space<vmem>> -> memref<1x128x16xf32, #tpu.memory_space<vmem>>
      %dma_start3A_131 = tpu.memref_squeeze %dma_start3A_130 : memref<1x128x16xf32, #tpu.memory_space<vmem>> -> memref<128x16xf32, #tpu.memory_space<vmem>>
      %dma_start3A_132 = arith.constant 0 : i32
      %dma_start3A_133 = tpu.memref_slice %arg8[%dma_start3A_126, %dma_start3A_132] : memref<4x128xi32, #tpu.memory_space<vmem>> -> memref<1x128xi32, #tpu.memory_space<vmem>>
      %dma_start3A_134 = tpu.memref_squeeze %dma_start3A_133 : memref<1x128xi32, #tpu.memory_space<vmem>> -> memref<128xi32, #tpu.memory_space<vmem>>
      %dma_start3A_135 = arith.constant 0 : i32
      %dma_start3A_136 = arith.constant 0 : i32
      %dma_start3A_137 = tpu.memref_slice %arg4[%dma_start3A_135, %dma_start3A_136] : memref<100000x16xf32, #tpu.memory_space<hbm>> -> memref<100000x16xf32, #tpu.memory_space<hbm>>
      tpu.enqueue_indirect_dma source(%dma_start3A_137 : memref<100000x16xf32, #tpu.memory_space<hbm>>) target(%dma_start3A_131 : memref<128x16xf32, #tpu.memory_space<vmem>>) offsets(%dma_start3A_134 : memref<128xi32, #tpu.memory_space<vmem>>) semaphore(%arg19 : memref<!tpu.dma_semaphore, #tpu.memory_space<semaphore_mem>>)
      %dma_start3A_138 = arith.constant 1 : i32
      %dma_start3A_139 = arith.constant 1 : i32
      %dma_start3A_140 = arith.constant 0 : i32
      %dma_start3A_141 = arith.constant 0 : i32
      %dma_start3A_142 = tpu.memref_slice %arg14[%dma_start3A_139, %dma_start3A_140, %dma_start3A_141] : memref<4x128x16xf32, #tpu.memory_space<vmem>> -> memref<1x128x16xf32, #tpu.memory_space<vmem>>
      %dma_start3A_143 = tpu.memref_squeeze %dma_start3A_142 : memref<1x128x16xf32, #tpu.memory_space<vmem>> -> memref<128x16xf32, #tpu.memory_space<vmem>>
      %dma_start3A_144 = arith.constant 0 : i32
      %dma_start3A_145 = tpu.memref_slice %arg8[%dma_start3A_138, %dma_start3A_144] : memref<4x128xi32, #tpu.memory_space<vmem>> -> memref<1x128xi32, #tpu.memory_space<vmem>>
      %dma_start3A_146 = tpu.memref_squeeze %dma_start3A_145 : memref<1x128xi32, #tpu.memory_space<vmem>> -> memref<128xi32, #tpu.memory_space<vmem>>
      %dma_start3A_147 = arith.constant 0 : i32
      %dma_start3A_148 = arith.constant 0 : i32
      %dma_start3A_149 = tpu.memref_slice %arg4[%dma_start3A_147, %dma_start3A_148] : memref<100000x16xf32, #tpu.memory_space<hbm>> -> memref<100000x16xf32, #tpu.memory_space<hbm>>
      tpu.enqueue_indirect_dma source(%dma_start3A_149 : memref<100000x16xf32, #tpu.memory_space<hbm>>) target(%dma_start3A_143 : memref<128x16xf32, #tpu.memory_space<vmem>>) offsets(%dma_start3A_146 : memref<128xi32, #tpu.memory_space<vmem>>) semaphore(%arg19 : memref<!tpu.dma_semaphore, #tpu.memory_space<semaphore_mem>>)
      %dma_start3A_150 = arith.constant 2 : i32
      %dma_start3A_151 = arith.constant 2 : i32
      %dma_start3A_152 = arith.constant 0 : i32
      %dma_start3A_153 = arith.constant 0 : i32
      %dma_start3A_154 = tpu.memref_slice %arg14[%dma_start3A_151, %dma_start3A_152, %dma_start3A_153] : memref<4x128x16xf32, #tpu.memory_space<vmem>> -> memref<1x128x16xf32, #tpu.memory_space<vmem>>
      %dma_start3A_155 = tpu.memref_squeeze %dma_start3A_154 : memref<1x128x16xf32, #tpu.memory_space<vmem>> -> memref<128x16xf32, #tpu.memory_space<vmem>>
      %dma_start3A_156 = arith.constant 0 : i32
      %dma_start3A_157 = tpu.memref_slice %arg8[%dma_start3A_150, %dma_start3A_156] : memref<4x128xi32, #tpu.memory_space<vmem>> -> memref<1x128xi32, #tpu.memory_space<vmem>>
      %dma_start3A_158 = tpu.memref_squeeze %dma_start3A_157 : memref<1x128xi32, #tpu.memory_space<vmem>> -> memref<128xi32, #tpu.memory_space<vmem>>
      %dma_start3A_159 = arith.constant 0 : i32
      %dma_start3A_160 = arith.constant 0 : i32
      %dma_start3A_161 = tpu.memref_slice %arg4[%dma_start3A_159, %dma_start3A_160] : memref<100000x16xf32, #tpu.memory_space<hbm>> -> memref<100000x16xf32, #tpu.memory_space<hbm>>
      tpu.enqueue_indirect_dma source(%dma_start3A_161 : memref<100000x16xf32, #tpu.memory_space<hbm>>) target(%dma_start3A_155 : memref<128x16xf32, #tpu.memory_space<vmem>>) offsets(%dma_start3A_158 : memref<128xi32, #tpu.memory_space<vmem>>) semaphore(%arg19 : memref<!tpu.dma_semaphore, #tpu.memory_space<semaphore_mem>>)
      %dma_start3A_162 = arith.constant 3 : i32
      %dma_start3A_163 = arith.constant 3 : i32
      %dma_start3A_164 = arith.constant 0 : i32
      %dma_start3A_165 = arith.constant 0 : i32
      %dma_start3A_166 = tpu.memref_slice %arg14[%dma_start3A_163, %dma_start3A_164, %dma_start3A_165] : memref<4x128x16xf32, #tpu.memory_space<vmem>> -> memref<1x128x16xf32, #tpu.memory_space<vmem>>
      %dma_start3A_167 = tpu.memref_squeeze %dma_start3A_166 : memref<1x128x16xf32, #tpu.memory_space<vmem>> -> memref<128x16xf32, #tpu.memory_space<vmem>>
      %dma_start3A_168 = arith.constant 0 : i32
      %dma_start3A_169 = tpu.memref_slice %arg8[%dma_start3A_162, %dma_start3A_168] : memref<4x128xi32, #tpu.memory_space<vmem>> -> memref<1x128xi32, #tpu.memory_space<vmem>>
      %dma_start3A_170 = tpu.memref_squeeze %dma_start3A_169 : memref<1x128xi32, #tpu.memory_space<vmem>> -> memref<128xi32, #tpu.memory_space<vmem>>
      %dma_start3A_171 = arith.constant 0 : i32
      %dma_start3A_172 = arith.constant 0 : i32
      %dma_start3A_173 = tpu.memref_slice %arg4[%dma_start3A_171, %dma_start3A_172] : memref<100000x16xf32, #tpu.memory_space<hbm>> -> memref<100000x16xf32, #tpu.memory_space<hbm>>
      tpu.enqueue_indirect_dma source(%dma_start3A_173 : memref<100000x16xf32, #tpu.memory_space<hbm>>) target(%dma_start3A_167 : memref<128x16xf32, #tpu.memory_space<vmem>>) offsets(%dma_start3A_170 : memref<128xi32, #tpu.memory_space<vmem>>) semaphore(%arg19 : memref<!tpu.dma_semaphore, #tpu.memory_space<semaphore_mem>>)
    } else {
    }
    %eq3A_46 = arith.constant 1 : i32
    %eq3A_47 = arith.cmpi eq, %arg0, %eq3A_46 : i32
    %convert_element_type3A_48 = arith.extui %eq3A_47 : i1 to i32
    %cond3A_49 = arith.constant 0 : i32
    %cond3A_50 = arith.cmpi ne, %convert_element_type3A_48, %cond3A_49 : i32
    scf.if %cond3A_50 {
      %dma_start3A_126 = arith.constant 0 : i32
      %dma_start3A_127 = arith.constant 0 : i32
      %dma_start3A_128 = arith.constant 0 : i32
      %dma_start3A_129 = arith.constant 0 : i32
      %dma_start3A_130 = tpu.memref_slice %arg14[%dma_start3A_127, %dma_start3A_128, %dma_start3A_129] : memref<4x128x16xf32, #tpu.memory_space<vmem>> -> memref<1x128x16xf32, #tpu.memory_space<vmem>>
      %dma_start3A_131 = tpu.memref_squeeze %dma_start3A_130 : memref<1x128x16xf32, #tpu.memory_space<vmem>> -> memref<128x16xf32, #tpu.memory_space<vmem>>
      %dma_start3A_132 = arith.constant 0 : i32
      %dma_start3A_133 = tpu.memref_slice %arg8[%dma_start3A_126, %dma_start3A_132] : memref<4x128xi32, #tpu.memory_space<vmem>> -> memref<1x128xi32, #tpu.memory_space<vmem>>
      %dma_start3A_134 = tpu.memref_squeeze %dma_start3A_133 : memref<1x128xi32, #tpu.memory_space<vmem>> -> memref<128xi32, #tpu.memory_space<vmem>>
      %dma_start3A_135 = arith.constant 0 : i32
      %dma_start3A_136 = arith.constant 0 : i32
      %dma_start3A_137 = tpu.memref_slice %arg5[%dma_start3A_135, %dma_start3A_136] : memref<100000x16xf32, #tpu.memory_space<hbm>> -> memref<100000x16xf32, #tpu.memory_space<hbm>>
      tpu.enqueue_indirect_dma source(%dma_start3A_137 : memref<100000x16xf32, #tpu.memory_space<hbm>>) target(%dma_start3A_131 : memref<128x16xf32, #tpu.memory_space<vmem>>) offsets(%dma_start3A_134 : memref<128xi32, #tpu.memory_space<vmem>>) semaphore(%arg19 : memref<!tpu.dma_semaphore, #tpu.memory_space<semaphore_mem>>)
      %dma_start3A_138 = arith.constant 1 : i32
      %dma_start3A_139 = arith.constant 1 : i32
      %dma_start3A_140 = arith.constant 0 : i32
      %dma_start3A_141 = arith.constant 0 : i32
      %dma_start3A_142 = tpu.memref_slice %arg14[%dma_start3A_139, %dma_start3A_140, %dma_start3A_141] : memref<4x128x16xf32, #tpu.memory_space<vmem>> -> memref<1x128x16xf32, #tpu.memory_space<vmem>>
      %dma_start3A_143 = tpu.memref_squeeze %dma_start3A_142 : memref<1x128x16xf32, #tpu.memory_space<vmem>> -> memref<128x16xf32, #tpu.memory_space<vmem>>
      %dma_start3A_144 = arith.constant 0 : i32
      %dma_start3A_145 = tpu.memref_slice %arg8[%dma_start3A_138, %dma_start3A_144] : memref<4x128xi32, #tpu.memory_space<vmem>> -> memref<1x128xi32, #tpu.memory_space<vmem>>
      %dma_start3A_146 = tpu.memref_squeeze %dma_start3A_145 : memref<1x128xi32, #tpu.memory_space<vmem>> -> memref<128xi32, #tpu.memory_space<vmem>>
      %dma_start3A_147 = arith.constant 0 : i32
      %dma_start3A_148 = arith.constant 0 : i32
      %dma_start3A_149 = tpu.memref_slice %arg5[%dma_start3A_147, %dma_start3A_148] : memref<100000x16xf32, #tpu.memory_space<hbm>> -> memref<100000x16xf32, #tpu.memory_space<hbm>>
      tpu.enqueue_indirect_dma source(%dma_start3A_149 : memref<100000x16xf32, #tpu.memory_space<hbm>>) target(%dma_start3A_143 : memref<128x16xf32, #tpu.memory_space<vmem>>) offsets(%dma_start3A_146 : memref<128xi32, #tpu.memory_space<vmem>>) semaphore(%arg19 : memref<!tpu.dma_semaphore, #tpu.memory_space<semaphore_mem>>)
      %dma_start3A_150 = arith.constant 2 : i32
      %dma_start3A_151 = arith.constant 2 : i32
      %dma_start3A_152 = arith.constant 0 : i32
      %dma_start3A_153 = arith.constant 0 : i32
      %dma_start3A_154 = tpu.memref_slice %arg14[%dma_start3A_151, %dma_start3A_152, %dma_start3A_153] : memref<4x128x16xf32, #tpu.memory_space<vmem>> -> memref<1x128x16xf32, #tpu.memory_space<vmem>>
      %dma_start3A_155 = tpu.memref_squeeze %dma_start3A_154 : memref<1x128x16xf32, #tpu.memory_space<vmem>> -> memref<128x16xf32, #tpu.memory_space<vmem>>
      %dma_start3A_156 = arith.constant 0 : i32
      %dma_start3A_157 = tpu.memref_slice %arg8[%dma_start3A_150, %dma_start3A_156] : memref<4x128xi32, #tpu.memory_space<vmem>> -> memref<1x128xi32, #tpu.memory_space<vmem>>
      %dma_start3A_158 = tpu.memref_squeeze %dma_start3A_157 : memref<1x128xi32, #tpu.memory_space<vmem>> -> memref<128xi32, #tpu.memory_space<vmem>>
      %dma_start3A_159 = arith.constant 0 : i32
      %dma_start3A_160 = arith.constant 0 : i32
      %dma_start3A_161 = tpu.memref_slice %arg5[%dma_start3A_159, %dma_start3A_160] : memref<100000x16xf32, #tpu.memory_space<hbm>> -> memref<100000x16xf32, #tpu.memory_space<hbm>>
      tpu.enqueue_indirect_dma source(%dma_start3A_161 : memref<100000x16xf32, #tpu.memory_space<hbm>>) target(%dma_start3A_155 : memref<128x16xf32, #tpu.memory_space<vmem>>) offsets(%dma_start3A_158 : memref<128xi32, #tpu.memory_space<vmem>>) semaphore(%arg19 : memref<!tpu.dma_semaphore, #tpu.memory_space<semaphore_mem>>)
      %dma_start3A_162 = arith.constant 3 : i32
      %dma_start3A_163 = arith.constant 3 : i32
      %dma_start3A_164 = arith.constant 0 : i32
      %dma_start3A_165 = arith.constant 0 : i32
      %dma_start3A_166 = tpu.memref_slice %arg14[%dma_start3A_163, %dma_start3A_164, %dma_start3A_165] : memref<4x128x16xf32, #tpu.memory_space<vmem>> -> memref<1x128x16xf32, #tpu.memory_space<vmem>>
      %dma_start3A_167 = tpu.memref_squeeze %dma_start3A_166 : memref<1x128x16xf32, #tpu.memory_space<vmem>> -> memref<128x16xf32, #tpu.memory_space<vmem>>
      %dma_start3A_168 = arith.constant 0 : i32
      %dma_start3A_169 = tpu.memref_slice %arg8[%dma_start3A_162, %dma_start3A_168] : memref<4x128xi32, #tpu.memory_space<vmem>> -> memref<1x128xi32, #tpu.memory_space<vmem>>
      %dma_start3A_170 = tpu.memref_squeeze %dma_start3A_169 : memref<1x128xi32, #tpu.memory_space<vmem>> -> memref<128xi32, #tpu.memory_space<vmem>>
      %dma_start3A_171 = arith.constant 0 : i32
      %dma_start3A_172 = arith.constant 0 : i32
      %dma_start3A_173 = tpu.memref_slice %arg5[%dma_start3A_171, %dma_start3A_172] : memref<100000x16xf32, #tpu.memory_space<hbm>> -> memref<100000x16xf32, #tpu.memory_space<hbm>>
      tpu.enqueue_indirect_dma source(%dma_start3A_173 : memref<100000x16xf32, #tpu.memory_space<hbm>>) target(%dma_start3A_167 : memref<128x16xf32, #tpu.memory_space<vmem>>) offsets(%dma_start3A_170 : memref<128xi32, #tpu.memory_space<vmem>>) semaphore(%arg19 : memref<!tpu.dma_semaphore, #tpu.memory_space<semaphore_mem>>)
    } else {
    }
    %scan3A = arith.constant 0 : i32
    %scan3A_51 = arith.constant 0 : i32
    %scan3A_52 = arith.constant 132 : i32
    %scan3A_53 = arith.addi %scan3A_51, %scan3A_52 : i32
    %scan3A_54 = arith.constant 1 : i32
    scf.for %scan3A_126 = %scan3A_51 to %scan3A_53 step %scan3A_54  : i32 {
      %mul3A_127 = arith.constant 3 : i32
      %mul3A_128 = arith.muli %scan3A_126, %mul3A_127 : i32
      %add3A_129 = arith.constant 0 : i32
      %add3A_130 = arith.addi %mul3A_128, %add3A_129 : i32
      %add3A_131 = arith.constant 1 : i32
      %add3A_132 = arith.addi %add3A_130, %add3A_131 : i32
      %lt3A_133 = arith.constant 396 : i32
      %lt3A_134 = arith.cmpi slt, %add3A_132, %lt3A_133 : i32
      %convert_element_type3A_135 = arith.extui %lt3A_134 : i1 to i32
      %cond3A_136 = arith.constant 0 : i32
      %cond3A_137 = arith.cmpi ne, %convert_element_type3A_135, %cond3A_136 : i32
      scf.if %cond3A_137 {
        %add3A_540 = arith.constant 1 : i32
        %add3A_541 = arith.addi %add3A_130, %add3A_540 : i32
        %mul3A_542 = arith.constant 4 : i32
        %mul3A_543 = arith.muli %add3A_541, %mul3A_542 : i32
        %add3A_544 = arith.addi %mul3A_15, %mul3A_543 : i32
        %dma_wait3A_545 = arith.constant 0 : i32
        %dma_wait3A_546 = tpu.memref_slice %arg2[%add3A_544, %dma_wait3A_545] : memref<25344x128xi32, #tpu.memory_space<hbm>> -> memref<4x128xi32, #tpu.memory_space<hbm>>
        %dma_wait3A_547 = arith.constant 0 : i32
        %dma_wait3A_548 = tpu.memref_slice %arg2[%add3A_544, %dma_wait3A_547] : memref<25344x128xi32, #tpu.memory_space<hbm>> -> memref<4x128xi32, #tpu.memory_space<hbm>>
        tpu.wait_dma2 semaphore(%arg18 : memref<!tpu.dma_semaphore, #tpu.memory_space<semaphore_mem>>) src(%dma_wait3A_548 : memref<4x128xi32, #tpu.memory_space<hbm>>) dst(%arg9 : memref<4x128xi32, #tpu.memory_space<vmem>>)
        %dma_wait3A_549 = arith.constant 0 : i32
        %dma_wait3A_550 = tpu.memref_slice %arg3[%add3A_544, %dma_wait3A_549] : memref<25344x128xi32, #tpu.memory_space<hbm>> -> memref<4x128xi32, #tpu.memory_space<hbm>>
        %dma_wait3A_551 = arith.constant 0 : i32
        %dma_wait3A_552 = tpu.memref_slice %arg3[%add3A_544, %dma_wait3A_551] : memref<25344x128xi32, #tpu.memory_space<hbm>> -> memref<4x128xi32, #tpu.memory_space<hbm>>
        tpu.wait_dma2 semaphore(%arg18 : memref<!tpu.dma_semaphore, #tpu.memory_space<semaphore_mem>>) src(%dma_wait3A_552 : memref<4x128xi32, #tpu.memory_space<hbm>>) dst(%arg12 : memref<4x128xi32, #tpu.memory_space<vmem>>)
      } else {
      }
      %gt3A = arith.constant 0 : i32
      %gt3A_138 = arith.cmpi sgt, %add3A_130, %gt3A : i32
      %convert_element_type3A_139 = arith.extui %gt3A_138 : i1 to i32
      %cond3A_140 = arith.constant 0 : i32
      %cond3A_141 = arith.cmpi ne, %convert_element_type3A_139, %cond3A_140 : i32
      scf.if %cond3A_141 {
        %dma_wait3A_540 = arith.constant 0 : i32
        %dma_wait3A_541 = arith.constant 0 : i32
        %dma_wait3A_542 = arith.constant 0 : i32
        %dma_wait3A_543 = tpu.memref_slice %arg16[%dma_wait3A_540, %dma_wait3A_541, %dma_wait3A_542] : memref<4x128x16xf32, #tpu.memory_space<vmem>> -> memref<1x128x16xf32, #tpu.memory_space<vmem>>
        %dma_wait3A_544 = tpu.memref_squeeze %dma_wait3A_543 : memref<1x128x16xf32, #tpu.memory_space<vmem>> -> memref<128x16xf32, #tpu.memory_space<vmem>>
        %dma_wait3A_545 = arith.constant 0 : i32
        %dma_wait3A_546 = arith.constant 0 : i32
        %dma_wait3A_547 = tpu.memref_slice %arg4[%dma_wait3A_545, %dma_wait3A_546] : memref<100000x16xf32, #tpu.memory_space<hbm>> -> memref<128x16xf32, #tpu.memory_space<hbm>>
        %dma_wait3A_548 = arith.constant 0 : i32
        %dma_wait3A_549 = arith.constant 0 : i32
        %dma_wait3A_550 = tpu.memref_slice %arg16[%dma_wait3A_540, %dma_wait3A_548, %dma_wait3A_549] : memref<4x128x16xf32, #tpu.memory_space<vmem>> -> memref<1x128x16xf32, #tpu.memory_space<vmem>>
        %dma_wait3A_551 = tpu.memref_squeeze %dma_wait3A_550 : memref<1x128x16xf32, #tpu.memory_space<vmem>> -> memref<128x16xf32, #tpu.memory_space<vmem>>
        %dma_wait3A_552 = arith.constant 0 : i32
        %dma_wait3A_553 = arith.constant 0 : i32
        %dma_wait3A_554 = tpu.memref_slice %arg4[%dma_wait3A_552, %dma_wait3A_553] : memref<100000x16xf32, #tpu.memory_space<hbm>> -> memref<128x16xf32, #tpu.memory_space<hbm>>
        tpu.wait_dma2 semaphore(%arg22 : memref<!tpu.dma_semaphore, #tpu.memory_space<semaphore_mem>>) src(%dma_wait3A_554 : memref<128x16xf32, #tpu.memory_space<hbm>>) dst(%dma_wait3A_551 : memref<128x16xf32, #tpu.memory_space<vmem>>)
        %dma_wait3A_555 = arith.constant 1 : i32
        %dma_wait3A_556 = arith.constant 0 : i32
        %dma_wait3A_557 = arith.constant 0 : i32
        %dma_wait3A_558 = tpu.memref_slice %arg16[%dma_wait3A_555, %dma_wait3A_556, %dma_wait3A_557] : memref<4x128x16xf32, #tpu.memory_space<vmem>> -> memref<1x128x16xf32, #tpu.memory_space<vmem>>
        %dma_wait3A_559 = tpu.memref_squeeze %dma_wait3A_558 : memref<1x128x16xf32, #tpu.memory_space<vmem>> -> memref<128x16xf32, #tpu.memory_space<vmem>>
        %dma_wait3A_560 = arith.constant 0 : i32
        %dma_wait3A_561 = arith.constant 0 : i32
        %dma_wait3A_562 = tpu.memref_slice %arg4[%dma_wait3A_560, %dma_wait3A_561] : memref<100000x16xf32, #tpu.memory_space<hbm>> -> memref<128x16xf32, #tpu.memory_space<hbm>>
        %dma_wait3A_563 = arith.constant 0 : i32
        %dma_wait3A_564 = arith.constant 0 : i32
        %dma_wait3A_565 = tpu.memref_slice %arg16[%dma_wait3A_555, %dma_wait3A_563, %dma_wait3A_564] : memref<4x128x16xf32, #tpu.memory_space<vmem>> -> memref<1x128x16xf32, #tpu.memory_space<vmem>>
        %dma_wait3A_566 = tpu.memref_squeeze %dma_wait3A_565 : memref<1x128x16xf32, #tpu.memory_space<vmem>> -> memref<128x16xf32, #tpu.memory_space<vmem>>
        %dma_wait3A_567 = arith.constant 0 : i32
        %dma_wait3A_568 = arith.constant 0 : i32
        %dma_wait3A_569 = tpu.memref_slice %arg4[%dma_wait3A_567, %dma_wait3A_568] : memref<100000x16xf32, #tpu.memory_space<hbm>> -> memref<128x16xf32, #tpu.memory_space<hbm>>
        tpu.wait_dma2 semaphore(%arg22 : memref<!tpu.dma_semaphore, #tpu.memory_space<semaphore_mem>>) src(%dma_wait3A_569 : memref<128x16xf32, #tpu.memory_space<hbm>>) dst(%dma_wait3A_566 : memref<128x16xf32, #tpu.memory_space<vmem>>)
        %dma_wait3A_570 = arith.constant 2 : i32
        %dma_wait3A_571 = arith.constant 0 : i32
        %dma_wait3A_572 = arith.constant 0 : i32
        %dma_wait3A_573 = tpu.memref_slice %arg16[%dma_wait3A_570, %dma_wait3A_571, %dma_wait3A_572] : memref<4x128x16xf32, #tpu.memory_space<vmem>> -> memref<1x128x16xf32, #tpu.memory_space<vmem>>
        %dma_wait3A_574 = tpu.memref_squeeze %dma_wait3A_573 : memref<1x128x16xf32, #tpu.memory_space<vmem>> -> memref<128x16xf32, #tpu.memory_space<vmem>>
        %dma_wait3A_575 = arith.constant 0 : i32
        %dma_wait3A_576 = arith.constant 0 : i32
        %dma_wait3A_577 = tpu.memref_slice %arg4[%dma_wait3A_575, %dma_wait3A_576] : memref<100000x16xf32, #tpu.memory_space<hbm>> -> memref<128x16xf32, #tpu.memory_space<hbm>>
        %dma_wait3A_578 = arith.constant 0 : i32
        %dma_wait3A_579 = arith.constant 0 : i32
        %dma_wait3A_580 = tpu.memref_slice %arg16[%dma_wait3A_570, %dma_wait3A_578, %dma_wait3A_579] : memref<4x128x16xf32, #tpu.memory_space<vmem>> -> memref<1x128x16xf32, #tpu.memory_space<vmem>>
        %dma_wait3A_581 = tpu.memref_squeeze %dma_wait3A_580 : memref<1x128x16xf32, #tpu.memory_space<vmem>> -> memref<128x16xf32, #tpu.memory_space<vmem>>
        %dma_wait3A_582 = arith.constant 0 : i32
        %dma_wait3A_583 = arith.constant 0 : i32
        %dma_wait3A_584 = tpu.memref_slice %arg4[%dma_wait3A_582, %dma_wait3A_583] : memref<100000x16xf32, #tpu.memory_space<hbm>> -> memref<128x16xf32, #tpu.memory_space<hbm>>
        tpu.wait_dma2 semaphore(%arg22 : memref<!tpu.dma_semaphore, #tpu.memory_space<semaphore_mem>>) src(%dma_wait3A_584 : memref<128x16xf32, #tpu.memory_space<hbm>>) dst(%dma_wait3A_581 : memref<128x16xf32, #tpu.memory_space<vmem>>)
        %dma_wait3A_585 = arith.constant 3 : i32
        %dma_wait3A_586 = arith.constant 0 : i32
        %dma_wait3A_587 = arith.constant 0 : i32
        %dma_wait3A_588 = tpu.memref_slice %arg16[%dma_wait3A_585, %dma_wait3A_586, %dma_wait3A_587] : memref<4x128x16xf32, #tpu.memory_space<vmem>> -> memref<1x128x16xf32, #tpu.memory_space<vmem>>
        %dma_wait3A_589 = tpu.memref_squeeze %dma_wait3A_588 : memref<1x128x16xf32, #tpu.memory_space<vmem>> -> memref<128x16xf32, #tpu.memory_space<vmem>>
        %dma_wait3A_590 = arith.constant 0 : i32
        %dma_wait3A_591 = arith.constant 0 : i32
        %dma_wait3A_592 = tpu.memref_slice %arg4[%dma_wait3A_590, %dma_wait3A_591] : memref<100000x16xf32, #tpu.memory_space<hbm>> -> memref<128x16xf32, #tpu.memory_space<hbm>>
        %dma_wait3A_593 = arith.constant 0 : i32
        %dma_wait3A_594 = arith.constant 0 : i32
        %dma_wait3A_595 = tpu.memref_slice %arg16[%dma_wait3A_585, %dma_wait3A_593, %dma_wait3A_594] : memref<4x128x16xf32, #tpu.memory_space<vmem>> -> memref<1x128x16xf32, #tpu.memory_space<vmem>>
        %dma_wait3A_596 = tpu.memref_squeeze %dma_wait3A_595 : memref<1x128x16xf32, #tpu.memory_space<vmem>> -> memref<128x16xf32, #tpu.memory_space<vmem>>
        %dma_wait3A_597 = arith.constant 0 : i32
        %dma_wait3A_598 = arith.constant 0 : i32
        %dma_wait3A_599 = tpu.memref_slice %arg4[%dma_wait3A_597, %dma_wait3A_598] : memref<100000x16xf32, #tpu.memory_space<hbm>> -> memref<128x16xf32, #tpu.memory_space<hbm>>
        tpu.wait_dma2 semaphore(%arg22 : memref<!tpu.dma_semaphore, #tpu.memory_space<semaphore_mem>>) src(%dma_wait3A_599 : memref<128x16xf32, #tpu.memory_space<hbm>>) dst(%dma_wait3A_596 : memref<128x16xf32, #tpu.memory_space<vmem>>)
      } else {
      }
      %add3A_142 = arith.constant 2 : i32
      %add3A_143 = arith.addi %add3A_130, %add3A_142 : i32
      %lt3A_144 = arith.constant 396 : i32
      %lt3A_145 = arith.cmpi slt, %add3A_143, %lt3A_144 : i32
      %convert_element_type3A_146 = arith.extui %lt3A_145 : i1 to i32
      %cond3A_147 = arith.constant 0 : i32
      %cond3A_148 = arith.cmpi ne, %convert_element_type3A_146, %cond3A_147 : i32
      scf.if %cond3A_148 {
        %add3A_540 = arith.constant 2 : i32
        %add3A_541 = arith.addi %add3A_130, %add3A_540 : i32
        %mul3A_542 = arith.constant 4 : i32
        %mul3A_543 = arith.muli %add3A_541, %mul3A_542 : i32
        %add3A_544 = arith.addi %mul3A_15, %mul3A_543 : i32
        %dma_start3A_545 = arith.constant 0 : i32
        %dma_start3A_546 = tpu.memref_slice %arg2[%add3A_544, %dma_start3A_545] : memref<25344x128xi32, #tpu.memory_space<hbm>> -> memref<4x128xi32, #tpu.memory_space<hbm>>
        %dma_start3A_547 = arith.constant 0 : i32
        %dma_start3A_548 = tpu.memref_slice %arg2[%add3A_544, %dma_start3A_547] : memref<25344x128xi32, #tpu.memory_space<hbm>> -> memref<4x128xi32, #tpu.memory_space<hbm>>
        tpu.enqueue_dma source(%dma_start3A_548 : memref<4x128xi32, #tpu.memory_space<hbm>>) target(%arg10 : memref<4x128xi32, #tpu.memory_space<vmem>>) target_semaphore(%arg18 : memref<!tpu.dma_semaphore, #tpu.memory_space<semaphore_mem>>)
        %dma_start3A_549 = arith.constant 0 : i32
        %dma_start3A_550 = tpu.memref_slice %arg3[%add3A_544, %dma_start3A_549] : memref<25344x128xi32, #tpu.memory_space<hbm>> -> memref<4x128xi32, #tpu.memory_space<hbm>>
        %dma_start3A_551 = arith.constant 0 : i32
        %dma_start3A_552 = tpu.memref_slice %arg3[%add3A_544, %dma_start3A_551] : memref<25344x128xi32, #tpu.memory_space<hbm>> -> memref<4x128xi32, #tpu.memory_space<hbm>>
        tpu.enqueue_dma source(%dma_start3A_552 : memref<4x128xi32, #tpu.memory_space<hbm>>) target(%arg13 : memref<4x128xi32, #tpu.memory_space<vmem>>) target_semaphore(%arg18 : memref<!tpu.dma_semaphore, #tpu.memory_space<semaphore_mem>>)
      } else {
      }
      %add3A_149 = arith.constant 1 : i32
      %add3A_150 = arith.addi %add3A_130, %add3A_149 : i32
      %lt3A_151 = arith.constant 396 : i32
      %lt3A_152 = arith.cmpi slt, %add3A_150, %lt3A_151 : i32
      %convert_element_type3A_153 = arith.extui %lt3A_152 : i1 to i32
      %cond3A_154 = arith.constant 0 : i32
      %cond3A_155 = arith.cmpi ne, %convert_element_type3A_153, %cond3A_154 : i32
      scf.if %cond3A_155 {
        %eq3A_540 = arith.constant 0 : i32
        %eq3A_541 = arith.cmpi eq, %arg0, %eq3A_540 : i32
        %convert_element_type3A_542 = arith.extui %eq3A_541 : i1 to i32
        %cond3A_543 = arith.constant 0 : i32
        %cond3A_544 = arith.cmpi ne, %convert_element_type3A_542, %cond3A_543 : i32
        scf.if %cond3A_544 {
          %dma_start3A_550 = arith.constant 0 : i32
          %dma_start3A_551 = arith.constant 0 : i32
          %dma_start3A_552 = arith.constant 0 : i32
          %dma_start3A_553 = arith.constant 0 : i32
          %dma_start3A_554 = tpu.memref_slice %arg15[%dma_start3A_551, %dma_start3A_552, %dma_start3A_553] : memref<4x128x16xf32, #tpu.memory_space<vmem>> -> memref<1x128x16xf32, #tpu.memory_space<vmem>>
          %dma_start3A_555 = tpu.memref_squeeze %dma_start3A_554 : memref<1x128x16xf32, #tpu.memory_space<vmem>> -> memref<128x16xf32, #tpu.memory_space<vmem>>
          %dma_start3A_556 = arith.constant 0 : i32
          %dma_start3A_557 = tpu.memref_slice %arg9[%dma_start3A_550, %dma_start3A_556] : memref<4x128xi32, #tpu.memory_space<vmem>> -> memref<1x128xi32, #tpu.memory_space<vmem>>
          %dma_start3A_558 = tpu.memref_squeeze %dma_start3A_557 : memref<1x128xi32, #tpu.memory_space<vmem>> -> memref<128xi32, #tpu.memory_space<vmem>>
          %dma_start3A_559 = arith.constant 0 : i32
          %dma_start3A_560 = arith.constant 0 : i32
          %dma_start3A_561 = tpu.memref_slice %arg4[%dma_start3A_559, %dma_start3A_560] : memref<100000x16xf32, #tpu.memory_space<hbm>> -> memref<100000x16xf32, #tpu.memory_space<hbm>>
          tpu.enqueue_indirect_dma source(%dma_start3A_561 : memref<100000x16xf32, #tpu.memory_space<hbm>>) target(%dma_start3A_555 : memref<128x16xf32, #tpu.memory_space<vmem>>) offsets(%dma_start3A_558 : memref<128xi32, #tpu.memory_space<vmem>>) semaphore(%arg20 : memref<!tpu.dma_semaphore, #tpu.memory_space<semaphore_mem>>)
          %dma_start3A_562 = arith.constant 1 : i32
          %dma_start3A_563 = arith.constant 1 : i32
          %dma_start3A_564 = arith.constant 0 : i32
          %dma_start3A_565 = arith.constant 0 : i32
          %dma_start3A_566 = tpu.memref_slice %arg15[%dma_start3A_563, %dma_start3A_564, %dma_start3A_565] : memref<4x128x16xf32, #tpu.memory_space<vmem>> -> memref<1x128x16xf32, #tpu.memory_space<vmem>>
          %dma_start3A_567 = tpu.memref_squeeze %dma_start3A_566 : memref<1x128x16xf32, #tpu.memory_space<vmem>> -> memref<128x16xf32, #tpu.memory_space<vmem>>
          %dma_start3A_568 = arith.constant 0 : i32
          %dma_start3A_569 = tpu.memref_slice %arg9[%dma_start3A_562, %dma_start3A_568] : memref<4x128xi32, #tpu.memory_space<vmem>> -> memref<1x128xi32, #tpu.memory_space<vmem>>
          %dma_start3A_570 = tpu.memref_squeeze %dma_start3A_569 : memref<1x128xi32, #tpu.memory_space<vmem>> -> memref<128xi32, #tpu.memory_space<vmem>>
          %dma_start3A_571 = arith.constant 0 : i32
          %dma_start3A_572 = arith.constant 0 : i32
          %dma_start3A_573 = tpu.memref_slice %arg4[%dma_start3A_571, %dma_start3A_572] : memref<100000x16xf32, #tpu.memory_space<hbm>> -> memref<100000x16xf32, #tpu.memory_space<hbm>>
          tpu.enqueue_indirect_dma source(%dma_start3A_573 : memref<100000x16xf32, #tpu.memory_space<hbm>>) target(%dma_start3A_567 : memref<128x16xf32, #tpu.memory_space<vmem>>) offsets(%dma_start3A_570 : memref<128xi32, #tpu.memory_space<vmem>>) semaphore(%arg20 : memref<!tpu.dma_semaphore, #tpu.memory_space<semaphore_mem>>)
          %dma_start3A_574 = arith.constant 2 : i32
          %dma_start3A_575 = arith.constant 2 : i32
          %dma_start3A_576 = arith.constant 0 : i32
          %dma_start3A_577 = arith.constant 0 : i32
          %dma_start3A_578 = tpu.memref_slice %arg15[%dma_start3A_575, %dma_start3A_576, %dma_start3A_577] : memref<4x128x16xf32, #tpu.memory_space<vmem>> -> memref<1x128x16xf32, #tpu.memory_space<vmem>>
          %dma_start3A_579 = tpu.memref_squeeze %dma_start3A_578 : memref<1x128x16xf32, #tpu.memory_space<vmem>> -> memref<128x16xf32, #tpu.memory_space<vmem>>
          %dma_start3A_580 = arith.constant 0 : i32
          %dma_start3A_581 = tpu.memref_slice %arg9[%dma_start3A_574, %dma_start3A_580] : memref<4x128xi32, #tpu.memory_space<vmem>> -> memref<1x128xi32, #tpu.memory_space<vmem>>
          %dma_start3A_582 = tpu.memref_squeeze %dma_start3A_581 : memref<1x128xi32, #tpu.memory_space<vmem>> -> memref<128xi32, #tpu.memory_space<vmem>>
          %dma_start3A_583 = arith.constant 0 : i32
          %dma_start3A_584 = arith.constant 0 : i32
          %dma_start3A_585 = tpu.memref_slice %arg4[%dma_start3A_583, %dma_start3A_584] : memref<100000x16xf32, #tpu.memory_space<hbm>> -> memref<100000x16xf32, #tpu.memory_space<hbm>>
          tpu.enqueue_indirect_dma source(%dma_start3A_585 : memref<100000x16xf32, #tpu.memory_space<hbm>>) target(%dma_start3A_579 : memref<128x16xf32, #tpu.memory_space<vmem>>) offsets(%dma_start3A_582 : memref<128xi32, #tpu.memory_space<vmem>>) semaphore(%arg20 : memref<!tpu.dma_semaphore, #tpu.memory_space<semaphore_mem>>)
          %dma_start3A_586 = arith.constant 3 : i32
          %dma_start3A_587 = arith.constant 3 : i32
          %dma_start3A_588 = arith.constant 0 : i32
          %dma_start3A_589 = arith.constant 0 : i32
          %dma_start3A_590 = tpu.memref_slice %arg15[%dma_start3A_587, %dma_start3A_588, %dma_start3A_589] : memref<4x128x16xf32, #tpu.memory_space<vmem>> -> memref<1x128x16xf32, #tpu.memory_space<vmem>>
          %dma_start3A_591 = tpu.memref_squeeze %dma_start3A_590 : memref<1x128x16xf32, #tpu.memory_space<vmem>> -> memref<128x16xf32, #tpu.memory_space<vmem>>
          %dma_start3A_592 = arith.constant 0 : i32
          %dma_start3A_593 = tpu.memref_slice %arg9[%dma_start3A_586, %dma_start3A_592] : memref<4x128xi32, #tpu.memory_space<vmem>> -> memref<1x128xi32, #tpu.memory_space<vmem>>
          %dma_start3A_594 = tpu.memref_squeeze %dma_start3A_593 : memref<1x128xi32, #tpu.memory_space<vmem>> -> memref<128xi32, #tpu.memory_space<vmem>>
          %dma_start3A_595 = arith.constant 0 : i32
          %dma_start3A_596 = arith.constant 0 : i32
          %dma_start3A_597 = tpu.memref_slice %arg4[%dma_start3A_595, %dma_start3A_596] : memref<100000x16xf32, #tpu.memory_space<hbm>> -> memref<100000x16xf32, #tpu.memory_space<hbm>>
          tpu.enqueue_indirect_dma source(%dma_start3A_597 : memref<100000x16xf32, #tpu.memory_space<hbm>>) target(%dma_start3A_591 : memref<128x16xf32, #tpu.memory_space<vmem>>) offsets(%dma_start3A_594 : memref<128xi32, #tpu.memory_space<vmem>>) semaphore(%arg20 : memref<!tpu.dma_semaphore, #tpu.memory_space<semaphore_mem>>)
        } else {
        }
        %eq3A_545 = arith.constant 1 : i32
        %eq3A_546 = arith.cmpi eq, %arg0, %eq3A_545 : i32
        %convert_element_type3A_547 = arith.extui %eq3A_546 : i1 to i32
        %cond3A_548 = arith.constant 0 : i32
        %cond3A_549 = arith.cmpi ne, %convert_element_type3A_547, %cond3A_548 : i32
        scf.if %cond3A_549 {
          %dma_start3A_550 = arith.constant 0 : i32
          %dma_start3A_551 = arith.constant 0 : i32
          %dma_start3A_552 = arith.constant 0 : i32
          %dma_start3A_553 = arith.constant 0 : i32
          %dma_start3A_554 = tpu.memref_slice %arg15[%dma_start3A_551, %dma_start3A_552, %dma_start3A_553] : memref<4x128x16xf32, #tpu.memory_space<vmem>> -> memref<1x128x16xf32, #tpu.memory_space<vmem>>
          %dma_start3A_555 = tpu.memref_squeeze %dma_start3A_554 : memref<1x128x16xf32, #tpu.memory_space<vmem>> -> memref<128x16xf32, #tpu.memory_space<vmem>>
          %dma_start3A_556 = arith.constant 0 : i32
          %dma_start3A_557 = tpu.memref_slice %arg9[%dma_start3A_550, %dma_start3A_556] : memref<4x128xi32, #tpu.memory_space<vmem>> -> memref<1x128xi32, #tpu.memory_space<vmem>>
          %dma_start3A_558 = tpu.memref_squeeze %dma_start3A_557 : memref<1x128xi32, #tpu.memory_space<vmem>> -> memref<128xi32, #tpu.memory_space<vmem>>
          %dma_start3A_559 = arith.constant 0 : i32
          %dma_start3A_560 = arith.constant 0 : i32
          %dma_start3A_561 = tpu.memref_slice %arg5[%dma_start3A_559, %dma_start3A_560] : memref<100000x16xf32, #tpu.memory_space<hbm>> -> memref<100000x16xf32, #tpu.memory_space<hbm>>
          tpu.enqueue_indirect_dma source(%dma_start3A_561 : memref<100000x16xf32, #tpu.memory_space<hbm>>) target(%dma_start3A_555 : memref<128x16xf32, #tpu.memory_space<vmem>>) offsets(%dma_start3A_558 : memref<128xi32, #tpu.memory_space<vmem>>) semaphore(%arg20 : memref<!tpu.dma_semaphore, #tpu.memory_space<semaphore_mem>>)
          %dma_start3A_562 = arith.constant 1 : i32
          %dma_start3A_563 = arith.constant 1 : i32
          %dma_start3A_564 = arith.constant 0 : i32
          %dma_start3A_565 = arith.constant 0 : i32
          %dma_start3A_566 = tpu.memref_slice %arg15[%dma_start3A_563, %dma_start3A_564, %dma_start3A_565] : memref<4x128x16xf32, #tpu.memory_space<vmem>> -> memref<1x128x16xf32, #tpu.memory_space<vmem>>
          %dma_start3A_567 = tpu.memref_squeeze %dma_start3A_566 : memref<1x128x16xf32, #tpu.memory_space<vmem>> -> memref<128x16xf32, #tpu.memory_space<vmem>>
          %dma_start3A_568 = arith.constant 0 : i32
          %dma_start3A_569 = tpu.memref_slice %arg9[%dma_start3A_562, %dma_start3A_568] : memref<4x128xi32, #tpu.memory_space<vmem>> -> memref<1x128xi32, #tpu.memory_space<vmem>>
          %dma_start3A_570 = tpu.memref_squeeze %dma_start3A_569 : memref<1x128xi32, #tpu.memory_space<vmem>> -> memref<128xi32, #tpu.memory_space<vmem>>
          %dma_start3A_571 = arith.constant 0 : i32
          %dma_start3A_572 = arith.constant 0 : i32
          %dma_start3A_573 = tpu.memref_slice %arg5[%dma_start3A_571, %dma_start3A_572] : memref<100000x16xf32, #tpu.memory_space<hbm>> -> memref<100000x16xf32, #tpu.memory_space<hbm>>
          tpu.enqueue_indirect_dma source(%dma_start3A_573 : memref<100000x16xf32, #tpu.memory_space<hbm>>) target(%dma_start3A_567 : memref<128x16xf32, #tpu.memory_space<vmem>>) offsets(%dma_start3A_570 : memref<128xi32, #tpu.memory_space<vmem>>) semaphore(%arg20 : memref<!tpu.dma_semaphore, #tpu.memory_space<semaphore_mem>>)
          %dma_start3A_574 = arith.constant 2 : i32
          %dma_start3A_575 = arith.constant 2 : i32
          %dma_start3A_576 = arith.constant 0 : i32
          %dma_start3A_577 = arith.constant 0 : i32
          %dma_start3A_578 = tpu.memref_slice %arg15[%dma_start3A_575, %dma_start3A_576, %dma_start3A_577] : memref<4x128x16xf32, #tpu.memory_space<vmem>> -> memref<1x128x16xf32, #tpu.memory_space<vmem>>
          %dma_start3A_579 = tpu.memref_squeeze %dma_start3A_578 : memref<1x128x16xf32, #tpu.memory_space<vmem>> -> memref<128x16xf32, #tpu.memory_space<vmem>>
          %dma_start3A_580 = arith.constant 0 : i32
          %dma_start3A_581 = tpu.memref_slice %arg9[%dma_start3A_574, %dma_start3A_580] : memref<4x128xi32, #tpu.memory_space<vmem>> -> memref<1x128xi32, #tpu.memory_space<vmem>>
          %dma_start3A_582 = tpu.memref_squeeze %dma_start3A_581 : memref<1x128xi32, #tpu.memory_space<vmem>> -> memref<128xi32, #tpu.memory_space<vmem>>
          %dma_start3A_583 = arith.constant 0 : i32
          %dma_start3A_584 = arith.constant 0 : i32
          %dma_start3A_585 = tpu.memref_slice %arg5[%dma_start3A_583, %dma_start3A_584] : memref<100000x16xf32, #tpu.memory_space<hbm>> -> memref<100000x16xf32, #tpu.memory_space<hbm>>
          tpu.enqueue_indirect_dma source(%dma_start3A_585 : memref<100000x16xf32, #tpu.memory_space<hbm>>) target(%dma_start3A_579 : memref<128x16xf32, #tpu.memory_space<vmem>>) offsets(%dma_start3A_582 : memref<128xi32, #tpu.memory_space<vmem>>) semaphore(%arg20 : memref<!tpu.dma_semaphore, #tpu.memory_space<semaphore_mem>>)
          %dma_start3A_586 = arith.constant 3 : i32
          %dma_start3A_587 = arith.constant 3 : i32
          %dma_start3A_588 = arith.constant 0 : i32
          %dma_start3A_589 = arith.constant 0 : i32
          %dma_start3A_590 = tpu.memref_slice %arg15[%dma_start3A_587, %dma_start3A_588, %dma_start3A_589] : memref<4x128x16xf32, #tpu.memory_space<vmem>> -> memref<1x128x16xf32, #tpu.memory_space<vmem>>
          %dma_start3A_591 = tpu.memref_squeeze %dma_start3A_590 : memref<1x128x16xf32, #tpu.memory_space<vmem>> -> memref<128x16xf32, #tpu.memory_space<vmem>>
          %dma_start3A_592 = arith.constant 0 : i32
          %dma_start3A_593 = tpu.memref_slice %arg9[%dma_start3A_586, %dma_start3A_592] : memref<4x128xi32, #tpu.memory_space<vmem>> -> memref<1x128xi32, #tpu.memory_space<vmem>>
          %dma_start3A_594 = tpu.memref_squeeze %dma_start3A_593 : memref<1x128xi32, #tpu.memory_space<vmem>> -> memref<128xi32, #tpu.memory_space<vmem>>
          %dma_start3A_595 = arith.constant 0 : i32
          %dma_start3A_596 = arith.constant 0 : i32
          %dma_start3A_597 = tpu.memref_slice %arg5[%dma_start3A_595, %dma_start3A_596] : memref<100000x16xf32, #tpu.memory_space<hbm>> -> memref<100000x16xf32, #tpu.memory_space<hbm>>
          tpu.enqueue_indirect_dma source(%dma_start3A_597 : memref<100000x16xf32, #tpu.memory_space<hbm>>) target(%dma_start3A_591 : memref<128x16xf32, #tpu.memory_space<vmem>>) offsets(%dma_start3A_594 : memref<128xi32, #tpu.memory_space<vmem>>) semaphore(%arg20 : memref<!tpu.dma_semaphore, #tpu.memory_space<semaphore_mem>>)
        } else {
        }
      } else {
      }
      %dma_wait3A_156 = arith.constant 0 : i32
      %dma_wait3A_157 = arith.constant 0 : i32
      %dma_wait3A_158 = arith.constant 0 : i32
      %dma_wait3A_159 = tpu.memref_slice %arg14[%dma_wait3A_156, %dma_wait3A_157, %dma_wait3A_158] : memref<4x128x16xf32, #tpu.memory_space<vmem>> -> memref<1x128x16xf32, #tpu.memory_space<vmem>>
      %dma_wait3A_160 = tpu.memref_squeeze %dma_wait3A_159 : memref<1x128x16xf32, #tpu.memory_space<vmem>> -> memref<128x16xf32, #tpu.memory_space<vmem>>
      %dma_wait3A_161 = arith.constant 0 : i32
      %dma_wait3A_162 = arith.constant 0 : i32
      %dma_wait3A_163 = tpu.memref_slice %arg4[%dma_wait3A_161, %dma_wait3A_162] : memref<100000x16xf32, #tpu.memory_space<hbm>> -> memref<128x16xf32, #tpu.memory_space<hbm>>
      %dma_wait3A_164 = arith.constant 0 : i32
      %dma_wait3A_165 = arith.constant 0 : i32
      %dma_wait3A_166 = tpu.memref_slice %arg14[%dma_wait3A_156, %dma_wait3A_164, %dma_wait3A_165] : memref<4x128x16xf32, #tpu.memory_space<vmem>> -> memref<1x128x16xf32, #tpu.memory_space<vmem>>
      %dma_wait3A_167 = tpu.memref_squeeze %dma_wait3A_166 : memref<1x128x16xf32, #tpu.memory_space<vmem>> -> memref<128x16xf32, #tpu.memory_space<vmem>>
      %dma_wait3A_168 = arith.constant 0 : i32
      %dma_wait3A_169 = arith.constant 0 : i32
      %dma_wait3A_170 = tpu.memref_slice %arg4[%dma_wait3A_168, %dma_wait3A_169] : memref<100000x16xf32, #tpu.memory_space<hbm>> -> memref<128x16xf32, #tpu.memory_space<hbm>>
      tpu.wait_dma2 semaphore(%arg19 : memref<!tpu.dma_semaphore, #tpu.memory_space<semaphore_mem>>) src(%dma_wait3A_170 : memref<128x16xf32, #tpu.memory_space<hbm>>) dst(%dma_wait3A_167 : memref<128x16xf32, #tpu.memory_space<vmem>>)
      %dma_wait3A_171 = arith.constant 1 : i32
      %dma_wait3A_172 = arith.constant 0 : i32
      %dma_wait3A_173 = arith.constant 0 : i32
      %dma_wait3A_174 = tpu.memref_slice %arg14[%dma_wait3A_171, %dma_wait3A_172, %dma_wait3A_173] : memref<4x128x16xf32, #tpu.memory_space<vmem>> -> memref<1x128x16xf32, #tpu.memory_space<vmem>>
      %dma_wait3A_175 = tpu.memref_squeeze %dma_wait3A_174 : memref<1x128x16xf32, #tpu.memory_space<vmem>> -> memref<128x16xf32, #tpu.memory_space<vmem>>
      %dma_wait3A_176 = arith.constant 0 : i32
      %dma_wait3A_177 = arith.constant 0 : i32
      %dma_wait3A_178 = tpu.memref_slice %arg4[%dma_wait3A_176, %dma_wait3A_177] : memref<100000x16xf32, #tpu.memory_space<hbm>> -> memref<128x16xf32, #tpu.memory_space<hbm>>
      %dma_wait3A_179 = arith.constant 0 : i32
      %dma_wait3A_180 = arith.constant 0 : i32
      %dma_wait3A_181 = tpu.memref_slice %arg14[%dma_wait3A_171, %dma_wait3A_179, %dma_wait3A_180] : memref<4x128x16xf32, #tpu.memory_space<vmem>> -> memref<1x128x16xf32, #tpu.memory_space<vmem>>
      %dma_wait3A_182 = tpu.memref_squeeze %dma_wait3A_181 : memref<1x128x16xf32, #tpu.memory_space<vmem>> -> memref<128x16xf32, #tpu.memory_space<vmem>>
      %dma_wait3A_183 = arith.constant 0 : i32
      %dma_wait3A_184 = arith.constant 0 : i32
      %dma_wait3A_185 = tpu.memref_slice %arg4[%dma_wait3A_183, %dma_wait3A_184] : memref<100000x16xf32, #tpu.memory_space<hbm>> -> memref<128x16xf32, #tpu.memory_space<hbm>>
      tpu.wait_dma2 semaphore(%arg19 : memref<!tpu.dma_semaphore, #tpu.memory_space<semaphore_mem>>) src(%dma_wait3A_185 : memref<128x16xf32, #tpu.memory_space<hbm>>) dst(%dma_wait3A_182 : memref<128x16xf32, #tpu.memory_space<vmem>>)
      %dma_wait3A_186 = arith.constant 2 : i32
      %dma_wait3A_187 = arith.constant 0 : i32
      %dma_wait3A_188 = arith.constant 0 : i32
      %dma_wait3A_189 = tpu.memref_slice %arg14[%dma_wait3A_186, %dma_wait3A_187, %dma_wait3A_188] : memref<4x128x16xf32, #tpu.memory_space<vmem>> -> memref<1x128x16xf32, #tpu.memory_space<vmem>>
      %dma_wait3A_190 = tpu.memref_squeeze %dma_wait3A_189 : memref<1x128x16xf32, #tpu.memory_space<vmem>> -> memref<128x16xf32, #tpu.memory_space<vmem>>
      %dma_wait3A_191 = arith.constant 0 : i32
      %dma_wait3A_192 = arith.constant 0 : i32
      %dma_wait3A_193 = tpu.memref_slice %arg4[%dma_wait3A_191, %dma_wait3A_192] : memref<100000x16xf32, #tpu.memory_space<hbm>> -> memref<128x16xf32, #tpu.memory_space<hbm>>
      %dma_wait3A_194 = arith.constant 0 : i32
      %dma_wait3A_195 = arith.constant 0 : i32
      %dma_wait3A_196 = tpu.memref_slice %arg14[%dma_wait3A_186, %dma_wait3A_194, %dma_wait3A_195] : memref<4x128x16xf32, #tpu.memory_space<vmem>> -> memref<1x128x16xf32, #tpu.memory_space<vmem>>
      %dma_wait3A_197 = tpu.memref_squeeze %dma_wait3A_196 : memref<1x128x16xf32, #tpu.memory_space<vmem>> -> memref<128x16xf32, #tpu.memory_space<vmem>>
      %dma_wait3A_198 = arith.constant 0 : i32
      %dma_wait3A_199 = arith.constant 0 : i32
      %dma_wait3A_200 = tpu.memref_slice %arg4[%dma_wait3A_198, %dma_wait3A_199] : memref<100000x16xf32, #tpu.memory_space<hbm>> -> memref<128x16xf32, #tpu.memory_space<hbm>>
      tpu.wait_dma2 semaphore(%arg19 : memref<!tpu.dma_semaphore, #tpu.memory_space<semaphore_mem>>) src(%dma_wait3A_200 : memref<128x16xf32, #tpu.memory_space<hbm>>) dst(%dma_wait3A_197 : memref<128x16xf32, #tpu.memory_space<vmem>>)
      %dma_wait3A_201 = arith.constant 3 : i32
      %dma_wait3A_202 = arith.constant 0 : i32
      %dma_wait3A_203 = arith.constant 0 : i32
      %dma_wait3A_204 = tpu.memref_slice %arg14[%dma_wait3A_201, %dma_wait3A_202, %dma_wait3A_203] : memref<4x128x16xf32, #tpu.memory_space<vmem>> -> memref<1x128x16xf32, #tpu.memory_space<vmem>>
      %dma_wait3A_205 = tpu.memref_squeeze %dma_wait3A_204 : memref<1x128x16xf32, #tpu.memory_space<vmem>> -> memref<128x16xf32, #tpu.memory_space<vmem>>
      %dma_wait3A_206 = arith.constant 0 : i32
      %dma_wait3A_207 = arith.constant 0 : i32
      %dma_wait3A_208 = tpu.memref_slice %arg4[%dma_wait3A_206, %dma_wait3A_207] : memref<100000x16xf32, #tpu.memory_space<hbm>> -> memref<128x16xf32, #tpu.memory_space<hbm>>
      %dma_wait3A_209 = arith.constant 0 : i32
      %dma_wait3A_210 = arith.constant 0 : i32
      %dma_wait3A_211 = tpu.memref_slice %arg14[%dma_wait3A_201, %dma_wait3A_209, %dma_wait3A_210] : memref<4x128x16xf32, #tpu.memory_space<vmem>> -> memref<1x128x16xf32, #tpu.memory_space<vmem>>
      %dma_wait3A_212 = tpu.memref_squeeze %dma_wait3A_211 : memref<1x128x16xf32, #tpu.memory_space<vmem>> -> memref<128x16xf32, #tpu.memory_space<vmem>>
      %dma_wait3A_213 = arith.constant 0 : i32
      %dma_wait3A_214 = arith.constant 0 : i32
      %dma_wait3A_215 = tpu.memref_slice %arg4[%dma_wait3A_213, %dma_wait3A_214] : memref<100000x16xf32, #tpu.memory_space<hbm>> -> memref<128x16xf32, #tpu.memory_space<hbm>>
      tpu.wait_dma2 semaphore(%arg19 : memref<!tpu.dma_semaphore, #tpu.memory_space<semaphore_mem>>) src(%dma_wait3A_215 : memref<128x16xf32, #tpu.memory_space<hbm>>) dst(%dma_wait3A_212 : memref<128x16xf32, #tpu.memory_space<vmem>>)
      %dma_start3A_216 = arith.constant 0 : i32
      %dma_start3A_217 = arith.constant 0 : i32
      %dma_start3A_218 = arith.constant 0 : i32
      %dma_start3A_219 = arith.constant 0 : i32
      %dma_start3A_220 = tpu.memref_slice %arg14[%dma_start3A_216, %dma_start3A_218, %dma_start3A_219] : memref<4x128x16xf32, #tpu.memory_space<vmem>> -> memref<1x128x16xf32, #tpu.memory_space<vmem>>
      %dma_start3A_221 = tpu.memref_squeeze %dma_start3A_220 : memref<1x128x16xf32, #tpu.memory_space<vmem>> -> memref<128x16xf32, #tpu.memory_space<vmem>>
      %dma_start3A_222 = arith.constant 0 : i32
      %dma_start3A_223 = tpu.memref_slice %arg11[%dma_start3A_217, %dma_start3A_222] : memref<4x128xi32, #tpu.memory_space<vmem>> -> memref<1x128xi32, #tpu.memory_space<vmem>>
      %dma_start3A_224 = tpu.memref_squeeze %dma_start3A_223 : memref<1x128xi32, #tpu.memory_space<vmem>> -> memref<128xi32, #tpu.memory_space<vmem>>
      %dma_start3A_225 = arith.constant 0 : i32
      %dma_start3A_226 = arith.constant 0 : i32
      %dma_start3A_227 = tpu.memref_slice %arg17[%dma_start3A_225, %dma_start3A_226] : memref<100096x16xf32, #tpu.memory_space<vmem_shared>> -> memref<100096x16xf32, #tpu.memory_space<vmem_shared>>
      tpu.enqueue_indirect_dma source(%dma_start3A_221 : memref<128x16xf32, #tpu.memory_space<vmem>>) target(%dma_start3A_227 : memref<100096x16xf32, #tpu.memory_space<vmem_shared>>) offsets(%dma_start3A_224 : memref<128xi32, #tpu.memory_space<vmem>>) semaphore(%arg22 : memref<!tpu.dma_semaphore, #tpu.memory_space<semaphore_mem>>) {add = true}
      %dma_start3A_228 = arith.constant 1 : i32
      %dma_start3A_229 = arith.constant 1 : i32
      %dma_start3A_230 = arith.constant 0 : i32
      %dma_start3A_231 = arith.constant 0 : i32
      %dma_start3A_232 = tpu.memref_slice %arg14[%dma_start3A_228, %dma_start3A_230, %dma_start3A_231] : memref<4x128x16xf32, #tpu.memory_space<vmem>> -> memref<1x128x16xf32, #tpu.memory_space<vmem>>
      %dma_start3A_233 = tpu.memref_squeeze %dma_start3A_232 : memref<1x128x16xf32, #tpu.memory_space<vmem>> -> memref<128x16xf32, #tpu.memory_space<vmem>>
      %dma_start3A_234 = arith.constant 0 : i32
      %dma_start3A_235 = tpu.memref_slice %arg11[%dma_start3A_229, %dma_start3A_234] : memref<4x128xi32, #tpu.memory_space<vmem>> -> memref<1x128xi32, #tpu.memory_space<vmem>>
      %dma_start3A_236 = tpu.memref_squeeze %dma_start3A_235 : memref<1x128xi32, #tpu.memory_space<vmem>> -> memref<128xi32, #tpu.memory_space<vmem>>
      %dma_start3A_237 = arith.constant 0 : i32
      %dma_start3A_238 = arith.constant 0 : i32
      %dma_start3A_239 = tpu.memref_slice %arg17[%dma_start3A_237, %dma_start3A_238] : memref<100096x16xf32, #tpu.memory_space<vmem_shared>> -> memref<100096x16xf32, #tpu.memory_space<vmem_shared>>
      tpu.enqueue_indirect_dma source(%dma_start3A_233 : memref<128x16xf32, #tpu.memory_space<vmem>>) target(%dma_start3A_239 : memref<100096x16xf32, #tpu.memory_space<vmem_shared>>) offsets(%dma_start3A_236 : memref<128xi32, #tpu.memory_space<vmem>>) semaphore(%arg22 : memref<!tpu.dma_semaphore, #tpu.memory_space<semaphore_mem>>) {add = true}
      %dma_start3A_240 = arith.constant 2 : i32
      %dma_start3A_241 = arith.constant 2 : i32
      %dma_start3A_242 = arith.constant 0 : i32
      %dma_start3A_243 = arith.constant 0 : i32
      %dma_start3A_244 = tpu.memref_slice %arg14[%dma_start3A_240, %dma_start3A_242, %dma_start3A_243] : memref<4x128x16xf32, #tpu.memory_space<vmem>> -> memref<1x128x16xf32, #tpu.memory_space<vmem>>
      %dma_start3A_245 = tpu.memref_squeeze %dma_start3A_244 : memref<1x128x16xf32, #tpu.memory_space<vmem>> -> memref<128x16xf32, #tpu.memory_space<vmem>>
      %dma_start3A_246 = arith.constant 0 : i32
      %dma_start3A_247 = tpu.memref_slice %arg11[%dma_start3A_241, %dma_start3A_246] : memref<4x128xi32, #tpu.memory_space<vmem>> -> memref<1x128xi32, #tpu.memory_space<vmem>>
      %dma_start3A_248 = tpu.memref_squeeze %dma_start3A_247 : memref<1x128xi32, #tpu.memory_space<vmem>> -> memref<128xi32, #tpu.memory_space<vmem>>
      %dma_start3A_249 = arith.constant 0 : i32
      %dma_start3A_250 = arith.constant 0 : i32
      %dma_start3A_251 = tpu.memref_slice %arg17[%dma_start3A_249, %dma_start3A_250] : memref<100096x16xf32, #tpu.memory_space<vmem_shared>> -> memref<100096x16xf32, #tpu.memory_space<vmem_shared>>
      tpu.enqueue_indirect_dma source(%dma_start3A_245 : memref<128x16xf32, #tpu.memory_space<vmem>>) target(%dma_start3A_251 : memref<100096x16xf32, #tpu.memory_space<vmem_shared>>) offsets(%dma_start3A_248 : memref<128xi32, #tpu.memory_space<vmem>>) semaphore(%arg22 : memref<!tpu.dma_semaphore, #tpu.memory_space<semaphore_mem>>) {add = true}
      %dma_start3A_252 = arith.constant 3 : i32
      %dma_start3A_253 = arith.constant 3 : i32
      %dma_start3A_254 = arith.constant 0 : i32
      %dma_start3A_255 = arith.constant 0 : i32
      %dma_start3A_256 = tpu.memref_slice %arg14[%dma_start3A_252, %dma_start3A_254, %dma_start3A_255] : memref<4x128x16xf32, #tpu.memory_space<vmem>> -> memref<1x128x16xf32, #tpu.memory_space<vmem>>
      %dma_start3A_257 = tpu.memref_squeeze %dma_start3A_256 : memref<1x128x16xf32, #tpu.memory_space<vmem>> -> memref<128x16xf32, #tpu.memory_space<vmem>>
      %dma_start3A_258 = arith.constant 0 : i32
      %dma_start3A_259 = tpu.memref_slice %arg11[%dma_start3A_253, %dma_start3A_258] : memref<4x128xi32, #tpu.memory_space<vmem>> -> memref<1x128xi32, #tpu.memory_space<vmem>>
      %dma_start3A_260 = tpu.memref_squeeze %dma_start3A_259 : memref<1x128xi32, #tpu.memory_space<vmem>> -> memref<128xi32, #tpu.memory_space<vmem>>
      %dma_start3A_261 = arith.constant 0 : i32
      %dma_start3A_262 = arith.constant 0 : i32
      %dma_start3A_263 = tpu.memref_slice %arg17[%dma_start3A_261, %dma_start3A_262] : memref<100096x16xf32, #tpu.memory_space<vmem_shared>> -> memref<100096x16xf32, #tpu.memory_space<vmem_shared>>
      tpu.enqueue_indirect_dma source(%dma_start3A_257 : memref<128x16xf32, #tpu.memory_space<vmem>>) target(%dma_start3A_263 : memref<100096x16xf32, #tpu.memory_space<vmem_shared>>) offsets(%dma_start3A_260 : memref<128xi32, #tpu.memory_space<vmem>>) semaphore(%arg22 : memref<!tpu.dma_semaphore, #tpu.memory_space<semaphore_mem>>) {add = true}
      %mul3A_264 = arith.constant 3 : i32
      %mul3A_265 = arith.muli %scan3A_126, %mul3A_264 : i32
      %add3A_266 = arith.constant 1 : i32
      %add3A_267 = arith.addi %mul3A_265, %add3A_266 : i32
      %add3A_268 = arith.constant 1 : i32
      %add3A_269 = arith.addi %add3A_267, %add3A_268 : i32
      %lt3A_270 = arith.constant 396 : i32
      %lt3A_271 = arith.cmpi slt, %add3A_269, %lt3A_270 : i32
      %convert_element_type3A_272 = arith.extui %lt3A_271 : i1 to i32
      %cond3A_273 = arith.constant 0 : i32
      %cond3A_274 = arith.cmpi ne, %convert_element_type3A_272, %cond3A_273 : i32
      scf.if %cond3A_274 {
        %add3A_540 = arith.constant 1 : i32
        %add3A_541 = arith.addi %add3A_267, %add3A_540 : i32
        %mul3A_542 = arith.constant 4 : i32
        %mul3A_543 = arith.muli %add3A_541, %mul3A_542 : i32
        %add3A_544 = arith.addi %mul3A_15, %mul3A_543 : i32
        %dma_wait3A_545 = arith.constant 0 : i32
        %dma_wait3A_546 = tpu.memref_slice %arg2[%add3A_544, %dma_wait3A_545] : memref<25344x128xi32, #tpu.memory_space<hbm>> -> memref<4x128xi32, #tpu.memory_space<hbm>>
        %dma_wait3A_547 = arith.constant 0 : i32
        %dma_wait3A_548 = tpu.memref_slice %arg2[%add3A_544, %dma_wait3A_547] : memref<25344x128xi32, #tpu.memory_space<hbm>> -> memref<4x128xi32, #tpu.memory_space<hbm>>
        tpu.wait_dma2 semaphore(%arg18 : memref<!tpu.dma_semaphore, #tpu.memory_space<semaphore_mem>>) src(%dma_wait3A_548 : memref<4x128xi32, #tpu.memory_space<hbm>>) dst(%arg10 : memref<4x128xi32, #tpu.memory_space<vmem>>)
        %dma_wait3A_549 = arith.constant 0 : i32
        %dma_wait3A_550 = tpu.memref_slice %arg3[%add3A_544, %dma_wait3A_549] : memref<25344x128xi32, #tpu.memory_space<hbm>> -> memref<4x128xi32, #tpu.memory_space<hbm>>
        %dma_wait3A_551 = arith.constant 0 : i32
        %dma_wait3A_552 = tpu.memref_slice %arg3[%add3A_544, %dma_wait3A_551] : memref<25344x128xi32, #tpu.memory_space<hbm>> -> memref<4x128xi32, #tpu.memory_space<hbm>>
        tpu.wait_dma2 semaphore(%arg18 : memref<!tpu.dma_semaphore, #tpu.memory_space<semaphore_mem>>) src(%dma_wait3A_552 : memref<4x128xi32, #tpu.memory_space<hbm>>) dst(%arg13 : memref<4x128xi32, #tpu.memory_space<vmem>>)
      } else {
      }
      %gt3A_275 = arith.constant 0 : i32
      %gt3A_276 = arith.cmpi sgt, %add3A_267, %gt3A_275 : i32
      %convert_element_type3A_277 = arith.extui %gt3A_276 : i1 to i32
      %cond3A_278 = arith.constant 0 : i32
      %cond3A_279 = arith.cmpi ne, %convert_element_type3A_277, %cond3A_278 : i32
      scf.if %cond3A_279 {
        %dma_wait3A_540 = arith.constant 0 : i32
        %dma_wait3A_541 = arith.constant 0 : i32
        %dma_wait3A_542 = arith.constant 0 : i32
        %dma_wait3A_543 = tpu.memref_slice %arg14[%dma_wait3A_540, %dma_wait3A_541, %dma_wait3A_542] : memref<4x128x16xf32, #tpu.memory_space<vmem>> -> memref<1x128x16xf32, #tpu.memory_space<vmem>>
        %dma_wait3A_544 = tpu.memref_squeeze %dma_wait3A_543 : memref<1x128x16xf32, #tpu.memory_space<vmem>> -> memref<128x16xf32, #tpu.memory_space<vmem>>
        %dma_wait3A_545 = arith.constant 0 : i32
        %dma_wait3A_546 = arith.constant 0 : i32
        %dma_wait3A_547 = tpu.memref_slice %arg4[%dma_wait3A_545, %dma_wait3A_546] : memref<100000x16xf32, #tpu.memory_space<hbm>> -> memref<128x16xf32, #tpu.memory_space<hbm>>
        %dma_wait3A_548 = arith.constant 0 : i32
        %dma_wait3A_549 = arith.constant 0 : i32
        %dma_wait3A_550 = tpu.memref_slice %arg14[%dma_wait3A_540, %dma_wait3A_548, %dma_wait3A_549] : memref<4x128x16xf32, #tpu.memory_space<vmem>> -> memref<1x128x16xf32, #tpu.memory_space<vmem>>
        %dma_wait3A_551 = tpu.memref_squeeze %dma_wait3A_550 : memref<1x128x16xf32, #tpu.memory_space<vmem>> -> memref<128x16xf32, #tpu.memory_space<vmem>>
        %dma_wait3A_552 = arith.constant 0 : i32
        %dma_wait3A_553 = arith.constant 0 : i32
        %dma_wait3A_554 = tpu.memref_slice %arg4[%dma_wait3A_552, %dma_wait3A_553] : memref<100000x16xf32, #tpu.memory_space<hbm>> -> memref<128x16xf32, #tpu.memory_space<hbm>>
        tpu.wait_dma2 semaphore(%arg22 : memref<!tpu.dma_semaphore, #tpu.memory_space<semaphore_mem>>) src(%dma_wait3A_554 : memref<128x16xf32, #tpu.memory_space<hbm>>) dst(%dma_wait3A_551 : memref<128x16xf32, #tpu.memory_space<vmem>>)
        %dma_wait3A_555 = arith.constant 1 : i32
        %dma_wait3A_556 = arith.constant 0 : i32
        %dma_wait3A_557 = arith.constant 0 : i32
        %dma_wait3A_558 = tpu.memref_slice %arg14[%dma_wait3A_555, %dma_wait3A_556, %dma_wait3A_557] : memref<4x128x16xf32, #tpu.memory_space<vmem>> -> memref<1x128x16xf32, #tpu.memory_space<vmem>>
        %dma_wait3A_559 = tpu.memref_squeeze %dma_wait3A_558 : memref<1x128x16xf32, #tpu.memory_space<vmem>> -> memref<128x16xf32, #tpu.memory_space<vmem>>
        %dma_wait3A_560 = arith.constant 0 : i32
        %dma_wait3A_561 = arith.constant 0 : i32
        %dma_wait3A_562 = tpu.memref_slice %arg4[%dma_wait3A_560, %dma_wait3A_561] : memref<100000x16xf32, #tpu.memory_space<hbm>> -> memref<128x16xf32, #tpu.memory_space<hbm>>
        %dma_wait3A_563 = arith.constant 0 : i32
        %dma_wait3A_564 = arith.constant 0 : i32
        %dma_wait3A_565 = tpu.memref_slice %arg14[%dma_wait3A_555, %dma_wait3A_563, %dma_wait3A_564] : memref<4x128x16xf32, #tpu.memory_space<vmem>> -> memref<1x128x16xf32, #tpu.memory_space<vmem>>
        %dma_wait3A_566 = tpu.memref_squeeze %dma_wait3A_565 : memref<1x128x16xf32, #tpu.memory_space<vmem>> -> memref<128x16xf32, #tpu.memory_space<vmem>>
        %dma_wait3A_567 = arith.constant 0 : i32
        %dma_wait3A_568 = arith.constant 0 : i32
        %dma_wait3A_569 = tpu.memref_slice %arg4[%dma_wait3A_567, %dma_wait3A_568] : memref<100000x16xf32, #tpu.memory_space<hbm>> -> memref<128x16xf32, #tpu.memory_space<hbm>>
        tpu.wait_dma2 semaphore(%arg22 : memref<!tpu.dma_semaphore, #tpu.memory_space<semaphore_mem>>) src(%dma_wait3A_569 : memref<128x16xf32, #tpu.memory_space<hbm>>) dst(%dma_wait3A_566 : memref<128x16xf32, #tpu.memory_space<vmem>>)
        %dma_wait3A_570 = arith.constant 2 : i32
        %dma_wait3A_571 = arith.constant 0 : i32
        %dma_wait3A_572 = arith.constant 0 : i32
        %dma_wait3A_573 = tpu.memref_slice %arg14[%dma_wait3A_570, %dma_wait3A_571, %dma_wait3A_572] : memref<4x128x16xf32, #tpu.memory_space<vmem>> -> memref<1x128x16xf32, #tpu.memory_space<vmem>>
        %dma_wait3A_574 = tpu.memref_squeeze %dma_wait3A_573 : memref<1x128x16xf32, #tpu.memory_space<vmem>> -> memref<128x16xf32, #tpu.memory_space<vmem>>
        %dma_wait3A_575 = arith.constant 0 : i32
        %dma_wait3A_576 = arith.constant 0 : i32
        %dma_wait3A_577 = tpu.memref_slice %arg4[%dma_wait3A_575, %dma_wait3A_576] : memref<100000x16xf32, #tpu.memory_space<hbm>> -> memref<128x16xf32, #tpu.memory_space<hbm>>
        %dma_wait3A_578 = arith.constant 0 : i32
        %dma_wait3A_579 = arith.constant 0 : i32
        %dma_wait3A_580 = tpu.memref_slice %arg14[%dma_wait3A_570, %dma_wait3A_578, %dma_wait3A_579] : memref<4x128x16xf32, #tpu.memory_space<vmem>> -> memref<1x128x16xf32, #tpu.memory_space<vmem>>
        %dma_wait3A_581 = tpu.memref_squeeze %dma_wait3A_580 : memref<1x128x16xf32, #tpu.memory_space<vmem>> -> memref<128x16xf32, #tpu.memory_space<vmem>>
        %dma_wait3A_582 = arith.constant 0 : i32
        %dma_wait3A_583 = arith.constant 0 : i32
        %dma_wait3A_584 = tpu.memref_slice %arg4[%dma_wait3A_582, %dma_wait3A_583] : memref<100000x16xf32, #tpu.memory_space<hbm>> -> memref<128x16xf32, #tpu.memory_space<hbm>>
        tpu.wait_dma2 semaphore(%arg22 : memref<!tpu.dma_semaphore, #tpu.memory_space<semaphore_mem>>) src(%dma_wait3A_584 : memref<128x16xf32, #tpu.memory_space<hbm>>) dst(%dma_wait3A_581 : memref<128x16xf32, #tpu.memory_space<vmem>>)
        %dma_wait3A_585 = arith.constant 3 : i32
        %dma_wait3A_586 = arith.constant 0 : i32
        %dma_wait3A_587 = arith.constant 0 : i32
        %dma_wait3A_588 = tpu.memref_slice %arg14[%dma_wait3A_585, %dma_wait3A_586, %dma_wait3A_587] : memref<4x128x16xf32, #tpu.memory_space<vmem>> -> memref<1x128x16xf32, #tpu.memory_space<vmem>>
        %dma_wait3A_589 = tpu.memref_squeeze %dma_wait3A_588 : memref<1x128x16xf32, #tpu.memory_space<vmem>> -> memref<128x16xf32, #tpu.memory_space<vmem>>
        %dma_wait3A_590 = arith.constant 0 : i32
        %dma_wait3A_591 = arith.constant 0 : i32
        %dma_wait3A_592 = tpu.memref_slice %arg4[%dma_wait3A_590, %dma_wait3A_591] : memref<100000x16xf32, #tpu.memory_space<hbm>> -> memref<128x16xf32, #tpu.memory_space<hbm>>
        %dma_wait3A_593 = arith.constant 0 : i32
        %dma_wait3A_594 = arith.constant 0 : i32
        %dma_wait3A_595 = tpu.memref_slice %arg14[%dma_wait3A_585, %dma_wait3A_593, %dma_wait3A_594] : memref<4x128x16xf32, #tpu.memory_space<vmem>> -> memref<1x128x16xf32, #tpu.memory_space<vmem>>
        %dma_wait3A_596 = tpu.memref_squeeze %dma_wait3A_595 : memref<1x128x16xf32, #tpu.memory_space<vmem>> -> memref<128x16xf32, #tpu.memory_space<vmem>>
        %dma_wait3A_597 = arith.constant 0 : i32
        %dma_wait3A_598 = arith.constant 0 : i32
        %dma_wait3A_599 = tpu.memref_slice %arg4[%dma_wait3A_597, %dma_wait3A_598] : memref<100000x16xf32, #tpu.memory_space<hbm>> -> memref<128x16xf32, #tpu.memory_space<hbm>>
        tpu.wait_dma2 semaphore(%arg22 : memref<!tpu.dma_semaphore, #tpu.memory_space<semaphore_mem>>) src(%dma_wait3A_599 : memref<128x16xf32, #tpu.memory_space<hbm>>) dst(%dma_wait3A_596 : memref<128x16xf32, #tpu.memory_space<vmem>>)
      } else {
      }
      %add3A_280 = arith.constant 2 : i32
      %add3A_281 = arith.addi %add3A_267, %add3A_280 : i32
      %lt3A_282 = arith.constant 396 : i32
      %lt3A_283 = arith.cmpi slt, %add3A_281, %lt3A_282 : i32
      %convert_element_type3A_284 = arith.extui %lt3A_283 : i1 to i32
      %cond3A_285 = arith.constant 0 : i32
      %cond3A_286 = arith.cmpi ne, %convert_element_type3A_284, %cond3A_285 : i32
      scf.if %cond3A_286 {
        %add3A_540 = arith.constant 2 : i32
        %add3A_541 = arith.addi %add3A_267, %add3A_540 : i32
        %mul3A_542 = arith.constant 4 : i32
        %mul3A_543 = arith.muli %add3A_541, %mul3A_542 : i32
        %add3A_544 = arith.addi %mul3A_15, %mul3A_543 : i32
        %dma_start3A_545 = arith.constant 0 : i32
        %dma_start3A_546 = tpu.memref_slice %arg2[%add3A_544, %dma_start3A_545] : memref<25344x128xi32, #tpu.memory_space<hbm>> -> memref<4x128xi32, #tpu.memory_space<hbm>>
        %dma_start3A_547 = arith.constant 0 : i32
        %dma_start3A_548 = tpu.memref_slice %arg2[%add3A_544, %dma_start3A_547] : memref<25344x128xi32, #tpu.memory_space<hbm>> -> memref<4x128xi32, #tpu.memory_space<hbm>>
        tpu.enqueue_dma source(%dma_start3A_548 : memref<4x128xi32, #tpu.memory_space<hbm>>) target(%arg8 : memref<4x128xi32, #tpu.memory_space<vmem>>) target_semaphore(%arg18 : memref<!tpu.dma_semaphore, #tpu.memory_space<semaphore_mem>>)
        %dma_start3A_549 = arith.constant 0 : i32
        %dma_start3A_550 = tpu.memref_slice %arg3[%add3A_544, %dma_start3A_549] : memref<25344x128xi32, #tpu.memory_space<hbm>> -> memref<4x128xi32, #tpu.memory_space<hbm>>
        %dma_start3A_551 = arith.constant 0 : i32
        %dma_start3A_552 = tpu.memref_slice %arg3[%add3A_544, %dma_start3A_551] : memref<25344x128xi32, #tpu.memory_space<hbm>> -> memref<4x128xi32, #tpu.memory_space<hbm>>
        tpu.enqueue_dma source(%dma_start3A_552 : memref<4x128xi32, #tpu.memory_space<hbm>>) target(%arg11 : memref<4x128xi32, #tpu.memory_space<vmem>>) target_semaphore(%arg18 : memref<!tpu.dma_semaphore, #tpu.memory_space<semaphore_mem>>)
      } else {
      }
      %add3A_287 = arith.constant 1 : i32
      %add3A_288 = arith.addi %add3A_267, %add3A_287 : i32
      %lt3A_289 = arith.constant 396 : i32
      %lt3A_290 = arith.cmpi slt, %add3A_288, %lt3A_289 : i32
      %convert_element_type3A_291 = arith.extui %lt3A_290 : i1 to i32
      %cond3A_292 = arith.constant 0 : i32
      %cond3A_293 = arith.cmpi ne, %convert_element_type3A_291, %cond3A_292 : i32
      scf.if %cond3A_293 {
        %eq3A_540 = arith.constant 0 : i32
        %eq3A_541 = arith.cmpi eq, %arg0, %eq3A_540 : i32
        %convert_element_type3A_542 = arith.extui %eq3A_541 : i1 to i32
        %cond3A_543 = arith.constant 0 : i32
        %cond3A_544 = arith.cmpi ne, %convert_element_type3A_542, %cond3A_543 : i32
        scf.if %cond3A_544 {
          %dma_start3A_550 = arith.constant 0 : i32
          %dma_start3A_551 = arith.constant 0 : i32
          %dma_start3A_552 = arith.constant 0 : i32
          %dma_start3A_553 = arith.constant 0 : i32
          %dma_start3A_554 = tpu.memref_slice %arg16[%dma_start3A_551, %dma_start3A_552, %dma_start3A_553] : memref<4x128x16xf32, #tpu.memory_space<vmem>> -> memref<1x128x16xf32, #tpu.memory_space<vmem>>
          %dma_start3A_555 = tpu.memref_squeeze %dma_start3A_554 : memref<1x128x16xf32, #tpu.memory_space<vmem>> -> memref<128x16xf32, #tpu.memory_space<vmem>>
          %dma_start3A_556 = arith.constant 0 : i32
          %dma_start3A_557 = tpu.memref_slice %arg10[%dma_start3A_550, %dma_start3A_556] : memref<4x128xi32, #tpu.memory_space<vmem>> -> memref<1x128xi32, #tpu.memory_space<vmem>>
          %dma_start3A_558 = tpu.memref_squeeze %dma_start3A_557 : memref<1x128xi32, #tpu.memory_space<vmem>> -> memref<128xi32, #tpu.memory_space<vmem>>
          %dma_start3A_559 = arith.constant 0 : i32
          %dma_start3A_560 = arith.constant 0 : i32
          %dma_start3A_561 = tpu.memref_slice %arg4[%dma_start3A_559, %dma_start3A_560] : memref<100000x16xf32, #tpu.memory_space<hbm>> -> memref<100000x16xf32, #tpu.memory_space<hbm>>
          tpu.enqueue_indirect_dma source(%dma_start3A_561 : memref<100000x16xf32, #tpu.memory_space<hbm>>) target(%dma_start3A_555 : memref<128x16xf32, #tpu.memory_space<vmem>>) offsets(%dma_start3A_558 : memref<128xi32, #tpu.memory_space<vmem>>) semaphore(%arg21 : memref<!tpu.dma_semaphore, #tpu.memory_space<semaphore_mem>>)
          %dma_start3A_562 = arith.constant 1 : i32
          %dma_start3A_563 = arith.constant 1 : i32
          %dma_start3A_564 = arith.constant 0 : i32
          %dma_start3A_565 = arith.constant 0 : i32
          %dma_start3A_566 = tpu.memref_slice %arg16[%dma_start3A_563, %dma_start3A_564, %dma_start3A_565] : memref<4x128x16xf32, #tpu.memory_space<vmem>> -> memref<1x128x16xf32, #tpu.memory_space<vmem>>
          %dma_start3A_567 = tpu.memref_squeeze %dma_start3A_566 : memref<1x128x16xf32, #tpu.memory_space<vmem>> -> memref<128x16xf32, #tpu.memory_space<vmem>>
          %dma_start3A_568 = arith.constant 0 : i32
          %dma_start3A_569 = tpu.memref_slice %arg10[%dma_start3A_562, %dma_start3A_568] : memref<4x128xi32, #tpu.memory_space<vmem>> -> memref<1x128xi32, #tpu.memory_space<vmem>>
          %dma_start3A_570 = tpu.memref_squeeze %dma_start3A_569 : memref<1x128xi32, #tpu.memory_space<vmem>> -> memref<128xi32, #tpu.memory_space<vmem>>
          %dma_start3A_571 = arith.constant 0 : i32
          %dma_start3A_572 = arith.constant 0 : i32
          %dma_start3A_573 = tpu.memref_slice %arg4[%dma_start3A_571, %dma_start3A_572] : memref<100000x16xf32, #tpu.memory_space<hbm>> -> memref<100000x16xf32, #tpu.memory_space<hbm>>
          tpu.enqueue_indirect_dma source(%dma_start3A_573 : memref<100000x16xf32, #tpu.memory_space<hbm>>) target(%dma_start3A_567 : memref<128x16xf32, #tpu.memory_space<vmem>>) offsets(%dma_start3A_570 : memref<128xi32, #tpu.memory_space<vmem>>) semaphore(%arg21 : memref<!tpu.dma_semaphore, #tpu.memory_space<semaphore_mem>>)
          %dma_start3A_574 = arith.constant 2 : i32
          %dma_start3A_575 = arith.constant 2 : i32
          %dma_start3A_576 = arith.constant 0 : i32
          %dma_start3A_577 = arith.constant 0 : i32
          %dma_start3A_578 = tpu.memref_slice %arg16[%dma_start3A_575, %dma_start3A_576, %dma_start3A_577] : memref<4x128x16xf32, #tpu.memory_space<vmem>> -> memref<1x128x16xf32, #tpu.memory_space<vmem>>
          %dma_start3A_579 = tpu.memref_squeeze %dma_start3A_578 : memref<1x128x16xf32, #tpu.memory_space<vmem>> -> memref<128x16xf32, #tpu.memory_space<vmem>>
          %dma_start3A_580 = arith.constant 0 : i32
          %dma_start3A_581 = tpu.memref_slice %arg10[%dma_start3A_574, %dma_start3A_580] : memref<4x128xi32, #tpu.memory_space<vmem>> -> memref<1x128xi32, #tpu.memory_space<vmem>>
          %dma_start3A_582 = tpu.memref_squeeze %dma_start3A_581 : memref<1x128xi32, #tpu.memory_space<vmem>> -> memref<128xi32, #tpu.memory_space<vmem>>
          %dma_start3A_583 = arith.constant 0 : i32
          %dma_start3A_584 = arith.constant 0 : i32
          %dma_start3A_585 = tpu.memref_slice %arg4[%dma_start3A_583, %dma_start3A_584] : memref<100000x16xf32, #tpu.memory_space<hbm>> -> memref<100000x16xf32, #tpu.memory_space<hbm>>
          tpu.enqueue_indirect_dma source(%dma_start3A_585 : memref<100000x16xf32, #tpu.memory_space<hbm>>) target(%dma_start3A_579 : memref<128x16xf32, #tpu.memory_space<vmem>>) offsets(%dma_start3A_582 : memref<128xi32, #tpu.memory_space<vmem>>) semaphore(%arg21 : memref<!tpu.dma_semaphore, #tpu.memory_space<semaphore_mem>>)
          %dma_start3A_586 = arith.constant 3 : i32
          %dma_start3A_587 = arith.constant 3 : i32
          %dma_start3A_588 = arith.constant 0 : i32
          %dma_start3A_589 = arith.constant 0 : i32
          %dma_start3A_590 = tpu.memref_slice %arg16[%dma_start3A_587, %dma_start3A_588, %dma_start3A_589] : memref<4x128x16xf32, #tpu.memory_space<vmem>> -> memref<1x128x16xf32, #tpu.memory_space<vmem>>
          %dma_start3A_591 = tpu.memref_squeeze %dma_start3A_590 : memref<1x128x16xf32, #tpu.memory_space<vmem>> -> memref<128x16xf32, #tpu.memory_space<vmem>>
          %dma_start3A_592 = arith.constant 0 : i32
          %dma_start3A_593 = tpu.memref_slice %arg10[%dma_start3A_586, %dma_start3A_592] : memref<4x128xi32, #tpu.memory_space<vmem>> -> memref<1x128xi32, #tpu.memory_space<vmem>>
          %dma_start3A_594 = tpu.memref_squeeze %dma_start3A_593 : memref<1x128xi32, #tpu.memory_space<vmem>> -> memref<128xi32, #tpu.memory_space<vmem>>
          %dma_start3A_595 = arith.constant 0 : i32
          %dma_start3A_596 = arith.constant 0 : i32
          %dma_start3A_597 = tpu.memref_slice %arg4[%dma_start3A_595, %dma_start3A_596] : memref<100000x16xf32, #tpu.memory_space<hbm>> -> memref<100000x16xf32, #tpu.memory_space<hbm>>
          tpu.enqueue_indirect_dma source(%dma_start3A_597 : memref<100000x16xf32, #tpu.memory_space<hbm>>) target(%dma_start3A_591 : memref<128x16xf32, #tpu.memory_space<vmem>>) offsets(%dma_start3A_594 : memref<128xi32, #tpu.memory_space<vmem>>) semaphore(%arg21 : memref<!tpu.dma_semaphore, #tpu.memory_space<semaphore_mem>>)
        } else {
        }
        %eq3A_545 = arith.constant 1 : i32
        %eq3A_546 = arith.cmpi eq, %arg0, %eq3A_545 : i32
        %convert_element_type3A_547 = arith.extui %eq3A_546 : i1 to i32
        %cond3A_548 = arith.constant 0 : i32
        %cond3A_549 = arith.cmpi ne, %convert_element_type3A_547, %cond3A_548 : i32
        scf.if %cond3A_549 {
          %dma_start3A_550 = arith.constant 0 : i32
          %dma_start3A_551 = arith.constant 0 : i32
          %dma_start3A_552 = arith.constant 0 : i32
          %dma_start3A_553 = arith.constant 0 : i32
          %dma_start3A_554 = tpu.memref_slice %arg16[%dma_start3A_551, %dma_start3A_552, %dma_start3A_553] : memref<4x128x16xf32, #tpu.memory_space<vmem>> -> memref<1x128x16xf32, #tpu.memory_space<vmem>>
          %dma_start3A_555 = tpu.memref_squeeze %dma_start3A_554 : memref<1x128x16xf32, #tpu.memory_space<vmem>> -> memref<128x16xf32, #tpu.memory_space<vmem>>
          %dma_start3A_556 = arith.constant 0 : i32
          %dma_start3A_557 = tpu.memref_slice %arg10[%dma_start3A_550, %dma_start3A_556] : memref<4x128xi32, #tpu.memory_space<vmem>> -> memref<1x128xi32, #tpu.memory_space<vmem>>
          %dma_start3A_558 = tpu.memref_squeeze %dma_start3A_557 : memref<1x128xi32, #tpu.memory_space<vmem>> -> memref<128xi32, #tpu.memory_space<vmem>>
          %dma_start3A_559 = arith.constant 0 : i32
          %dma_start3A_560 = arith.constant 0 : i32
          %dma_start3A_561 = tpu.memref_slice %arg5[%dma_start3A_559, %dma_start3A_560] : memref<100000x16xf32, #tpu.memory_space<hbm>> -> memref<100000x16xf32, #tpu.memory_space<hbm>>
          tpu.enqueue_indirect_dma source(%dma_start3A_561 : memref<100000x16xf32, #tpu.memory_space<hbm>>) target(%dma_start3A_555 : memref<128x16xf32, #tpu.memory_space<vmem>>) offsets(%dma_start3A_558 : memref<128xi32, #tpu.memory_space<vmem>>) semaphore(%arg21 : memref<!tpu.dma_semaphore, #tpu.memory_space<semaphore_mem>>)
          %dma_start3A_562 = arith.constant 1 : i32
          %dma_start3A_563 = arith.constant 1 : i32
          %dma_start3A_564 = arith.constant 0 : i32
          %dma_start3A_565 = arith.constant 0 : i32
          %dma_start3A_566 = tpu.memref_slice %arg16[%dma_start3A_563, %dma_start3A_564, %dma_start3A_565] : memref<4x128x16xf32, #tpu.memory_space<vmem>> -> memref<1x128x16xf32, #tpu.memory_space<vmem>>
          %dma_start3A_567 = tpu.memref_squeeze %dma_start3A_566 : memref<1x128x16xf32, #tpu.memory_space<vmem>> -> memref<128x16xf32, #tpu.memory_space<vmem>>
          %dma_start3A_568 = arith.constant 0 : i32
          %dma_start3A_569 = tpu.memref_slice %arg10[%dma_start3A_562, %dma_start3A_568] : memref<4x128xi32, #tpu.memory_space<vmem>> -> memref<1x128xi32, #tpu.memory_space<vmem>>
          %dma_start3A_570 = tpu.memref_squeeze %dma_start3A_569 : memref<1x128xi32, #tpu.memory_space<vmem>> -> memref<128xi32, #tpu.memory_space<vmem>>
          %dma_start3A_571 = arith.constant 0 : i32
          %dma_start3A_572 = arith.constant 0 : i32
          %dma_start3A_573 = tpu.memref_slice %arg5[%dma_start3A_571, %dma_start3A_572] : memref<100000x16xf32, #tpu.memory_space<hbm>> -> memref<100000x16xf32, #tpu.memory_space<hbm>>
          tpu.enqueue_indirect_dma source(%dma_start3A_573 : memref<100000x16xf32, #tpu.memory_space<hbm>>) target(%dma_start3A_567 : memref<128x16xf32, #tpu.memory_space<vmem>>) offsets(%dma_start3A_570 : memref<128xi32, #tpu.memory_space<vmem>>) semaphore(%arg21 : memref<!tpu.dma_semaphore, #tpu.memory_space<semaphore_mem>>)
          %dma_start3A_574 = arith.constant 2 : i32
          %dma_start3A_575 = arith.constant 2 : i32
          %dma_start3A_576 = arith.constant 0 : i32
          %dma_start3A_577 = arith.constant 0 : i32
          %dma_start3A_578 = tpu.memref_slice %arg16[%dma_start3A_575, %dma_start3A_576, %dma_start3A_577] : memref<4x128x16xf32, #tpu.memory_space<vmem>> -> memref<1x128x16xf32, #tpu.memory_space<vmem>>
          %dma_start3A_579 = tpu.memref_squeeze %dma_start3A_578 : memref<1x128x16xf32, #tpu.memory_space<vmem>> -> memref<128x16xf32, #tpu.memory_space<vmem>>
          %dma_start3A_580 = arith.constant 0 : i32
          %dma_start3A_581 = tpu.memref_slice %arg10[%dma_start3A_574, %dma_start3A_580] : memref<4x128xi32, #tpu.memory_space<vmem>> -> memref<1x128xi32, #tpu.memory_space<vmem>>
          %dma_start3A_582 = tpu.memref_squeeze %dma_start3A_581 : memref<1x128xi32, #tpu.memory_space<vmem>> -> memref<128xi32, #tpu.memory_space<vmem>>
          %dma_start3A_583 = arith.constant 0 : i32
          %dma_start3A_584 = arith.constant 0 : i32
          %dma_start3A_585 = tpu.memref_slice %arg5[%dma_start3A_583, %dma_start3A_584] : memref<100000x16xf32, #tpu.memory_space<hbm>> -> memref<100000x16xf32, #tpu.memory_space<hbm>>
          tpu.enqueue_indirect_dma source(%dma_start3A_585 : memref<100000x16xf32, #tpu.memory_space<hbm>>) target(%dma_start3A_579 : memref<128x16xf32, #tpu.memory_space<vmem>>) offsets(%dma_start3A_582 : memref<128xi32, #tpu.memory_space<vmem>>) semaphore(%arg21 : memref<!tpu.dma_semaphore, #tpu.memory_space<semaphore_mem>>)
          %dma_start3A_586 = arith.constant 3 : i32
          %dma_start3A_587 = arith.constant 3 : i32
          %dma_start3A_588 = arith.constant 0 : i32
          %dma_start3A_589 = arith.constant 0 : i32
          %dma_start3A_590 = tpu.memref_slice %arg16[%dma_start3A_587, %dma_start3A_588, %dma_start3A_589] : memref<4x128x16xf32, #tpu.memory_space<vmem>> -> memref<1x128x16xf32, #tpu.memory_space<vmem>>
          %dma_start3A_591 = tpu.memref_squeeze %dma_start3A_590 : memref<1x128x16xf32, #tpu.memory_space<vmem>> -> memref<128x16xf32, #tpu.memory_space<vmem>>
          %dma_start3A_592 = arith.constant 0 : i32
          %dma_start3A_593 = tpu.memref_slice %arg10[%dma_start3A_586, %dma_start3A_592] : memref<4x128xi32, #tpu.memory_space<vmem>> -> memref<1x128xi32, #tpu.memory_space<vmem>>
          %dma_start3A_594 = tpu.memref_squeeze %dma_start3A_593 : memref<1x128xi32, #tpu.memory_space<vmem>> -> memref<128xi32, #tpu.memory_space<vmem>>
          %dma_start3A_595 = arith.constant 0 : i32
          %dma_start3A_596 = arith.constant 0 : i32
          %dma_start3A_597 = tpu.memref_slice %arg5[%dma_start3A_595, %dma_start3A_596] : memref<100000x16xf32, #tpu.memory_space<hbm>> -> memref<100000x16xf32, #tpu.memory_space<hbm>>
          tpu.enqueue_indirect_dma source(%dma_start3A_597 : memref<100000x16xf32, #tpu.memory_space<hbm>>) target(%dma_start3A_591 : memref<128x16xf32, #tpu.memory_space<vmem>>) offsets(%dma_start3A_594 : memref<128xi32, #tpu.memory_space<vmem>>) semaphore(%arg21 : memref<!tpu.dma_semaphore, #tpu.memory_space<semaphore_mem>>)
        } else {
        }
      } else {
      }
      %dma_wait3A_294 = arith.constant 0 : i32
      %dma_wait3A_295 = arith.constant 0 : i32
      %dma_wait3A_296 = arith.constant 0 : i32
      %dma_wait3A_297 = tpu.memref_slice %arg15[%dma_wait3A_294, %dma_wait3A_295, %dma_wait3A_296] : memref<4x128x16xf32, #tpu.memory_space<vmem>> -> memref<1x128x16xf32, #tpu.memory_space<vmem>>
      %dma_wait3A_298 = tpu.memref_squeeze %dma_wait3A_297 : memref<1x128x16xf32, #tpu.memory_space<vmem>> -> memref<128x16xf32, #tpu.memory_space<vmem>>
      %dma_wait3A_299 = arith.constant 0 : i32
      %dma_wait3A_300 = arith.constant 0 : i32
      %dma_wait3A_301 = tpu.memref_slice %arg4[%dma_wait3A_299, %dma_wait3A_300] : memref<100000x16xf32, #tpu.memory_space<hbm>> -> memref<128x16xf32, #tpu.memory_space<hbm>>
      %dma_wait3A_302 = arith.constant 0 : i32
      %dma_wait3A_303 = arith.constant 0 : i32
      %dma_wait3A_304 = tpu.memref_slice %arg15[%dma_wait3A_294, %dma_wait3A_302, %dma_wait3A_303] : memref<4x128x16xf32, #tpu.memory_space<vmem>> -> memref<1x128x16xf32, #tpu.memory_space<vmem>>
      %dma_wait3A_305 = tpu.memref_squeeze %dma_wait3A_304 : memref<1x128x16xf32, #tpu.memory_space<vmem>> -> memref<128x16xf32, #tpu.memory_space<vmem>>
      %dma_wait3A_306 = arith.constant 0 : i32
      %dma_wait3A_307 = arith.constant 0 : i32
      %dma_wait3A_308 = tpu.memref_slice %arg4[%dma_wait3A_306, %dma_wait3A_307] : memref<100000x16xf32, #tpu.memory_space<hbm>> -> memref<128x16xf32, #tpu.memory_space<hbm>>
      tpu.wait_dma2 semaphore(%arg20 : memref<!tpu.dma_semaphore, #tpu.memory_space<semaphore_mem>>) src(%dma_wait3A_308 : memref<128x16xf32, #tpu.memory_space<hbm>>) dst(%dma_wait3A_305 : memref<128x16xf32, #tpu.memory_space<vmem>>)
      %dma_wait3A_309 = arith.constant 1 : i32
      %dma_wait3A_310 = arith.constant 0 : i32
      %dma_wait3A_311 = arith.constant 0 : i32
      %dma_wait3A_312 = tpu.memref_slice %arg15[%dma_wait3A_309, %dma_wait3A_310, %dma_wait3A_311] : memref<4x128x16xf32, #tpu.memory_space<vmem>> -> memref<1x128x16xf32, #tpu.memory_space<vmem>>
      %dma_wait3A_313 = tpu.memref_squeeze %dma_wait3A_312 : memref<1x128x16xf32, #tpu.memory_space<vmem>> -> memref<128x16xf32, #tpu.memory_space<vmem>>
      %dma_wait3A_314 = arith.constant 0 : i32
      %dma_wait3A_315 = arith.constant 0 : i32
      %dma_wait3A_316 = tpu.memref_slice %arg4[%dma_wait3A_314, %dma_wait3A_315] : memref<100000x16xf32, #tpu.memory_space<hbm>> -> memref<128x16xf32, #tpu.memory_space<hbm>>
      %dma_wait3A_317 = arith.constant 0 : i32
      %dma_wait3A_318 = arith.constant 0 : i32
      %dma_wait3A_319 = tpu.memref_slice %arg15[%dma_wait3A_309, %dma_wait3A_317, %dma_wait3A_318] : memref<4x128x16xf32, #tpu.memory_space<vmem>> -> memref<1x128x16xf32, #tpu.memory_space<vmem>>
      %dma_wait3A_320 = tpu.memref_squeeze %dma_wait3A_319 : memref<1x128x16xf32, #tpu.memory_space<vmem>> -> memref<128x16xf32, #tpu.memory_space<vmem>>
      %dma_wait3A_321 = arith.constant 0 : i32
      %dma_wait3A_322 = arith.constant 0 : i32
      %dma_wait3A_323 = tpu.memref_slice %arg4[%dma_wait3A_321, %dma_wait3A_322] : memref<100000x16xf32, #tpu.memory_space<hbm>> -> memref<128x16xf32, #tpu.memory_space<hbm>>
      tpu.wait_dma2 semaphore(%arg20 : memref<!tpu.dma_semaphore, #tpu.memory_space<semaphore_mem>>) src(%dma_wait3A_323 : memref<128x16xf32, #tpu.memory_space<hbm>>) dst(%dma_wait3A_320 : memref<128x16xf32, #tpu.memory_space<vmem>>)
      %dma_wait3A_324 = arith.constant 2 : i32
      %dma_wait3A_325 = arith.constant 0 : i32
      %dma_wait3A_326 = arith.constant 0 : i32
      %dma_wait3A_327 = tpu.memref_slice %arg15[%dma_wait3A_324, %dma_wait3A_325, %dma_wait3A_326] : memref<4x128x16xf32, #tpu.memory_space<vmem>> -> memref<1x128x16xf32, #tpu.memory_space<vmem>>
      %dma_wait3A_328 = tpu.memref_squeeze %dma_wait3A_327 : memref<1x128x16xf32, #tpu.memory_space<vmem>> -> memref<128x16xf32, #tpu.memory_space<vmem>>
      %dma_wait3A_329 = arith.constant 0 : i32
      %dma_wait3A_330 = arith.constant 0 : i32
      %dma_wait3A_331 = tpu.memref_slice %arg4[%dma_wait3A_329, %dma_wait3A_330] : memref<100000x16xf32, #tpu.memory_space<hbm>> -> memref<128x16xf32, #tpu.memory_space<hbm>>
      %dma_wait3A_332 = arith.constant 0 : i32
      %dma_wait3A_333 = arith.constant 0 : i32
      %dma_wait3A_334 = tpu.memref_slice %arg15[%dma_wait3A_324, %dma_wait3A_332, %dma_wait3A_333] : memref<4x128x16xf32, #tpu.memory_space<vmem>> -> memref<1x128x16xf32, #tpu.memory_space<vmem>>
      %dma_wait3A_335 = tpu.memref_squeeze %dma_wait3A_334 : memref<1x128x16xf32, #tpu.memory_space<vmem>> -> memref<128x16xf32, #tpu.memory_space<vmem>>
      %dma_wait3A_336 = arith.constant 0 : i32
      %dma_wait3A_337 = arith.constant 0 : i32
      %dma_wait3A_338 = tpu.memref_slice %arg4[%dma_wait3A_336, %dma_wait3A_337] : memref<100000x16xf32, #tpu.memory_space<hbm>> -> memref<128x16xf32, #tpu.memory_space<hbm>>
      tpu.wait_dma2 semaphore(%arg20 : memref<!tpu.dma_semaphore, #tpu.memory_space<semaphore_mem>>) src(%dma_wait3A_338 : memref<128x16xf32, #tpu.memory_space<hbm>>) dst(%dma_wait3A_335 : memref<128x16xf32, #tpu.memory_space<vmem>>)
      %dma_wait3A_339 = arith.constant 3 : i32
      %dma_wait3A_340 = arith.constant 0 : i32
      %dma_wait3A_341 = arith.constant 0 : i32
      %dma_wait3A_342 = tpu.memref_slice %arg15[%dma_wait3A_339, %dma_wait3A_340, %dma_wait3A_341] : memref<4x128x16xf32, #tpu.memory_space<vmem>> -> memref<1x128x16xf32, #tpu.memory_space<vmem>>
      %dma_wait3A_343 = tpu.memref_squeeze %dma_wait3A_342 : memref<1x128x16xf32, #tpu.memory_space<vmem>> -> memref<128x16xf32, #tpu.memory_space<vmem>>
      %dma_wait3A_344 = arith.constant 0 : i32
      %dma_wait3A_345 = arith.constant 0 : i32
      %dma_wait3A_346 = tpu.memref_slice %arg4[%dma_wait3A_344, %dma_wait3A_345] : memref<100000x16xf32, #tpu.memory_space<hbm>> -> memref<128x16xf32, #tpu.memory_space<hbm>>
      %dma_wait3A_347 = arith.constant 0 : i32
      %dma_wait3A_348 = arith.constant 0 : i32
      %dma_wait3A_349 = tpu.memref_slice %arg15[%dma_wait3A_339, %dma_wait3A_347, %dma_wait3A_348] : memref<4x128x16xf32, #tpu.memory_space<vmem>> -> memref<1x128x16xf32, #tpu.memory_space<vmem>>
      %dma_wait3A_350 = tpu.memref_squeeze %dma_wait3A_349 : memref<1x128x16xf32, #tpu.memory_space<vmem>> -> memref<128x16xf32, #tpu.memory_space<vmem>>
      %dma_wait3A_351 = arith.constant 0 : i32
      %dma_wait3A_352 = arith.constant 0 : i32
      %dma_wait3A_353 = tpu.memref_slice %arg4[%dma_wait3A_351, %dma_wait3A_352] : memref<100000x16xf32, #tpu.memory_space<hbm>> -> memref<128x16xf32, #tpu.memory_space<hbm>>
      tpu.wait_dma2 semaphore(%arg20 : memref<!tpu.dma_semaphore, #tpu.memory_space<semaphore_mem>>) src(%dma_wait3A_353 : memref<128x16xf32, #tpu.memory_space<hbm>>) dst(%dma_wait3A_350 : memref<128x16xf32, #tpu.memory_space<vmem>>)
      %dma_start3A_354 = arith.constant 0 : i32
      %dma_start3A_355 = arith.constant 0 : i32
      %dma_start3A_356 = arith.constant 0 : i32
      %dma_start3A_357 = arith.constant 0 : i32
      %dma_start3A_358 = tpu.memref_slice %arg15[%dma_start3A_354, %dma_start3A_356, %dma_start3A_357] : memref<4x128x16xf32, #tpu.memory_space<vmem>> -> memref<1x128x16xf32, #tpu.memory_space<vmem>>
      %dma_start3A_359 = tpu.memref_squeeze %dma_start3A_358 : memref<1x128x16xf32, #tpu.memory_space<vmem>> -> memref<128x16xf32, #tpu.memory_space<vmem>>
      %dma_start3A_360 = arith.constant 0 : i32
      %dma_start3A_361 = tpu.memref_slice %arg12[%dma_start3A_355, %dma_start3A_360] : memref<4x128xi32, #tpu.memory_space<vmem>> -> memref<1x128xi32, #tpu.memory_space<vmem>>
      %dma_start3A_362 = tpu.memref_squeeze %dma_start3A_361 : memref<1x128xi32, #tpu.memory_space<vmem>> -> memref<128xi32, #tpu.memory_space<vmem>>
      %dma_start3A_363 = arith.constant 0 : i32
      %dma_start3A_364 = arith.constant 0 : i32
      %dma_start3A_365 = tpu.memref_slice %arg17[%dma_start3A_363, %dma_start3A_364] : memref<100096x16xf32, #tpu.memory_space<vmem_shared>> -> memref<100096x16xf32, #tpu.memory_space<vmem_shared>>
      tpu.enqueue_indirect_dma source(%dma_start3A_359 : memref<128x16xf32, #tpu.memory_space<vmem>>) target(%dma_start3A_365 : memref<100096x16xf32, #tpu.memory_space<vmem_shared>>) offsets(%dma_start3A_362 : memref<128xi32, #tpu.memory_space<vmem>>) semaphore(%arg22 : memref<!tpu.dma_semaphore, #tpu.memory_space<semaphore_mem>>) {add = true}
      %dma_start3A_366 = arith.constant 1 : i32
      %dma_start3A_367 = arith.constant 1 : i32
      %dma_start3A_368 = arith.constant 0 : i32
      %dma_start3A_369 = arith.constant 0 : i32
      %dma_start3A_370 = tpu.memref_slice %arg15[%dma_start3A_366, %dma_start3A_368, %dma_start3A_369] : memref<4x128x16xf32, #tpu.memory_space<vmem>> -> memref<1x128x16xf32, #tpu.memory_space<vmem>>
      %dma_start3A_371 = tpu.memref_squeeze %dma_start3A_370 : memref<1x128x16xf32, #tpu.memory_space<vmem>> -> memref<128x16xf32, #tpu.memory_space<vmem>>
      %dma_start3A_372 = arith.constant 0 : i32
      %dma_start3A_373 = tpu.memref_slice %arg12[%dma_start3A_367, %dma_start3A_372] : memref<4x128xi32, #tpu.memory_space<vmem>> -> memref<1x128xi32, #tpu.memory_space<vmem>>
      %dma_start3A_374 = tpu.memref_squeeze %dma_start3A_373 : memref<1x128xi32, #tpu.memory_space<vmem>> -> memref<128xi32, #tpu.memory_space<vmem>>
      %dma_start3A_375 = arith.constant 0 : i32
      %dma_start3A_376 = arith.constant 0 : i32
      %dma_start3A_377 = tpu.memref_slice %arg17[%dma_start3A_375, %dma_start3A_376] : memref<100096x16xf32, #tpu.memory_space<vmem_shared>> -> memref<100096x16xf32, #tpu.memory_space<vmem_shared>>
      tpu.enqueue_indirect_dma source(%dma_start3A_371 : memref<128x16xf32, #tpu.memory_space<vmem>>) target(%dma_start3A_377 : memref<100096x16xf32, #tpu.memory_space<vmem_shared>>) offsets(%dma_start3A_374 : memref<128xi32, #tpu.memory_space<vmem>>) semaphore(%arg22 : memref<!tpu.dma_semaphore, #tpu.memory_space<semaphore_mem>>) {add = true}
      %dma_start3A_378 = arith.constant 2 : i32
      %dma_start3A_379 = arith.constant 2 : i32
      %dma_start3A_380 = arith.constant 0 : i32
      %dma_start3A_381 = arith.constant 0 : i32
      %dma_start3A_382 = tpu.memref_slice %arg15[%dma_start3A_378, %dma_start3A_380, %dma_start3A_381] : memref<4x128x16xf32, #tpu.memory_space<vmem>> -> memref<1x128x16xf32, #tpu.memory_space<vmem>>
      %dma_start3A_383 = tpu.memref_squeeze %dma_start3A_382 : memref<1x128x16xf32, #tpu.memory_space<vmem>> -> memref<128x16xf32, #tpu.memory_space<vmem>>
      %dma_start3A_384 = arith.constant 0 : i32
      %dma_start3A_385 = tpu.memref_slice %arg12[%dma_start3A_379, %dma_start3A_384] : memref<4x128xi32, #tpu.memory_space<vmem>> -> memref<1x128xi32, #tpu.memory_space<vmem>>
      %dma_start3A_386 = tpu.memref_squeeze %dma_start3A_385 : memref<1x128xi32, #tpu.memory_space<vmem>> -> memref<128xi32, #tpu.memory_space<vmem>>
      %dma_start3A_387 = arith.constant 0 : i32
      %dma_start3A_388 = arith.constant 0 : i32
      %dma_start3A_389 = tpu.memref_slice %arg17[%dma_start3A_387, %dma_start3A_388] : memref<100096x16xf32, #tpu.memory_space<vmem_shared>> -> memref<100096x16xf32, #tpu.memory_space<vmem_shared>>
      tpu.enqueue_indirect_dma source(%dma_start3A_383 : memref<128x16xf32, #tpu.memory_space<vmem>>) target(%dma_start3A_389 : memref<100096x16xf32, #tpu.memory_space<vmem_shared>>) offsets(%dma_start3A_386 : memref<128xi32, #tpu.memory_space<vmem>>) semaphore(%arg22 : memref<!tpu.dma_semaphore, #tpu.memory_space<semaphore_mem>>) {add = true}
      %dma_start3A_390 = arith.constant 3 : i32
      %dma_start3A_391 = arith.constant 3 : i32
      %dma_start3A_392 = arith.constant 0 : i32
      %dma_start3A_393 = arith.constant 0 : i32
      %dma_start3A_394 = tpu.memref_slice %arg15[%dma_start3A_390, %dma_start3A_392, %dma_start3A_393] : memref<4x128x16xf32, #tpu.memory_space<vmem>> -> memref<1x128x16xf32, #tpu.memory_space<vmem>>
      %dma_start3A_395 = tpu.memref_squeeze %dma_start3A_394 : memref<1x128x16xf32, #tpu.memory_space<vmem>> -> memref<128x16xf32, #tpu.memory_space<vmem>>
      %dma_start3A_396 = arith.constant 0 : i32
      %dma_start3A_397 = tpu.memref_slice %arg12[%dma_start3A_391, %dma_start3A_396] : memref<4x128xi32, #tpu.memory_space<vmem>> -> memref<1x128xi32, #tpu.memory_space<vmem>>
      %dma_start3A_398 = tpu.memref_squeeze %dma_start3A_397 : memref<1x128xi32, #tpu.memory_space<vmem>> -> memref<128xi32, #tpu.memory_space<vmem>>
      %dma_start3A_399 = arith.constant 0 : i32
      %dma_start3A_400 = arith.constant 0 : i32
      %dma_start3A_401 = tpu.memref_slice %arg17[%dma_start3A_399, %dma_start3A_400] : memref<100096x16xf32, #tpu.memory_space<vmem_shared>> -> memref<100096x16xf32, #tpu.memory_space<vmem_shared>>
      tpu.enqueue_indirect_dma source(%dma_start3A_395 : memref<128x16xf32, #tpu.memory_space<vmem>>) target(%dma_start3A_401 : memref<100096x16xf32, #tpu.memory_space<vmem_shared>>) offsets(%dma_start3A_398 : memref<128xi32, #tpu.memory_space<vmem>>) semaphore(%arg22 : memref<!tpu.dma_semaphore, #tpu.memory_space<semaphore_mem>>) {add = true}
      %mul3A_402 = arith.constant 3 : i32
      %mul3A_403 = arith.muli %scan3A_126, %mul3A_402 : i32
      %add3A_404 = arith.constant 2 : i32
      %add3A_405 = arith.addi %mul3A_403, %add3A_404 : i32
      %add3A_406 = arith.constant 1 : i32
      %add3A_407 = arith.addi %add3A_405, %add3A_406 : i32
      %lt3A_408 = arith.constant 396 : i32
      %lt3A_409 = arith.cmpi slt, %add3A_407, %lt3A_408 : i32
      %convert_element_type3A_410 = arith.extui %lt3A_409 : i1 to i32
      %cond3A_411 = arith.constant 0 : i32
      %cond3A_412 = arith.cmpi ne, %convert_element_type3A_410, %cond3A_411 : i32
      scf.if %cond3A_412 {
        %add3A_540 = arith.constant 1 : i32
        %add3A_541 = arith.addi %add3A_405, %add3A_540 : i32
        %mul3A_542 = arith.constant 4 : i32
        %mul3A_543 = arith.muli %add3A_541, %mul3A_542 : i32
        %add3A_544 = arith.addi %mul3A_15, %mul3A_543 : i32
        %dma_wait3A_545 = arith.constant 0 : i32
        %dma_wait3A_546 = tpu.memref_slice %arg2[%add3A_544, %dma_wait3A_545] : memref<25344x128xi32, #tpu.memory_space<hbm>> -> memref<4x128xi32, #tpu.memory_space<hbm>>
        %dma_wait3A_547 = arith.constant 0 : i32
        %dma_wait3A_548 = tpu.memref_slice %arg2[%add3A_544, %dma_wait3A_547] : memref<25344x128xi32, #tpu.memory_space<hbm>> -> memref<4x128xi32, #tpu.memory_space<hbm>>
        tpu.wait_dma2 semaphore(%arg18 : memref<!tpu.dma_semaphore, #tpu.memory_space<semaphore_mem>>) src(%dma_wait3A_548 : memref<4x128xi32, #tpu.memory_space<hbm>>) dst(%arg8 : memref<4x128xi32, #tpu.memory_space<vmem>>)
        %dma_wait3A_549 = arith.constant 0 : i32
        %dma_wait3A_550 = tpu.memref_slice %arg3[%add3A_544, %dma_wait3A_549] : memref<25344x128xi32, #tpu.memory_space<hbm>> -> memref<4x128xi32, #tpu.memory_space<hbm>>
        %dma_wait3A_551 = arith.constant 0 : i32
        %dma_wait3A_552 = tpu.memref_slice %arg3[%add3A_544, %dma_wait3A_551] : memref<25344x128xi32, #tpu.memory_space<hbm>> -> memref<4x128xi32, #tpu.memory_space<hbm>>
        tpu.wait_dma2 semaphore(%arg18 : memref<!tpu.dma_semaphore, #tpu.memory_space<semaphore_mem>>) src(%dma_wait3A_552 : memref<4x128xi32, #tpu.memory_space<hbm>>) dst(%arg11 : memref<4x128xi32, #tpu.memory_space<vmem>>)
      } else {
      }
      %gt3A_413 = arith.constant 0 : i32
      %gt3A_414 = arith.cmpi sgt, %add3A_405, %gt3A_413 : i32
      %convert_element_type3A_415 = arith.extui %gt3A_414 : i1 to i32
      %cond3A_416 = arith.constant 0 : i32
      %cond3A_417 = arith.cmpi ne, %convert_element_type3A_415, %cond3A_416 : i32
      scf.if %cond3A_417 {
        %dma_wait3A_540 = arith.constant 0 : i32
        %dma_wait3A_541 = arith.constant 0 : i32
        %dma_wait3A_542 = arith.constant 0 : i32
        %dma_wait3A_543 = tpu.memref_slice %arg15[%dma_wait3A_540, %dma_wait3A_541, %dma_wait3A_542] : memref<4x128x16xf32, #tpu.memory_space<vmem>> -> memref<1x128x16xf32, #tpu.memory_space<vmem>>
        %dma_wait3A_544 = tpu.memref_squeeze %dma_wait3A_543 : memref<1x128x16xf32, #tpu.memory_space<vmem>> -> memref<128x16xf32, #tpu.memory_space<vmem>>
        %dma_wait3A_545 = arith.constant 0 : i32
        %dma_wait3A_546 = arith.constant 0 : i32
        %dma_wait3A_547 = tpu.memref_slice %arg4[%dma_wait3A_545, %dma_wait3A_546] : memref<100000x16xf32, #tpu.memory_space<hbm>> -> memref<128x16xf32, #tpu.memory_space<hbm>>
        %dma_wait3A_548 = arith.constant 0 : i32
        %dma_wait3A_549 = arith.constant 0 : i32
        %dma_wait3A_550 = tpu.memref_slice %arg15[%dma_wait3A_540, %dma_wait3A_548, %dma_wait3A_549] : memref<4x128x16xf32, #tpu.memory_space<vmem>> -> memref<1x128x16xf32, #tpu.memory_space<vmem>>
        %dma_wait3A_551 = tpu.memref_squeeze %dma_wait3A_550 : memref<1x128x16xf32, #tpu.memory_space<vmem>> -> memref<128x16xf32, #tpu.memory_space<vmem>>
        %dma_wait3A_552 = arith.constant 0 : i32
        %dma_wait3A_553 = arith.constant 0 : i32
        %dma_wait3A_554 = tpu.memref_slice %arg4[%dma_wait3A_552, %dma_wait3A_553] : memref<100000x16xf32, #tpu.memory_space<hbm>> -> memref<128x16xf32, #tpu.memory_space<hbm>>
        tpu.wait_dma2 semaphore(%arg22 : memref<!tpu.dma_semaphore, #tpu.memory_space<semaphore_mem>>) src(%dma_wait3A_554 : memref<128x16xf32, #tpu.memory_space<hbm>>) dst(%dma_wait3A_551 : memref<128x16xf32, #tpu.memory_space<vmem>>)
        %dma_wait3A_555 = arith.constant 1 : i32
        %dma_wait3A_556 = arith.constant 0 : i32
        %dma_wait3A_557 = arith.constant 0 : i32
        %dma_wait3A_558 = tpu.memref_slice %arg15[%dma_wait3A_555, %dma_wait3A_556, %dma_wait3A_557] : memref<4x128x16xf32, #tpu.memory_space<vmem>> -> memref<1x128x16xf32, #tpu.memory_space<vmem>>
        %dma_wait3A_559 = tpu.memref_squeeze %dma_wait3A_558 : memref<1x128x16xf32, #tpu.memory_space<vmem>> -> memref<128x16xf32, #tpu.memory_space<vmem>>
        %dma_wait3A_560 = arith.constant 0 : i32
        %dma_wait3A_561 = arith.constant 0 : i32
        %dma_wait3A_562 = tpu.memref_slice %arg4[%dma_wait3A_560, %dma_wait3A_561] : memref<100000x16xf32, #tpu.memory_space<hbm>> -> memref<128x16xf32, #tpu.memory_space<hbm>>
        %dma_wait3A_563 = arith.constant 0 : i32
        %dma_wait3A_564 = arith.constant 0 : i32
        %dma_wait3A_565 = tpu.memref_slice %arg15[%dma_wait3A_555, %dma_wait3A_563, %dma_wait3A_564] : memref<4x128x16xf32, #tpu.memory_space<vmem>> -> memref<1x128x16xf32, #tpu.memory_space<vmem>>
        %dma_wait3A_566 = tpu.memref_squeeze %dma_wait3A_565 : memref<1x128x16xf32, #tpu.memory_space<vmem>> -> memref<128x16xf32, #tpu.memory_space<vmem>>
        %dma_wait3A_567 = arith.constant 0 : i32
        %dma_wait3A_568 = arith.constant 0 : i32
        %dma_wait3A_569 = tpu.memref_slice %arg4[%dma_wait3A_567, %dma_wait3A_568] : memref<100000x16xf32, #tpu.memory_space<hbm>> -> memref<128x16xf32, #tpu.memory_space<hbm>>
        tpu.wait_dma2 semaphore(%arg22 : memref<!tpu.dma_semaphore, #tpu.memory_space<semaphore_mem>>) src(%dma_wait3A_569 : memref<128x16xf32, #tpu.memory_space<hbm>>) dst(%dma_wait3A_566 : memref<128x16xf32, #tpu.memory_space<vmem>>)
        %dma_wait3A_570 = arith.constant 2 : i32
        %dma_wait3A_571 = arith.constant 0 : i32
        %dma_wait3A_572 = arith.constant 0 : i32
        %dma_wait3A_573 = tpu.memref_slice %arg15[%dma_wait3A_570, %dma_wait3A_571, %dma_wait3A_572] : memref<4x128x16xf32, #tpu.memory_space<vmem>> -> memref<1x128x16xf32, #tpu.memory_space<vmem>>
        %dma_wait3A_574 = tpu.memref_squeeze %dma_wait3A_573 : memref<1x128x16xf32, #tpu.memory_space<vmem>> -> memref<128x16xf32, #tpu.memory_space<vmem>>
        %dma_wait3A_575 = arith.constant 0 : i32
        %dma_wait3A_576 = arith.constant 0 : i32
        %dma_wait3A_577 = tpu.memref_slice %arg4[%dma_wait3A_575, %dma_wait3A_576] : memref<100000x16xf32, #tpu.memory_space<hbm>> -> memref<128x16xf32, #tpu.memory_space<hbm>>
        %dma_wait3A_578 = arith.constant 0 : i32
        %dma_wait3A_579 = arith.constant 0 : i32
        %dma_wait3A_580 = tpu.memref_slice %arg15[%dma_wait3A_570, %dma_wait3A_578, %dma_wait3A_579] : memref<4x128x16xf32, #tpu.memory_space<vmem>> -> memref<1x128x16xf32, #tpu.memory_space<vmem>>
        %dma_wait3A_581 = tpu.memref_squeeze %dma_wait3A_580 : memref<1x128x16xf32, #tpu.memory_space<vmem>> -> memref<128x16xf32, #tpu.memory_space<vmem>>
        %dma_wait3A_582 = arith.constant 0 : i32
        %dma_wait3A_583 = arith.constant 0 : i32
        %dma_wait3A_584 = tpu.memref_slice %arg4[%dma_wait3A_582, %dma_wait3A_583] : memref<100000x16xf32, #tpu.memory_space<hbm>> -> memref<128x16xf32, #tpu.memory_space<hbm>>
        tpu.wait_dma2 semaphore(%arg22 : memref<!tpu.dma_semaphore, #tpu.memory_space<semaphore_mem>>) src(%dma_wait3A_584 : memref<128x16xf32, #tpu.memory_space<hbm>>) dst(%dma_wait3A_581 : memref<128x16xf32, #tpu.memory_space<vmem>>)
        %dma_wait3A_585 = arith.constant 3 : i32
        %dma_wait3A_586 = arith.constant 0 : i32
        %dma_wait3A_587 = arith.constant 0 : i32
        %dma_wait3A_588 = tpu.memref_slice %arg15[%dma_wait3A_585, %dma_wait3A_586, %dma_wait3A_587] : memref<4x128x16xf32, #tpu.memory_space<vmem>> -> memref<1x128x16xf32, #tpu.memory_space<vmem>>
        %dma_wait3A_589 = tpu.memref_squeeze %dma_wait3A_588 : memref<1x128x16xf32, #tpu.memory_space<vmem>> -> memref<128x16xf32, #tpu.memory_space<vmem>>
        %dma_wait3A_590 = arith.constant 0 : i32
        %dma_wait3A_591 = arith.constant 0 : i32
        %dma_wait3A_592 = tpu.memref_slice %arg4[%dma_wait3A_590, %dma_wait3A_591] : memref<100000x16xf32, #tpu.memory_space<hbm>> -> memref<128x16xf32, #tpu.memory_space<hbm>>
        %dma_wait3A_593 = arith.constant 0 : i32
        %dma_wait3A_594 = arith.constant 0 : i32
        %dma_wait3A_595 = tpu.memref_slice %arg15[%dma_wait3A_585, %dma_wait3A_593, %dma_wait3A_594] : memref<4x128x16xf32, #tpu.memory_space<vmem>> -> memref<1x128x16xf32, #tpu.memory_space<vmem>>
        %dma_wait3A_596 = tpu.memref_squeeze %dma_wait3A_595 : memref<1x128x16xf32, #tpu.memory_space<vmem>> -> memref<128x16xf32, #tpu.memory_space<vmem>>
        %dma_wait3A_597 = arith.constant 0 : i32
        %dma_wait3A_598 = arith.constant 0 : i32
        %dma_wait3A_599 = tpu.memref_slice %arg4[%dma_wait3A_597, %dma_wait3A_598] : memref<100000x16xf32, #tpu.memory_space<hbm>> -> memref<128x16xf32, #tpu.memory_space<hbm>>
        tpu.wait_dma2 semaphore(%arg22 : memref<!tpu.dma_semaphore, #tpu.memory_space<semaphore_mem>>) src(%dma_wait3A_599 : memref<128x16xf32, #tpu.memory_space<hbm>>) dst(%dma_wait3A_596 : memref<128x16xf32, #tpu.memory_space<vmem>>)
      } else {
      }
      %add3A_418 = arith.constant 2 : i32
      %add3A_419 = arith.addi %add3A_405, %add3A_418 : i32
      %lt3A_420 = arith.constant 396 : i32
      %lt3A_421 = arith.cmpi slt, %add3A_419, %lt3A_420 : i32
      %convert_element_type3A_422 = arith.extui %lt3A_421 : i1 to i32
      %cond3A_423 = arith.constant 0 : i32
      %cond3A_424 = arith.cmpi ne, %convert_element_type3A_422, %cond3A_423 : i32
      scf.if %cond3A_424 {
        %add3A_540 = arith.constant 2 : i32
        %add3A_541 = arith.addi %add3A_405, %add3A_540 : i32
        %mul3A_542 = arith.constant 4 : i32
        %mul3A_543 = arith.muli %add3A_541, %mul3A_542 : i32
        %add3A_544 = arith.addi %mul3A_15, %mul3A_543 : i32
        %dma_start3A_545 = arith.constant 0 : i32
        %dma_start3A_546 = tpu.memref_slice %arg2[%add3A_544, %dma_start3A_545] : memref<25344x128xi32, #tpu.memory_space<hbm>> -> memref<4x128xi32, #tpu.memory_space<hbm>>
        %dma_start3A_547 = arith.constant 0 : i32
        %dma_start3A_548 = tpu.memref_slice %arg2[%add3A_544, %dma_start3A_547] : memref<25344x128xi32, #tpu.memory_space<hbm>> -> memref<4x128xi32, #tpu.memory_space<hbm>>
        tpu.enqueue_dma source(%dma_start3A_548 : memref<4x128xi32, #tpu.memory_space<hbm>>) target(%arg9 : memref<4x128xi32, #tpu.memory_space<vmem>>) target_semaphore(%arg18 : memref<!tpu.dma_semaphore, #tpu.memory_space<semaphore_mem>>)
        %dma_start3A_549 = arith.constant 0 : i32
        %dma_start3A_550 = tpu.memref_slice %arg3[%add3A_544, %dma_start3A_549] : memref<25344x128xi32, #tpu.memory_space<hbm>> -> memref<4x128xi32, #tpu.memory_space<hbm>>
        %dma_start3A_551 = arith.constant 0 : i32
        %dma_start3A_552 = tpu.memref_slice %arg3[%add3A_544, %dma_start3A_551] : memref<25344x128xi32, #tpu.memory_space<hbm>> -> memref<4x128xi32, #tpu.memory_space<hbm>>
        tpu.enqueue_dma source(%dma_start3A_552 : memref<4x128xi32, #tpu.memory_space<hbm>>) target(%arg12 : memref<4x128xi32, #tpu.memory_space<vmem>>) target_semaphore(%arg18 : memref<!tpu.dma_semaphore, #tpu.memory_space<semaphore_mem>>)
      } else {
      }
      %add3A_425 = arith.constant 1 : i32
      %add3A_426 = arith.addi %add3A_405, %add3A_425 : i32
      %lt3A_427 = arith.constant 396 : i32
      %lt3A_428 = arith.cmpi slt, %add3A_426, %lt3A_427 : i32
      %convert_element_type3A_429 = arith.extui %lt3A_428 : i1 to i32
      %cond3A_430 = arith.constant 0 : i32
      %cond3A_431 = arith.cmpi ne, %convert_element_type3A_429, %cond3A_430 : i32
      scf.if %cond3A_431 {
        %eq3A_540 = arith.constant 0 : i32
        %eq3A_541 = arith.cmpi eq, %arg0, %eq3A_540 : i32
        %convert_element_type3A_542 = arith.extui %eq3A_541 : i1 to i32
        %cond3A_543 = arith.constant 0 : i32
        %cond3A_544 = arith.cmpi ne, %convert_element_type3A_542, %cond3A_543 : i32
        scf.if %cond3A_544 {
          %dma_start3A_550 = arith.constant 0 : i32
          %dma_start3A_551 = arith.constant 0 : i32
          %dma_start3A_552 = arith.constant 0 : i32
          %dma_start3A_553 = arith.constant 0 : i32
          %dma_start3A_554 = tpu.memref_slice %arg14[%dma_start3A_551, %dma_start3A_552, %dma_start3A_553] : memref<4x128x16xf32, #tpu.memory_space<vmem>> -> memref<1x128x16xf32, #tpu.memory_space<vmem>>
          %dma_start3A_555 = tpu.memref_squeeze %dma_start3A_554 : memref<1x128x16xf32, #tpu.memory_space<vmem>> -> memref<128x16xf32, #tpu.memory_space<vmem>>
          %dma_start3A_556 = arith.constant 0 : i32
          %dma_start3A_557 = tpu.memref_slice %arg8[%dma_start3A_550, %dma_start3A_556] : memref<4x128xi32, #tpu.memory_space<vmem>> -> memref<1x128xi32, #tpu.memory_space<vmem>>
          %dma_start3A_558 = tpu.memref_squeeze %dma_start3A_557 : memref<1x128xi32, #tpu.memory_space<vmem>> -> memref<128xi32, #tpu.memory_space<vmem>>
          %dma_start3A_559 = arith.constant 0 : i32
          %dma_start3A_560 = arith.constant 0 : i32
          %dma_start3A_561 = tpu.memref_slice %arg4[%dma_start3A_559, %dma_start3A_560] : memref<100000x16xf32, #tpu.memory_space<hbm>> -> memref<100000x16xf32, #tpu.memory_space<hbm>>
          tpu.enqueue_indirect_dma source(%dma_start3A_561 : memref<100000x16xf32, #tpu.memory_space<hbm>>) target(%dma_start3A_555 : memref<128x16xf32, #tpu.memory_space<vmem>>) offsets(%dma_start3A_558 : memref<128xi32, #tpu.memory_space<vmem>>) semaphore(%arg19 : memref<!tpu.dma_semaphore, #tpu.memory_space<semaphore_mem>>)
          %dma_start3A_562 = arith.constant 1 : i32
          %dma_start3A_563 = arith.constant 1 : i32
          %dma_start3A_564 = arith.constant 0 : i32
          %dma_start3A_565 = arith.constant 0 : i32
          %dma_start3A_566 = tpu.memref_slice %arg14[%dma_start3A_563, %dma_start3A_564, %dma_start3A_565] : memref<4x128x16xf32, #tpu.memory_space<vmem>> -> memref<1x128x16xf32, #tpu.memory_space<vmem>>
          %dma_start3A_567 = tpu.memref_squeeze %dma_start3A_566 : memref<1x128x16xf32, #tpu.memory_space<vmem>> -> memref<128x16xf32, #tpu.memory_space<vmem>>
          %dma_start3A_568 = arith.constant 0 : i32
          %dma_start3A_569 = tpu.memref_slice %arg8[%dma_start3A_562, %dma_start3A_568] : memref<4x128xi32, #tpu.memory_space<vmem>> -> memref<1x128xi32, #tpu.memory_space<vmem>>
          %dma_start3A_570 = tpu.memref_squeeze %dma_start3A_569 : memref<1x128xi32, #tpu.memory_space<vmem>> -> memref<128xi32, #tpu.memory_space<vmem>>
          %dma_start3A_571 = arith.constant 0 : i32
          %dma_start3A_572 = arith.constant 0 : i32
          %dma_start3A_573 = tpu.memref_slice %arg4[%dma_start3A_571, %dma_start3A_572] : memref<100000x16xf32, #tpu.memory_space<hbm>> -> memref<100000x16xf32, #tpu.memory_space<hbm>>
          tpu.enqueue_indirect_dma source(%dma_start3A_573 : memref<100000x16xf32, #tpu.memory_space<hbm>>) target(%dma_start3A_567 : memref<128x16xf32, #tpu.memory_space<vmem>>) offsets(%dma_start3A_570 : memref<128xi32, #tpu.memory_space<vmem>>) semaphore(%arg19 : memref<!tpu.dma_semaphore, #tpu.memory_space<semaphore_mem>>)
          %dma_start3A_574 = arith.constant 2 : i32
          %dma_start3A_575 = arith.constant 2 : i32
          %dma_start3A_576 = arith.constant 0 : i32
          %dma_start3A_577 = arith.constant 0 : i32
          %dma_start3A_578 = tpu.memref_slice %arg14[%dma_start3A_575, %dma_start3A_576, %dma_start3A_577] : memref<4x128x16xf32, #tpu.memory_space<vmem>> -> memref<1x128x16xf32, #tpu.memory_space<vmem>>
          %dma_start3A_579 = tpu.memref_squeeze %dma_start3A_578 : memref<1x128x16xf32, #tpu.memory_space<vmem>> -> memref<128x16xf32, #tpu.memory_space<vmem>>
          %dma_start3A_580 = arith.constant 0 : i32
          %dma_start3A_581 = tpu.memref_slice %arg8[%dma_start3A_574, %dma_start3A_580] : memref<4x128xi32, #tpu.memory_space<vmem>> -> memref<1x128xi32, #tpu.memory_space<vmem>>
          %dma_start3A_582 = tpu.memref_squeeze %dma_start3A_581 : memref<1x128xi32, #tpu.memory_space<vmem>> -> memref<128xi32, #tpu.memory_space<vmem>>
          %dma_start3A_583 = arith.constant 0 : i32
          %dma_start3A_584 = arith.constant 0 : i32
          %dma_start3A_585 = tpu.memref_slice %arg4[%dma_start3A_583, %dma_start3A_584] : memref<100000x16xf32, #tpu.memory_space<hbm>> -> memref<100000x16xf32, #tpu.memory_space<hbm>>
          tpu.enqueue_indirect_dma source(%dma_start3A_585 : memref<100000x16xf32, #tpu.memory_space<hbm>>) target(%dma_start3A_579 : memref<128x16xf32, #tpu.memory_space<vmem>>) offsets(%dma_start3A_582 : memref<128xi32, #tpu.memory_space<vmem>>) semaphore(%arg19 : memref<!tpu.dma_semaphore, #tpu.memory_space<semaphore_mem>>)
          %dma_start3A_586 = arith.constant 3 : i32
          %dma_start3A_587 = arith.constant 3 : i32
          %dma_start3A_588 = arith.constant 0 : i32
          %dma_start3A_589 = arith.constant 0 : i32
          %dma_start3A_590 = tpu.memref_slice %arg14[%dma_start3A_587, %dma_start3A_588, %dma_start3A_589] : memref<4x128x16xf32, #tpu.memory_space<vmem>> -> memref<1x128x16xf32, #tpu.memory_space<vmem>>
          %dma_start3A_591 = tpu.memref_squeeze %dma_start3A_590 : memref<1x128x16xf32, #tpu.memory_space<vmem>> -> memref<128x16xf32, #tpu.memory_space<vmem>>
          %dma_start3A_592 = arith.constant 0 : i32
          %dma_start3A_593 = tpu.memref_slice %arg8[%dma_start3A_586, %dma_start3A_592] : memref<4x128xi32, #tpu.memory_space<vmem>> -> memref<1x128xi32, #tpu.memory_space<vmem>>
          %dma_start3A_594 = tpu.memref_squeeze %dma_start3A_593 : memref<1x128xi32, #tpu.memory_space<vmem>> -> memref<128xi32, #tpu.memory_space<vmem>>
          %dma_start3A_595 = arith.constant 0 : i32
          %dma_start3A_596 = arith.constant 0 : i32
          %dma_start3A_597 = tpu.memref_slice %arg4[%dma_start3A_595, %dma_start3A_596] : memref<100000x16xf32, #tpu.memory_space<hbm>> -> memref<100000x16xf32, #tpu.memory_space<hbm>>
          tpu.enqueue_indirect_dma source(%dma_start3A_597 : memref<100000x16xf32, #tpu.memory_space<hbm>>) target(%dma_start3A_591 : memref<128x16xf32, #tpu.memory_space<vmem>>) offsets(%dma_start3A_594 : memref<128xi32, #tpu.memory_space<vmem>>) semaphore(%arg19 : memref<!tpu.dma_semaphore, #tpu.memory_space<semaphore_mem>>)
        } else {
        }
        %eq3A_545 = arith.constant 1 : i32
        %eq3A_546 = arith.cmpi eq, %arg0, %eq3A_545 : i32
        %convert_element_type3A_547 = arith.extui %eq3A_546 : i1 to i32
        %cond3A_548 = arith.constant 0 : i32
        %cond3A_549 = arith.cmpi ne, %convert_element_type3A_547, %cond3A_548 : i32
        scf.if %cond3A_549 {
          %dma_start3A_550 = arith.constant 0 : i32
          %dma_start3A_551 = arith.constant 0 : i32
          %dma_start3A_552 = arith.constant 0 : i32
          %dma_start3A_553 = arith.constant 0 : i32
          %dma_start3A_554 = tpu.memref_slice %arg14[%dma_start3A_551, %dma_start3A_552, %dma_start3A_553] : memref<4x128x16xf32, #tpu.memory_space<vmem>> -> memref<1x128x16xf32, #tpu.memory_space<vmem>>
          %dma_start3A_555 = tpu.memref_squeeze %dma_start3A_554 : memref<1x128x16xf32, #tpu.memory_space<vmem>> -> memref<128x16xf32, #tpu.memory_space<vmem>>
          %dma_start3A_556 = arith.constant 0 : i32
          %dma_start3A_557 = tpu.memref_slice %arg8[%dma_start3A_550, %dma_start3A_556] : memref<4x128xi32, #tpu.memory_space<vmem>> -> memref<1x128xi32, #tpu.memory_space<vmem>>
          %dma_start3A_558 = tpu.memref_squeeze %dma_start3A_557 : memref<1x128xi32, #tpu.memory_space<vmem>> -> memref<128xi32, #tpu.memory_space<vmem>>
          %dma_start3A_559 = arith.constant 0 : i32
          %dma_start3A_560 = arith.constant 0 : i32
          %dma_start3A_561 = tpu.memref_slice %arg5[%dma_start3A_559, %dma_start3A_560] : memref<100000x16xf32, #tpu.memory_space<hbm>> -> memref<100000x16xf32, #tpu.memory_space<hbm>>
          tpu.enqueue_indirect_dma source(%dma_start3A_561 : memref<100000x16xf32, #tpu.memory_space<hbm>>) target(%dma_start3A_555 : memref<128x16xf32, #tpu.memory_space<vmem>>) offsets(%dma_start3A_558 : memref<128xi32, #tpu.memory_space<vmem>>) semaphore(%arg19 : memref<!tpu.dma_semaphore, #tpu.memory_space<semaphore_mem>>)
          %dma_start3A_562 = arith.constant 1 : i32
          %dma_start3A_563 = arith.constant 1 : i32
          %dma_start3A_564 = arith.constant 0 : i32
          %dma_start3A_565 = arith.constant 0 : i32
          %dma_start3A_566 = tpu.memref_slice %arg14[%dma_start3A_563, %dma_start3A_564, %dma_start3A_565] : memref<4x128x16xf32, #tpu.memory_space<vmem>> -> memref<1x128x16xf32, #tpu.memory_space<vmem>>
          %dma_start3A_567 = tpu.memref_squeeze %dma_start3A_566 : memref<1x128x16xf32, #tpu.memory_space<vmem>> -> memref<128x16xf32, #tpu.memory_space<vmem>>
          %dma_start3A_568 = arith.constant 0 : i32
          %dma_start3A_569 = tpu.memref_slice %arg8[%dma_start3A_562, %dma_start3A_568] : memref<4x128xi32, #tpu.memory_space<vmem>> -> memref<1x128xi32, #tpu.memory_space<vmem>>
          %dma_start3A_570 = tpu.memref_squeeze %dma_start3A_569 : memref<1x128xi32, #tpu.memory_space<vmem>> -> memref<128xi32, #tpu.memory_space<vmem>>
          %dma_start3A_571 = arith.constant 0 : i32
          %dma_start3A_572 = arith.constant 0 : i32
          %dma_start3A_573 = tpu.memref_slice %arg5[%dma_start3A_571, %dma_start3A_572] : memref<100000x16xf32, #tpu.memory_space<hbm>> -> memref<100000x16xf32, #tpu.memory_space<hbm>>
          tpu.enqueue_indirect_dma source(%dma_start3A_573 : memref<100000x16xf32, #tpu.memory_space<hbm>>) target(%dma_start3A_567 : memref<128x16xf32, #tpu.memory_space<vmem>>) offsets(%dma_start3A_570 : memref<128xi32, #tpu.memory_space<vmem>>) semaphore(%arg19 : memref<!tpu.dma_semaphore, #tpu.memory_space<semaphore_mem>>)
          %dma_start3A_574 = arith.constant 2 : i32
          %dma_start3A_575 = arith.constant 2 : i32
          %dma_start3A_576 = arith.constant 0 : i32
          %dma_start3A_577 = arith.constant 0 : i32
          %dma_start3A_578 = tpu.memref_slice %arg14[%dma_start3A_575, %dma_start3A_576, %dma_start3A_577] : memref<4x128x16xf32, #tpu.memory_space<vmem>> -> memref<1x128x16xf32, #tpu.memory_space<vmem>>
          %dma_start3A_579 = tpu.memref_squeeze %dma_start3A_578 : memref<1x128x16xf32, #tpu.memory_space<vmem>> -> memref<128x16xf32, #tpu.memory_space<vmem>>
          %dma_start3A_580 = arith.constant 0 : i32
          %dma_start3A_581 = tpu.memref_slice %arg8[%dma_start3A_574, %dma_start3A_580] : memref<4x128xi32, #tpu.memory_space<vmem>> -> memref<1x128xi32, #tpu.memory_space<vmem>>
          %dma_start3A_582 = tpu.memref_squeeze %dma_start3A_581 : memref<1x128xi32, #tpu.memory_space<vmem>> -> memref<128xi32, #tpu.memory_space<vmem>>
          %dma_start3A_583 = arith.constant 0 : i32
          %dma_start3A_584 = arith.constant 0 : i32
          %dma_start3A_585 = tpu.memref_slice %arg5[%dma_start3A_583, %dma_start3A_584] : memref<100000x16xf32, #tpu.memory_space<hbm>> -> memref<100000x16xf32, #tpu.memory_space<hbm>>
          tpu.enqueue_indirect_dma source(%dma_start3A_585 : memref<100000x16xf32, #tpu.memory_space<hbm>>) target(%dma_start3A_579 : memref<128x16xf32, #tpu.memory_space<vmem>>) offsets(%dma_start3A_582 : memref<128xi32, #tpu.memory_space<vmem>>) semaphore(%arg19 : memref<!tpu.dma_semaphore, #tpu.memory_space<semaphore_mem>>)
          %dma_start3A_586 = arith.constant 3 : i32
          %dma_start3A_587 = arith.constant 3 : i32
          %dma_start3A_588 = arith.constant 0 : i32
          %dma_start3A_589 = arith.constant 0 : i32
          %dma_start3A_590 = tpu.memref_slice %arg14[%dma_start3A_587, %dma_start3A_588, %dma_start3A_589] : memref<4x128x16xf32, #tpu.memory_space<vmem>> -> memref<1x128x16xf32, #tpu.memory_space<vmem>>
          %dma_start3A_591 = tpu.memref_squeeze %dma_start3A_590 : memref<1x128x16xf32, #tpu.memory_space<vmem>> -> memref<128x16xf32, #tpu.memory_space<vmem>>
          %dma_start3A_592 = arith.constant 0 : i32
          %dma_start3A_593 = tpu.memref_slice %arg8[%dma_start3A_586, %dma_start3A_592] : memref<4x128xi32, #tpu.memory_space<vmem>> -> memref<1x128xi32, #tpu.memory_space<vmem>>
          %dma_start3A_594 = tpu.memref_squeeze %dma_start3A_593 : memref<1x128xi32, #tpu.memory_space<vmem>> -> memref<128xi32, #tpu.memory_space<vmem>>
          %dma_start3A_595 = arith.constant 0 : i32
          %dma_start3A_596 = arith.constant 0 : i32
          %dma_start3A_597 = tpu.memref_slice %arg5[%dma_start3A_595, %dma_start3A_596] : memref<100000x16xf32, #tpu.memory_space<hbm>> -> memref<100000x16xf32, #tpu.memory_space<hbm>>
          tpu.enqueue_indirect_dma source(%dma_start3A_597 : memref<100000x16xf32, #tpu.memory_space<hbm>>) target(%dma_start3A_591 : memref<128x16xf32, #tpu.memory_space<vmem>>) offsets(%dma_start3A_594 : memref<128xi32, #tpu.memory_space<vmem>>) semaphore(%arg19 : memref<!tpu.dma_semaphore, #tpu.memory_space<semaphore_mem>>)
        } else {
        }
      } else {
      }
      %dma_wait3A_432 = arith.constant 0 : i32
      %dma_wait3A_433 = arith.constant 0 : i32
      %dma_wait3A_434 = arith.constant 0 : i32
      %dma_wait3A_435 = tpu.memref_slice %arg16[%dma_wait3A_432, %dma_wait3A_433, %dma_wait3A_434] : memref<4x128x16xf32, #tpu.memory_space<vmem>> -> memref<1x128x16xf32, #tpu.memory_space<vmem>>
      %dma_wait3A_436 = tpu.memref_squeeze %dma_wait3A_435 : memref<1x128x16xf32, #tpu.memory_space<vmem>> -> memref<128x16xf32, #tpu.memory_space<vmem>>
      %dma_wait3A_437 = arith.constant 0 : i32
      %dma_wait3A_438 = arith.constant 0 : i32
      %dma_wait3A_439 = tpu.memref_slice %arg4[%dma_wait3A_437, %dma_wait3A_438] : memref<100000x16xf32, #tpu.memory_space<hbm>> -> memref<128x16xf32, #tpu.memory_space<hbm>>
      %dma_wait3A_440 = arith.constant 0 : i32
      %dma_wait3A_441 = arith.constant 0 : i32
      %dma_wait3A_442 = tpu.memref_slice %arg16[%dma_wait3A_432, %dma_wait3A_440, %dma_wait3A_441] : memref<4x128x16xf32, #tpu.memory_space<vmem>> -> memref<1x128x16xf32, #tpu.memory_space<vmem>>
      %dma_wait3A_443 = tpu.memref_squeeze %dma_wait3A_442 : memref<1x128x16xf32, #tpu.memory_space<vmem>> -> memref<128x16xf32, #tpu.memory_space<vmem>>
      %dma_wait3A_444 = arith.constant 0 : i32
      %dma_wait3A_445 = arith.constant 0 : i32
      %dma_wait3A_446 = tpu.memref_slice %arg4[%dma_wait3A_444, %dma_wait3A_445] : memref<100000x16xf32, #tpu.memory_space<hbm>> -> memref<128x16xf32, #tpu.memory_space<hbm>>
      tpu.wait_dma2 semaphore(%arg21 : memref<!tpu.dma_semaphore, #tpu.memory_space<semaphore_mem>>) src(%dma_wait3A_446 : memref<128x16xf32, #tpu.memory_space<hbm>>) dst(%dma_wait3A_443 : memref<128x16xf32, #tpu.memory_space<vmem>>)
      %dma_wait3A_447 = arith.constant 1 : i32
      %dma_wait3A_448 = arith.constant 0 : i32
      %dma_wait3A_449 = arith.constant 0 : i32
      %dma_wait3A_450 = tpu.memref_slice %arg16[%dma_wait3A_447, %dma_wait3A_448, %dma_wait3A_449] : memref<4x128x16xf32, #tpu.memory_space<vmem>> -> memref<1x128x16xf32, #tpu.memory_space<vmem>>
      %dma_wait3A_451 = tpu.memref_squeeze %dma_wait3A_450 : memref<1x128x16xf32, #tpu.memory_space<vmem>> -> memref<128x16xf32, #tpu.memory_space<vmem>>
      %dma_wait3A_452 = arith.constant 0 : i32
      %dma_wait3A_453 = arith.constant 0 : i32
      %dma_wait3A_454 = tpu.memref_slice %arg4[%dma_wait3A_452, %dma_wait3A_453] : memref<100000x16xf32, #tpu.memory_space<hbm>> -> memref<128x16xf32, #tpu.memory_space<hbm>>
      %dma_wait3A_455 = arith.constant 0 : i32
      %dma_wait3A_456 = arith.constant 0 : i32
      %dma_wait3A_457 = tpu.memref_slice %arg16[%dma_wait3A_447, %dma_wait3A_455, %dma_wait3A_456] : memref<4x128x16xf32, #tpu.memory_space<vmem>> -> memref<1x128x16xf32, #tpu.memory_space<vmem>>
      %dma_wait3A_458 = tpu.memref_squeeze %dma_wait3A_457 : memref<1x128x16xf32, #tpu.memory_space<vmem>> -> memref<128x16xf32, #tpu.memory_space<vmem>>
      %dma_wait3A_459 = arith.constant 0 : i32
      %dma_wait3A_460 = arith.constant 0 : i32
      %dma_wait3A_461 = tpu.memref_slice %arg4[%dma_wait3A_459, %dma_wait3A_460] : memref<100000x16xf32, #tpu.memory_space<hbm>> -> memref<128x16xf32, #tpu.memory_space<hbm>>
      tpu.wait_dma2 semaphore(%arg21 : memref<!tpu.dma_semaphore, #tpu.memory_space<semaphore_mem>>) src(%dma_wait3A_461 : memref<128x16xf32, #tpu.memory_space<hbm>>) dst(%dma_wait3A_458 : memref<128x16xf32, #tpu.memory_space<vmem>>)
      %dma_wait3A_462 = arith.constant 2 : i32
      %dma_wait3A_463 = arith.constant 0 : i32
      %dma_wait3A_464 = arith.constant 0 : i32
      %dma_wait3A_465 = tpu.memref_slice %arg16[%dma_wait3A_462, %dma_wait3A_463, %dma_wait3A_464] : memref<4x128x16xf32, #tpu.memory_space<vmem>> -> memref<1x128x16xf32, #tpu.memory_space<vmem>>
      %dma_wait3A_466 = tpu.memref_squeeze %dma_wait3A_465 : memref<1x128x16xf32, #tpu.memory_space<vmem>> -> memref<128x16xf32, #tpu.memory_space<vmem>>
      %dma_wait3A_467 = arith.constant 0 : i32
      %dma_wait3A_468 = arith.constant 0 : i32
      %dma_wait3A_469 = tpu.memref_slice %arg4[%dma_wait3A_467, %dma_wait3A_468] : memref<100000x16xf32, #tpu.memory_space<hbm>> -> memref<128x16xf32, #tpu.memory_space<hbm>>
      %dma_wait3A_470 = arith.constant 0 : i32
      %dma_wait3A_471 = arith.constant 0 : i32
      %dma_wait3A_472 = tpu.memref_slice %arg16[%dma_wait3A_462, %dma_wait3A_470, %dma_wait3A_471] : memref<4x128x16xf32, #tpu.memory_space<vmem>> -> memref<1x128x16xf32, #tpu.memory_space<vmem>>
      %dma_wait3A_473 = tpu.memref_squeeze %dma_wait3A_472 : memref<1x128x16xf32, #tpu.memory_space<vmem>> -> memref<128x16xf32, #tpu.memory_space<vmem>>
      %dma_wait3A_474 = arith.constant 0 : i32
      %dma_wait3A_475 = arith.constant 0 : i32
      %dma_wait3A_476 = tpu.memref_slice %arg4[%dma_wait3A_474, %dma_wait3A_475] : memref<100000x16xf32, #tpu.memory_space<hbm>> -> memref<128x16xf32, #tpu.memory_space<hbm>>
      tpu.wait_dma2 semaphore(%arg21 : memref<!tpu.dma_semaphore, #tpu.memory_space<semaphore_mem>>) src(%dma_wait3A_476 : memref<128x16xf32, #tpu.memory_space<hbm>>) dst(%dma_wait3A_473 : memref<128x16xf32, #tpu.memory_space<vmem>>)
      %dma_wait3A_477 = arith.constant 3 : i32
      %dma_wait3A_478 = arith.constant 0 : i32
      %dma_wait3A_479 = arith.constant 0 : i32
      %dma_wait3A_480 = tpu.memref_slice %arg16[%dma_wait3A_477, %dma_wait3A_478, %dma_wait3A_479] : memref<4x128x16xf32, #tpu.memory_space<vmem>> -> memref<1x128x16xf32, #tpu.memory_space<vmem>>
      %dma_wait3A_481 = tpu.memref_squeeze %dma_wait3A_480 : memref<1x128x16xf32, #tpu.memory_space<vmem>> -> memref<128x16xf32, #tpu.memory_space<vmem>>
      %dma_wait3A_482 = arith.constant 0 : i32
      %dma_wait3A_483 = arith.constant 0 : i32
      %dma_wait3A_484 = tpu.memref_slice %arg4[%dma_wait3A_482, %dma_wait3A_483] : memref<100000x16xf32, #tpu.memory_space<hbm>> -> memref<128x16xf32, #tpu.memory_space<hbm>>
      %dma_wait3A_485 = arith.constant 0 : i32
      %dma_wait3A_486 = arith.constant 0 : i32
      %dma_wait3A_487 = tpu.memref_slice %arg16[%dma_wait3A_477, %dma_wait3A_485, %dma_wait3A_486] : memref<4x128x16xf32, #tpu.memory_space<vmem>> -> memref<1x128x16xf32, #tpu.memory_space<vmem>>
      %dma_wait3A_488 = tpu.memref_squeeze %dma_wait3A_487 : memref<1x128x16xf32, #tpu.memory_space<vmem>> -> memref<128x16xf32, #tpu.memory_space<vmem>>
      %dma_wait3A_489 = arith.constant 0 : i32
      %dma_wait3A_490 = arith.constant 0 : i32
      %dma_wait3A_491 = tpu.memref_slice %arg4[%dma_wait3A_489, %dma_wait3A_490] : memref<100000x16xf32, #tpu.memory_space<hbm>> -> memref<128x16xf32, #tpu.memory_space<hbm>>
      tpu.wait_dma2 semaphore(%arg21 : memref<!tpu.dma_semaphore, #tpu.memory_space<semaphore_mem>>) src(%dma_wait3A_491 : memref<128x16xf32, #tpu.memory_space<hbm>>) dst(%dma_wait3A_488 : memref<128x16xf32, #tpu.memory_space<vmem>>)
      %dma_start3A_492 = arith.constant 0 : i32
      %dma_start3A_493 = arith.constant 0 : i32
      %dma_start3A_494 = arith.constant 0 : i32
      %dma_start3A_495 = arith.constant 0 : i32
      %dma_start3A_496 = tpu.memref_slice %arg16[%dma_start3A_492, %dma_start3A_494, %dma_start3A_495] : memref<4x128x16xf32, #tpu.memory_space<vmem>> -> memref<1x128x16xf32, #tpu.memory_space<vmem>>
      %dma_start3A_497 = tpu.memref_squeeze %dma_start3A_496 : memref<1x128x16xf32, #tpu.memory_space<vmem>> -> memref<128x16xf32, #tpu.memory_space<vmem>>
      %dma_start3A_498 = arith.constant 0 : i32
      %dma_start3A_499 = tpu.memref_slice %arg13[%dma_start3A_493, %dma_start3A_498] : memref<4x128xi32, #tpu.memory_space<vmem>> -> memref<1x128xi32, #tpu.memory_space<vmem>>
      %dma_start3A_500 = tpu.memref_squeeze %dma_start3A_499 : memref<1x128xi32, #tpu.memory_space<vmem>> -> memref<128xi32, #tpu.memory_space<vmem>>
      %dma_start3A_501 = arith.constant 0 : i32
      %dma_start3A_502 = arith.constant 0 : i32
      %dma_start3A_503 = tpu.memref_slice %arg17[%dma_start3A_501, %dma_start3A_502] : memref<100096x16xf32, #tpu.memory_space<vmem_shared>> -> memref<100096x16xf32, #tpu.memory_space<vmem_shared>>
      tpu.enqueue_indirect_dma source(%dma_start3A_497 : memref<128x16xf32, #tpu.memory_space<vmem>>) target(%dma_start3A_503 : memref<100096x16xf32, #tpu.memory_space<vmem_shared>>) offsets(%dma_start3A_500 : memref<128xi32, #tpu.memory_space<vmem>>) semaphore(%arg22 : memref<!tpu.dma_semaphore, #tpu.memory_space<semaphore_mem>>) {add = true}
      %dma_start3A_504 = arith.constant 1 : i32
      %dma_start3A_505 = arith.constant 1 : i32
      %dma_start3A_506 = arith.constant 0 : i32
      %dma_start3A_507 = arith.constant 0 : i32
      %dma_start3A_508 = tpu.memref_slice %arg16[%dma_start3A_504, %dma_start3A_506, %dma_start3A_507] : memref<4x128x16xf32, #tpu.memory_space<vmem>> -> memref<1x128x16xf32, #tpu.memory_space<vmem>>
      %dma_start3A_509 = tpu.memref_squeeze %dma_start3A_508 : memref<1x128x16xf32, #tpu.memory_space<vmem>> -> memref<128x16xf32, #tpu.memory_space<vmem>>
      %dma_start3A_510 = arith.constant 0 : i32
      %dma_start3A_511 = tpu.memref_slice %arg13[%dma_start3A_505, %dma_start3A_510] : memref<4x128xi32, #tpu.memory_space<vmem>> -> memref<1x128xi32, #tpu.memory_space<vmem>>
      %dma_start3A_512 = tpu.memref_squeeze %dma_start3A_511 : memref<1x128xi32, #tpu.memory_space<vmem>> -> memref<128xi32, #tpu.memory_space<vmem>>
      %dma_start3A_513 = arith.constant 0 : i32
      %dma_start3A_514 = arith.constant 0 : i32
      %dma_start3A_515 = tpu.memref_slice %arg17[%dma_start3A_513, %dma_start3A_514] : memref<100096x16xf32, #tpu.memory_space<vmem_shared>> -> memref<100096x16xf32, #tpu.memory_space<vmem_shared>>
      tpu.enqueue_indirect_dma source(%dma_start3A_509 : memref<128x16xf32, #tpu.memory_space<vmem>>) target(%dma_start3A_515 : memref<100096x16xf32, #tpu.memory_space<vmem_shared>>) offsets(%dma_start3A_512 : memref<128xi32, #tpu.memory_space<vmem>>) semaphore(%arg22 : memref<!tpu.dma_semaphore, #tpu.memory_space<semaphore_mem>>) {add = true}
      %dma_start3A_516 = arith.constant 2 : i32
      %dma_start3A_517 = arith.constant 2 : i32
      %dma_start3A_518 = arith.constant 0 : i32
      %dma_start3A_519 = arith.constant 0 : i32
      %dma_start3A_520 = tpu.memref_slice %arg16[%dma_start3A_516, %dma_start3A_518, %dma_start3A_519] : memref<4x128x16xf32, #tpu.memory_space<vmem>> -> memref<1x128x16xf32, #tpu.memory_space<vmem>>
      %dma_start3A_521 = tpu.memref_squeeze %dma_start3A_520 : memref<1x128x16xf32, #tpu.memory_space<vmem>> -> memref<128x16xf32, #tpu.memory_space<vmem>>
      %dma_start3A_522 = arith.constant 0 : i32
      %dma_start3A_523 = tpu.memref_slice %arg13[%dma_start3A_517, %dma_start3A_522] : memref<4x128xi32, #tpu.memory_space<vmem>> -> memref<1x128xi32, #tpu.memory_space<vmem>>
      %dma_start3A_524 = tpu.memref_squeeze %dma_start3A_523 : memref<1x128xi32, #tpu.memory_space<vmem>> -> memref<128xi32, #tpu.memory_space<vmem>>
      %dma_start3A_525 = arith.constant 0 : i32
      %dma_start3A_526 = arith.constant 0 : i32
      %dma_start3A_527 = tpu.memref_slice %arg17[%dma_start3A_525, %dma_start3A_526] : memref<100096x16xf32, #tpu.memory_space<vmem_shared>> -> memref<100096x16xf32, #tpu.memory_space<vmem_shared>>
      tpu.enqueue_indirect_dma source(%dma_start3A_521 : memref<128x16xf32, #tpu.memory_space<vmem>>) target(%dma_start3A_527 : memref<100096x16xf32, #tpu.memory_space<vmem_shared>>) offsets(%dma_start3A_524 : memref<128xi32, #tpu.memory_space<vmem>>) semaphore(%arg22 : memref<!tpu.dma_semaphore, #tpu.memory_space<semaphore_mem>>) {add = true}
      %dma_start3A_528 = arith.constant 3 : i32
      %dma_start3A_529 = arith.constant 3 : i32
      %dma_start3A_530 = arith.constant 0 : i32
      %dma_start3A_531 = arith.constant 0 : i32
      %dma_start3A_532 = tpu.memref_slice %arg16[%dma_start3A_528, %dma_start3A_530, %dma_start3A_531] : memref<4x128x16xf32, #tpu.memory_space<vmem>> -> memref<1x128x16xf32, #tpu.memory_space<vmem>>
      %dma_start3A_533 = tpu.memref_squeeze %dma_start3A_532 : memref<1x128x16xf32, #tpu.memory_space<vmem>> -> memref<128x16xf32, #tpu.memory_space<vmem>>
      %dma_start3A_534 = arith.constant 0 : i32
      %dma_start3A_535 = tpu.memref_slice %arg13[%dma_start3A_529, %dma_start3A_534] : memref<4x128xi32, #tpu.memory_space<vmem>> -> memref<1x128xi32, #tpu.memory_space<vmem>>
      %dma_start3A_536 = tpu.memref_squeeze %dma_start3A_535 : memref<1x128xi32, #tpu.memory_space<vmem>> -> memref<128xi32, #tpu.memory_space<vmem>>
      %dma_start3A_537 = arith.constant 0 : i32
      %dma_start3A_538 = arith.constant 0 : i32
      %dma_start3A_539 = tpu.memref_slice %arg17[%dma_start3A_537, %dma_start3A_538] : memref<100096x16xf32, #tpu.memory_space<vmem_shared>> -> memref<100096x16xf32, #tpu.memory_space<vmem_shared>>
      tpu.enqueue_indirect_dma source(%dma_start3A_533 : memref<128x16xf32, #tpu.memory_space<vmem>>) target(%dma_start3A_539 : memref<100096x16xf32, #tpu.memory_space<vmem_shared>>) offsets(%dma_start3A_536 : memref<128xi32, #tpu.memory_space<vmem>>) semaphore(%arg22 : memref<!tpu.dma_semaphore, #tpu.memory_space<semaphore_mem>>) {add = true}
    }
    %scan3A_55 = arith.constant 132 : i32
    %dma_wait3A_56 = arith.constant 0 : i32
    %dma_wait3A_57 = arith.constant 0 : i32
    %dma_wait3A_58 = arith.constant 0 : i32
    %dma_wait3A_59 = tpu.memref_slice %arg16[%dma_wait3A_56, %dma_wait3A_57, %dma_wait3A_58] : memref<4x128x16xf32, #tpu.memory_space<vmem>> -> memref<1x128x16xf32, #tpu.memory_space<vmem>>
    %dma_wait3A_60 = tpu.memref_squeeze %dma_wait3A_59 : memref<1x128x16xf32, #tpu.memory_space<vmem>> -> memref<128x16xf32, #tpu.memory_space<vmem>>
    %dma_wait3A_61 = arith.constant 0 : i32
    %dma_wait3A_62 = arith.constant 0 : i32
    %dma_wait3A_63 = tpu.memref_slice %arg4[%dma_wait3A_61, %dma_wait3A_62] : memref<100000x16xf32, #tpu.memory_space<hbm>> -> memref<128x16xf32, #tpu.memory_space<hbm>>
    %dma_wait3A_64 = arith.constant 0 : i32
    %dma_wait3A_65 = arith.constant 0 : i32
    %dma_wait3A_66 = tpu.memref_slice %arg16[%dma_wait3A_56, %dma_wait3A_64, %dma_wait3A_65] : memref<4x128x16xf32, #tpu.memory_space<vmem>> -> memref<1x128x16xf32, #tpu.memory_space<vmem>>
    %dma_wait3A_67 = tpu.memref_squeeze %dma_wait3A_66 : memref<1x128x16xf32, #tpu.memory_space<vmem>> -> memref<128x16xf32, #tpu.memory_space<vmem>>
    %dma_wait3A_68 = arith.constant 0 : i32
    %dma_wait3A_69 = arith.constant 0 : i32
    %dma_wait3A_70 = tpu.memref_slice %arg4[%dma_wait3A_68, %dma_wait3A_69] : memref<100000x16xf32, #tpu.memory_space<hbm>> -> memref<128x16xf32, #tpu.memory_space<hbm>>
    tpu.wait_dma2 semaphore(%arg22 : memref<!tpu.dma_semaphore, #tpu.memory_space<semaphore_mem>>) src(%dma_wait3A_70 : memref<128x16xf32, #tpu.memory_space<hbm>>) dst(%dma_wait3A_67 : memref<128x16xf32, #tpu.memory_space<vmem>>)
    %dma_wait3A_71 = arith.constant 1 : i32
    %dma_wait3A_72 = arith.constant 0 : i32
    %dma_wait3A_73 = arith.constant 0 : i32
    %dma_wait3A_74 = tpu.memref_slice %arg16[%dma_wait3A_71, %dma_wait3A_72, %dma_wait3A_73] : memref<4x128x16xf32, #tpu.memory_space<vmem>> -> memref<1x128x16xf32, #tpu.memory_space<vmem>>
    %dma_wait3A_75 = tpu.memref_squeeze %dma_wait3A_74 : memref<1x128x16xf32, #tpu.memory_space<vmem>> -> memref<128x16xf32, #tpu.memory_space<vmem>>
    %dma_wait3A_76 = arith.constant 0 : i32
    %dma_wait3A_77 = arith.constant 0 : i32
    %dma_wait3A_78 = tpu.memref_slice %arg4[%dma_wait3A_76, %dma_wait3A_77] : memref<100000x16xf32, #tpu.memory_space<hbm>> -> memref<128x16xf32, #tpu.memory_space<hbm>>
    %dma_wait3A_79 = arith.constant 0 : i32
    %dma_wait3A_80 = arith.constant 0 : i32
    %dma_wait3A_81 = tpu.memref_slice %arg16[%dma_wait3A_71, %dma_wait3A_79, %dma_wait3A_80] : memref<4x128x16xf32, #tpu.memory_space<vmem>> -> memref<1x128x16xf32, #tpu.memory_space<vmem>>
    %dma_wait3A_82 = tpu.memref_squeeze %dma_wait3A_81 : memref<1x128x16xf32, #tpu.memory_space<vmem>> -> memref<128x16xf32, #tpu.memory_space<vmem>>
    %dma_wait3A_83 = arith.constant 0 : i32
    %dma_wait3A_84 = arith.constant 0 : i32
    %dma_wait3A_85 = tpu.memref_slice %arg4[%dma_wait3A_83, %dma_wait3A_84] : memref<100000x16xf32, #tpu.memory_space<hbm>> -> memref<128x16xf32, #tpu.memory_space<hbm>>
    tpu.wait_dma2 semaphore(%arg22 : memref<!tpu.dma_semaphore, #tpu.memory_space<semaphore_mem>>) src(%dma_wait3A_85 : memref<128x16xf32, #tpu.memory_space<hbm>>) dst(%dma_wait3A_82 : memref<128x16xf32, #tpu.memory_space<vmem>>)
    %dma_wait3A_86 = arith.constant 2 : i32
    %dma_wait3A_87 = arith.constant 0 : i32
    %dma_wait3A_88 = arith.constant 0 : i32
    %dma_wait3A_89 = tpu.memref_slice %arg16[%dma_wait3A_86, %dma_wait3A_87, %dma_wait3A_88] : memref<4x128x16xf32, #tpu.memory_space<vmem>> -> memref<1x128x16xf32, #tpu.memory_space<vmem>>
    %dma_wait3A_90 = tpu.memref_squeeze %dma_wait3A_89 : memref<1x128x16xf32, #tpu.memory_space<vmem>> -> memref<128x16xf32, #tpu.memory_space<vmem>>
    %dma_wait3A_91 = arith.constant 0 : i32
    %dma_wait3A_92 = arith.constant 0 : i32
    %dma_wait3A_93 = tpu.memref_slice %arg4[%dma_wait3A_91, %dma_wait3A_92] : memref<100000x16xf32, #tpu.memory_space<hbm>> -> memref<128x16xf32, #tpu.memory_space<hbm>>
    %dma_wait3A_94 = arith.constant 0 : i32
    %dma_wait3A_95 = arith.constant 0 : i32
    %dma_wait3A_96 = tpu.memref_slice %arg16[%dma_wait3A_86, %dma_wait3A_94, %dma_wait3A_95] : memref<4x128x16xf32, #tpu.memory_space<vmem>> -> memref<1x128x16xf32, #tpu.memory_space<vmem>>
    %dma_wait3A_97 = tpu.memref_squeeze %dma_wait3A_96 : memref<1x128x16xf32, #tpu.memory_space<vmem>> -> memref<128x16xf32, #tpu.memory_space<vmem>>
    %dma_wait3A_98 = arith.constant 0 : i32
    %dma_wait3A_99 = arith.constant 0 : i32
    %dma_wait3A_100 = tpu.memref_slice %arg4[%dma_wait3A_98, %dma_wait3A_99] : memref<100000x16xf32, #tpu.memory_space<hbm>> -> memref<128x16xf32, #tpu.memory_space<hbm>>
    tpu.wait_dma2 semaphore(%arg22 : memref<!tpu.dma_semaphore, #tpu.memory_space<semaphore_mem>>) src(%dma_wait3A_100 : memref<128x16xf32, #tpu.memory_space<hbm>>) dst(%dma_wait3A_97 : memref<128x16xf32, #tpu.memory_space<vmem>>)
    %dma_wait3A_101 = arith.constant 3 : i32
    %dma_wait3A_102 = arith.constant 0 : i32
    %dma_wait3A_103 = arith.constant 0 : i32
    %dma_wait3A_104 = tpu.memref_slice %arg16[%dma_wait3A_101, %dma_wait3A_102, %dma_wait3A_103] : memref<4x128x16xf32, #tpu.memory_space<vmem>> -> memref<1x128x16xf32, #tpu.memory_space<vmem>>
    %dma_wait3A_105 = tpu.memref_squeeze %dma_wait3A_104 : memref<1x128x16xf32, #tpu.memory_space<vmem>> -> memref<128x16xf32, #tpu.memory_space<vmem>>
    %dma_wait3A_106 = arith.constant 0 : i32
    %dma_wait3A_107 = arith.constant 0 : i32
    %dma_wait3A_108 = tpu.memref_slice %arg4[%dma_wait3A_106, %dma_wait3A_107] : memref<100000x16xf32, #tpu.memory_space<hbm>> -> memref<128x16xf32, #tpu.memory_space<hbm>>
    %dma_wait3A_109 = arith.constant 0 : i32
    %dma_wait3A_110 = arith.constant 0 : i32
    %dma_wait3A_111 = tpu.memref_slice %arg16[%dma_wait3A_101, %dma_wait3A_109, %dma_wait3A_110] : memref<4x128x16xf32, #tpu.memory_space<vmem>> -> memref<1x128x16xf32, #tpu.memory_space<vmem>>
    %dma_wait3A_112 = tpu.memref_squeeze %dma_wait3A_111 : memref<1x128x16xf32, #tpu.memory_space<vmem>> -> memref<128x16xf32, #tpu.memory_space<vmem>>
    %dma_wait3A_113 = arith.constant 0 : i32
    %dma_wait3A_114 = arith.constant 0 : i32
    %dma_wait3A_115 = tpu.memref_slice %arg4[%dma_wait3A_113, %dma_wait3A_114] : memref<100000x16xf32, #tpu.memory_space<hbm>> -> memref<128x16xf32, #tpu.memory_space<hbm>>
    tpu.wait_dma2 semaphore(%arg22 : memref<!tpu.dma_semaphore, #tpu.memory_space<semaphore_mem>>) src(%dma_wait3A_115 : memref<128x16xf32, #tpu.memory_space<hbm>>) dst(%dma_wait3A_112 : memref<128x16xf32, #tpu.memory_space<vmem>>)
    %barrier3A_116 = arith.constant 0 : index
    tpu.barrier barrier_id(%barrier3A_116)
    %lt3A = arith.constant 15 : i32
    %lt3A_117 = arith.cmpi slt, %arg1, %lt3A : i32
    %convert_element_type3A_118 = arith.extui %lt3A_117 : i1 to i32
    %cond3A_119 = arith.constant 0 : i32
    %cond3A_120 = arith.cmpi ne, %convert_element_type3A_118, %cond3A_119 : i32
    scf.if %cond3A_120 {
      %mul3A_126 = arith.constant 6256 : i32
      %mul3A_127 = arith.muli %arg1, %mul3A_126 : i32
      "tpu.region"() ({
        %run_scoped3A = tpu.sem_alloc : memref<!tpu.dma_semaphore, #tpu.memory_space<semaphore_mem>>
        %dma_start3A_128 = arith.constant 0 : i32
        %dma_start3A_129 = tpu.memref_slice %arg7[%arg0, %mul3A_127, %dma_start3A_128] : memref<2x100000x16xf32, #tpu.memory_space<hbm>> -> memref<1x6256x16xf32, #tpu.memory_space<hbm>>
        %dma_start3A_130 = tpu.memref_squeeze %dma_start3A_129 : memref<1x6256x16xf32, #tpu.memory_space<hbm>> -> memref<6256x16xf32, #tpu.memory_space<hbm>>
        %dma_start3A_131 = arith.constant 0 : i32
        %dma_start3A_132 = tpu.memref_slice %arg17[%mul3A_127, %dma_start3A_131] : memref<100096x16xf32, #tpu.memory_space<vmem_shared>> -> memref<6256x16xf32, #tpu.memory_space<vmem_shared>>
        tpu.enqueue_dma source(%dma_start3A_132 : memref<6256x16xf32, #tpu.memory_space<vmem_shared>>) target(%dma_start3A_130 : memref<6256x16xf32, #tpu.memory_space<hbm>>) target_semaphore(%run_scoped3A : memref<!tpu.dma_semaphore, #tpu.memory_space<semaphore_mem>>)
        %dma_wait3A_133 = arith.constant 0 : i32
        %dma_wait3A_134 = tpu.memref_slice %arg7[%arg0, %mul3A_127, %dma_wait3A_133] : memref<2x100000x16xf32, #tpu.memory_space<hbm>> -> memref<1x6256x16xf32, #tpu.memory_space<hbm>>
        %dma_wait3A_135 = tpu.memref_squeeze %dma_wait3A_134 : memref<1x6256x16xf32, #tpu.memory_space<hbm>> -> memref<6256x16xf32, #tpu.memory_space<hbm>>
        %dma_wait3A_136 = arith.constant 0 : i32
        %dma_wait3A_137 = tpu.memref_slice %arg17[%mul3A_127, %dma_wait3A_136] : memref<100096x16xf32, #tpu.memory_space<vmem_shared>> -> memref<6256x16xf32, #tpu.memory_space<vmem_shared>>
        tpu.wait_dma2 semaphore(%run_scoped3A : memref<!tpu.dma_semaphore, #tpu.memory_space<semaphore_mem>>) src(%dma_wait3A_137 : memref<6256x16xf32, #tpu.memory_space<vmem_shared>>) dst(%dma_wait3A_135 : memref<6256x16xf32, #tpu.memory_space<hbm>>)
        tpu.yield
      }) : () -> ()
    } else {
    }
    %eq3A_121 = arith.constant 15 : i32
    %eq3A_122 = arith.cmpi eq, %arg1, %eq3A_121 : i32
    %convert_element_type3A_123 = arith.extui %eq3A_122 : i1 to i32
    %cond3A_124 = arith.constant 0 : i32
    %cond3A_125 = arith.cmpi ne, %convert_element_type3A_123, %cond3A_124 : i32
    scf.if %cond3A_125 {
      "tpu.region"() ({
        %run_scoped3A = tpu.sem_alloc : memref<!tpu.dma_semaphore, #tpu.memory_space<semaphore_mem>>
        %dma_start3A_126 = arith.constant 93840 : i32
        %dma_start3A_127 = arith.constant 0 : i32
        %dma_start3A_128 = tpu.memref_slice %arg7[%arg0, %dma_start3A_126, %dma_start3A_127] : memref<2x100000x16xf32, #tpu.memory_space<hbm>> -> memref<1x6160x16xf32, #tpu.memory_space<hbm>>
        %dma_start3A_129 = tpu.memref_squeeze %dma_start3A_128 : memref<1x6160x16xf32, #tpu.memory_space<hbm>> -> memref<6160x16xf32, #tpu.memory_space<hbm>>
        %dma_start3A_130 = arith.constant 93840 : i32
        %dma_start3A_131 = arith.constant 0 : i32
        %dma_start3A_132 = tpu.memref_slice %arg17[%dma_start3A_130, %dma_start3A_131] : memref<100096x16xf32, #tpu.memory_space<vmem_shared>> -> memref<6160x16xf32, #tpu.memory_space<vmem_shared>>
        tpu.enqueue_dma source(%dma_start3A_132 : memref<6160x16xf32, #tpu.memory_space<vmem_shared>>) target(%dma_start3A_129 : memref<6160x16xf32, #tpu.memory_space<hbm>>) target_semaphore(%run_scoped3A : memref<!tpu.dma_semaphore, #tpu.memory_space<semaphore_mem>>)
        %dma_wait3A_133 = arith.constant 93840 : i32
        %dma_wait3A_134 = arith.constant 0 : i32
        %dma_wait3A_135 = tpu.memref_slice %arg7[%arg0, %dma_wait3A_133, %dma_wait3A_134] : memref<2x100000x16xf32, #tpu.memory_space<hbm>> -> memref<1x6160x16xf32, #tpu.memory_space<hbm>>
        %dma_wait3A_136 = tpu.memref_squeeze %dma_wait3A_135 : memref<1x6160x16xf32, #tpu.memory_space<hbm>> -> memref<6160x16xf32, #tpu.memory_space<hbm>>
        %dma_wait3A_137 = arith.constant 93840 : i32
        %dma_wait3A_138 = arith.constant 0 : i32
        %dma_wait3A_139 = tpu.memref_slice %arg17[%dma_wait3A_137, %dma_wait3A_138] : memref<100096x16xf32, #tpu.memory_space<vmem_shared>> -> memref<6160x16xf32, #tpu.memory_space<vmem_shared>>
        tpu.wait_dma2 semaphore(%run_scoped3A : memref<!tpu.dma_semaphore, #tpu.memory_space<semaphore_mem>>) src(%dma_wait3A_139 : memref<6160x16xf32, #tpu.memory_space<vmem_shared>>) dst(%dma_wait3A_136 : memref<6160x16xf32, #tpu.memory_space<hbm>>)
        tpu.yield
      }) : () -> ()
    } else {
    }
    return
  }
}

#map = affine_map<(d0, d1) -> (0, 0)>
#map1 = affine_map<(d0, d1) -> (0)>
module attributes {stable_mosaic.version = 14 : i64} {
  func.func @_degree_sc(%arg0: i32, %arg1: i32, %arg2: memref<25344x128xi32, #tpu.memory_space<hbm>>, %arg3: memref<128xf32, #tpu.memory_space<hbm>>, %arg4: memref<8192xf32, #tpu.memory_space<hbm>>, %arg5: memref<262144xf32, #tpu.memory_space<hbm>>, %arg6: memref<4x128xi32, #tpu.memory_space<vmem>>, %arg7: memref<4x128xi32, #tpu.memory_space<vmem>>, %arg8: memref<128xf32, #tpu.memory_space<vmem>>, %arg9: memref<131072xf32, #tpu.memory_space<vmem_shared>>, %arg10: memref<!tpu.dma_semaphore, #tpu.memory_space<semaphore_mem>>, %arg11: memref<!tpu.dma_semaphore, #tpu.memory_space<semaphore_mem>>) attributes {dimension_semantics = [#tpu.dimension_semantics<core_parallel>, #tpu.dimension_semantics<subcore_parallel>], iteration_bounds = array<i64: 2, 16>, scalar_prefetch = 0 : i64, scratch_operands = 6 : i64, tpu.core_type = #tpu.core_type<sc_vector_subcore>, window_params = [{transform_indices = #map}, {transform_indices = #map1}, {transform_indices = #map1}, {transform_indices = #map1}]} {
    "tpu.region"() ({
      %run_scoped3A = tpu.sem_alloc : memref<!tpu.dma_semaphore, #tpu.memory_space<semaphore_mem>>
      tpu.enqueue_dma source(%arg3 : memref<128xf32, #tpu.memory_space<hbm>>) target(%arg8 : memref<128xf32, #tpu.memory_space<vmem>>) target_semaphore(%run_scoped3A : memref<!tpu.dma_semaphore, #tpu.memory_space<semaphore_mem>>)
      tpu.wait_dma2 semaphore(%run_scoped3A : memref<!tpu.dma_semaphore, #tpu.memory_space<semaphore_mem>>) src(%arg3 : memref<128xf32, #tpu.memory_space<hbm>>) dst(%arg8 : memref<128xf32, #tpu.memory_space<vmem>>)
      tpu.yield
    }) : () -> ()
    %mul3A = arith.constant 8192 : i32
    %mul3A_0 = arith.muli %arg1, %mul3A : i32
    "tpu.region"() ({
      %run_scoped3A = tpu.sem_alloc : memref<!tpu.dma_semaphore, #tpu.memory_space<semaphore_mem>>
      %dma_start3A_23 = tpu.memref_slice %arg9[%mul3A_0] : memref<131072xf32, #tpu.memory_space<vmem_shared>> -> memref<8192xf32, #tpu.memory_space<vmem_shared>>
      tpu.enqueue_dma source(%arg4 : memref<8192xf32, #tpu.memory_space<hbm>>) target(%dma_start3A_23 : memref<8192xf32, #tpu.memory_space<vmem_shared>>) target_semaphore(%run_scoped3A : memref<!tpu.dma_semaphore, #tpu.memory_space<semaphore_mem>>)
      %dma_wait3A = tpu.memref_slice %arg9[%mul3A_0] : memref<131072xf32, #tpu.memory_space<vmem_shared>> -> memref<8192xf32, #tpu.memory_space<vmem_shared>>
      tpu.wait_dma2 semaphore(%run_scoped3A : memref<!tpu.dma_semaphore, #tpu.memory_space<semaphore_mem>>) src(%arg4 : memref<8192xf32, #tpu.memory_space<hbm>>) dst(%dma_wait3A : memref<8192xf32, #tpu.memory_space<vmem_shared>>)
      tpu.yield
    }) : () -> ()
    %barrier3A = arith.constant 0 : index
    tpu.barrier barrier_id(%barrier3A)
    %mul3A_1 = arith.constant 16 : i32
    %mul3A_2 = arith.muli %arg0, %mul3A_1 : i32
    %add3A = arith.addi %mul3A_2, %arg1 : i32
    %mul3A_3 = arith.constant 792 : i32
    %mul3A_4 = arith.muli %add3A, %mul3A_3 : i32
    %add3A_5 = arith.constant 0 : i32
    %add3A_6 = arith.addi %mul3A_4, %add3A_5 : i32
    %dma_start3A = arith.constant 0 : i32
    %dma_start3A_7 = tpu.memref_slice %arg2[%add3A_6, %dma_start3A] : memref<25344x128xi32, #tpu.memory_space<hbm>> -> memref<4x128xi32, #tpu.memory_space<hbm>>
    %dma_start3A_8 = arith.constant 0 : i32
    %dma_start3A_9 = tpu.memref_slice %arg2[%add3A_6, %dma_start3A_8] : memref<25344x128xi32, #tpu.memory_space<hbm>> -> memref<4x128xi32, #tpu.memory_space<hbm>>
    tpu.enqueue_dma source(%dma_start3A_9 : memref<4x128xi32, #tpu.memory_space<hbm>>) target(%arg6 : memref<4x128xi32, #tpu.memory_space<vmem>>) target_semaphore(%arg10 : memref<!tpu.dma_semaphore, #tpu.memory_space<semaphore_mem>>)
    %scan3A = arith.constant 0 : i32
    %scan3A_10 = arith.constant 0 : i32
    %scan3A_11 = arith.constant 99 : i32
    %scan3A_12 = arith.addi %scan3A_10, %scan3A_11 : i32
    %scan3A_13 = arith.constant 1 : i32
    scf.for %scan3A_23 = %scan3A_10 to %scan3A_12 step %scan3A_13  : i32 {
      %mul3A_24 = arith.constant 2 : i32
      %mul3A_25 = arith.muli %scan3A_23, %mul3A_24 : i32
      %add3A_26 = arith.constant 0 : i32
      %add3A_27 = arith.addi %mul3A_25, %add3A_26 : i32
      %mul3A_28 = arith.constant 4 : i32
      %mul3A_29 = arith.muli %add3A_27, %mul3A_28 : i32
      %add3A_30 = arith.addi %mul3A_4, %mul3A_29 : i32
      %dma_wait3A = arith.constant 0 : i32
      %dma_wait3A_31 = tpu.memref_slice %arg2[%add3A_30, %dma_wait3A] : memref<25344x128xi32, #tpu.memory_space<hbm>> -> memref<4x128xi32, #tpu.memory_space<hbm>>
      %dma_wait3A_32 = arith.constant 0 : i32
      %dma_wait3A_33 = tpu.memref_slice %arg2[%add3A_30, %dma_wait3A_32] : memref<25344x128xi32, #tpu.memory_space<hbm>> -> memref<4x128xi32, #tpu.memory_space<hbm>>
      tpu.wait_dma2 semaphore(%arg10 : memref<!tpu.dma_semaphore, #tpu.memory_space<semaphore_mem>>) src(%dma_wait3A_33 : memref<4x128xi32, #tpu.memory_space<hbm>>) dst(%arg6 : memref<4x128xi32, #tpu.memory_space<vmem>>)
      %gt3A = arith.constant 0 : i32
      %gt3A_34 = arith.cmpi sgt, %add3A_27, %gt3A : i32
      %convert_element_type3A = arith.extui %gt3A_34 : i1 to i32
      %cond3A = arith.constant 0 : i32
      %cond3A_35 = arith.cmpi ne, %convert_element_type3A, %cond3A : i32
      scf.if %cond3A_35 {
        tpu.wait_dma2 semaphore(%arg11 : memref<!tpu.dma_semaphore, #tpu.memory_space<semaphore_mem>>) src(%arg3 : memref<128xf32, #tpu.memory_space<hbm>>) dst(%arg8 : memref<128xf32, #tpu.memory_space<vmem>>)
        tpu.wait_dma2 semaphore(%arg11 : memref<!tpu.dma_semaphore, #tpu.memory_space<semaphore_mem>>) src(%arg3 : memref<128xf32, #tpu.memory_space<hbm>>) dst(%arg8 : memref<128xf32, #tpu.memory_space<vmem>>)
        tpu.wait_dma2 semaphore(%arg11 : memref<!tpu.dma_semaphore, #tpu.memory_space<semaphore_mem>>) src(%arg3 : memref<128xf32, #tpu.memory_space<hbm>>) dst(%arg8 : memref<128xf32, #tpu.memory_space<vmem>>)
        tpu.wait_dma2 semaphore(%arg11 : memref<!tpu.dma_semaphore, #tpu.memory_space<semaphore_mem>>) src(%arg3 : memref<128xf32, #tpu.memory_space<hbm>>) dst(%arg8 : memref<128xf32, #tpu.memory_space<vmem>>)
      } else {
      }
      %add3A_36 = arith.constant 1 : i32
      %add3A_37 = arith.addi %add3A_27, %add3A_36 : i32
      %lt3A = arith.constant 198 : i32
      %lt3A_38 = arith.cmpi slt, %add3A_37, %lt3A : i32
      %convert_element_type3A_39 = arith.extui %lt3A_38 : i1 to i32
      %cond3A_40 = arith.constant 0 : i32
      %cond3A_41 = arith.cmpi ne, %convert_element_type3A_39, %cond3A_40 : i32
      scf.if %cond3A_41 {
        %add3A_113 = arith.constant 1 : i32
        %add3A_114 = arith.addi %add3A_27, %add3A_113 : i32
        %mul3A_115 = arith.constant 4 : i32
        %mul3A_116 = arith.muli %add3A_114, %mul3A_115 : i32
        %add3A_117 = arith.addi %mul3A_4, %mul3A_116 : i32
        %dma_start3A_118 = arith.constant 0 : i32
        %dma_start3A_119 = tpu.memref_slice %arg2[%add3A_117, %dma_start3A_118] : memref<25344x128xi32, #tpu.memory_space<hbm>> -> memref<4x128xi32, #tpu.memory_space<hbm>>
        %dma_start3A_120 = arith.constant 0 : i32
        %dma_start3A_121 = tpu.memref_slice %arg2[%add3A_117, %dma_start3A_120] : memref<25344x128xi32, #tpu.memory_space<hbm>> -> memref<4x128xi32, #tpu.memory_space<hbm>>
        tpu.enqueue_dma source(%dma_start3A_121 : memref<4x128xi32, #tpu.memory_space<hbm>>) target(%arg7 : memref<4x128xi32, #tpu.memory_space<vmem>>) target_semaphore(%arg10 : memref<!tpu.dma_semaphore, #tpu.memory_space<semaphore_mem>>)
      } else {
      }
      %dma_start3A_42 = arith.constant 0 : i32
      %dma_start3A_43 = arith.constant 0 : i32
      %dma_start3A_44 = tpu.memref_slice %arg6[%dma_start3A_42, %dma_start3A_43] : memref<4x128xi32, #tpu.memory_space<vmem>> -> memref<1x128xi32, #tpu.memory_space<vmem>>
      %dma_start3A_45 = tpu.memref_squeeze %dma_start3A_44 : memref<1x128xi32, #tpu.memory_space<vmem>> -> memref<128xi32, #tpu.memory_space<vmem>>
      %dma_start3A_46 = arith.constant 0 : i32
      %dma_start3A_47 = tpu.memref_slice %arg9[%dma_start3A_46] : memref<131072xf32, #tpu.memory_space<vmem_shared>> -> memref<131072xf32, #tpu.memory_space<vmem_shared>>
      tpu.enqueue_indirect_dma source(%arg8 : memref<128xf32, #tpu.memory_space<vmem>>) target(%dma_start3A_47 : memref<131072xf32, #tpu.memory_space<vmem_shared>>) offsets(%dma_start3A_45 : memref<128xi32, #tpu.memory_space<vmem>>) semaphore(%arg11 : memref<!tpu.dma_semaphore, #tpu.memory_space<semaphore_mem>>) {add = true}
      %dma_start3A_48 = arith.constant 1 : i32
      %dma_start3A_49 = arith.constant 0 : i32
      %dma_start3A_50 = tpu.memref_slice %arg6[%dma_start3A_48, %dma_start3A_49] : memref<4x128xi32, #tpu.memory_space<vmem>> -> memref<1x128xi32, #tpu.memory_space<vmem>>
      %dma_start3A_51 = tpu.memref_squeeze %dma_start3A_50 : memref<1x128xi32, #tpu.memory_space<vmem>> -> memref<128xi32, #tpu.memory_space<vmem>>
      %dma_start3A_52 = arith.constant 0 : i32
      %dma_start3A_53 = tpu.memref_slice %arg9[%dma_start3A_52] : memref<131072xf32, #tpu.memory_space<vmem_shared>> -> memref<131072xf32, #tpu.memory_space<vmem_shared>>
      tpu.enqueue_indirect_dma source(%arg8 : memref<128xf32, #tpu.memory_space<vmem>>) target(%dma_start3A_53 : memref<131072xf32, #tpu.memory_space<vmem_shared>>) offsets(%dma_start3A_51 : memref<128xi32, #tpu.memory_space<vmem>>) semaphore(%arg11 : memref<!tpu.dma_semaphore, #tpu.memory_space<semaphore_mem>>) {add = true}
      %dma_start3A_54 = arith.constant 2 : i32
      %dma_start3A_55 = arith.constant 0 : i32
      %dma_start3A_56 = tpu.memref_slice %arg6[%dma_start3A_54, %dma_start3A_55] : memref<4x128xi32, #tpu.memory_space<vmem>> -> memref<1x128xi32, #tpu.memory_space<vmem>>
      %dma_start3A_57 = tpu.memref_squeeze %dma_start3A_56 : memref<1x128xi32, #tpu.memory_space<vmem>> -> memref<128xi32, #tpu.memory_space<vmem>>
      %dma_start3A_58 = arith.constant 0 : i32
      %dma_start3A_59 = tpu.memref_slice %arg9[%dma_start3A_58] : memref<131072xf32, #tpu.memory_space<vmem_shared>> -> memref<131072xf32, #tpu.memory_space<vmem_shared>>
      tpu.enqueue_indirect_dma source(%arg8 : memref<128xf32, #tpu.memory_space<vmem>>) target(%dma_start3A_59 : memref<131072xf32, #tpu.memory_space<vmem_shared>>) offsets(%dma_start3A_57 : memref<128xi32, #tpu.memory_space<vmem>>) semaphore(%arg11 : memref<!tpu.dma_semaphore, #tpu.memory_space<semaphore_mem>>) {add = true}
      %dma_start3A_60 = arith.constant 3 : i32
      %dma_start3A_61 = arith.constant 0 : i32
      %dma_start3A_62 = tpu.memref_slice %arg6[%dma_start3A_60, %dma_start3A_61] : memref<4x128xi32, #tpu.memory_space<vmem>> -> memref<1x128xi32, #tpu.memory_space<vmem>>
      %dma_start3A_63 = tpu.memref_squeeze %dma_start3A_62 : memref<1x128xi32, #tpu.memory_space<vmem>> -> memref<128xi32, #tpu.memory_space<vmem>>
      %dma_start3A_64 = arith.constant 0 : i32
      %dma_start3A_65 = tpu.memref_slice %arg9[%dma_start3A_64] : memref<131072xf32, #tpu.memory_space<vmem_shared>> -> memref<131072xf32, #tpu.memory_space<vmem_shared>>
      tpu.enqueue_indirect_dma source(%arg8 : memref<128xf32, #tpu.memory_space<vmem>>) target(%dma_start3A_65 : memref<131072xf32, #tpu.memory_space<vmem_shared>>) offsets(%dma_start3A_63 : memref<128xi32, #tpu.memory_space<vmem>>) semaphore(%arg11 : memref<!tpu.dma_semaphore, #tpu.memory_space<semaphore_mem>>) {add = true}
      %mul3A_66 = arith.constant 2 : i32
      %mul3A_67 = arith.muli %scan3A_23, %mul3A_66 : i32
      %add3A_68 = arith.constant 1 : i32
      %add3A_69 = arith.addi %mul3A_67, %add3A_68 : i32
      %mul3A_70 = arith.constant 4 : i32
      %mul3A_71 = arith.muli %add3A_69, %mul3A_70 : i32
      %add3A_72 = arith.addi %mul3A_4, %mul3A_71 : i32
      %dma_wait3A_73 = arith.constant 0 : i32
      %dma_wait3A_74 = tpu.memref_slice %arg2[%add3A_72, %dma_wait3A_73] : memref<25344x128xi32, #tpu.memory_space<hbm>> -> memref<4x128xi32, #tpu.memory_space<hbm>>
      %dma_wait3A_75 = arith.constant 0 : i32
      %dma_wait3A_76 = tpu.memref_slice %arg2[%add3A_72, %dma_wait3A_75] : memref<25344x128xi32, #tpu.memory_space<hbm>> -> memref<4x128xi32, #tpu.memory_space<hbm>>
      tpu.wait_dma2 semaphore(%arg10 : memref<!tpu.dma_semaphore, #tpu.memory_space<semaphore_mem>>) src(%dma_wait3A_76 : memref<4x128xi32, #tpu.memory_space<hbm>>) dst(%arg7 : memref<4x128xi32, #tpu.memory_space<vmem>>)
      %gt3A_77 = arith.constant 0 : i32
      %gt3A_78 = arith.cmpi sgt, %add3A_69, %gt3A_77 : i32
      %convert_element_type3A_79 = arith.extui %gt3A_78 : i1 to i32
      %cond3A_80 = arith.constant 0 : i32
      %cond3A_81 = arith.cmpi ne, %convert_element_type3A_79, %cond3A_80 : i32
      scf.if %cond3A_81 {
        tpu.wait_dma2 semaphore(%arg11 : memref<!tpu.dma_semaphore, #tpu.memory_space<semaphore_mem>>) src(%arg3 : memref<128xf32, #tpu.memory_space<hbm>>) dst(%arg8 : memref<128xf32, #tpu.memory_space<vmem>>)
        tpu.wait_dma2 semaphore(%arg11 : memref<!tpu.dma_semaphore, #tpu.memory_space<semaphore_mem>>) src(%arg3 : memref<128xf32, #tpu.memory_space<hbm>>) dst(%arg8 : memref<128xf32, #tpu.memory_space<vmem>>)
        tpu.wait_dma2 semaphore(%arg11 : memref<!tpu.dma_semaphore, #tpu.memory_space<semaphore_mem>>) src(%arg3 : memref<128xf32, #tpu.memory_space<hbm>>) dst(%arg8 : memref<128xf32, #tpu.memory_space<vmem>>)
        tpu.wait_dma2 semaphore(%arg11 : memref<!tpu.dma_semaphore, #tpu.memory_space<semaphore_mem>>) src(%arg3 : memref<128xf32, #tpu.memory_space<hbm>>) dst(%arg8 : memref<128xf32, #tpu.memory_space<vmem>>)
      } else {
      }
      %add3A_82 = arith.constant 1 : i32
      %add3A_83 = arith.addi %add3A_69, %add3A_82 : i32
      %lt3A_84 = arith.constant 198 : i32
      %lt3A_85 = arith.cmpi slt, %add3A_83, %lt3A_84 : i32
      %convert_element_type3A_86 = arith.extui %lt3A_85 : i1 to i32
      %cond3A_87 = arith.constant 0 : i32
      %cond3A_88 = arith.cmpi ne, %convert_element_type3A_86, %cond3A_87 : i32
      scf.if %cond3A_88 {
        %add3A_113 = arith.constant 1 : i32
        %add3A_114 = arith.addi %add3A_69, %add3A_113 : i32
        %mul3A_115 = arith.constant 4 : i32
        %mul3A_116 = arith.muli %add3A_114, %mul3A_115 : i32
        %add3A_117 = arith.addi %mul3A_4, %mul3A_116 : i32
        %dma_start3A_118 = arith.constant 0 : i32
        %dma_start3A_119 = tpu.memref_slice %arg2[%add3A_117, %dma_start3A_118] : memref<25344x128xi32, #tpu.memory_space<hbm>> -> memref<4x128xi32, #tpu.memory_space<hbm>>
        %dma_start3A_120 = arith.constant 0 : i32
        %dma_start3A_121 = tpu.memref_slice %arg2[%add3A_117, %dma_start3A_120] : memref<25344x128xi32, #tpu.memory_space<hbm>> -> memref<4x128xi32, #tpu.memory_space<hbm>>
        tpu.enqueue_dma source(%dma_start3A_121 : memref<4x128xi32, #tpu.memory_space<hbm>>) target(%arg6 : memref<4x128xi32, #tpu.memory_space<vmem>>) target_semaphore(%arg10 : memref<!tpu.dma_semaphore, #tpu.memory_space<semaphore_mem>>)
      } else {
      }
      %dma_start3A_89 = arith.constant 0 : i32
      %dma_start3A_90 = arith.constant 0 : i32
      %dma_start3A_91 = tpu.memref_slice %arg7[%dma_start3A_89, %dma_start3A_90] : memref<4x128xi32, #tpu.memory_space<vmem>> -> memref<1x128xi32, #tpu.memory_space<vmem>>
      %dma_start3A_92 = tpu.memref_squeeze %dma_start3A_91 : memref<1x128xi32, #tpu.memory_space<vmem>> -> memref<128xi32, #tpu.memory_space<vmem>>
      %dma_start3A_93 = arith.constant 0 : i32
      %dma_start3A_94 = tpu.memref_slice %arg9[%dma_start3A_93] : memref<131072xf32, #tpu.memory_space<vmem_shared>> -> memref<131072xf32, #tpu.memory_space<vmem_shared>>
      tpu.enqueue_indirect_dma source(%arg8 : memref<128xf32, #tpu.memory_space<vmem>>) target(%dma_start3A_94 : memref<131072xf32, #tpu.memory_space<vmem_shared>>) offsets(%dma_start3A_92 : memref<128xi32, #tpu.memory_space<vmem>>) semaphore(%arg11 : memref<!tpu.dma_semaphore, #tpu.memory_space<semaphore_mem>>) {add = true}
      %dma_start3A_95 = arith.constant 1 : i32
      %dma_start3A_96 = arith.constant 0 : i32
      %dma_start3A_97 = tpu.memref_slice %arg7[%dma_start3A_95, %dma_start3A_96] : memref<4x128xi32, #tpu.memory_space<vmem>> -> memref<1x128xi32, #tpu.memory_space<vmem>>
      %dma_start3A_98 = tpu.memref_squeeze %dma_start3A_97 : memref<1x128xi32, #tpu.memory_space<vmem>> -> memref<128xi32, #tpu.memory_space<vmem>>
      %dma_start3A_99 = arith.constant 0 : i32
      %dma_start3A_100 = tpu.memref_slice %arg9[%dma_start3A_99] : memref<131072xf32, #tpu.memory_space<vmem_shared>> -> memref<131072xf32, #tpu.memory_space<vmem_shared>>
      tpu.enqueue_indirect_dma source(%arg8 : memref<128xf32, #tpu.memory_space<vmem>>) target(%dma_start3A_100 : memref<131072xf32, #tpu.memory_space<vmem_shared>>) offsets(%dma_start3A_98 : memref<128xi32, #tpu.memory_space<vmem>>) semaphore(%arg11 : memref<!tpu.dma_semaphore, #tpu.memory_space<semaphore_mem>>) {add = true}
      %dma_start3A_101 = arith.constant 2 : i32
      %dma_start3A_102 = arith.constant 0 : i32
      %dma_start3A_103 = tpu.memref_slice %arg7[%dma_start3A_101, %dma_start3A_102] : memref<4x128xi32, #tpu.memory_space<vmem>> -> memref<1x128xi32, #tpu.memory_space<vmem>>
      %dma_start3A_104 = tpu.memref_squeeze %dma_start3A_103 : memref<1x128xi32, #tpu.memory_space<vmem>> -> memref<128xi32, #tpu.memory_space<vmem>>
      %dma_start3A_105 = arith.constant 0 : i32
      %dma_start3A_106 = tpu.memref_slice %arg9[%dma_start3A_105] : memref<131072xf32, #tpu.memory_space<vmem_shared>> -> memref<131072xf32, #tpu.memory_space<vmem_shared>>
      tpu.enqueue_indirect_dma source(%arg8 : memref<128xf32, #tpu.memory_space<vmem>>) target(%dma_start3A_106 : memref<131072xf32, #tpu.memory_space<vmem_shared>>) offsets(%dma_start3A_104 : memref<128xi32, #tpu.memory_space<vmem>>) semaphore(%arg11 : memref<!tpu.dma_semaphore, #tpu.memory_space<semaphore_mem>>) {add = true}
      %dma_start3A_107 = arith.constant 3 : i32
      %dma_start3A_108 = arith.constant 0 : i32
      %dma_start3A_109 = tpu.memref_slice %arg7[%dma_start3A_107, %dma_start3A_108] : memref<4x128xi32, #tpu.memory_space<vmem>> -> memref<1x128xi32, #tpu.memory_space<vmem>>
      %dma_start3A_110 = tpu.memref_squeeze %dma_start3A_109 : memref<1x128xi32, #tpu.memory_space<vmem>> -> memref<128xi32, #tpu.memory_space<vmem>>
      %dma_start3A_111 = arith.constant 0 : i32
      %dma_start3A_112 = tpu.memref_slice %arg9[%dma_start3A_111] : memref<131072xf32, #tpu.memory_space<vmem_shared>> -> memref<131072xf32, #tpu.memory_space<vmem_shared>>
      tpu.enqueue_indirect_dma source(%arg8 : memref<128xf32, #tpu.memory_space<vmem>>) target(%dma_start3A_112 : memref<131072xf32, #tpu.memory_space<vmem_shared>>) offsets(%dma_start3A_110 : memref<128xi32, #tpu.memory_space<vmem>>) semaphore(%arg11 : memref<!tpu.dma_semaphore, #tpu.memory_space<semaphore_mem>>) {add = true}
    }
    %scan3A_14 = arith.constant 99 : i32
    tpu.wait_dma2 semaphore(%arg11 : memref<!tpu.dma_semaphore, #tpu.memory_space<semaphore_mem>>) src(%arg3 : memref<128xf32, #tpu.memory_space<hbm>>) dst(%arg8 : memref<128xf32, #tpu.memory_space<vmem>>)
    tpu.wait_dma2 semaphore(%arg11 : memref<!tpu.dma_semaphore, #tpu.memory_space<semaphore_mem>>) src(%arg3 : memref<128xf32, #tpu.memory_space<hbm>>) dst(%arg8 : memref<128xf32, #tpu.memory_space<vmem>>)
    tpu.wait_dma2 semaphore(%arg11 : memref<!tpu.dma_semaphore, #tpu.memory_space<semaphore_mem>>) src(%arg3 : memref<128xf32, #tpu.memory_space<hbm>>) dst(%arg8 : memref<128xf32, #tpu.memory_space<vmem>>)
    tpu.wait_dma2 semaphore(%arg11 : memref<!tpu.dma_semaphore, #tpu.memory_space<semaphore_mem>>) src(%arg3 : memref<128xf32, #tpu.memory_space<hbm>>) dst(%arg8 : memref<128xf32, #tpu.memory_space<vmem>>)
    %barrier3A_15 = arith.constant 0 : index
    tpu.barrier barrier_id(%barrier3A_15)
    %mul3A_16 = arith.constant 8192 : i32
    %mul3A_17 = arith.muli %arg1, %mul3A_16 : i32
    %mul3A_18 = arith.constant 131072 : i32
    %mul3A_19 = arith.muli %arg0, %mul3A_18 : i32
    %mul3A_20 = arith.constant 8192 : i32
    %mul3A_21 = arith.muli %arg1, %mul3A_20 : i32
    %add3A_22 = arith.addi %mul3A_19, %mul3A_21 : i32
    "tpu.region"() ({
      %run_scoped3A = tpu.sem_alloc : memref<!tpu.dma_semaphore, #tpu.memory_space<semaphore_mem>>
      %dma_start3A_23 = tpu.memref_slice %arg5[%add3A_22] : memref<262144xf32, #tpu.memory_space<hbm>> -> memref<8192xf32, #tpu.memory_space<hbm>>
      %dma_start3A_24 = tpu.memref_slice %arg9[%mul3A_17] : memref<131072xf32, #tpu.memory_space<vmem_shared>> -> memref<8192xf32, #tpu.memory_space<vmem_shared>>
      tpu.enqueue_dma source(%dma_start3A_24 : memref<8192xf32, #tpu.memory_space<vmem_shared>>) target(%dma_start3A_23 : memref<8192xf32, #tpu.memory_space<hbm>>) target_semaphore(%run_scoped3A : memref<!tpu.dma_semaphore, #tpu.memory_space<semaphore_mem>>)
      %dma_wait3A = tpu.memref_slice %arg5[%add3A_22] : memref<262144xf32, #tpu.memory_space<hbm>> -> memref<8192xf32, #tpu.memory_space<hbm>>
      %dma_wait3A_25 = tpu.memref_slice %arg9[%mul3A_17] : memref<131072xf32, #tpu.memory_space<vmem_shared>> -> memref<8192xf32, #tpu.memory_space<vmem_shared>>
      tpu.wait_dma2 semaphore(%run_scoped3A : memref<!tpu.dma_semaphore, #tpu.memory_space<semaphore_mem>>) src(%dma_wait3A_25 : memref<8192xf32, #tpu.memory_space<vmem_shared>>) dst(%dma_wait3A : memref<8192xf32, #tpu.memory_space<hbm>>)
      tpu.yield
    }) : () -> ()
    return
  }
}

#map = affine_map<(d0, d1) -> (0, 0)>
#map1 = affine_map<(d0, d1) -> (0, 0, 0)>
module attributes {stable_mosaic.version = 14 : i64} {
  func.func @prop(%arg0: i32, %arg1: i32, %arg2: memref<25344x128xi32, #tpu.memory_space<hbm>>, %arg3: memref<25344x128xi32, #tpu.memory_space<hbm>>, %arg4: memref<100000x16xf32, #tpu.memory_space<hbm>>, %arg5: memref<100000x16xf32, #tpu.memory_space<hbm>>, %arg6: memref<1568x16xf32, #tpu.memory_space<hbm>>, %arg7: memref<2x100000x16xf32, #tpu.memory_space<hbm>>, %arg8: memref<4x128xi32, #tpu.memory_space<vmem>>, %arg9: memref<4x128xi32, #tpu.memory_space<vmem>>, %arg10: memref<4x128xi32, #tpu.memory_space<vmem>>, %arg11: memref<4x128xi32, #tpu.memory_space<vmem>>, %arg12: memref<4x128xi32, #tpu.memory_space<vmem>>, %arg13: memref<4x128xi32, #tpu.memory_space<vmem>>, %arg14: memref<4x128x16xf32, #tpu.memory_space<vmem>>, %arg15: memref<4x128x16xf32, #tpu.memory_space<vmem>>, %arg16: memref<4x128x16xf32, #tpu.memory_space<vmem>>, %arg17: memref<100096x16xf32, #tpu.memory_space<vmem_shared>>, %arg18: memref<!tpu.dma_semaphore, #tpu.memory_space<semaphore_mem>>, %arg19: memref<!tpu.dma_semaphore, #tpu.memory_space<semaphore_mem>>, %arg20: memref<!tpu.dma_semaphore, #tpu.memory_space<semaphore_mem>>, %arg21: memref<!tpu.dma_semaphore, #tpu.memory_space<semaphore_mem>>, %arg22: memref<!tpu.dma_semaphore, #tpu.memory_space<semaphore_mem>>) attributes {dimension_semantics = [#tpu.dimension_semantics<core_parallel>, #tpu.dimension_semantics<subcore_parallel>], iteration_bounds = array<i64: 2, 16>, scalar_prefetch = 0 : i64, scratch_operands = 15 : i64, tpu.core_type = #tpu.core_type<sc_vector_subcore>, window_params = [{transform_indices = #map}, {transform_indices = #map}, {transform_indices = #map}, {transform_indices = #map}, {transform_indices = #map}, {transform_indices = #map1}]} {
    %mul3A = arith.constant 6256 : i32
    %mul3A_0 = arith.muli %arg1, %mul3A : i32
    %add3A = arith.constant 0 : i32
    %add3A_1 = arith.addi %mul3A_0, %add3A : i32
    "tpu.region"() ({
      %run_scoped3A = tpu.sem_alloc : memref<!tpu.dma_semaphore, #tpu.memory_space<semaphore_mem>>
      %dma_start3A_167 = arith.constant 0 : i32
      %dma_start3A_168 = tpu.memref_slice %arg17[%add3A_1, %dma_start3A_167] : memref<100096x16xf32, #tpu.memory_space<vmem_shared>> -> memref<1568x16xf32, #tpu.memory_space<vmem_shared>>
      tpu.enqueue_dma source(%arg6 : memref<1568x16xf32, #tpu.memory_space<hbm>>) target(%dma_start3A_168 : memref<1568x16xf32, #tpu.memory_space<vmem_shared>>) target_semaphore(%run_scoped3A : memref<!tpu.dma_semaphore, #tpu.memory_space<semaphore_mem>>)
      %dma_wait3A_169 = arith.constant 0 : i32
      %dma_wait3A_170 = tpu.memref_slice %arg17[%add3A_1, %dma_wait3A_169] : memref<100096x16xf32, #tpu.memory_space<vmem_shared>> -> memref<1568x16xf32, #tpu.memory_space<vmem_shared>>
      tpu.wait_dma2 semaphore(%run_scoped3A : memref<!tpu.dma_semaphore, #tpu.memory_space<semaphore_mem>>) src(%arg6 : memref<1568x16xf32, #tpu.memory_space<hbm>>) dst(%dma_wait3A_170 : memref<1568x16xf32, #tpu.memory_space<vmem_shared>>)
      tpu.yield
    }) : () -> ()
    %mul3A_2 = arith.constant 6256 : i32
    %mul3A_3 = arith.muli %arg1, %mul3A_2 : i32
    %add3A_4 = arith.constant 1568 : i32
    %add3A_5 = arith.addi %mul3A_3, %add3A_4 : i32
    "tpu.region"() ({
      %run_scoped3A = tpu.sem_alloc : memref<!tpu.dma_semaphore, #tpu.memory_space<semaphore_mem>>
      %dma_start3A_167 = arith.constant 0 : i32
      %dma_start3A_168 = tpu.memref_slice %arg17[%add3A_5, %dma_start3A_167] : memref<100096x16xf32, #tpu.memory_space<vmem_shared>> -> memref<1568x16xf32, #tpu.memory_space<vmem_shared>>
      tpu.enqueue_dma source(%arg6 : memref<1568x16xf32, #tpu.memory_space<hbm>>) target(%dma_start3A_168 : memref<1568x16xf32, #tpu.memory_space<vmem_shared>>) target_semaphore(%run_scoped3A : memref<!tpu.dma_semaphore, #tpu.memory_space<semaphore_mem>>)
      %dma_wait3A_169 = arith.constant 0 : i32
      %dma_wait3A_170 = tpu.memref_slice %arg17[%add3A_5, %dma_wait3A_169] : memref<100096x16xf32, #tpu.memory_space<vmem_shared>> -> memref<1568x16xf32, #tpu.memory_space<vmem_shared>>
      tpu.wait_dma2 semaphore(%run_scoped3A : memref<!tpu.dma_semaphore, #tpu.memory_space<semaphore_mem>>) src(%arg6 : memref<1568x16xf32, #tpu.memory_space<hbm>>) dst(%dma_wait3A_170 : memref<1568x16xf32, #tpu.memory_space<vmem_shared>>)
      tpu.yield
    }) : () -> ()
    %mul3A_6 = arith.constant 6256 : i32
    %mul3A_7 = arith.muli %arg1, %mul3A_6 : i32
    %add3A_8 = arith.constant 3136 : i32
    %add3A_9 = arith.addi %mul3A_7, %add3A_8 : i32
    "tpu.region"() ({
      %run_scoped3A = tpu.sem_alloc : memref<!tpu.dma_semaphore, #tpu.memory_space<semaphore_mem>>
      %dma_start3A_167 = arith.constant 0 : i32
      %dma_start3A_168 = tpu.memref_slice %arg17[%add3A_9, %dma_start3A_167] : memref<100096x16xf32, #tpu.memory_space<vmem_shared>> -> memref<1568x16xf32, #tpu.memory_space<vmem_shared>>
      tpu.enqueue_dma source(%arg6 : memref<1568x16xf32, #tpu.memory_space<hbm>>) target(%dma_start3A_168 : memref<1568x16xf32, #tpu.memory_space<vmem_shared>>) target_semaphore(%run_scoped3A : memref<!tpu.dma_semaphore, #tpu.memory_space<semaphore_mem>>)
      %dma_wait3A_169 = arith.constant 0 : i32
      %dma_wait3A_170 = tpu.memref_slice %arg17[%add3A_9, %dma_wait3A_169] : memref<100096x16xf32, #tpu.memory_space<vmem_shared>> -> memref<1568x16xf32, #tpu.memory_space<vmem_shared>>
      tpu.wait_dma2 semaphore(%run_scoped3A : memref<!tpu.dma_semaphore, #tpu.memory_space<semaphore_mem>>) src(%arg6 : memref<1568x16xf32, #tpu.memory_space<hbm>>) dst(%dma_wait3A_170 : memref<1568x16xf32, #tpu.memory_space<vmem_shared>>)
      tpu.yield
    }) : () -> ()
    %mul3A_10 = arith.constant 6256 : i32
    %mul3A_11 = arith.muli %arg1, %mul3A_10 : i32
    %add3A_12 = arith.constant 4704 : i32
    %add3A_13 = arith.addi %mul3A_11, %add3A_12 : i32
    "tpu.region"() ({
      %run_scoped3A = tpu.sem_alloc : memref<!tpu.dma_semaphore, #tpu.memory_space<semaphore_mem>>
      %dma_start3A_167 = arith.constant 0 : i32
      %dma_start3A_168 = tpu.memref_slice %arg17[%add3A_13, %dma_start3A_167] : memref<100096x16xf32, #tpu.memory_space<vmem_shared>> -> memref<1552x16xf32, #tpu.memory_space<vmem_shared>>
      %dma_start3A_169 = arith.constant 0 : i32
      %dma_start3A_170 = arith.constant 0 : i32
      %dma_start3A_171 = tpu.memref_slice %arg6[%dma_start3A_169, %dma_start3A_170] : memref<1568x16xf32, #tpu.memory_space<hbm>> -> memref<1552x16xf32, #tpu.memory_space<hbm>>
      tpu.enqueue_dma source(%dma_start3A_171 : memref<1552x16xf32, #tpu.memory_space<hbm>>) target(%dma_start3A_168 : memref<1552x16xf32, #tpu.memory_space<vmem_shared>>) target_semaphore(%run_scoped3A : memref<!tpu.dma_semaphore, #tpu.memory_space<semaphore_mem>>)
      %dma_wait3A_172 = arith.constant 0 : i32
      %dma_wait3A_173 = tpu.memref_slice %arg17[%add3A_13, %dma_wait3A_172] : memref<100096x16xf32, #tpu.memory_space<vmem_shared>> -> memref<1552x16xf32, #tpu.memory_space<vmem_shared>>
      %dma_wait3A_174 = arith.constant 0 : i32
      %dma_wait3A_175 = arith.constant 0 : i32
      %dma_wait3A_176 = tpu.memref_slice %arg6[%dma_wait3A_174, %dma_wait3A_175] : memref<1568x16xf32, #tpu.memory_space<hbm>> -> memref<1552x16xf32, #tpu.memory_space<hbm>>
      tpu.wait_dma2 semaphore(%run_scoped3A : memref<!tpu.dma_semaphore, #tpu.memory_space<semaphore_mem>>) src(%dma_wait3A_176 : memref<1552x16xf32, #tpu.memory_space<hbm>>) dst(%dma_wait3A_173 : memref<1552x16xf32, #tpu.memory_space<vmem_shared>>)
      tpu.yield
    }) : () -> ()
    %barrier3A = arith.constant 0 : index
    tpu.barrier barrier_id(%barrier3A)
    %mul3A_14 = arith.constant 16 : i32
    %mul3A_15 = arith.muli %arg0, %mul3A_14 : i32
    %add3A_16 = arith.addi %mul3A_15, %arg1 : i32
    %mul3A_17 = arith.constant 792 : i32
    %mul3A_18 = arith.muli %add3A_16, %mul3A_17 : i32
    %add3A_19 = arith.constant 0 : i32
    %add3A_20 = arith.addi %mul3A_18, %add3A_19 : i32
    %dma_start3A = arith.constant 0 : i32
    %dma_start3A_21 = tpu.memref_slice %arg2[%add3A_20, %dma_start3A] : memref<25344x128xi32, #tpu.memory_space<hbm>> -> memref<4x128xi32, #tpu.memory_space<hbm>>
    %dma_start3A_22 = arith.constant 0 : i32
    %dma_start3A_23 = tpu.memref_slice %arg2[%add3A_20, %dma_start3A_22] : memref<25344x128xi32, #tpu.memory_space<hbm>> -> memref<4x128xi32, #tpu.memory_space<hbm>>
    tpu.enqueue_dma source(%dma_start3A_23 : memref<4x128xi32, #tpu.memory_space<hbm>>) target(%arg8 : memref<4x128xi32, #tpu.memory_space<vmem>>) target_semaphore(%arg18 : memref<!tpu.dma_semaphore, #tpu.memory_space<semaphore_mem>>)
    %dma_start3A_24 = arith.constant 0 : i32
    %dma_start3A_25 = tpu.memref_slice %arg3[%add3A_20, %dma_start3A_24] : memref<25344x128xi32, #tpu.memory_space<hbm>> -> memref<4x128xi32, #tpu.memory_space<hbm>>
    %dma_start3A_26 = arith.constant 0 : i32
    %dma_start3A_27 = tpu.memref_slice %arg3[%add3A_20, %dma_start3A_26] : memref<25344x128xi32, #tpu.memory_space<hbm>> -> memref<4x128xi32, #tpu.memory_space<hbm>>
    tpu.enqueue_dma source(%dma_start3A_27 : memref<4x128xi32, #tpu.memory_space<hbm>>) target(%arg11 : memref<4x128xi32, #tpu.memory_space<vmem>>) target_semaphore(%arg18 : memref<!tpu.dma_semaphore, #tpu.memory_space<semaphore_mem>>)
    %add3A_28 = arith.constant 4 : i32
    %add3A_29 = arith.addi %mul3A_18, %add3A_28 : i32
    %dma_start3A_30 = arith.constant 0 : i32
    %dma_start3A_31 = tpu.memref_slice %arg2[%add3A_29, %dma_start3A_30] : memref<25344x128xi32, #tpu.memory_space<hbm>> -> memref<4x128xi32, #tpu.memory_space<hbm>>
    %dma_start3A_32 = arith.constant 0 : i32
    %dma_start3A_33 = tpu.memref_slice %arg2[%add3A_29, %dma_start3A_32] : memref<25344x128xi32, #tpu.memory_space<hbm>> -> memref<4x128xi32, #tpu.memory_space<hbm>>
    tpu.enqueue_dma source(%dma_start3A_33 : memref<4x128xi32, #tpu.memory_space<hbm>>) target(%arg9 : memref<4x128xi32, #tpu.memory_space<vmem>>) target_semaphore(%arg18 : memref<!tpu.dma_semaphore, #tpu.memory_space<semaphore_mem>>)
    %dma_start3A_34 = arith.constant 0 : i32
    %dma_start3A_35 = tpu.memref_slice %arg3[%add3A_29, %dma_start3A_34] : memref<25344x128xi32, #tpu.memory_space<hbm>> -> memref<4x128xi32, #tpu.memory_space<hbm>>
    %dma_start3A_36 = arith.constant 0 : i32
    %dma_start3A_37 = tpu.memref_slice %arg3[%add3A_29, %dma_start3A_36] : memref<25344x128xi32, #tpu.memory_space<hbm>> -> memref<4x128xi32, #tpu.memory_space<hbm>>
    tpu.enqueue_dma source(%dma_start3A_37 : memref<4x128xi32, #tpu.memory_space<hbm>>) target(%arg12 : memref<4x128xi32, #tpu.memory_space<vmem>>) target_semaphore(%arg18 : memref<!tpu.dma_semaphore, #tpu.memory_space<semaphore_mem>>)
    %add3A_38 = arith.constant 0 : i32
    %add3A_39 = arith.addi %mul3A_18, %add3A_38 : i32
    %dma_wait3A = arith.constant 0 : i32
    %dma_wait3A_40 = tpu.memref_slice %arg2[%add3A_39, %dma_wait3A] : memref<25344x128xi32, #tpu.memory_space<hbm>> -> memref<4x128xi32, #tpu.memory_space<hbm>>
    %dma_wait3A_41 = arith.constant 0 : i32
    %dma_wait3A_42 = tpu.memref_slice %arg2[%add3A_39, %dma_wait3A_41] : memref<25344x128xi32, #tpu.memory_space<hbm>> -> memref<4x128xi32, #tpu.memory_space<hbm>>
    tpu.wait_dma2 semaphore(%arg18 : memref<!tpu.dma_semaphore, #tpu.memory_space<semaphore_mem>>) src(%dma_wait3A_42 : memref<4x128xi32, #tpu.memory_space<hbm>>) dst(%arg8 : memref<4x128xi32, #tpu.memory_space<vmem>>)
    %dma_wait3A_43 = arith.constant 0 : i32
    %dma_wait3A_44 = tpu.memref_slice %arg3[%add3A_39, %dma_wait3A_43] : memref<25344x128xi32, #tpu.memory_space<hbm>> -> memref<4x128xi32, #tpu.memory_space<hbm>>
    %dma_wait3A_45 = arith.constant 0 : i32
    %dma_wait3A_46 = tpu.memref_slice %arg3[%add3A_39, %dma_wait3A_45] : memref<25344x128xi32, #tpu.memory_space<hbm>> -> memref<4x128xi32, #tpu.memory_space<hbm>>
    tpu.wait_dma2 semaphore(%arg18 : memref<!tpu.dma_semaphore, #tpu.memory_space<semaphore_mem>>) src(%dma_wait3A_46 : memref<4x128xi32, #tpu.memory_space<hbm>>) dst(%arg11 : memref<4x128xi32, #tpu.memory_space<vmem>>)
    %dma_start3A_47 = arith.constant 0 : i32
    %dma_start3A_48 = arith.constant 0 : i32
    %dma_start3A_49 = arith.constant 0 : i32
    %dma_start3A_50 = arith.constant 0 : i32
    %dma_start3A_51 = tpu.memref_slice %arg14[%dma_start3A_48, %dma_start3A_49, %dma_start3A_50] : memref<4x128x16xf32, #tpu.memory_space<vmem>> -> memref<1x128x16xf32, #tpu.memory_space<vmem>>
    %dma_start3A_52 = tpu.memref_squeeze %dma_start3A_51 : memref<1x128x16xf32, #tpu.memory_space<vmem>> -> memref<128x16xf32, #tpu.memory_space<vmem>>
    %dma_start3A_53 = arith.constant 0 : i32
    %dma_start3A_54 = tpu.memref_slice %arg8[%dma_start3A_47, %dma_start3A_53] : memref<4x128xi32, #tpu.memory_space<vmem>> -> memref<1x128xi32, #tpu.memory_space<vmem>>
    %dma_start3A_55 = tpu.memref_squeeze %dma_start3A_54 : memref<1x128xi32, #tpu.memory_space<vmem>> -> memref<128xi32, #tpu.memory_space<vmem>>
    %dma_start3A_56 = arith.constant 0 : i32
    %dma_start3A_57 = arith.constant 0 : i32
    %dma_start3A_58 = tpu.memref_slice %arg4[%dma_start3A_56, %dma_start3A_57] : memref<100000x16xf32, #tpu.memory_space<hbm>> -> memref<100000x16xf32, #tpu.memory_space<hbm>>
    tpu.enqueue_indirect_dma source(%dma_start3A_58 : memref<100000x16xf32, #tpu.memory_space<hbm>>) target(%dma_start3A_52 : memref<128x16xf32, #tpu.memory_space<vmem>>) offsets(%dma_start3A_55 : memref<128xi32, #tpu.memory_space<vmem>>) semaphore(%arg19 : memref<!tpu.dma_semaphore, #tpu.memory_space<semaphore_mem>>)
    %dma_start3A_59 = arith.constant 1 : i32
    %dma_start3A_60 = arith.constant 1 : i32
    %dma_start3A_61 = arith.constant 0 : i32
    %dma_start3A_62 = arith.constant 0 : i32
    %dma_start3A_63 = tpu.memref_slice %arg14[%dma_start3A_60, %dma_start3A_61, %dma_start3A_62] : memref<4x128x16xf32, #tpu.memory_space<vmem>> -> memref<1x128x16xf32, #tpu.memory_space<vmem>>
    %dma_start3A_64 = tpu.memref_squeeze %dma_start3A_63 : memref<1x128x16xf32, #tpu.memory_space<vmem>> -> memref<128x16xf32, #tpu.memory_space<vmem>>
    %dma_start3A_65 = arith.constant 0 : i32
    %dma_start3A_66 = tpu.memref_slice %arg8[%dma_start3A_59, %dma_start3A_65] : memref<4x128xi32, #tpu.memory_space<vmem>> -> memref<1x128xi32, #tpu.memory_space<vmem>>
    %dma_start3A_67 = tpu.memref_squeeze %dma_start3A_66 : memref<1x128xi32, #tpu.memory_space<vmem>> -> memref<128xi32, #tpu.memory_space<vmem>>
    %dma_start3A_68 = arith.constant 0 : i32
    %dma_start3A_69 = arith.constant 0 : i32
    %dma_start3A_70 = tpu.memref_slice %arg4[%dma_start3A_68, %dma_start3A_69] : memref<100000x16xf32, #tpu.memory_space<hbm>> -> memref<100000x16xf32, #tpu.memory_space<hbm>>
    tpu.enqueue_indirect_dma source(%dma_start3A_70 : memref<100000x16xf32, #tpu.memory_space<hbm>>) target(%dma_start3A_64 : memref<128x16xf32, #tpu.memory_space<vmem>>) offsets(%dma_start3A_67 : memref<128xi32, #tpu.memory_space<vmem>>) semaphore(%arg19 : memref<!tpu.dma_semaphore, #tpu.memory_space<semaphore_mem>>)
    %dma_start3A_71 = arith.constant 2 : i32
    %dma_start3A_72 = arith.constant 2 : i32
    %dma_start3A_73 = arith.constant 0 : i32
    %dma_start3A_74 = arith.constant 0 : i32
    %dma_start3A_75 = tpu.memref_slice %arg14[%dma_start3A_72, %dma_start3A_73, %dma_start3A_74] : memref<4x128x16xf32, #tpu.memory_space<vmem>> -> memref<1x128x16xf32, #tpu.memory_space<vmem>>
    %dma_start3A_76 = tpu.memref_squeeze %dma_start3A_75 : memref<1x128x16xf32, #tpu.memory_space<vmem>> -> memref<128x16xf32, #tpu.memory_space<vmem>>
    %dma_start3A_77 = arith.constant 0 : i32
    %dma_start3A_78 = tpu.memref_slice %arg8[%dma_start3A_71, %dma_start3A_77] : memref<4x128xi32, #tpu.memory_space<vmem>> -> memref<1x128xi32, #tpu.memory_space<vmem>>
    %dma_start3A_79 = tpu.memref_squeeze %dma_start3A_78 : memref<1x128xi32, #tpu.memory_space<vmem>> -> memref<128xi32, #tpu.memory_space<vmem>>
    %dma_start3A_80 = arith.constant 0 : i32
    %dma_start3A_81 = arith.constant 0 : i32
    %dma_start3A_82 = tpu.memref_slice %arg4[%dma_start3A_80, %dma_start3A_81] : memref<100000x16xf32, #tpu.memory_space<hbm>> -> memref<100000x16xf32, #tpu.memory_space<hbm>>
    tpu.enqueue_indirect_dma source(%dma_start3A_82 : memref<100000x16xf32, #tpu.memory_space<hbm>>) target(%dma_start3A_76 : memref<128x16xf32, #tpu.memory_space<vmem>>) offsets(%dma_start3A_79 : memref<128xi32, #tpu.memory_space<vmem>>) semaphore(%arg19 : memref<!tpu.dma_semaphore, #tpu.memory_space<semaphore_mem>>)
    %dma_start3A_83 = arith.constant 3 : i32
    %dma_start3A_84 = arith.constant 3 : i32
    %dma_start3A_85 = arith.constant 0 : i32
    %dma_start3A_86 = arith.constant 0 : i32
    %dma_start3A_87 = tpu.memref_slice %arg14[%dma_start3A_84, %dma_start3A_85, %dma_start3A_86] : memref<4x128x16xf32, #tpu.memory_space<vmem>> -> memref<1x128x16xf32, #tpu.memory_space<vmem>>
    %dma_start3A_88 = tpu.memref_squeeze %dma_start3A_87 : memref<1x128x16xf32, #tpu.memory_space<vmem>> -> memref<128x16xf32, #tpu.memory_space<vmem>>
    %dma_start3A_89 = arith.constant 0 : i32
    %dma_start3A_90 = tpu.memref_slice %arg8[%dma_start3A_83, %dma_start3A_89] : memref<4x128xi32, #tpu.memory_space<vmem>> -> memref<1x128xi32, #tpu.memory_space<vmem>>
    %dma_start3A_91 = tpu.memref_squeeze %dma_start3A_90 : memref<1x128xi32, #tpu.memory_space<vmem>> -> memref<128xi32, #tpu.memory_space<vmem>>
    %dma_start3A_92 = arith.constant 0 : i32
    %dma_start3A_93 = arith.constant 0 : i32
    %dma_start3A_94 = tpu.memref_slice %arg4[%dma_start3A_92, %dma_start3A_93] : memref<100000x16xf32, #tpu.memory_space<hbm>> -> memref<100000x16xf32, #tpu.memory_space<hbm>>
    tpu.enqueue_indirect_dma source(%dma_start3A_94 : memref<100000x16xf32, #tpu.memory_space<hbm>>) target(%dma_start3A_88 : memref<128x16xf32, #tpu.memory_space<vmem>>) offsets(%dma_start3A_91 : memref<128xi32, #tpu.memory_space<vmem>>) semaphore(%arg19 : memref<!tpu.dma_semaphore, #tpu.memory_space<semaphore_mem>>)
    %scan3A = arith.constant 0 : i32
    %scan3A_95 = arith.constant 0 : i32
    %scan3A_96 = arith.constant 66 : i32
    %scan3A_97 = arith.addi %scan3A_95, %scan3A_96 : i32
    %scan3A_98 = arith.constant 1 : i32
    scf.for %scan3A_167 = %scan3A_95 to %scan3A_97 step %scan3A_98  : i32 {
      %mul3A_168 = arith.constant 3 : i32
      %mul3A_169 = arith.muli %scan3A_167, %mul3A_168 : i32
      %add3A_170 = arith.constant 0 : i32
      %add3A_171 = arith.addi %mul3A_169, %add3A_170 : i32
      %add3A_172 = arith.constant 1 : i32
      %add3A_173 = arith.addi %add3A_171, %add3A_172 : i32
      %lt3A_174 = arith.constant 198 : i32
      %lt3A_175 = arith.cmpi slt, %add3A_173, %lt3A_174 : i32
      %convert_element_type3A_176 = arith.extui %lt3A_175 : i1 to i32
      %cond3A_177 = arith.constant 0 : i32
      %cond3A_178 = arith.cmpi ne, %convert_element_type3A_176, %cond3A_177 : i32
      scf.if %cond3A_178 {
        %add3A_581 = arith.constant 1 : i32
        %add3A_582 = arith.addi %add3A_171, %add3A_581 : i32
        %mul3A_583 = arith.constant 4 : i32
        %mul3A_584 = arith.muli %add3A_582, %mul3A_583 : i32
        %add3A_585 = arith.addi %mul3A_18, %mul3A_584 : i32
        %dma_wait3A_586 = arith.constant 0 : i32
        %dma_wait3A_587 = tpu.memref_slice %arg2[%add3A_585, %dma_wait3A_586] : memref<25344x128xi32, #tpu.memory_space<hbm>> -> memref<4x128xi32, #tpu.memory_space<hbm>>
        %dma_wait3A_588 = arith.constant 0 : i32
        %dma_wait3A_589 = tpu.memref_slice %arg2[%add3A_585, %dma_wait3A_588] : memref<25344x128xi32, #tpu.memory_space<hbm>> -> memref<4x128xi32, #tpu.memory_space<hbm>>
        tpu.wait_dma2 semaphore(%arg18 : memref<!tpu.dma_semaphore, #tpu.memory_space<semaphore_mem>>) src(%dma_wait3A_589 : memref<4x128xi32, #tpu.memory_space<hbm>>) dst(%arg9 : memref<4x128xi32, #tpu.memory_space<vmem>>)
        %dma_wait3A_590 = arith.constant 0 : i32
        %dma_wait3A_591 = tpu.memref_slice %arg3[%add3A_585, %dma_wait3A_590] : memref<25344x128xi32, #tpu.memory_space<hbm>> -> memref<4x128xi32, #tpu.memory_space<hbm>>
        %dma_wait3A_592 = arith.constant 0 : i32
        %dma_wait3A_593 = tpu.memref_slice %arg3[%add3A_585, %dma_wait3A_592] : memref<25344x128xi32, #tpu.memory_space<hbm>> -> memref<4x128xi32, #tpu.memory_space<hbm>>
        tpu.wait_dma2 semaphore(%arg18 : memref<!tpu.dma_semaphore, #tpu.memory_space<semaphore_mem>>) src(%dma_wait3A_593 : memref<4x128xi32, #tpu.memory_space<hbm>>) dst(%arg12 : memref<4x128xi32, #tpu.memory_space<vmem>>)
      } else {
      }
      %gt3A = arith.constant 0 : i32
      %gt3A_179 = arith.cmpi sgt, %add3A_171, %gt3A : i32
      %convert_element_type3A_180 = arith.extui %gt3A_179 : i1 to i32
      %cond3A_181 = arith.constant 0 : i32
      %cond3A_182 = arith.cmpi ne, %convert_element_type3A_180, %cond3A_181 : i32
      scf.if %cond3A_182 {
        %dma_wait3A_581 = arith.constant 0 : i32
        %dma_wait3A_582 = arith.constant 0 : i32
        %dma_wait3A_583 = arith.constant 0 : i32
        %dma_wait3A_584 = tpu.memref_slice %arg16[%dma_wait3A_581, %dma_wait3A_582, %dma_wait3A_583] : memref<4x128x16xf32, #tpu.memory_space<vmem>> -> memref<1x128x16xf32, #tpu.memory_space<vmem>>
        %dma_wait3A_585 = tpu.memref_squeeze %dma_wait3A_584 : memref<1x128x16xf32, #tpu.memory_space<vmem>> -> memref<128x16xf32, #tpu.memory_space<vmem>>
        %dma_wait3A_586 = arith.constant 0 : i32
        %dma_wait3A_587 = arith.constant 0 : i32
        %dma_wait3A_588 = tpu.memref_slice %arg4[%dma_wait3A_586, %dma_wait3A_587] : memref<100000x16xf32, #tpu.memory_space<hbm>> -> memref<128x16xf32, #tpu.memory_space<hbm>>
        %dma_wait3A_589 = arith.constant 0 : i32
        %dma_wait3A_590 = arith.constant 0 : i32
        %dma_wait3A_591 = tpu.memref_slice %arg16[%dma_wait3A_581, %dma_wait3A_589, %dma_wait3A_590] : memref<4x128x16xf32, #tpu.memory_space<vmem>> -> memref<1x128x16xf32, #tpu.memory_space<vmem>>
        %dma_wait3A_592 = tpu.memref_squeeze %dma_wait3A_591 : memref<1x128x16xf32, #tpu.memory_space<vmem>> -> memref<128x16xf32, #tpu.memory_space<vmem>>
        %dma_wait3A_593 = arith.constant 0 : i32
        %dma_wait3A_594 = arith.constant 0 : i32
        %dma_wait3A_595 = tpu.memref_slice %arg4[%dma_wait3A_593, %dma_wait3A_594] : memref<100000x16xf32, #tpu.memory_space<hbm>> -> memref<128x16xf32, #tpu.memory_space<hbm>>
        tpu.wait_dma2 semaphore(%arg22 : memref<!tpu.dma_semaphore, #tpu.memory_space<semaphore_mem>>) src(%dma_wait3A_595 : memref<128x16xf32, #tpu.memory_space<hbm>>) dst(%dma_wait3A_592 : memref<128x16xf32, #tpu.memory_space<vmem>>)
        %dma_wait3A_596 = arith.constant 1 : i32
        %dma_wait3A_597 = arith.constant 0 : i32
        %dma_wait3A_598 = arith.constant 0 : i32
        %dma_wait3A_599 = tpu.memref_slice %arg16[%dma_wait3A_596, %dma_wait3A_597, %dma_wait3A_598] : memref<4x128x16xf32, #tpu.memory_space<vmem>> -> memref<1x128x16xf32, #tpu.memory_space<vmem>>
        %dma_wait3A_600 = tpu.memref_squeeze %dma_wait3A_599 : memref<1x128x16xf32, #tpu.memory_space<vmem>> -> memref<128x16xf32, #tpu.memory_space<vmem>>
        %dma_wait3A_601 = arith.constant 0 : i32
        %dma_wait3A_602 = arith.constant 0 : i32
        %dma_wait3A_603 = tpu.memref_slice %arg4[%dma_wait3A_601, %dma_wait3A_602] : memref<100000x16xf32, #tpu.memory_space<hbm>> -> memref<128x16xf32, #tpu.memory_space<hbm>>
        %dma_wait3A_604 = arith.constant 0 : i32
        %dma_wait3A_605 = arith.constant 0 : i32
        %dma_wait3A_606 = tpu.memref_slice %arg16[%dma_wait3A_596, %dma_wait3A_604, %dma_wait3A_605] : memref<4x128x16xf32, #tpu.memory_space<vmem>> -> memref<1x128x16xf32, #tpu.memory_space<vmem>>
        %dma_wait3A_607 = tpu.memref_squeeze %dma_wait3A_606 : memref<1x128x16xf32, #tpu.memory_space<vmem>> -> memref<128x16xf32, #tpu.memory_space<vmem>>
        %dma_wait3A_608 = arith.constant 0 : i32
        %dma_wait3A_609 = arith.constant 0 : i32
        %dma_wait3A_610 = tpu.memref_slice %arg4[%dma_wait3A_608, %dma_wait3A_609] : memref<100000x16xf32, #tpu.memory_space<hbm>> -> memref<128x16xf32, #tpu.memory_space<hbm>>
        tpu.wait_dma2 semaphore(%arg22 : memref<!tpu.dma_semaphore, #tpu.memory_space<semaphore_mem>>) src(%dma_wait3A_610 : memref<128x16xf32, #tpu.memory_space<hbm>>) dst(%dma_wait3A_607 : memref<128x16xf32, #tpu.memory_space<vmem>>)
        %dma_wait3A_611 = arith.constant 2 : i32
        %dma_wait3A_612 = arith.constant 0 : i32
        %dma_wait3A_613 = arith.constant 0 : i32
        %dma_wait3A_614 = tpu.memref_slice %arg16[%dma_wait3A_611, %dma_wait3A_612, %dma_wait3A_613] : memref<4x128x16xf32, #tpu.memory_space<vmem>> -> memref<1x128x16xf32, #tpu.memory_space<vmem>>
        %dma_wait3A_615 = tpu.memref_squeeze %dma_wait3A_614 : memref<1x128x16xf32, #tpu.memory_space<vmem>> -> memref<128x16xf32, #tpu.memory_space<vmem>>
        %dma_wait3A_616 = arith.constant 0 : i32
        %dma_wait3A_617 = arith.constant 0 : i32
        %dma_wait3A_618 = tpu.memref_slice %arg4[%dma_wait3A_616, %dma_wait3A_617] : memref<100000x16xf32, #tpu.memory_space<hbm>> -> memref<128x16xf32, #tpu.memory_space<hbm>>
        %dma_wait3A_619 = arith.constant 0 : i32
        %dma_wait3A_620 = arith.constant 0 : i32
        %dma_wait3A_621 = tpu.memref_slice %arg16[%dma_wait3A_611, %dma_wait3A_619, %dma_wait3A_620] : memref<4x128x16xf32, #tpu.memory_space<vmem>> -> memref<1x128x16xf32, #tpu.memory_space<vmem>>
        %dma_wait3A_622 = tpu.memref_squeeze %dma_wait3A_621 : memref<1x128x16xf32, #tpu.memory_space<vmem>> -> memref<128x16xf32, #tpu.memory_space<vmem>>
        %dma_wait3A_623 = arith.constant 0 : i32
        %dma_wait3A_624 = arith.constant 0 : i32
        %dma_wait3A_625 = tpu.memref_slice %arg4[%dma_wait3A_623, %dma_wait3A_624] : memref<100000x16xf32, #tpu.memory_space<hbm>> -> memref<128x16xf32, #tpu.memory_space<hbm>>
        tpu.wait_dma2 semaphore(%arg22 : memref<!tpu.dma_semaphore, #tpu.memory_space<semaphore_mem>>) src(%dma_wait3A_625 : memref<128x16xf32, #tpu.memory_space<hbm>>) dst(%dma_wait3A_622 : memref<128x16xf32, #tpu.memory_space<vmem>>)
        %dma_wait3A_626 = arith.constant 3 : i32
        %dma_wait3A_627 = arith.constant 0 : i32
        %dma_wait3A_628 = arith.constant 0 : i32
        %dma_wait3A_629 = tpu.memref_slice %arg16[%dma_wait3A_626, %dma_wait3A_627, %dma_wait3A_628] : memref<4x128x16xf32, #tpu.memory_space<vmem>> -> memref<1x128x16xf32, #tpu.memory_space<vmem>>
        %dma_wait3A_630 = tpu.memref_squeeze %dma_wait3A_629 : memref<1x128x16xf32, #tpu.memory_space<vmem>> -> memref<128x16xf32, #tpu.memory_space<vmem>>
        %dma_wait3A_631 = arith.constant 0 : i32
        %dma_wait3A_632 = arith.constant 0 : i32
        %dma_wait3A_633 = tpu.memref_slice %arg4[%dma_wait3A_631, %dma_wait3A_632] : memref<100000x16xf32, #tpu.memory_space<hbm>> -> memref<128x16xf32, #tpu.memory_space<hbm>>
        %dma_wait3A_634 = arith.constant 0 : i32
        %dma_wait3A_635 = arith.constant 0 : i32
        %dma_wait3A_636 = tpu.memref_slice %arg16[%dma_wait3A_626, %dma_wait3A_634, %dma_wait3A_635] : memref<4x128x16xf32, #tpu.memory_space<vmem>> -> memref<1x128x16xf32, #tpu.memory_space<vmem>>
        %dma_wait3A_637 = tpu.memref_squeeze %dma_wait3A_636 : memref<1x128x16xf32, #tpu.memory_space<vmem>> -> memref<128x16xf32, #tpu.memory_space<vmem>>
        %dma_wait3A_638 = arith.constant 0 : i32
        %dma_wait3A_639 = arith.constant 0 : i32
        %dma_wait3A_640 = tpu.memref_slice %arg4[%dma_wait3A_638, %dma_wait3A_639] : memref<100000x16xf32, #tpu.memory_space<hbm>> -> memref<128x16xf32, #tpu.memory_space<hbm>>
        tpu.wait_dma2 semaphore(%arg22 : memref<!tpu.dma_semaphore, #tpu.memory_space<semaphore_mem>>) src(%dma_wait3A_640 : memref<128x16xf32, #tpu.memory_space<hbm>>) dst(%dma_wait3A_637 : memref<128x16xf32, #tpu.memory_space<vmem>>)
      } else {
      }
      %add3A_183 = arith.constant 2 : i32
      %add3A_184 = arith.addi %add3A_171, %add3A_183 : i32
      %lt3A_185 = arith.constant 198 : i32
      %lt3A_186 = arith.cmpi slt, %add3A_184, %lt3A_185 : i32
      %convert_element_type3A_187 = arith.extui %lt3A_186 : i1 to i32
      %cond3A_188 = arith.constant 0 : i32
      %cond3A_189 = arith.cmpi ne, %convert_element_type3A_187, %cond3A_188 : i32
      scf.if %cond3A_189 {
        %add3A_581 = arith.constant 2 : i32
        %add3A_582 = arith.addi %add3A_171, %add3A_581 : i32
        %mul3A_583 = arith.constant 4 : i32
        %mul3A_584 = arith.muli %add3A_582, %mul3A_583 : i32
        %add3A_585 = arith.addi %mul3A_18, %mul3A_584 : i32
        %dma_start3A_586 = arith.constant 0 : i32
        %dma_start3A_587 = tpu.memref_slice %arg2[%add3A_585, %dma_start3A_586] : memref<25344x128xi32, #tpu.memory_space<hbm>> -> memref<4x128xi32, #tpu.memory_space<hbm>>
        %dma_start3A_588 = arith.constant 0 : i32
        %dma_start3A_589 = tpu.memref_slice %arg2[%add3A_585, %dma_start3A_588] : memref<25344x128xi32, #tpu.memory_space<hbm>> -> memref<4x128xi32, #tpu.memory_space<hbm>>
        tpu.enqueue_dma source(%dma_start3A_589 : memref<4x128xi32, #tpu.memory_space<hbm>>) target(%arg10 : memref<4x128xi32, #tpu.memory_space<vmem>>) target_semaphore(%arg18 : memref<!tpu.dma_semaphore, #tpu.memory_space<semaphore_mem>>)
        %dma_start3A_590 = arith.constant 0 : i32
        %dma_start3A_591 = tpu.memref_slice %arg3[%add3A_585, %dma_start3A_590] : memref<25344x128xi32, #tpu.memory_space<hbm>> -> memref<4x128xi32, #tpu.memory_space<hbm>>
        %dma_start3A_592 = arith.constant 0 : i32
        %dma_start3A_593 = tpu.memref_slice %arg3[%add3A_585, %dma_start3A_592] : memref<25344x128xi32, #tpu.memory_space<hbm>> -> memref<4x128xi32, #tpu.memory_space<hbm>>
        tpu.enqueue_dma source(%dma_start3A_593 : memref<4x128xi32, #tpu.memory_space<hbm>>) target(%arg13 : memref<4x128xi32, #tpu.memory_space<vmem>>) target_semaphore(%arg18 : memref<!tpu.dma_semaphore, #tpu.memory_space<semaphore_mem>>)
      } else {
      }
      %add3A_190 = arith.constant 1 : i32
      %add3A_191 = arith.addi %add3A_171, %add3A_190 : i32
      %lt3A_192 = arith.constant 198 : i32
      %lt3A_193 = arith.cmpi slt, %add3A_191, %lt3A_192 : i32
      %convert_element_type3A_194 = arith.extui %lt3A_193 : i1 to i32
      %cond3A_195 = arith.constant 0 : i32
      %cond3A_196 = arith.cmpi ne, %convert_element_type3A_194, %cond3A_195 : i32
      scf.if %cond3A_196 {
        %dma_start3A_581 = arith.constant 0 : i32
        %dma_start3A_582 = arith.constant 0 : i32
        %dma_start3A_583 = arith.constant 0 : i32
        %dma_start3A_584 = arith.constant 0 : i32
        %dma_start3A_585 = tpu.memref_slice %arg15[%dma_start3A_582, %dma_start3A_583, %dma_start3A_584] : memref<4x128x16xf32, #tpu.memory_space<vmem>> -> memref<1x128x16xf32, #tpu.memory_space<vmem>>
        %dma_start3A_586 = tpu.memref_squeeze %dma_start3A_585 : memref<1x128x16xf32, #tpu.memory_space<vmem>> -> memref<128x16xf32, #tpu.memory_space<vmem>>
        %dma_start3A_587 = arith.constant 0 : i32
        %dma_start3A_588 = tpu.memref_slice %arg9[%dma_start3A_581, %dma_start3A_587] : memref<4x128xi32, #tpu.memory_space<vmem>> -> memref<1x128xi32, #tpu.memory_space<vmem>>
        %dma_start3A_589 = tpu.memref_squeeze %dma_start3A_588 : memref<1x128xi32, #tpu.memory_space<vmem>> -> memref<128xi32, #tpu.memory_space<vmem>>
        %dma_start3A_590 = arith.constant 0 : i32
        %dma_start3A_591 = arith.constant 0 : i32
        %dma_start3A_592 = tpu.memref_slice %arg4[%dma_start3A_590, %dma_start3A_591] : memref<100000x16xf32, #tpu.memory_space<hbm>> -> memref<100000x16xf32, #tpu.memory_space<hbm>>
        tpu.enqueue_indirect_dma source(%dma_start3A_592 : memref<100000x16xf32, #tpu.memory_space<hbm>>) target(%dma_start3A_586 : memref<128x16xf32, #tpu.memory_space<vmem>>) offsets(%dma_start3A_589 : memref<128xi32, #tpu.memory_space<vmem>>) semaphore(%arg20 : memref<!tpu.dma_semaphore, #tpu.memory_space<semaphore_mem>>)
        %dma_start3A_593 = arith.constant 1 : i32
        %dma_start3A_594 = arith.constant 1 : i32
        %dma_start3A_595 = arith.constant 0 : i32
        %dma_start3A_596 = arith.constant 0 : i32
        %dma_start3A_597 = tpu.memref_slice %arg15[%dma_start3A_594, %dma_start3A_595, %dma_start3A_596] : memref<4x128x16xf32, #tpu.memory_space<vmem>> -> memref<1x128x16xf32, #tpu.memory_space<vmem>>
        %dma_start3A_598 = tpu.memref_squeeze %dma_start3A_597 : memref<1x128x16xf32, #tpu.memory_space<vmem>> -> memref<128x16xf32, #tpu.memory_space<vmem>>
        %dma_start3A_599 = arith.constant 0 : i32
        %dma_start3A_600 = tpu.memref_slice %arg9[%dma_start3A_593, %dma_start3A_599] : memref<4x128xi32, #tpu.memory_space<vmem>> -> memref<1x128xi32, #tpu.memory_space<vmem>>
        %dma_start3A_601 = tpu.memref_squeeze %dma_start3A_600 : memref<1x128xi32, #tpu.memory_space<vmem>> -> memref<128xi32, #tpu.memory_space<vmem>>
        %dma_start3A_602 = arith.constant 0 : i32
        %dma_start3A_603 = arith.constant 0 : i32
        %dma_start3A_604 = tpu.memref_slice %arg4[%dma_start3A_602, %dma_start3A_603] : memref<100000x16xf32, #tpu.memory_space<hbm>> -> memref<100000x16xf32, #tpu.memory_space<hbm>>
        tpu.enqueue_indirect_dma source(%dma_start3A_604 : memref<100000x16xf32, #tpu.memory_space<hbm>>) target(%dma_start3A_598 : memref<128x16xf32, #tpu.memory_space<vmem>>) offsets(%dma_start3A_601 : memref<128xi32, #tpu.memory_space<vmem>>) semaphore(%arg20 : memref<!tpu.dma_semaphore, #tpu.memory_space<semaphore_mem>>)
        %dma_start3A_605 = arith.constant 2 : i32
        %dma_start3A_606 = arith.constant 2 : i32
        %dma_start3A_607 = arith.constant 0 : i32
        %dma_start3A_608 = arith.constant 0 : i32
        %dma_start3A_609 = tpu.memref_slice %arg15[%dma_start3A_606, %dma_start3A_607, %dma_start3A_608] : memref<4x128x16xf32, #tpu.memory_space<vmem>> -> memref<1x128x16xf32, #tpu.memory_space<vmem>>
        %dma_start3A_610 = tpu.memref_squeeze %dma_start3A_609 : memref<1x128x16xf32, #tpu.memory_space<vmem>> -> memref<128x16xf32, #tpu.memory_space<vmem>>
        %dma_start3A_611 = arith.constant 0 : i32
        %dma_start3A_612 = tpu.memref_slice %arg9[%dma_start3A_605, %dma_start3A_611] : memref<4x128xi32, #tpu.memory_space<vmem>> -> memref<1x128xi32, #tpu.memory_space<vmem>>
        %dma_start3A_613 = tpu.memref_squeeze %dma_start3A_612 : memref<1x128xi32, #tpu.memory_space<vmem>> -> memref<128xi32, #tpu.memory_space<vmem>>
        %dma_start3A_614 = arith.constant 0 : i32
        %dma_start3A_615 = arith.constant 0 : i32
        %dma_start3A_616 = tpu.memref_slice %arg4[%dma_start3A_614, %dma_start3A_615] : memref<100000x16xf32, #tpu.memory_space<hbm>> -> memref<100000x16xf32, #tpu.memory_space<hbm>>
        tpu.enqueue_indirect_dma source(%dma_start3A_616 : memref<100000x16xf32, #tpu.memory_space<hbm>>) target(%dma_start3A_610 : memref<128x16xf32, #tpu.memory_space<vmem>>) offsets(%dma_start3A_613 : memref<128xi32, #tpu.memory_space<vmem>>) semaphore(%arg20 : memref<!tpu.dma_semaphore, #tpu.memory_space<semaphore_mem>>)
        %dma_start3A_617 = arith.constant 3 : i32
        %dma_start3A_618 = arith.constant 3 : i32
        %dma_start3A_619 = arith.constant 0 : i32
        %dma_start3A_620 = arith.constant 0 : i32
        %dma_start3A_621 = tpu.memref_slice %arg15[%dma_start3A_618, %dma_start3A_619, %dma_start3A_620] : memref<4x128x16xf32, #tpu.memory_space<vmem>> -> memref<1x128x16xf32, #tpu.memory_space<vmem>>
        %dma_start3A_622 = tpu.memref_squeeze %dma_start3A_621 : memref<1x128x16xf32, #tpu.memory_space<vmem>> -> memref<128x16xf32, #tpu.memory_space<vmem>>
        %dma_start3A_623 = arith.constant 0 : i32
        %dma_start3A_624 = tpu.memref_slice %arg9[%dma_start3A_617, %dma_start3A_623] : memref<4x128xi32, #tpu.memory_space<vmem>> -> memref<1x128xi32, #tpu.memory_space<vmem>>
        %dma_start3A_625 = tpu.memref_squeeze %dma_start3A_624 : memref<1x128xi32, #tpu.memory_space<vmem>> -> memref<128xi32, #tpu.memory_space<vmem>>
        %dma_start3A_626 = arith.constant 0 : i32
        %dma_start3A_627 = arith.constant 0 : i32
        %dma_start3A_628 = tpu.memref_slice %arg4[%dma_start3A_626, %dma_start3A_627] : memref<100000x16xf32, #tpu.memory_space<hbm>> -> memref<100000x16xf32, #tpu.memory_space<hbm>>
        tpu.enqueue_indirect_dma source(%dma_start3A_628 : memref<100000x16xf32, #tpu.memory_space<hbm>>) target(%dma_start3A_622 : memref<128x16xf32, #tpu.memory_space<vmem>>) offsets(%dma_start3A_625 : memref<128xi32, #tpu.memory_space<vmem>>) semaphore(%arg20 : memref<!tpu.dma_semaphore, #tpu.memory_space<semaphore_mem>>)
      } else {
      }
      %dma_wait3A_197 = arith.constant 0 : i32
      %dma_wait3A_198 = arith.constant 0 : i32
      %dma_wait3A_199 = arith.constant 0 : i32
      %dma_wait3A_200 = tpu.memref_slice %arg14[%dma_wait3A_197, %dma_wait3A_198, %dma_wait3A_199] : memref<4x128x16xf32, #tpu.memory_space<vmem>> -> memref<1x128x16xf32, #tpu.memory_space<vmem>>
      %dma_wait3A_201 = tpu.memref_squeeze %dma_wait3A_200 : memref<1x128x16xf32, #tpu.memory_space<vmem>> -> memref<128x16xf32, #tpu.memory_space<vmem>>
      %dma_wait3A_202 = arith.constant 0 : i32
      %dma_wait3A_203 = arith.constant 0 : i32
      %dma_wait3A_204 = tpu.memref_slice %arg4[%dma_wait3A_202, %dma_wait3A_203] : memref<100000x16xf32, #tpu.memory_space<hbm>> -> memref<128x16xf32, #tpu.memory_space<hbm>>
      %dma_wait3A_205 = arith.constant 0 : i32
      %dma_wait3A_206 = arith.constant 0 : i32
      %dma_wait3A_207 = tpu.memref_slice %arg14[%dma_wait3A_197, %dma_wait3A_205, %dma_wait3A_206] : memref<4x128x16xf32, #tpu.memory_space<vmem>> -> memref<1x128x16xf32, #tpu.memory_space<vmem>>
      %dma_wait3A_208 = tpu.memref_squeeze %dma_wait3A_207 : memref<1x128x16xf32, #tpu.memory_space<vmem>> -> memref<128x16xf32, #tpu.memory_space<vmem>>
      %dma_wait3A_209 = arith.constant 0 : i32
      %dma_wait3A_210 = arith.constant 0 : i32
      %dma_wait3A_211 = tpu.memref_slice %arg4[%dma_wait3A_209, %dma_wait3A_210] : memref<100000x16xf32, #tpu.memory_space<hbm>> -> memref<128x16xf32, #tpu.memory_space<hbm>>
      tpu.wait_dma2 semaphore(%arg19 : memref<!tpu.dma_semaphore, #tpu.memory_space<semaphore_mem>>) src(%dma_wait3A_211 : memref<128x16xf32, #tpu.memory_space<hbm>>) dst(%dma_wait3A_208 : memref<128x16xf32, #tpu.memory_space<vmem>>)
      %dma_wait3A_212 = arith.constant 1 : i32
      %dma_wait3A_213 = arith.constant 0 : i32
      %dma_wait3A_214 = arith.constant 0 : i32
      %dma_wait3A_215 = tpu.memref_slice %arg14[%dma_wait3A_212, %dma_wait3A_213, %dma_wait3A_214] : memref<4x128x16xf32, #tpu.memory_space<vmem>> -> memref<1x128x16xf32, #tpu.memory_space<vmem>>
      %dma_wait3A_216 = tpu.memref_squeeze %dma_wait3A_215 : memref<1x128x16xf32, #tpu.memory_space<vmem>> -> memref<128x16xf32, #tpu.memory_space<vmem>>
      %dma_wait3A_217 = arith.constant 0 : i32
      %dma_wait3A_218 = arith.constant 0 : i32
      %dma_wait3A_219 = tpu.memref_slice %arg4[%dma_wait3A_217, %dma_wait3A_218] : memref<100000x16xf32, #tpu.memory_space<hbm>> -> memref<128x16xf32, #tpu.memory_space<hbm>>
      %dma_wait3A_220 = arith.constant 0 : i32
      %dma_wait3A_221 = arith.constant 0 : i32
      %dma_wait3A_222 = tpu.memref_slice %arg14[%dma_wait3A_212, %dma_wait3A_220, %dma_wait3A_221] : memref<4x128x16xf32, #tpu.memory_space<vmem>> -> memref<1x128x16xf32, #tpu.memory_space<vmem>>
      %dma_wait3A_223 = tpu.memref_squeeze %dma_wait3A_222 : memref<1x128x16xf32, #tpu.memory_space<vmem>> -> memref<128x16xf32, #tpu.memory_space<vmem>>
      %dma_wait3A_224 = arith.constant 0 : i32
      %dma_wait3A_225 = arith.constant 0 : i32
      %dma_wait3A_226 = tpu.memref_slice %arg4[%dma_wait3A_224, %dma_wait3A_225] : memref<100000x16xf32, #tpu.memory_space<hbm>> -> memref<128x16xf32, #tpu.memory_space<hbm>>
      tpu.wait_dma2 semaphore(%arg19 : memref<!tpu.dma_semaphore, #tpu.memory_space<semaphore_mem>>) src(%dma_wait3A_226 : memref<128x16xf32, #tpu.memory_space<hbm>>) dst(%dma_wait3A_223 : memref<128x16xf32, #tpu.memory_space<vmem>>)
      %dma_wait3A_227 = arith.constant 2 : i32
      %dma_wait3A_228 = arith.constant 0 : i32
      %dma_wait3A_229 = arith.constant 0 : i32
      %dma_wait3A_230 = tpu.memref_slice %arg14[%dma_wait3A_227, %dma_wait3A_228, %dma_wait3A_229] : memref<4x128x16xf32, #tpu.memory_space<vmem>> -> memref<1x128x16xf32, #tpu.memory_space<vmem>>
      %dma_wait3A_231 = tpu.memref_squeeze %dma_wait3A_230 : memref<1x128x16xf32, #tpu.memory_space<vmem>> -> memref<128x16xf32, #tpu.memory_space<vmem>>
      %dma_wait3A_232 = arith.constant 0 : i32
      %dma_wait3A_233 = arith.constant 0 : i32
      %dma_wait3A_234 = tpu.memref_slice %arg4[%dma_wait3A_232, %dma_wait3A_233] : memref<100000x16xf32, #tpu.memory_space<hbm>> -> memref<128x16xf32, #tpu.memory_space<hbm>>
      %dma_wait3A_235 = arith.constant 0 : i32
      %dma_wait3A_236 = arith.constant 0 : i32
      %dma_wait3A_237 = tpu.memref_slice %arg14[%dma_wait3A_227, %dma_wait3A_235, %dma_wait3A_236] : memref<4x128x16xf32, #tpu.memory_space<vmem>> -> memref<1x128x16xf32, #tpu.memory_space<vmem>>
      %dma_wait3A_238 = tpu.memref_squeeze %dma_wait3A_237 : memref<1x128x16xf32, #tpu.memory_space<vmem>> -> memref<128x16xf32, #tpu.memory_space<vmem>>
      %dma_wait3A_239 = arith.constant 0 : i32
      %dma_wait3A_240 = arith.constant 0 : i32
      %dma_wait3A_241 = tpu.memref_slice %arg4[%dma_wait3A_239, %dma_wait3A_240] : memref<100000x16xf32, #tpu.memory_space<hbm>> -> memref<128x16xf32, #tpu.memory_space<hbm>>
      tpu.wait_dma2 semaphore(%arg19 : memref<!tpu.dma_semaphore, #tpu.memory_space<semaphore_mem>>) src(%dma_wait3A_241 : memref<128x16xf32, #tpu.memory_space<hbm>>) dst(%dma_wait3A_238 : memref<128x16xf32, #tpu.memory_space<vmem>>)
      %dma_wait3A_242 = arith.constant 3 : i32
      %dma_wait3A_243 = arith.constant 0 : i32
      %dma_wait3A_244 = arith.constant 0 : i32
      %dma_wait3A_245 = tpu.memref_slice %arg14[%dma_wait3A_242, %dma_wait3A_243, %dma_wait3A_244] : memref<4x128x16xf32, #tpu.memory_space<vmem>> -> memref<1x128x16xf32, #tpu.memory_space<vmem>>
      %dma_wait3A_246 = tpu.memref_squeeze %dma_wait3A_245 : memref<1x128x16xf32, #tpu.memory_space<vmem>> -> memref<128x16xf32, #tpu.memory_space<vmem>>
      %dma_wait3A_247 = arith.constant 0 : i32
      %dma_wait3A_248 = arith.constant 0 : i32
      %dma_wait3A_249 = tpu.memref_slice %arg4[%dma_wait3A_247, %dma_wait3A_248] : memref<100000x16xf32, #tpu.memory_space<hbm>> -> memref<128x16xf32, #tpu.memory_space<hbm>>
      %dma_wait3A_250 = arith.constant 0 : i32
      %dma_wait3A_251 = arith.constant 0 : i32
      %dma_wait3A_252 = tpu.memref_slice %arg14[%dma_wait3A_242, %dma_wait3A_250, %dma_wait3A_251] : memref<4x128x16xf32, #tpu.memory_space<vmem>> -> memref<1x128x16xf32, #tpu.memory_space<vmem>>
      %dma_wait3A_253 = tpu.memref_squeeze %dma_wait3A_252 : memref<1x128x16xf32, #tpu.memory_space<vmem>> -> memref<128x16xf32, #tpu.memory_space<vmem>>
      %dma_wait3A_254 = arith.constant 0 : i32
      %dma_wait3A_255 = arith.constant 0 : i32
      %dma_wait3A_256 = tpu.memref_slice %arg4[%dma_wait3A_254, %dma_wait3A_255] : memref<100000x16xf32, #tpu.memory_space<hbm>> -> memref<128x16xf32, #tpu.memory_space<hbm>>
      tpu.wait_dma2 semaphore(%arg19 : memref<!tpu.dma_semaphore, #tpu.memory_space<semaphore_mem>>) src(%dma_wait3A_256 : memref<128x16xf32, #tpu.memory_space<hbm>>) dst(%dma_wait3A_253 : memref<128x16xf32, #tpu.memory_space<vmem>>)
      %dma_start3A_257 = arith.constant 0 : i32
      %dma_start3A_258 = arith.constant 0 : i32
      %dma_start3A_259 = arith.constant 0 : i32
      %dma_start3A_260 = arith.constant 0 : i32
      %dma_start3A_261 = tpu.memref_slice %arg14[%dma_start3A_257, %dma_start3A_259, %dma_start3A_260] : memref<4x128x16xf32, #tpu.memory_space<vmem>> -> memref<1x128x16xf32, #tpu.memory_space<vmem>>
      %dma_start3A_262 = tpu.memref_squeeze %dma_start3A_261 : memref<1x128x16xf32, #tpu.memory_space<vmem>> -> memref<128x16xf32, #tpu.memory_space<vmem>>
      %dma_start3A_263 = arith.constant 0 : i32
      %dma_start3A_264 = tpu.memref_slice %arg11[%dma_start3A_258, %dma_start3A_263] : memref<4x128xi32, #tpu.memory_space<vmem>> -> memref<1x128xi32, #tpu.memory_space<vmem>>
      %dma_start3A_265 = tpu.memref_squeeze %dma_start3A_264 : memref<1x128xi32, #tpu.memory_space<vmem>> -> memref<128xi32, #tpu.memory_space<vmem>>
      %dma_start3A_266 = arith.constant 0 : i32
      %dma_start3A_267 = arith.constant 0 : i32
      %dma_start3A_268 = tpu.memref_slice %arg17[%dma_start3A_266, %dma_start3A_267] : memref<100096x16xf32, #tpu.memory_space<vmem_shared>> -> memref<100096x16xf32, #tpu.memory_space<vmem_shared>>
      tpu.enqueue_indirect_dma source(%dma_start3A_262 : memref<128x16xf32, #tpu.memory_space<vmem>>) target(%dma_start3A_268 : memref<100096x16xf32, #tpu.memory_space<vmem_shared>>) offsets(%dma_start3A_265 : memref<128xi32, #tpu.memory_space<vmem>>) semaphore(%arg22 : memref<!tpu.dma_semaphore, #tpu.memory_space<semaphore_mem>>) {add = true}
      %dma_start3A_269 = arith.constant 1 : i32
      %dma_start3A_270 = arith.constant 1 : i32
      %dma_start3A_271 = arith.constant 0 : i32
      %dma_start3A_272 = arith.constant 0 : i32
      %dma_start3A_273 = tpu.memref_slice %arg14[%dma_start3A_269, %dma_start3A_271, %dma_start3A_272] : memref<4x128x16xf32, #tpu.memory_space<vmem>> -> memref<1x128x16xf32, #tpu.memory_space<vmem>>
      %dma_start3A_274 = tpu.memref_squeeze %dma_start3A_273 : memref<1x128x16xf32, #tpu.memory_space<vmem>> -> memref<128x16xf32, #tpu.memory_space<vmem>>
      %dma_start3A_275 = arith.constant 0 : i32
      %dma_start3A_276 = tpu.memref_slice %arg11[%dma_start3A_270, %dma_start3A_275] : memref<4x128xi32, #tpu.memory_space<vmem>> -> memref<1x128xi32, #tpu.memory_space<vmem>>
      %dma_start3A_277 = tpu.memref_squeeze %dma_start3A_276 : memref<1x128xi32, #tpu.memory_space<vmem>> -> memref<128xi32, #tpu.memory_space<vmem>>
      %dma_start3A_278 = arith.constant 0 : i32
      %dma_start3A_279 = arith.constant 0 : i32
      %dma_start3A_280 = tpu.memref_slice %arg17[%dma_start3A_278, %dma_start3A_279] : memref<100096x16xf32, #tpu.memory_space<vmem_shared>> -> memref<100096x16xf32, #tpu.memory_space<vmem_shared>>
      tpu.enqueue_indirect_dma source(%dma_start3A_274 : memref<128x16xf32, #tpu.memory_space<vmem>>) target(%dma_start3A_280 : memref<100096x16xf32, #tpu.memory_space<vmem_shared>>) offsets(%dma_start3A_277 : memref<128xi32, #tpu.memory_space<vmem>>) semaphore(%arg22 : memref<!tpu.dma_semaphore, #tpu.memory_space<semaphore_mem>>) {add = true}
      %dma_start3A_281 = arith.constant 2 : i32
      %dma_start3A_282 = arith.constant 2 : i32
      %dma_start3A_283 = arith.constant 0 : i32
      %dma_start3A_284 = arith.constant 0 : i32
      %dma_start3A_285 = tpu.memref_slice %arg14[%dma_start3A_281, %dma_start3A_283, %dma_start3A_284] : memref<4x128x16xf32, #tpu.memory_space<vmem>> -> memref<1x128x16xf32, #tpu.memory_space<vmem>>
      %dma_start3A_286 = tpu.memref_squeeze %dma_start3A_285 : memref<1x128x16xf32, #tpu.memory_space<vmem>> -> memref<128x16xf32, #tpu.memory_space<vmem>>
      %dma_start3A_287 = arith.constant 0 : i32
      %dma_start3A_288 = tpu.memref_slice %arg11[%dma_start3A_282, %dma_start3A_287] : memref<4x128xi32, #tpu.memory_space<vmem>> -> memref<1x128xi32, #tpu.memory_space<vmem>>
      %dma_start3A_289 = tpu.memref_squeeze %dma_start3A_288 : memref<1x128xi32, #tpu.memory_space<vmem>> -> memref<128xi32, #tpu.memory_space<vmem>>
      %dma_start3A_290 = arith.constant 0 : i32
      %dma_start3A_291 = arith.constant 0 : i32
      %dma_start3A_292 = tpu.memref_slice %arg17[%dma_start3A_290, %dma_start3A_291] : memref<100096x16xf32, #tpu.memory_space<vmem_shared>> -> memref<100096x16xf32, #tpu.memory_space<vmem_shared>>
      tpu.enqueue_indirect_dma source(%dma_start3A_286 : memref<128x16xf32, #tpu.memory_space<vmem>>) target(%dma_start3A_292 : memref<100096x16xf32, #tpu.memory_space<vmem_shared>>) offsets(%dma_start3A_289 : memref<128xi32, #tpu.memory_space<vmem>>) semaphore(%arg22 : memref<!tpu.dma_semaphore, #tpu.memory_space<semaphore_mem>>) {add = true}
      %dma_start3A_293 = arith.constant 3 : i32
      %dma_start3A_294 = arith.constant 3 : i32
      %dma_start3A_295 = arith.constant 0 : i32
      %dma_start3A_296 = arith.constant 0 : i32
      %dma_start3A_297 = tpu.memref_slice %arg14[%dma_start3A_293, %dma_start3A_295, %dma_start3A_296] : memref<4x128x16xf32, #tpu.memory_space<vmem>> -> memref<1x128x16xf32, #tpu.memory_space<vmem>>
      %dma_start3A_298 = tpu.memref_squeeze %dma_start3A_297 : memref<1x128x16xf32, #tpu.memory_space<vmem>> -> memref<128x16xf32, #tpu.memory_space<vmem>>
      %dma_start3A_299 = arith.constant 0 : i32
      %dma_start3A_300 = tpu.memref_slice %arg11[%dma_start3A_294, %dma_start3A_299] : memref<4x128xi32, #tpu.memory_space<vmem>> -> memref<1x128xi32, #tpu.memory_space<vmem>>
      %dma_start3A_301 = tpu.memref_squeeze %dma_start3A_300 : memref<1x128xi32, #tpu.memory_space<vmem>> -> memref<128xi32, #tpu.memory_space<vmem>>
      %dma_start3A_302 = arith.constant 0 : i32
      %dma_start3A_303 = arith.constant 0 : i32
      %dma_start3A_304 = tpu.memref_slice %arg17[%dma_start3A_302, %dma_start3A_303] : memref<100096x16xf32, #tpu.memory_space<vmem_shared>> -> memref<100096x16xf32, #tpu.memory_space<vmem_shared>>
      tpu.enqueue_indirect_dma source(%dma_start3A_298 : memref<128x16xf32, #tpu.memory_space<vmem>>) target(%dma_start3A_304 : memref<100096x16xf32, #tpu.memory_space<vmem_shared>>) offsets(%dma_start3A_301 : memref<128xi32, #tpu.memory_space<vmem>>) semaphore(%arg22 : memref<!tpu.dma_semaphore, #tpu.memory_space<semaphore_mem>>) {add = true}
      %mul3A_305 = arith.constant 3 : i32
      %mul3A_306 = arith.muli %scan3A_167, %mul3A_305 : i32
      %add3A_307 = arith.constant 1 : i32
      %add3A_308 = arith.addi %mul3A_306, %add3A_307 : i32
      %add3A_309 = arith.constant 1 : i32
      %add3A_310 = arith.addi %add3A_308, %add3A_309 : i32
      %lt3A_311 = arith.constant 198 : i32
      %lt3A_312 = arith.cmpi slt, %add3A_310, %lt3A_311 : i32
      %convert_element_type3A_313 = arith.extui %lt3A_312 : i1 to i32
      %cond3A_314 = arith.constant 0 : i32
      %cond3A_315 = arith.cmpi ne, %convert_element_type3A_313, %cond3A_314 : i32
      scf.if %cond3A_315 {
        %add3A_581 = arith.constant 1 : i32
        %add3A_582 = arith.addi %add3A_308, %add3A_581 : i32
        %mul3A_583 = arith.constant 4 : i32
        %mul3A_584 = arith.muli %add3A_582, %mul3A_583 : i32
        %add3A_585 = arith.addi %mul3A_18, %mul3A_584 : i32
        %dma_wait3A_586 = arith.constant 0 : i32
        %dma_wait3A_587 = tpu.memref_slice %arg2[%add3A_585, %dma_wait3A_586] : memref<25344x128xi32, #tpu.memory_space<hbm>> -> memref<4x128xi32, #tpu.memory_space<hbm>>
        %dma_wait3A_588 = arith.constant 0 : i32
        %dma_wait3A_589 = tpu.memref_slice %arg2[%add3A_585, %dma_wait3A_588] : memref<25344x128xi32, #tpu.memory_space<hbm>> -> memref<4x128xi32, #tpu.memory_space<hbm>>
        tpu.wait_dma2 semaphore(%arg18 : memref<!tpu.dma_semaphore, #tpu.memory_space<semaphore_mem>>) src(%dma_wait3A_589 : memref<4x128xi32, #tpu.memory_space<hbm>>) dst(%arg10 : memref<4x128xi32, #tpu.memory_space<vmem>>)
        %dma_wait3A_590 = arith.constant 0 : i32
        %dma_wait3A_591 = tpu.memref_slice %arg3[%add3A_585, %dma_wait3A_590] : memref<25344x128xi32, #tpu.memory_space<hbm>> -> memref<4x128xi32, #tpu.memory_space<hbm>>
        %dma_wait3A_592 = arith.constant 0 : i32
        %dma_wait3A_593 = tpu.memref_slice %arg3[%add3A_585, %dma_wait3A_592] : memref<25344x128xi32, #tpu.memory_space<hbm>> -> memref<4x128xi32, #tpu.memory_space<hbm>>
        tpu.wait_dma2 semaphore(%arg18 : memref<!tpu.dma_semaphore, #tpu.memory_space<semaphore_mem>>) src(%dma_wait3A_593 : memref<4x128xi32, #tpu.memory_space<hbm>>) dst(%arg13 : memref<4x128xi32, #tpu.memory_space<vmem>>)
      } else {
      }
      %gt3A_316 = arith.constant 0 : i32
      %gt3A_317 = arith.cmpi sgt, %add3A_308, %gt3A_316 : i32
      %convert_element_type3A_318 = arith.extui %gt3A_317 : i1 to i32
      %cond3A_319 = arith.constant 0 : i32
      %cond3A_320 = arith.cmpi ne, %convert_element_type3A_318, %cond3A_319 : i32
      scf.if %cond3A_320 {
        %dma_wait3A_581 = arith.constant 0 : i32
        %dma_wait3A_582 = arith.constant 0 : i32
        %dma_wait3A_583 = arith.constant 0 : i32
        %dma_wait3A_584 = tpu.memref_slice %arg14[%dma_wait3A_581, %dma_wait3A_582, %dma_wait3A_583] : memref<4x128x16xf32, #tpu.memory_space<vmem>> -> memref<1x128x16xf32, #tpu.memory_space<vmem>>
        %dma_wait3A_585 = tpu.memref_squeeze %dma_wait3A_584 : memref<1x128x16xf32, #tpu.memory_space<vmem>> -> memref<128x16xf32, #tpu.memory_space<vmem>>
        %dma_wait3A_586 = arith.constant 0 : i32
        %dma_wait3A_587 = arith.constant 0 : i32
        %dma_wait3A_588 = tpu.memref_slice %arg4[%dma_wait3A_586, %dma_wait3A_587] : memref<100000x16xf32, #tpu.memory_space<hbm>> -> memref<128x16xf32, #tpu.memory_space<hbm>>
        %dma_wait3A_589 = arith.constant 0 : i32
        %dma_wait3A_590 = arith.constant 0 : i32
        %dma_wait3A_591 = tpu.memref_slice %arg14[%dma_wait3A_581, %dma_wait3A_589, %dma_wait3A_590] : memref<4x128x16xf32, #tpu.memory_space<vmem>> -> memref<1x128x16xf32, #tpu.memory_space<vmem>>
        %dma_wait3A_592 = tpu.memref_squeeze %dma_wait3A_591 : memref<1x128x16xf32, #tpu.memory_space<vmem>> -> memref<128x16xf32, #tpu.memory_space<vmem>>
        %dma_wait3A_593 = arith.constant 0 : i32
        %dma_wait3A_594 = arith.constant 0 : i32
        %dma_wait3A_595 = tpu.memref_slice %arg4[%dma_wait3A_593, %dma_wait3A_594] : memref<100000x16xf32, #tpu.memory_space<hbm>> -> memref<128x16xf32, #tpu.memory_space<hbm>>
        tpu.wait_dma2 semaphore(%arg22 : memref<!tpu.dma_semaphore, #tpu.memory_space<semaphore_mem>>) src(%dma_wait3A_595 : memref<128x16xf32, #tpu.memory_space<hbm>>) dst(%dma_wait3A_592 : memref<128x16xf32, #tpu.memory_space<vmem>>)
        %dma_wait3A_596 = arith.constant 1 : i32
        %dma_wait3A_597 = arith.constant 0 : i32
        %dma_wait3A_598 = arith.constant 0 : i32
        %dma_wait3A_599 = tpu.memref_slice %arg14[%dma_wait3A_596, %dma_wait3A_597, %dma_wait3A_598] : memref<4x128x16xf32, #tpu.memory_space<vmem>> -> memref<1x128x16xf32, #tpu.memory_space<vmem>>
        %dma_wait3A_600 = tpu.memref_squeeze %dma_wait3A_599 : memref<1x128x16xf32, #tpu.memory_space<vmem>> -> memref<128x16xf32, #tpu.memory_space<vmem>>
        %dma_wait3A_601 = arith.constant 0 : i32
        %dma_wait3A_602 = arith.constant 0 : i32
        %dma_wait3A_603 = tpu.memref_slice %arg4[%dma_wait3A_601, %dma_wait3A_602] : memref<100000x16xf32, #tpu.memory_space<hbm>> -> memref<128x16xf32, #tpu.memory_space<hbm>>
        %dma_wait3A_604 = arith.constant 0 : i32
        %dma_wait3A_605 = arith.constant 0 : i32
        %dma_wait3A_606 = tpu.memref_slice %arg14[%dma_wait3A_596, %dma_wait3A_604, %dma_wait3A_605] : memref<4x128x16xf32, #tpu.memory_space<vmem>> -> memref<1x128x16xf32, #tpu.memory_space<vmem>>
        %dma_wait3A_607 = tpu.memref_squeeze %dma_wait3A_606 : memref<1x128x16xf32, #tpu.memory_space<vmem>> -> memref<128x16xf32, #tpu.memory_space<vmem>>
        %dma_wait3A_608 = arith.constant 0 : i32
        %dma_wait3A_609 = arith.constant 0 : i32
        %dma_wait3A_610 = tpu.memref_slice %arg4[%dma_wait3A_608, %dma_wait3A_609] : memref<100000x16xf32, #tpu.memory_space<hbm>> -> memref<128x16xf32, #tpu.memory_space<hbm>>
        tpu.wait_dma2 semaphore(%arg22 : memref<!tpu.dma_semaphore, #tpu.memory_space<semaphore_mem>>) src(%dma_wait3A_610 : memref<128x16xf32, #tpu.memory_space<hbm>>) dst(%dma_wait3A_607 : memref<128x16xf32, #tpu.memory_space<vmem>>)
        %dma_wait3A_611 = arith.constant 2 : i32
        %dma_wait3A_612 = arith.constant 0 : i32
        %dma_wait3A_613 = arith.constant 0 : i32
        %dma_wait3A_614 = tpu.memref_slice %arg14[%dma_wait3A_611, %dma_wait3A_612, %dma_wait3A_613] : memref<4x128x16xf32, #tpu.memory_space<vmem>> -> memref<1x128x16xf32, #tpu.memory_space<vmem>>
        %dma_wait3A_615 = tpu.memref_squeeze %dma_wait3A_614 : memref<1x128x16xf32, #tpu.memory_space<vmem>> -> memref<128x16xf32, #tpu.memory_space<vmem>>
        %dma_wait3A_616 = arith.constant 0 : i32
        %dma_wait3A_617 = arith.constant 0 : i32
        %dma_wait3A_618 = tpu.memref_slice %arg4[%dma_wait3A_616, %dma_wait3A_617] : memref<100000x16xf32, #tpu.memory_space<hbm>> -> memref<128x16xf32, #tpu.memory_space<hbm>>
        %dma_wait3A_619 = arith.constant 0 : i32
        %dma_wait3A_620 = arith.constant 0 : i32
        %dma_wait3A_621 = tpu.memref_slice %arg14[%dma_wait3A_611, %dma_wait3A_619, %dma_wait3A_620] : memref<4x128x16xf32, #tpu.memory_space<vmem>> -> memref<1x128x16xf32, #tpu.memory_space<vmem>>
        %dma_wait3A_622 = tpu.memref_squeeze %dma_wait3A_621 : memref<1x128x16xf32, #tpu.memory_space<vmem>> -> memref<128x16xf32, #tpu.memory_space<vmem>>
        %dma_wait3A_623 = arith.constant 0 : i32
        %dma_wait3A_624 = arith.constant 0 : i32
        %dma_wait3A_625 = tpu.memref_slice %arg4[%dma_wait3A_623, %dma_wait3A_624] : memref<100000x16xf32, #tpu.memory_space<hbm>> -> memref<128x16xf32, #tpu.memory_space<hbm>>
        tpu.wait_dma2 semaphore(%arg22 : memref<!tpu.dma_semaphore, #tpu.memory_space<semaphore_mem>>) src(%dma_wait3A_625 : memref<128x16xf32, #tpu.memory_space<hbm>>) dst(%dma_wait3A_622 : memref<128x16xf32, #tpu.memory_space<vmem>>)
        %dma_wait3A_626 = arith.constant 3 : i32
        %dma_wait3A_627 = arith.constant 0 : i32
        %dma_wait3A_628 = arith.constant 0 : i32
        %dma_wait3A_629 = tpu.memref_slice %arg14[%dma_wait3A_626, %dma_wait3A_627, %dma_wait3A_628] : memref<4x128x16xf32, #tpu.memory_space<vmem>> -> memref<1x128x16xf32, #tpu.memory_space<vmem>>
        %dma_wait3A_630 = tpu.memref_squeeze %dma_wait3A_629 : memref<1x128x16xf32, #tpu.memory_space<vmem>> -> memref<128x16xf32, #tpu.memory_space<vmem>>
        %dma_wait3A_631 = arith.constant 0 : i32
        %dma_wait3A_632 = arith.constant 0 : i32
        %dma_wait3A_633 = tpu.memref_slice %arg4[%dma_wait3A_631, %dma_wait3A_632] : memref<100000x16xf32, #tpu.memory_space<hbm>> -> memref<128x16xf32, #tpu.memory_space<hbm>>
        %dma_wait3A_634 = arith.constant 0 : i32
        %dma_wait3A_635 = arith.constant 0 : i32
        %dma_wait3A_636 = tpu.memref_slice %arg14[%dma_wait3A_626, %dma_wait3A_634, %dma_wait3A_635] : memref<4x128x16xf32, #tpu.memory_space<vmem>> -> memref<1x128x16xf32, #tpu.memory_space<vmem>>
        %dma_wait3A_637 = tpu.memref_squeeze %dma_wait3A_636 : memref<1x128x16xf32, #tpu.memory_space<vmem>> -> memref<128x16xf32, #tpu.memory_space<vmem>>
        %dma_wait3A_638 = arith.constant 0 : i32
        %dma_wait3A_639 = arith.constant 0 : i32
        %dma_wait3A_640 = tpu.memref_slice %arg4[%dma_wait3A_638, %dma_wait3A_639] : memref<100000x16xf32, #tpu.memory_space<hbm>> -> memref<128x16xf32, #tpu.memory_space<hbm>>
        tpu.wait_dma2 semaphore(%arg22 : memref<!tpu.dma_semaphore, #tpu.memory_space<semaphore_mem>>) src(%dma_wait3A_640 : memref<128x16xf32, #tpu.memory_space<hbm>>) dst(%dma_wait3A_637 : memref<128x16xf32, #tpu.memory_space<vmem>>)
      } else {
      }
      %add3A_321 = arith.constant 2 : i32
      %add3A_322 = arith.addi %add3A_308, %add3A_321 : i32
      %lt3A_323 = arith.constant 198 : i32
      %lt3A_324 = arith.cmpi slt, %add3A_322, %lt3A_323 : i32
      %convert_element_type3A_325 = arith.extui %lt3A_324 : i1 to i32
      %cond3A_326 = arith.constant 0 : i32
      %cond3A_327 = arith.cmpi ne, %convert_element_type3A_325, %cond3A_326 : i32
      scf.if %cond3A_327 {
        %add3A_581 = arith.constant 2 : i32
        %add3A_582 = arith.addi %add3A_308, %add3A_581 : i32
        %mul3A_583 = arith.constant 4 : i32
        %mul3A_584 = arith.muli %add3A_582, %mul3A_583 : i32
        %add3A_585 = arith.addi %mul3A_18, %mul3A_584 : i32
        %dma_start3A_586 = arith.constant 0 : i32
        %dma_start3A_587 = tpu.memref_slice %arg2[%add3A_585, %dma_start3A_586] : memref<25344x128xi32, #tpu.memory_space<hbm>> -> memref<4x128xi32, #tpu.memory_space<hbm>>
        %dma_start3A_588 = arith.constant 0 : i32
        %dma_start3A_589 = tpu.memref_slice %arg2[%add3A_585, %dma_start3A_588] : memref<25344x128xi32, #tpu.memory_space<hbm>> -> memref<4x128xi32, #tpu.memory_space<hbm>>
        tpu.enqueue_dma source(%dma_start3A_589 : memref<4x128xi32, #tpu.memory_space<hbm>>) target(%arg8 : memref<4x128xi32, #tpu.memory_space<vmem>>) target_semaphore(%arg18 : memref<!tpu.dma_semaphore, #tpu.memory_space<semaphore_mem>>)
        %dma_start3A_590 = arith.constant 0 : i32
        %dma_start3A_591 = tpu.memref_slice %arg3[%add3A_585, %dma_start3A_590] : memref<25344x128xi32, #tpu.memory_space<hbm>> -> memref<4x128xi32, #tpu.memory_space<hbm>>
        %dma_start3A_592 = arith.constant 0 : i32
        %dma_start3A_593 = tpu.memref_slice %arg3[%add3A_585, %dma_start3A_592] : memref<25344x128xi32, #tpu.memory_space<hbm>> -> memref<4x128xi32, #tpu.memory_space<hbm>>
        tpu.enqueue_dma source(%dma_start3A_593 : memref<4x128xi32, #tpu.memory_space<hbm>>) target(%arg11 : memref<4x128xi32, #tpu.memory_space<vmem>>) target_semaphore(%arg18 : memref<!tpu.dma_semaphore, #tpu.memory_space<semaphore_mem>>)
      } else {
      }
      %add3A_328 = arith.constant 1 : i32
      %add3A_329 = arith.addi %add3A_308, %add3A_328 : i32
      %lt3A_330 = arith.constant 198 : i32
      %lt3A_331 = arith.cmpi slt, %add3A_329, %lt3A_330 : i32
      %convert_element_type3A_332 = arith.extui %lt3A_331 : i1 to i32
      %cond3A_333 = arith.constant 0 : i32
      %cond3A_334 = arith.cmpi ne, %convert_element_type3A_332, %cond3A_333 : i32
      scf.if %cond3A_334 {
        %dma_start3A_581 = arith.constant 0 : i32
        %dma_start3A_582 = arith.constant 0 : i32
        %dma_start3A_583 = arith.constant 0 : i32
        %dma_start3A_584 = arith.constant 0 : i32
        %dma_start3A_585 = tpu.memref_slice %arg16[%dma_start3A_582, %dma_start3A_583, %dma_start3A_584] : memref<4x128x16xf32, #tpu.memory_space<vmem>> -> memref<1x128x16xf32, #tpu.memory_space<vmem>>
        %dma_start3A_586 = tpu.memref_squeeze %dma_start3A_585 : memref<1x128x16xf32, #tpu.memory_space<vmem>> -> memref<128x16xf32, #tpu.memory_space<vmem>>
        %dma_start3A_587 = arith.constant 0 : i32
        %dma_start3A_588 = tpu.memref_slice %arg10[%dma_start3A_581, %dma_start3A_587] : memref<4x128xi32, #tpu.memory_space<vmem>> -> memref<1x128xi32, #tpu.memory_space<vmem>>
        %dma_start3A_589 = tpu.memref_squeeze %dma_start3A_588 : memref<1x128xi32, #tpu.memory_space<vmem>> -> memref<128xi32, #tpu.memory_space<vmem>>
        %dma_start3A_590 = arith.constant 0 : i32
        %dma_start3A_591 = arith.constant 0 : i32
        %dma_start3A_592 = tpu.memref_slice %arg4[%dma_start3A_590, %dma_start3A_591] : memref<100000x16xf32, #tpu.memory_space<hbm>> -> memref<100000x16xf32, #tpu.memory_space<hbm>>
        tpu.enqueue_indirect_dma source(%dma_start3A_592 : memref<100000x16xf32, #tpu.memory_space<hbm>>) target(%dma_start3A_586 : memref<128x16xf32, #tpu.memory_space<vmem>>) offsets(%dma_start3A_589 : memref<128xi32, #tpu.memory_space<vmem>>) semaphore(%arg21 : memref<!tpu.dma_semaphore, #tpu.memory_space<semaphore_mem>>)
        %dma_start3A_593 = arith.constant 1 : i32
        %dma_start3A_594 = arith.constant 1 : i32
        %dma_start3A_595 = arith.constant 0 : i32
        %dma_start3A_596 = arith.constant 0 : i32
        %dma_start3A_597 = tpu.memref_slice %arg16[%dma_start3A_594, %dma_start3A_595, %dma_start3A_596] : memref<4x128x16xf32, #tpu.memory_space<vmem>> -> memref<1x128x16xf32, #tpu.memory_space<vmem>>
        %dma_start3A_598 = tpu.memref_squeeze %dma_start3A_597 : memref<1x128x16xf32, #tpu.memory_space<vmem>> -> memref<128x16xf32, #tpu.memory_space<vmem>>
        %dma_start3A_599 = arith.constant 0 : i32
        %dma_start3A_600 = tpu.memref_slice %arg10[%dma_start3A_593, %dma_start3A_599] : memref<4x128xi32, #tpu.memory_space<vmem>> -> memref<1x128xi32, #tpu.memory_space<vmem>>
        %dma_start3A_601 = tpu.memref_squeeze %dma_start3A_600 : memref<1x128xi32, #tpu.memory_space<vmem>> -> memref<128xi32, #tpu.memory_space<vmem>>
        %dma_start3A_602 = arith.constant 0 : i32
        %dma_start3A_603 = arith.constant 0 : i32
        %dma_start3A_604 = tpu.memref_slice %arg4[%dma_start3A_602, %dma_start3A_603] : memref<100000x16xf32, #tpu.memory_space<hbm>> -> memref<100000x16xf32, #tpu.memory_space<hbm>>
        tpu.enqueue_indirect_dma source(%dma_start3A_604 : memref<100000x16xf32, #tpu.memory_space<hbm>>) target(%dma_start3A_598 : memref<128x16xf32, #tpu.memory_space<vmem>>) offsets(%dma_start3A_601 : memref<128xi32, #tpu.memory_space<vmem>>) semaphore(%arg21 : memref<!tpu.dma_semaphore, #tpu.memory_space<semaphore_mem>>)
        %dma_start3A_605 = arith.constant 2 : i32
        %dma_start3A_606 = arith.constant 2 : i32
        %dma_start3A_607 = arith.constant 0 : i32
        %dma_start3A_608 = arith.constant 0 : i32
        %dma_start3A_609 = tpu.memref_slice %arg16[%dma_start3A_606, %dma_start3A_607, %dma_start3A_608] : memref<4x128x16xf32, #tpu.memory_space<vmem>> -> memref<1x128x16xf32, #tpu.memory_space<vmem>>
        %dma_start3A_610 = tpu.memref_squeeze %dma_start3A_609 : memref<1x128x16xf32, #tpu.memory_space<vmem>> -> memref<128x16xf32, #tpu.memory_space<vmem>>
        %dma_start3A_611 = arith.constant 0 : i32
        %dma_start3A_612 = tpu.memref_slice %arg10[%dma_start3A_605, %dma_start3A_611] : memref<4x128xi32, #tpu.memory_space<vmem>> -> memref<1x128xi32, #tpu.memory_space<vmem>>
        %dma_start3A_613 = tpu.memref_squeeze %dma_start3A_612 : memref<1x128xi32, #tpu.memory_space<vmem>> -> memref<128xi32, #tpu.memory_space<vmem>>
        %dma_start3A_614 = arith.constant 0 : i32
        %dma_start3A_615 = arith.constant 0 : i32
        %dma_start3A_616 = tpu.memref_slice %arg4[%dma_start3A_614, %dma_start3A_615] : memref<100000x16xf32, #tpu.memory_space<hbm>> -> memref<100000x16xf32, #tpu.memory_space<hbm>>
        tpu.enqueue_indirect_dma source(%dma_start3A_616 : memref<100000x16xf32, #tpu.memory_space<hbm>>) target(%dma_start3A_610 : memref<128x16xf32, #tpu.memory_space<vmem>>) offsets(%dma_start3A_613 : memref<128xi32, #tpu.memory_space<vmem>>) semaphore(%arg21 : memref<!tpu.dma_semaphore, #tpu.memory_space<semaphore_mem>>)
        %dma_start3A_617 = arith.constant 3 : i32
        %dma_start3A_618 = arith.constant 3 : i32
        %dma_start3A_619 = arith.constant 0 : i32
        %dma_start3A_620 = arith.constant 0 : i32
        %dma_start3A_621 = tpu.memref_slice %arg16[%dma_start3A_618, %dma_start3A_619, %dma_start3A_620] : memref<4x128x16xf32, #tpu.memory_space<vmem>> -> memref<1x128x16xf32, #tpu.memory_space<vmem>>
        %dma_start3A_622 = tpu.memref_squeeze %dma_start3A_621 : memref<1x128x16xf32, #tpu.memory_space<vmem>> -> memref<128x16xf32, #tpu.memory_space<vmem>>
        %dma_start3A_623 = arith.constant 0 : i32
        %dma_start3A_624 = tpu.memref_slice %arg10[%dma_start3A_617, %dma_start3A_623] : memref<4x128xi32, #tpu.memory_space<vmem>> -> memref<1x128xi32, #tpu.memory_space<vmem>>
        %dma_start3A_625 = tpu.memref_squeeze %dma_start3A_624 : memref<1x128xi32, #tpu.memory_space<vmem>> -> memref<128xi32, #tpu.memory_space<vmem>>
        %dma_start3A_626 = arith.constant 0 : i32
        %dma_start3A_627 = arith.constant 0 : i32
        %dma_start3A_628 = tpu.memref_slice %arg4[%dma_start3A_626, %dma_start3A_627] : memref<100000x16xf32, #tpu.memory_space<hbm>> -> memref<100000x16xf32, #tpu.memory_space<hbm>>
        tpu.enqueue_indirect_dma source(%dma_start3A_628 : memref<100000x16xf32, #tpu.memory_space<hbm>>) target(%dma_start3A_622 : memref<128x16xf32, #tpu.memory_space<vmem>>) offsets(%dma_start3A_625 : memref<128xi32, #tpu.memory_space<vmem>>) semaphore(%arg21 : memref<!tpu.dma_semaphore, #tpu.memory_space<semaphore_mem>>)
      } else {
      }
      %dma_wait3A_335 = arith.constant 0 : i32
      %dma_wait3A_336 = arith.constant 0 : i32
      %dma_wait3A_337 = arith.constant 0 : i32
      %dma_wait3A_338 = tpu.memref_slice %arg15[%dma_wait3A_335, %dma_wait3A_336, %dma_wait3A_337] : memref<4x128x16xf32, #tpu.memory_space<vmem>> -> memref<1x128x16xf32, #tpu.memory_space<vmem>>
      %dma_wait3A_339 = tpu.memref_squeeze %dma_wait3A_338 : memref<1x128x16xf32, #tpu.memory_space<vmem>> -> memref<128x16xf32, #tpu.memory_space<vmem>>
      %dma_wait3A_340 = arith.constant 0 : i32
      %dma_wait3A_341 = arith.constant 0 : i32
      %dma_wait3A_342 = tpu.memref_slice %arg4[%dma_wait3A_340, %dma_wait3A_341] : memref<100000x16xf32, #tpu.memory_space<hbm>> -> memref<128x16xf32, #tpu.memory_space<hbm>>
      %dma_wait3A_343 = arith.constant 0 : i32
      %dma_wait3A_344 = arith.constant 0 : i32
      %dma_wait3A_345 = tpu.memref_slice %arg15[%dma_wait3A_335, %dma_wait3A_343, %dma_wait3A_344] : memref<4x128x16xf32, #tpu.memory_space<vmem>> -> memref<1x128x16xf32, #tpu.memory_space<vmem>>
      %dma_wait3A_346 = tpu.memref_squeeze %dma_wait3A_345 : memref<1x128x16xf32, #tpu.memory_space<vmem>> -> memref<128x16xf32, #tpu.memory_space<vmem>>
      %dma_wait3A_347 = arith.constant 0 : i32
      %dma_wait3A_348 = arith.constant 0 : i32
      %dma_wait3A_349 = tpu.memref_slice %arg4[%dma_wait3A_347, %dma_wait3A_348] : memref<100000x16xf32, #tpu.memory_space<hbm>> -> memref<128x16xf32, #tpu.memory_space<hbm>>
      tpu.wait_dma2 semaphore(%arg20 : memref<!tpu.dma_semaphore, #tpu.memory_space<semaphore_mem>>) src(%dma_wait3A_349 : memref<128x16xf32, #tpu.memory_space<hbm>>) dst(%dma_wait3A_346 : memref<128x16xf32, #tpu.memory_space<vmem>>)
      %dma_wait3A_350 = arith.constant 1 : i32
      %dma_wait3A_351 = arith.constant 0 : i32
      %dma_wait3A_352 = arith.constant 0 : i32
      %dma_wait3A_353 = tpu.memref_slice %arg15[%dma_wait3A_350, %dma_wait3A_351, %dma_wait3A_352] : memref<4x128x16xf32, #tpu.memory_space<vmem>> -> memref<1x128x16xf32, #tpu.memory_space<vmem>>
      %dma_wait3A_354 = tpu.memref_squeeze %dma_wait3A_353 : memref<1x128x16xf32, #tpu.memory_space<vmem>> -> memref<128x16xf32, #tpu.memory_space<vmem>>
      %dma_wait3A_355 = arith.constant 0 : i32
      %dma_wait3A_356 = arith.constant 0 : i32
      %dma_wait3A_357 = tpu.memref_slice %arg4[%dma_wait3A_355, %dma_wait3A_356] : memref<100000x16xf32, #tpu.memory_space<hbm>> -> memref<128x16xf32, #tpu.memory_space<hbm>>
      %dma_wait3A_358 = arith.constant 0 : i32
      %dma_wait3A_359 = arith.constant 0 : i32
      %dma_wait3A_360 = tpu.memref_slice %arg15[%dma_wait3A_350, %dma_wait3A_358, %dma_wait3A_359] : memref<4x128x16xf32, #tpu.memory_space<vmem>> -> memref<1x128x16xf32, #tpu.memory_space<vmem>>
      %dma_wait3A_361 = tpu.memref_squeeze %dma_wait3A_360 : memref<1x128x16xf32, #tpu.memory_space<vmem>> -> memref<128x16xf32, #tpu.memory_space<vmem>>
      %dma_wait3A_362 = arith.constant 0 : i32
      %dma_wait3A_363 = arith.constant 0 : i32
      %dma_wait3A_364 = tpu.memref_slice %arg4[%dma_wait3A_362, %dma_wait3A_363] : memref<100000x16xf32, #tpu.memory_space<hbm>> -> memref<128x16xf32, #tpu.memory_space<hbm>>
      tpu.wait_dma2 semaphore(%arg20 : memref<!tpu.dma_semaphore, #tpu.memory_space<semaphore_mem>>) src(%dma_wait3A_364 : memref<128x16xf32, #tpu.memory_space<hbm>>) dst(%dma_wait3A_361 : memref<128x16xf32, #tpu.memory_space<vmem>>)
      %dma_wait3A_365 = arith.constant 2 : i32
      %dma_wait3A_366 = arith.constant 0 : i32
      %dma_wait3A_367 = arith.constant 0 : i32
      %dma_wait3A_368 = tpu.memref_slice %arg15[%dma_wait3A_365, %dma_wait3A_366, %dma_wait3A_367] : memref<4x128x16xf32, #tpu.memory_space<vmem>> -> memref<1x128x16xf32, #tpu.memory_space<vmem>>
      %dma_wait3A_369 = tpu.memref_squeeze %dma_wait3A_368 : memref<1x128x16xf32, #tpu.memory_space<vmem>> -> memref<128x16xf32, #tpu.memory_space<vmem>>
      %dma_wait3A_370 = arith.constant 0 : i32
      %dma_wait3A_371 = arith.constant 0 : i32
      %dma_wait3A_372 = tpu.memref_slice %arg4[%dma_wait3A_370, %dma_wait3A_371] : memref<100000x16xf32, #tpu.memory_space<hbm>> -> memref<128x16xf32, #tpu.memory_space<hbm>>
      %dma_wait3A_373 = arith.constant 0 : i32
      %dma_wait3A_374 = arith.constant 0 : i32
      %dma_wait3A_375 = tpu.memref_slice %arg15[%dma_wait3A_365, %dma_wait3A_373, %dma_wait3A_374] : memref<4x128x16xf32, #tpu.memory_space<vmem>> -> memref<1x128x16xf32, #tpu.memory_space<vmem>>
      %dma_wait3A_376 = tpu.memref_squeeze %dma_wait3A_375 : memref<1x128x16xf32, #tpu.memory_space<vmem>> -> memref<128x16xf32, #tpu.memory_space<vmem>>
      %dma_wait3A_377 = arith.constant 0 : i32
      %dma_wait3A_378 = arith.constant 0 : i32
      %dma_wait3A_379 = tpu.memref_slice %arg4[%dma_wait3A_377, %dma_wait3A_378] : memref<100000x16xf32, #tpu.memory_space<hbm>> -> memref<128x16xf32, #tpu.memory_space<hbm>>
      tpu.wait_dma2 semaphore(%arg20 : memref<!tpu.dma_semaphore, #tpu.memory_space<semaphore_mem>>) src(%dma_wait3A_379 : memref<128x16xf32, #tpu.memory_space<hbm>>) dst(%dma_wait3A_376 : memref<128x16xf32, #tpu.memory_space<vmem>>)
      %dma_wait3A_380 = arith.constant 3 : i32
      %dma_wait3A_381 = arith.constant 0 : i32
      %dma_wait3A_382 = arith.constant 0 : i32
      %dma_wait3A_383 = tpu.memref_slice %arg15[%dma_wait3A_380, %dma_wait3A_381, %dma_wait3A_382] : memref<4x128x16xf32, #tpu.memory_space<vmem>> -> memref<1x128x16xf32, #tpu.memory_space<vmem>>
      %dma_wait3A_384 = tpu.memref_squeeze %dma_wait3A_383 : memref<1x128x16xf32, #tpu.memory_space<vmem>> -> memref<128x16xf32, #tpu.memory_space<vmem>>
      %dma_wait3A_385 = arith.constant 0 : i32
      %dma_wait3A_386 = arith.constant 0 : i32
      %dma_wait3A_387 = tpu.memref_slice %arg4[%dma_wait3A_385, %dma_wait3A_386] : memref<100000x16xf32, #tpu.memory_space<hbm>> -> memref<128x16xf32, #tpu.memory_space<hbm>>
      %dma_wait3A_388 = arith.constant 0 : i32
      %dma_wait3A_389 = arith.constant 0 : i32
      %dma_wait3A_390 = tpu.memref_slice %arg15[%dma_wait3A_380, %dma_wait3A_388, %dma_wait3A_389] : memref<4x128x16xf32, #tpu.memory_space<vmem>> -> memref<1x128x16xf32, #tpu.memory_space<vmem>>
      %dma_wait3A_391 = tpu.memref_squeeze %dma_wait3A_390 : memref<1x128x16xf32, #tpu.memory_space<vmem>> -> memref<128x16xf32, #tpu.memory_space<vmem>>
      %dma_wait3A_392 = arith.constant 0 : i32
      %dma_wait3A_393 = arith.constant 0 : i32
      %dma_wait3A_394 = tpu.memref_slice %arg4[%dma_wait3A_392, %dma_wait3A_393] : memref<100000x16xf32, #tpu.memory_space<hbm>> -> memref<128x16xf32, #tpu.memory_space<hbm>>
      tpu.wait_dma2 semaphore(%arg20 : memref<!tpu.dma_semaphore, #tpu.memory_space<semaphore_mem>>) src(%dma_wait3A_394 : memref<128x16xf32, #tpu.memory_space<hbm>>) dst(%dma_wait3A_391 : memref<128x16xf32, #tpu.memory_space<vmem>>)
      %dma_start3A_395 = arith.constant 0 : i32
      %dma_start3A_396 = arith.constant 0 : i32
      %dma_start3A_397 = arith.constant 0 : i32
      %dma_start3A_398 = arith.constant 0 : i32
      %dma_start3A_399 = tpu.memref_slice %arg15[%dma_start3A_395, %dma_start3A_397, %dma_start3A_398] : memref<4x128x16xf32, #tpu.memory_space<vmem>> -> memref<1x128x16xf32, #tpu.memory_space<vmem>>
      %dma_start3A_400 = tpu.memref_squeeze %dma_start3A_399 : memref<1x128x16xf32, #tpu.memory_space<vmem>> -> memref<128x16xf32, #tpu.memory_space<vmem>>
      %dma_start3A_401 = arith.constant 0 : i32
      %dma_start3A_402 = tpu.memref_slice %arg12[%dma_start3A_396, %dma_start3A_401] : memref<4x128xi32, #tpu.memory_space<vmem>> -> memref<1x128xi32, #tpu.memory_space<vmem>>
      %dma_start3A_403 = tpu.memref_squeeze %dma_start3A_402 : memref<1x128xi32, #tpu.memory_space<vmem>> -> memref<128xi32, #tpu.memory_space<vmem>>
      %dma_start3A_404 = arith.constant 0 : i32
      %dma_start3A_405 = arith.constant 0 : i32
      %dma_start3A_406 = tpu.memref_slice %arg17[%dma_start3A_404, %dma_start3A_405] : memref<100096x16xf32, #tpu.memory_space<vmem_shared>> -> memref<100096x16xf32, #tpu.memory_space<vmem_shared>>
      tpu.enqueue_indirect_dma source(%dma_start3A_400 : memref<128x16xf32, #tpu.memory_space<vmem>>) target(%dma_start3A_406 : memref<100096x16xf32, #tpu.memory_space<vmem_shared>>) offsets(%dma_start3A_403 : memref<128xi32, #tpu.memory_space<vmem>>) semaphore(%arg22 : memref<!tpu.dma_semaphore, #tpu.memory_space<semaphore_mem>>) {add = true}
      %dma_start3A_407 = arith.constant 1 : i32
      %dma_start3A_408 = arith.constant 1 : i32
      %dma_start3A_409 = arith.constant 0 : i32
      %dma_start3A_410 = arith.constant 0 : i32
      %dma_start3A_411 = tpu.memref_slice %arg15[%dma_start3A_407, %dma_start3A_409, %dma_start3A_410] : memref<4x128x16xf32, #tpu.memory_space<vmem>> -> memref<1x128x16xf32, #tpu.memory_space<vmem>>
      %dma_start3A_412 = tpu.memref_squeeze %dma_start3A_411 : memref<1x128x16xf32, #tpu.memory_space<vmem>> -> memref<128x16xf32, #tpu.memory_space<vmem>>
      %dma_start3A_413 = arith.constant 0 : i32
      %dma_start3A_414 = tpu.memref_slice %arg12[%dma_start3A_408, %dma_start3A_413] : memref<4x128xi32, #tpu.memory_space<vmem>> -> memref<1x128xi32, #tpu.memory_space<vmem>>
      %dma_start3A_415 = tpu.memref_squeeze %dma_start3A_414 : memref<1x128xi32, #tpu.memory_space<vmem>> -> memref<128xi32, #tpu.memory_space<vmem>>
      %dma_start3A_416 = arith.constant 0 : i32
      %dma_start3A_417 = arith.constant 0 : i32
      %dma_start3A_418 = tpu.memref_slice %arg17[%dma_start3A_416, %dma_start3A_417] : memref<100096x16xf32, #tpu.memory_space<vmem_shared>> -> memref<100096x16xf32, #tpu.memory_space<vmem_shared>>
      tpu.enqueue_indirect_dma source(%dma_start3A_412 : memref<128x16xf32, #tpu.memory_space<vmem>>) target(%dma_start3A_418 : memref<100096x16xf32, #tpu.memory_space<vmem_shared>>) offsets(%dma_start3A_415 : memref<128xi32, #tpu.memory_space<vmem>>) semaphore(%arg22 : memref<!tpu.dma_semaphore, #tpu.memory_space<semaphore_mem>>) {add = true}
      %dma_start3A_419 = arith.constant 2 : i32
      %dma_start3A_420 = arith.constant 2 : i32
      %dma_start3A_421 = arith.constant 0 : i32
      %dma_start3A_422 = arith.constant 0 : i32
      %dma_start3A_423 = tpu.memref_slice %arg15[%dma_start3A_419, %dma_start3A_421, %dma_start3A_422] : memref<4x128x16xf32, #tpu.memory_space<vmem>> -> memref<1x128x16xf32, #tpu.memory_space<vmem>>
      %dma_start3A_424 = tpu.memref_squeeze %dma_start3A_423 : memref<1x128x16xf32, #tpu.memory_space<vmem>> -> memref<128x16xf32, #tpu.memory_space<vmem>>
      %dma_start3A_425 = arith.constant 0 : i32
      %dma_start3A_426 = tpu.memref_slice %arg12[%dma_start3A_420, %dma_start3A_425] : memref<4x128xi32, #tpu.memory_space<vmem>> -> memref<1x128xi32, #tpu.memory_space<vmem>>
      %dma_start3A_427 = tpu.memref_squeeze %dma_start3A_426 : memref<1x128xi32, #tpu.memory_space<vmem>> -> memref<128xi32, #tpu.memory_space<vmem>>
      %dma_start3A_428 = arith.constant 0 : i32
      %dma_start3A_429 = arith.constant 0 : i32
      %dma_start3A_430 = tpu.memref_slice %arg17[%dma_start3A_428, %dma_start3A_429] : memref<100096x16xf32, #tpu.memory_space<vmem_shared>> -> memref<100096x16xf32, #tpu.memory_space<vmem_shared>>
      tpu.enqueue_indirect_dma source(%dma_start3A_424 : memref<128x16xf32, #tpu.memory_space<vmem>>) target(%dma_start3A_430 : memref<100096x16xf32, #tpu.memory_space<vmem_shared>>) offsets(%dma_start3A_427 : memref<128xi32, #tpu.memory_space<vmem>>) semaphore(%arg22 : memref<!tpu.dma_semaphore, #tpu.memory_space<semaphore_mem>>) {add = true}
      %dma_start3A_431 = arith.constant 3 : i32
      %dma_start3A_432 = arith.constant 3 : i32
      %dma_start3A_433 = arith.constant 0 : i32
      %dma_start3A_434 = arith.constant 0 : i32
      %dma_start3A_435 = tpu.memref_slice %arg15[%dma_start3A_431, %dma_start3A_433, %dma_start3A_434] : memref<4x128x16xf32, #tpu.memory_space<vmem>> -> memref<1x128x16xf32, #tpu.memory_space<vmem>>
      %dma_start3A_436 = tpu.memref_squeeze %dma_start3A_435 : memref<1x128x16xf32, #tpu.memory_space<vmem>> -> memref<128x16xf32, #tpu.memory_space<vmem>>
      %dma_start3A_437 = arith.constant 0 : i32
      %dma_start3A_438 = tpu.memref_slice %arg12[%dma_start3A_432, %dma_start3A_437] : memref<4x128xi32, #tpu.memory_space<vmem>> -> memref<1x128xi32, #tpu.memory_space<vmem>>
      %dma_start3A_439 = tpu.memref_squeeze %dma_start3A_438 : memref<1x128xi32, #tpu.memory_space<vmem>> -> memref<128xi32, #tpu.memory_space<vmem>>
      %dma_start3A_440 = arith.constant 0 : i32
      %dma_start3A_441 = arith.constant 0 : i32
      %dma_start3A_442 = tpu.memref_slice %arg17[%dma_start3A_440, %dma_start3A_441] : memref<100096x16xf32, #tpu.memory_space<vmem_shared>> -> memref<100096x16xf32, #tpu.memory_space<vmem_shared>>
      tpu.enqueue_indirect_dma source(%dma_start3A_436 : memref<128x16xf32, #tpu.memory_space<vmem>>) target(%dma_start3A_442 : memref<100096x16xf32, #tpu.memory_space<vmem_shared>>) offsets(%dma_start3A_439 : memref<128xi32, #tpu.memory_space<vmem>>) semaphore(%arg22 : memref<!tpu.dma_semaphore, #tpu.memory_space<semaphore_mem>>) {add = true}
      %mul3A_443 = arith.constant 3 : i32
      %mul3A_444 = arith.muli %scan3A_167, %mul3A_443 : i32
      %add3A_445 = arith.constant 2 : i32
      %add3A_446 = arith.addi %mul3A_444, %add3A_445 : i32
      %add3A_447 = arith.constant 1 : i32
      %add3A_448 = arith.addi %add3A_446, %add3A_447 : i32
      %lt3A_449 = arith.constant 198 : i32
      %lt3A_450 = arith.cmpi slt, %add3A_448, %lt3A_449 : i32
      %convert_element_type3A_451 = arith.extui %lt3A_450 : i1 to i32
      %cond3A_452 = arith.constant 0 : i32
      %cond3A_453 = arith.cmpi ne, %convert_element_type3A_451, %cond3A_452 : i32
      scf.if %cond3A_453 {
        %add3A_581 = arith.constant 1 : i32
        %add3A_582 = arith.addi %add3A_446, %add3A_581 : i32
        %mul3A_583 = arith.constant 4 : i32
        %mul3A_584 = arith.muli %add3A_582, %mul3A_583 : i32
        %add3A_585 = arith.addi %mul3A_18, %mul3A_584 : i32
        %dma_wait3A_586 = arith.constant 0 : i32
        %dma_wait3A_587 = tpu.memref_slice %arg2[%add3A_585, %dma_wait3A_586] : memref<25344x128xi32, #tpu.memory_space<hbm>> -> memref<4x128xi32, #tpu.memory_space<hbm>>
        %dma_wait3A_588 = arith.constant 0 : i32
        %dma_wait3A_589 = tpu.memref_slice %arg2[%add3A_585, %dma_wait3A_588] : memref<25344x128xi32, #tpu.memory_space<hbm>> -> memref<4x128xi32, #tpu.memory_space<hbm>>
        tpu.wait_dma2 semaphore(%arg18 : memref<!tpu.dma_semaphore, #tpu.memory_space<semaphore_mem>>) src(%dma_wait3A_589 : memref<4x128xi32, #tpu.memory_space<hbm>>) dst(%arg8 : memref<4x128xi32, #tpu.memory_space<vmem>>)
        %dma_wait3A_590 = arith.constant 0 : i32
        %dma_wait3A_591 = tpu.memref_slice %arg3[%add3A_585, %dma_wait3A_590] : memref<25344x128xi32, #tpu.memory_space<hbm>> -> memref<4x128xi32, #tpu.memory_space<hbm>>
        %dma_wait3A_592 = arith.constant 0 : i32
        %dma_wait3A_593 = tpu.memref_slice %arg3[%add3A_585, %dma_wait3A_592] : memref<25344x128xi32, #tpu.memory_space<hbm>> -> memref<4x128xi32, #tpu.memory_space<hbm>>
        tpu.wait_dma2 semaphore(%arg18 : memref<!tpu.dma_semaphore, #tpu.memory_space<semaphore_mem>>) src(%dma_wait3A_593 : memref<4x128xi32, #tpu.memory_space<hbm>>) dst(%arg11 : memref<4x128xi32, #tpu.memory_space<vmem>>)
      } else {
      }
      %gt3A_454 = arith.constant 0 : i32
      %gt3A_455 = arith.cmpi sgt, %add3A_446, %gt3A_454 : i32
      %convert_element_type3A_456 = arith.extui %gt3A_455 : i1 to i32
      %cond3A_457 = arith.constant 0 : i32
      %cond3A_458 = arith.cmpi ne, %convert_element_type3A_456, %cond3A_457 : i32
      scf.if %cond3A_458 {
        %dma_wait3A_581 = arith.constant 0 : i32
        %dma_wait3A_582 = arith.constant 0 : i32
        %dma_wait3A_583 = arith.constant 0 : i32
        %dma_wait3A_584 = tpu.memref_slice %arg15[%dma_wait3A_581, %dma_wait3A_582, %dma_wait3A_583] : memref<4x128x16xf32, #tpu.memory_space<vmem>> -> memref<1x128x16xf32, #tpu.memory_space<vmem>>
        %dma_wait3A_585 = tpu.memref_squeeze %dma_wait3A_584 : memref<1x128x16xf32, #tpu.memory_space<vmem>> -> memref<128x16xf32, #tpu.memory_space<vmem>>
        %dma_wait3A_586 = arith.constant 0 : i32
        %dma_wait3A_587 = arith.constant 0 : i32
        %dma_wait3A_588 = tpu.memref_slice %arg4[%dma_wait3A_586, %dma_wait3A_587] : memref<100000x16xf32, #tpu.memory_space<hbm>> -> memref<128x16xf32, #tpu.memory_space<hbm>>
        %dma_wait3A_589 = arith.constant 0 : i32
        %dma_wait3A_590 = arith.constant 0 : i32
        %dma_wait3A_591 = tpu.memref_slice %arg15[%dma_wait3A_581, %dma_wait3A_589, %dma_wait3A_590] : memref<4x128x16xf32, #tpu.memory_space<vmem>> -> memref<1x128x16xf32, #tpu.memory_space<vmem>>
        %dma_wait3A_592 = tpu.memref_squeeze %dma_wait3A_591 : memref<1x128x16xf32, #tpu.memory_space<vmem>> -> memref<128x16xf32, #tpu.memory_space<vmem>>
        %dma_wait3A_593 = arith.constant 0 : i32
        %dma_wait3A_594 = arith.constant 0 : i32
        %dma_wait3A_595 = tpu.memref_slice %arg4[%dma_wait3A_593, %dma_wait3A_594] : memref<100000x16xf32, #tpu.memory_space<hbm>> -> memref<128x16xf32, #tpu.memory_space<hbm>>
        tpu.wait_dma2 semaphore(%arg22 : memref<!tpu.dma_semaphore, #tpu.memory_space<semaphore_mem>>) src(%dma_wait3A_595 : memref<128x16xf32, #tpu.memory_space<hbm>>) dst(%dma_wait3A_592 : memref<128x16xf32, #tpu.memory_space<vmem>>)
        %dma_wait3A_596 = arith.constant 1 : i32
        %dma_wait3A_597 = arith.constant 0 : i32
        %dma_wait3A_598 = arith.constant 0 : i32
        %dma_wait3A_599 = tpu.memref_slice %arg15[%dma_wait3A_596, %dma_wait3A_597, %dma_wait3A_598] : memref<4x128x16xf32, #tpu.memory_space<vmem>> -> memref<1x128x16xf32, #tpu.memory_space<vmem>>
        %dma_wait3A_600 = tpu.memref_squeeze %dma_wait3A_599 : memref<1x128x16xf32, #tpu.memory_space<vmem>> -> memref<128x16xf32, #tpu.memory_space<vmem>>
        %dma_wait3A_601 = arith.constant 0 : i32
        %dma_wait3A_602 = arith.constant 0 : i32
        %dma_wait3A_603 = tpu.memref_slice %arg4[%dma_wait3A_601, %dma_wait3A_602] : memref<100000x16xf32, #tpu.memory_space<hbm>> -> memref<128x16xf32, #tpu.memory_space<hbm>>
        %dma_wait3A_604 = arith.constant 0 : i32
        %dma_wait3A_605 = arith.constant 0 : i32
        %dma_wait3A_606 = tpu.memref_slice %arg15[%dma_wait3A_596, %dma_wait3A_604, %dma_wait3A_605] : memref<4x128x16xf32, #tpu.memory_space<vmem>> -> memref<1x128x16xf32, #tpu.memory_space<vmem>>
        %dma_wait3A_607 = tpu.memref_squeeze %dma_wait3A_606 : memref<1x128x16xf32, #tpu.memory_space<vmem>> -> memref<128x16xf32, #tpu.memory_space<vmem>>
        %dma_wait3A_608 = arith.constant 0 : i32
        %dma_wait3A_609 = arith.constant 0 : i32
        %dma_wait3A_610 = tpu.memref_slice %arg4[%dma_wait3A_608, %dma_wait3A_609] : memref<100000x16xf32, #tpu.memory_space<hbm>> -> memref<128x16xf32, #tpu.memory_space<hbm>>
        tpu.wait_dma2 semaphore(%arg22 : memref<!tpu.dma_semaphore, #tpu.memory_space<semaphore_mem>>) src(%dma_wait3A_610 : memref<128x16xf32, #tpu.memory_space<hbm>>) dst(%dma_wait3A_607 : memref<128x16xf32, #tpu.memory_space<vmem>>)
        %dma_wait3A_611 = arith.constant 2 : i32
        %dma_wait3A_612 = arith.constant 0 : i32
        %dma_wait3A_613 = arith.constant 0 : i32
        %dma_wait3A_614 = tpu.memref_slice %arg15[%dma_wait3A_611, %dma_wait3A_612, %dma_wait3A_613] : memref<4x128x16xf32, #tpu.memory_space<vmem>> -> memref<1x128x16xf32, #tpu.memory_space<vmem>>
        %dma_wait3A_615 = tpu.memref_squeeze %dma_wait3A_614 : memref<1x128x16xf32, #tpu.memory_space<vmem>> -> memref<128x16xf32, #tpu.memory_space<vmem>>
        %dma_wait3A_616 = arith.constant 0 : i32
        %dma_wait3A_617 = arith.constant 0 : i32
        %dma_wait3A_618 = tpu.memref_slice %arg4[%dma_wait3A_616, %dma_wait3A_617] : memref<100000x16xf32, #tpu.memory_space<hbm>> -> memref<128x16xf32, #tpu.memory_space<hbm>>
        %dma_wait3A_619 = arith.constant 0 : i32
        %dma_wait3A_620 = arith.constant 0 : i32
        %dma_wait3A_621 = tpu.memref_slice %arg15[%dma_wait3A_611, %dma_wait3A_619, %dma_wait3A_620] : memref<4x128x16xf32, #tpu.memory_space<vmem>> -> memref<1x128x16xf32, #tpu.memory_space<vmem>>
        %dma_wait3A_622 = tpu.memref_squeeze %dma_wait3A_621 : memref<1x128x16xf32, #tpu.memory_space<vmem>> -> memref<128x16xf32, #tpu.memory_space<vmem>>
        %dma_wait3A_623 = arith.constant 0 : i32
        %dma_wait3A_624 = arith.constant 0 : i32
        %dma_wait3A_625 = tpu.memref_slice %arg4[%dma_wait3A_623, %dma_wait3A_624] : memref<100000x16xf32, #tpu.memory_space<hbm>> -> memref<128x16xf32, #tpu.memory_space<hbm>>
        tpu.wait_dma2 semaphore(%arg22 : memref<!tpu.dma_semaphore, #tpu.memory_space<semaphore_mem>>) src(%dma_wait3A_625 : memref<128x16xf32, #tpu.memory_space<hbm>>) dst(%dma_wait3A_622 : memref<128x16xf32, #tpu.memory_space<vmem>>)
        %dma_wait3A_626 = arith.constant 3 : i32
        %dma_wait3A_627 = arith.constant 0 : i32
        %dma_wait3A_628 = arith.constant 0 : i32
        %dma_wait3A_629 = tpu.memref_slice %arg15[%dma_wait3A_626, %dma_wait3A_627, %dma_wait3A_628] : memref<4x128x16xf32, #tpu.memory_space<vmem>> -> memref<1x128x16xf32, #tpu.memory_space<vmem>>
        %dma_wait3A_630 = tpu.memref_squeeze %dma_wait3A_629 : memref<1x128x16xf32, #tpu.memory_space<vmem>> -> memref<128x16xf32, #tpu.memory_space<vmem>>
        %dma_wait3A_631 = arith.constant 0 : i32
        %dma_wait3A_632 = arith.constant 0 : i32
        %dma_wait3A_633 = tpu.memref_slice %arg4[%dma_wait3A_631, %dma_wait3A_632] : memref<100000x16xf32, #tpu.memory_space<hbm>> -> memref<128x16xf32, #tpu.memory_space<hbm>>
        %dma_wait3A_634 = arith.constant 0 : i32
        %dma_wait3A_635 = arith.constant 0 : i32
        %dma_wait3A_636 = tpu.memref_slice %arg15[%dma_wait3A_626, %dma_wait3A_634, %dma_wait3A_635] : memref<4x128x16xf32, #tpu.memory_space<vmem>> -> memref<1x128x16xf32, #tpu.memory_space<vmem>>
        %dma_wait3A_637 = tpu.memref_squeeze %dma_wait3A_636 : memref<1x128x16xf32, #tpu.memory_space<vmem>> -> memref<128x16xf32, #tpu.memory_space<vmem>>
        %dma_wait3A_638 = arith.constant 0 : i32
        %dma_wait3A_639 = arith.constant 0 : i32
        %dma_wait3A_640 = tpu.memref_slice %arg4[%dma_wait3A_638, %dma_wait3A_639] : memref<100000x16xf32, #tpu.memory_space<hbm>> -> memref<128x16xf32, #tpu.memory_space<hbm>>
        tpu.wait_dma2 semaphore(%arg22 : memref<!tpu.dma_semaphore, #tpu.memory_space<semaphore_mem>>) src(%dma_wait3A_640 : memref<128x16xf32, #tpu.memory_space<hbm>>) dst(%dma_wait3A_637 : memref<128x16xf32, #tpu.memory_space<vmem>>)
      } else {
      }
      %add3A_459 = arith.constant 2 : i32
      %add3A_460 = arith.addi %add3A_446, %add3A_459 : i32
      %lt3A_461 = arith.constant 198 : i32
      %lt3A_462 = arith.cmpi slt, %add3A_460, %lt3A_461 : i32
      %convert_element_type3A_463 = arith.extui %lt3A_462 : i1 to i32
      %cond3A_464 = arith.constant 0 : i32
      %cond3A_465 = arith.cmpi ne, %convert_element_type3A_463, %cond3A_464 : i32
      scf.if %cond3A_465 {
        %add3A_581 = arith.constant 2 : i32
        %add3A_582 = arith.addi %add3A_446, %add3A_581 : i32
        %mul3A_583 = arith.constant 4 : i32
        %mul3A_584 = arith.muli %add3A_582, %mul3A_583 : i32
        %add3A_585 = arith.addi %mul3A_18, %mul3A_584 : i32
        %dma_start3A_586 = arith.constant 0 : i32
        %dma_start3A_587 = tpu.memref_slice %arg2[%add3A_585, %dma_start3A_586] : memref<25344x128xi32, #tpu.memory_space<hbm>> -> memref<4x128xi32, #tpu.memory_space<hbm>>
        %dma_start3A_588 = arith.constant 0 : i32
        %dma_start3A_589 = tpu.memref_slice %arg2[%add3A_585, %dma_start3A_588] : memref<25344x128xi32, #tpu.memory_space<hbm>> -> memref<4x128xi32, #tpu.memory_space<hbm>>
        tpu.enqueue_dma source(%dma_start3A_589 : memref<4x128xi32, #tpu.memory_space<hbm>>) target(%arg9 : memref<4x128xi32, #tpu.memory_space<vmem>>) target_semaphore(%arg18 : memref<!tpu.dma_semaphore, #tpu.memory_space<semaphore_mem>>)
        %dma_start3A_590 = arith.constant 0 : i32
        %dma_start3A_591 = tpu.memref_slice %arg3[%add3A_585, %dma_start3A_590] : memref<25344x128xi32, #tpu.memory_space<hbm>> -> memref<4x128xi32, #tpu.memory_space<hbm>>
        %dma_start3A_592 = arith.constant 0 : i32
        %dma_start3A_593 = tpu.memref_slice %arg3[%add3A_585, %dma_start3A_592] : memref<25344x128xi32, #tpu.memory_space<hbm>> -> memref<4x128xi32, #tpu.memory_space<hbm>>
        tpu.enqueue_dma source(%dma_start3A_593 : memref<4x128xi32, #tpu.memory_space<hbm>>) target(%arg12 : memref<4x128xi32, #tpu.memory_space<vmem>>) target_semaphore(%arg18 : memref<!tpu.dma_semaphore, #tpu.memory_space<semaphore_mem>>)
      } else {
      }
      %add3A_466 = arith.constant 1 : i32
      %add3A_467 = arith.addi %add3A_446, %add3A_466 : i32
      %lt3A_468 = arith.constant 198 : i32
      %lt3A_469 = arith.cmpi slt, %add3A_467, %lt3A_468 : i32
      %convert_element_type3A_470 = arith.extui %lt3A_469 : i1 to i32
      %cond3A_471 = arith.constant 0 : i32
      %cond3A_472 = arith.cmpi ne, %convert_element_type3A_470, %cond3A_471 : i32
      scf.if %cond3A_472 {
        %dma_start3A_581 = arith.constant 0 : i32
        %dma_start3A_582 = arith.constant 0 : i32
        %dma_start3A_583 = arith.constant 0 : i32
        %dma_start3A_584 = arith.constant 0 : i32
        %dma_start3A_585 = tpu.memref_slice %arg14[%dma_start3A_582, %dma_start3A_583, %dma_start3A_584] : memref<4x128x16xf32, #tpu.memory_space<vmem>> -> memref<1x128x16xf32, #tpu.memory_space<vmem>>
        %dma_start3A_586 = tpu.memref_squeeze %dma_start3A_585 : memref<1x128x16xf32, #tpu.memory_space<vmem>> -> memref<128x16xf32, #tpu.memory_space<vmem>>
        %dma_start3A_587 = arith.constant 0 : i32
        %dma_start3A_588 = tpu.memref_slice %arg8[%dma_start3A_581, %dma_start3A_587] : memref<4x128xi32, #tpu.memory_space<vmem>> -> memref<1x128xi32, #tpu.memory_space<vmem>>
        %dma_start3A_589 = tpu.memref_squeeze %dma_start3A_588 : memref<1x128xi32, #tpu.memory_space<vmem>> -> memref<128xi32, #tpu.memory_space<vmem>>
        %dma_start3A_590 = arith.constant 0 : i32
        %dma_start3A_591 = arith.constant 0 : i32
        %dma_start3A_592 = tpu.memref_slice %arg4[%dma_start3A_590, %dma_start3A_591] : memref<100000x16xf32, #tpu.memory_space<hbm>> -> memref<100000x16xf32, #tpu.memory_space<hbm>>
        tpu.enqueue_indirect_dma source(%dma_start3A_592 : memref<100000x16xf32, #tpu.memory_space<hbm>>) target(%dma_start3A_586 : memref<128x16xf32, #tpu.memory_space<vmem>>) offsets(%dma_start3A_589 : memref<128xi32, #tpu.memory_space<vmem>>) semaphore(%arg19 : memref<!tpu.dma_semaphore, #tpu.memory_space<semaphore_mem>>)
        %dma_start3A_593 = arith.constant 1 : i32
        %dma_start3A_594 = arith.constant 1 : i32
        %dma_start3A_595 = arith.constant 0 : i32
        %dma_start3A_596 = arith.constant 0 : i32
        %dma_start3A_597 = tpu.memref_slice %arg14[%dma_start3A_594, %dma_start3A_595, %dma_start3A_596] : memref<4x128x16xf32, #tpu.memory_space<vmem>> -> memref<1x128x16xf32, #tpu.memory_space<vmem>>
        %dma_start3A_598 = tpu.memref_squeeze %dma_start3A_597 : memref<1x128x16xf32, #tpu.memory_space<vmem>> -> memref<128x16xf32, #tpu.memory_space<vmem>>
        %dma_start3A_599 = arith.constant 0 : i32
        %dma_start3A_600 = tpu.memref_slice %arg8[%dma_start3A_593, %dma_start3A_599] : memref<4x128xi32, #tpu.memory_space<vmem>> -> memref<1x128xi32, #tpu.memory_space<vmem>>
        %dma_start3A_601 = tpu.memref_squeeze %dma_start3A_600 : memref<1x128xi32, #tpu.memory_space<vmem>> -> memref<128xi32, #tpu.memory_space<vmem>>
        %dma_start3A_602 = arith.constant 0 : i32
        %dma_start3A_603 = arith.constant 0 : i32
        %dma_start3A_604 = tpu.memref_slice %arg4[%dma_start3A_602, %dma_start3A_603] : memref<100000x16xf32, #tpu.memory_space<hbm>> -> memref<100000x16xf32, #tpu.memory_space<hbm>>
        tpu.enqueue_indirect_dma source(%dma_start3A_604 : memref<100000x16xf32, #tpu.memory_space<hbm>>) target(%dma_start3A_598 : memref<128x16xf32, #tpu.memory_space<vmem>>) offsets(%dma_start3A_601 : memref<128xi32, #tpu.memory_space<vmem>>) semaphore(%arg19 : memref<!tpu.dma_semaphore, #tpu.memory_space<semaphore_mem>>)
        %dma_start3A_605 = arith.constant 2 : i32
        %dma_start3A_606 = arith.constant 2 : i32
        %dma_start3A_607 = arith.constant 0 : i32
        %dma_start3A_608 = arith.constant 0 : i32
        %dma_start3A_609 = tpu.memref_slice %arg14[%dma_start3A_606, %dma_start3A_607, %dma_start3A_608] : memref<4x128x16xf32, #tpu.memory_space<vmem>> -> memref<1x128x16xf32, #tpu.memory_space<vmem>>
        %dma_start3A_610 = tpu.memref_squeeze %dma_start3A_609 : memref<1x128x16xf32, #tpu.memory_space<vmem>> -> memref<128x16xf32, #tpu.memory_space<vmem>>
        %dma_start3A_611 = arith.constant 0 : i32
        %dma_start3A_612 = tpu.memref_slice %arg8[%dma_start3A_605, %dma_start3A_611] : memref<4x128xi32, #tpu.memory_space<vmem>> -> memref<1x128xi32, #tpu.memory_space<vmem>>
        %dma_start3A_613 = tpu.memref_squeeze %dma_start3A_612 : memref<1x128xi32, #tpu.memory_space<vmem>> -> memref<128xi32, #tpu.memory_space<vmem>>
        %dma_start3A_614 = arith.constant 0 : i32
        %dma_start3A_615 = arith.constant 0 : i32
        %dma_start3A_616 = tpu.memref_slice %arg4[%dma_start3A_614, %dma_start3A_615] : memref<100000x16xf32, #tpu.memory_space<hbm>> -> memref<100000x16xf32, #tpu.memory_space<hbm>>
        tpu.enqueue_indirect_dma source(%dma_start3A_616 : memref<100000x16xf32, #tpu.memory_space<hbm>>) target(%dma_start3A_610 : memref<128x16xf32, #tpu.memory_space<vmem>>) offsets(%dma_start3A_613 : memref<128xi32, #tpu.memory_space<vmem>>) semaphore(%arg19 : memref<!tpu.dma_semaphore, #tpu.memory_space<semaphore_mem>>)
        %dma_start3A_617 = arith.constant 3 : i32
        %dma_start3A_618 = arith.constant 3 : i32
        %dma_start3A_619 = arith.constant 0 : i32
        %dma_start3A_620 = arith.constant 0 : i32
        %dma_start3A_621 = tpu.memref_slice %arg14[%dma_start3A_618, %dma_start3A_619, %dma_start3A_620] : memref<4x128x16xf32, #tpu.memory_space<vmem>> -> memref<1x128x16xf32, #tpu.memory_space<vmem>>
        %dma_start3A_622 = tpu.memref_squeeze %dma_start3A_621 : memref<1x128x16xf32, #tpu.memory_space<vmem>> -> memref<128x16xf32, #tpu.memory_space<vmem>>
        %dma_start3A_623 = arith.constant 0 : i32
        %dma_start3A_624 = tpu.memref_slice %arg8[%dma_start3A_617, %dma_start3A_623] : memref<4x128xi32, #tpu.memory_space<vmem>> -> memref<1x128xi32, #tpu.memory_space<vmem>>
        %dma_start3A_625 = tpu.memref_squeeze %dma_start3A_624 : memref<1x128xi32, #tpu.memory_space<vmem>> -> memref<128xi32, #tpu.memory_space<vmem>>
        %dma_start3A_626 = arith.constant 0 : i32
        %dma_start3A_627 = arith.constant 0 : i32
        %dma_start3A_628 = tpu.memref_slice %arg4[%dma_start3A_626, %dma_start3A_627] : memref<100000x16xf32, #tpu.memory_space<hbm>> -> memref<100000x16xf32, #tpu.memory_space<hbm>>
        tpu.enqueue_indirect_dma source(%dma_start3A_628 : memref<100000x16xf32, #tpu.memory_space<hbm>>) target(%dma_start3A_622 : memref<128x16xf32, #tpu.memory_space<vmem>>) offsets(%dma_start3A_625 : memref<128xi32, #tpu.memory_space<vmem>>) semaphore(%arg19 : memref<!tpu.dma_semaphore, #tpu.memory_space<semaphore_mem>>)
      } else {
      }
      %dma_wait3A_473 = arith.constant 0 : i32
      %dma_wait3A_474 = arith.constant 0 : i32
      %dma_wait3A_475 = arith.constant 0 : i32
      %dma_wait3A_476 = tpu.memref_slice %arg16[%dma_wait3A_473, %dma_wait3A_474, %dma_wait3A_475] : memref<4x128x16xf32, #tpu.memory_space<vmem>> -> memref<1x128x16xf32, #tpu.memory_space<vmem>>
      %dma_wait3A_477 = tpu.memref_squeeze %dma_wait3A_476 : memref<1x128x16xf32, #tpu.memory_space<vmem>> -> memref<128x16xf32, #tpu.memory_space<vmem>>
      %dma_wait3A_478 = arith.constant 0 : i32
      %dma_wait3A_479 = arith.constant 0 : i32
      %dma_wait3A_480 = tpu.memref_slice %arg4[%dma_wait3A_478, %dma_wait3A_479] : memref<100000x16xf32, #tpu.memory_space<hbm>> -> memref<128x16xf32, #tpu.memory_space<hbm>>
      %dma_wait3A_481 = arith.constant 0 : i32
      %dma_wait3A_482 = arith.constant 0 : i32
      %dma_wait3A_483 = tpu.memref_slice %arg16[%dma_wait3A_473, %dma_wait3A_481, %dma_wait3A_482] : memref<4x128x16xf32, #tpu.memory_space<vmem>> -> memref<1x128x16xf32, #tpu.memory_space<vmem>>
      %dma_wait3A_484 = tpu.memref_squeeze %dma_wait3A_483 : memref<1x128x16xf32, #tpu.memory_space<vmem>> -> memref<128x16xf32, #tpu.memory_space<vmem>>
      %dma_wait3A_485 = arith.constant 0 : i32
      %dma_wait3A_486 = arith.constant 0 : i32
      %dma_wait3A_487 = tpu.memref_slice %arg4[%dma_wait3A_485, %dma_wait3A_486] : memref<100000x16xf32, #tpu.memory_space<hbm>> -> memref<128x16xf32, #tpu.memory_space<hbm>>
      tpu.wait_dma2 semaphore(%arg21 : memref<!tpu.dma_semaphore, #tpu.memory_space<semaphore_mem>>) src(%dma_wait3A_487 : memref<128x16xf32, #tpu.memory_space<hbm>>) dst(%dma_wait3A_484 : memref<128x16xf32, #tpu.memory_space<vmem>>)
      %dma_wait3A_488 = arith.constant 1 : i32
      %dma_wait3A_489 = arith.constant 0 : i32
      %dma_wait3A_490 = arith.constant 0 : i32
      %dma_wait3A_491 = tpu.memref_slice %arg16[%dma_wait3A_488, %dma_wait3A_489, %dma_wait3A_490] : memref<4x128x16xf32, #tpu.memory_space<vmem>> -> memref<1x128x16xf32, #tpu.memory_space<vmem>>
      %dma_wait3A_492 = tpu.memref_squeeze %dma_wait3A_491 : memref<1x128x16xf32, #tpu.memory_space<vmem>> -> memref<128x16xf32, #tpu.memory_space<vmem>>
      %dma_wait3A_493 = arith.constant 0 : i32
      %dma_wait3A_494 = arith.constant 0 : i32
      %dma_wait3A_495 = tpu.memref_slice %arg4[%dma_wait3A_493, %dma_wait3A_494] : memref<100000x16xf32, #tpu.memory_space<hbm>> -> memref<128x16xf32, #tpu.memory_space<hbm>>
      %dma_wait3A_496 = arith.constant 0 : i32
      %dma_wait3A_497 = arith.constant 0 : i32
      %dma_wait3A_498 = tpu.memref_slice %arg16[%dma_wait3A_488, %dma_wait3A_496, %dma_wait3A_497] : memref<4x128x16xf32, #tpu.memory_space<vmem>> -> memref<1x128x16xf32, #tpu.memory_space<vmem>>
      %dma_wait3A_499 = tpu.memref_squeeze %dma_wait3A_498 : memref<1x128x16xf32, #tpu.memory_space<vmem>> -> memref<128x16xf32, #tpu.memory_space<vmem>>
      %dma_wait3A_500 = arith.constant 0 : i32
      %dma_wait3A_501 = arith.constant 0 : i32
      %dma_wait3A_502 = tpu.memref_slice %arg4[%dma_wait3A_500, %dma_wait3A_501] : memref<100000x16xf32, #tpu.memory_space<hbm>> -> memref<128x16xf32, #tpu.memory_space<hbm>>
      tpu.wait_dma2 semaphore(%arg21 : memref<!tpu.dma_semaphore, #tpu.memory_space<semaphore_mem>>) src(%dma_wait3A_502 : memref<128x16xf32, #tpu.memory_space<hbm>>) dst(%dma_wait3A_499 : memref<128x16xf32, #tpu.memory_space<vmem>>)
      %dma_wait3A_503 = arith.constant 2 : i32
      %dma_wait3A_504 = arith.constant 0 : i32
      %dma_wait3A_505 = arith.constant 0 : i32
      %dma_wait3A_506 = tpu.memref_slice %arg16[%dma_wait3A_503, %dma_wait3A_504, %dma_wait3A_505] : memref<4x128x16xf32, #tpu.memory_space<vmem>> -> memref<1x128x16xf32, #tpu.memory_space<vmem>>
      %dma_wait3A_507 = tpu.memref_squeeze %dma_wait3A_506 : memref<1x128x16xf32, #tpu.memory_space<vmem>> -> memref<128x16xf32, #tpu.memory_space<vmem>>
      %dma_wait3A_508 = arith.constant 0 : i32
      %dma_wait3A_509 = arith.constant 0 : i32
      %dma_wait3A_510 = tpu.memref_slice %arg4[%dma_wait3A_508, %dma_wait3A_509] : memref<100000x16xf32, #tpu.memory_space<hbm>> -> memref<128x16xf32, #tpu.memory_space<hbm>>
      %dma_wait3A_511 = arith.constant 0 : i32
      %dma_wait3A_512 = arith.constant 0 : i32
      %dma_wait3A_513 = tpu.memref_slice %arg16[%dma_wait3A_503, %dma_wait3A_511, %dma_wait3A_512] : memref<4x128x16xf32, #tpu.memory_space<vmem>> -> memref<1x128x16xf32, #tpu.memory_space<vmem>>
      %dma_wait3A_514 = tpu.memref_squeeze %dma_wait3A_513 : memref<1x128x16xf32, #tpu.memory_space<vmem>> -> memref<128x16xf32, #tpu.memory_space<vmem>>
      %dma_wait3A_515 = arith.constant 0 : i32
      %dma_wait3A_516 = arith.constant 0 : i32
      %dma_wait3A_517 = tpu.memref_slice %arg4[%dma_wait3A_515, %dma_wait3A_516] : memref<100000x16xf32, #tpu.memory_space<hbm>> -> memref<128x16xf32, #tpu.memory_space<hbm>>
      tpu.wait_dma2 semaphore(%arg21 : memref<!tpu.dma_semaphore, #tpu.memory_space<semaphore_mem>>) src(%dma_wait3A_517 : memref<128x16xf32, #tpu.memory_space<hbm>>) dst(%dma_wait3A_514 : memref<128x16xf32, #tpu.memory_space<vmem>>)
      %dma_wait3A_518 = arith.constant 3 : i32
      %dma_wait3A_519 = arith.constant 0 : i32
      %dma_wait3A_520 = arith.constant 0 : i32
      %dma_wait3A_521 = tpu.memref_slice %arg16[%dma_wait3A_518, %dma_wait3A_519, %dma_wait3A_520] : memref<4x128x16xf32, #tpu.memory_space<vmem>> -> memref<1x128x16xf32, #tpu.memory_space<vmem>>
      %dma_wait3A_522 = tpu.memref_squeeze %dma_wait3A_521 : memref<1x128x16xf32, #tpu.memory_space<vmem>> -> memref<128x16xf32, #tpu.memory_space<vmem>>
      %dma_wait3A_523 = arith.constant 0 : i32
      %dma_wait3A_524 = arith.constant 0 : i32
      %dma_wait3A_525 = tpu.memref_slice %arg4[%dma_wait3A_523, %dma_wait3A_524] : memref<100000x16xf32, #tpu.memory_space<hbm>> -> memref<128x16xf32, #tpu.memory_space<hbm>>
      %dma_wait3A_526 = arith.constant 0 : i32
      %dma_wait3A_527 = arith.constant 0 : i32
      %dma_wait3A_528 = tpu.memref_slice %arg16[%dma_wait3A_518, %dma_wait3A_526, %dma_wait3A_527] : memref<4x128x16xf32, #tpu.memory_space<vmem>> -> memref<1x128x16xf32, #tpu.memory_space<vmem>>
      %dma_wait3A_529 = tpu.memref_squeeze %dma_wait3A_528 : memref<1x128x16xf32, #tpu.memory_space<vmem>> -> memref<128x16xf32, #tpu.memory_space<vmem>>
      %dma_wait3A_530 = arith.constant 0 : i32
      %dma_wait3A_531 = arith.constant 0 : i32
      %dma_wait3A_532 = tpu.memref_slice %arg4[%dma_wait3A_530, %dma_wait3A_531] : memref<100000x16xf32, #tpu.memory_space<hbm>> -> memref<128x16xf32, #tpu.memory_space<hbm>>
      tpu.wait_dma2 semaphore(%arg21 : memref<!tpu.dma_semaphore, #tpu.memory_space<semaphore_mem>>) src(%dma_wait3A_532 : memref<128x16xf32, #tpu.memory_space<hbm>>) dst(%dma_wait3A_529 : memref<128x16xf32, #tpu.memory_space<vmem>>)
      %dma_start3A_533 = arith.constant 0 : i32
      %dma_start3A_534 = arith.constant 0 : i32
      %dma_start3A_535 = arith.constant 0 : i32
      %dma_start3A_536 = arith.constant 0 : i32
      %dma_start3A_537 = tpu.memref_slice %arg16[%dma_start3A_533, %dma_start3A_535, %dma_start3A_536] : memref<4x128x16xf32, #tpu.memory_space<vmem>> -> memref<1x128x16xf32, #tpu.memory_space<vmem>>
      %dma_start3A_538 = tpu.memref_squeeze %dma_start3A_537 : memref<1x128x16xf32, #tpu.memory_space<vmem>> -> memref<128x16xf32, #tpu.memory_space<vmem>>
      %dma_start3A_539 = arith.constant 0 : i32
      %dma_start3A_540 = tpu.memref_slice %arg13[%dma_start3A_534, %dma_start3A_539] : memref<4x128xi32, #tpu.memory_space<vmem>> -> memref<1x128xi32, #tpu.memory_space<vmem>>
      %dma_start3A_541 = tpu.memref_squeeze %dma_start3A_540 : memref<1x128xi32, #tpu.memory_space<vmem>> -> memref<128xi32, #tpu.memory_space<vmem>>
      %dma_start3A_542 = arith.constant 0 : i32
      %dma_start3A_543 = arith.constant 0 : i32
      %dma_start3A_544 = tpu.memref_slice %arg17[%dma_start3A_542, %dma_start3A_543] : memref<100096x16xf32, #tpu.memory_space<vmem_shared>> -> memref<100096x16xf32, #tpu.memory_space<vmem_shared>>
      tpu.enqueue_indirect_dma source(%dma_start3A_538 : memref<128x16xf32, #tpu.memory_space<vmem>>) target(%dma_start3A_544 : memref<100096x16xf32, #tpu.memory_space<vmem_shared>>) offsets(%dma_start3A_541 : memref<128xi32, #tpu.memory_space<vmem>>) semaphore(%arg22 : memref<!tpu.dma_semaphore, #tpu.memory_space<semaphore_mem>>) {add = true}
      %dma_start3A_545 = arith.constant 1 : i32
      %dma_start3A_546 = arith.constant 1 : i32
      %dma_start3A_547 = arith.constant 0 : i32
      %dma_start3A_548 = arith.constant 0 : i32
      %dma_start3A_549 = tpu.memref_slice %arg16[%dma_start3A_545, %dma_start3A_547, %dma_start3A_548] : memref<4x128x16xf32, #tpu.memory_space<vmem>> -> memref<1x128x16xf32, #tpu.memory_space<vmem>>
      %dma_start3A_550 = tpu.memref_squeeze %dma_start3A_549 : memref<1x128x16xf32, #tpu.memory_space<vmem>> -> memref<128x16xf32, #tpu.memory_space<vmem>>
      %dma_start3A_551 = arith.constant 0 : i32
      %dma_start3A_552 = tpu.memref_slice %arg13[%dma_start3A_546, %dma_start3A_551] : memref<4x128xi32, #tpu.memory_space<vmem>> -> memref<1x128xi32, #tpu.memory_space<vmem>>
      %dma_start3A_553 = tpu.memref_squeeze %dma_start3A_552 : memref<1x128xi32, #tpu.memory_space<vmem>> -> memref<128xi32, #tpu.memory_space<vmem>>
      %dma_start3A_554 = arith.constant 0 : i32
      %dma_start3A_555 = arith.constant 0 : i32
      %dma_start3A_556 = tpu.memref_slice %arg17[%dma_start3A_554, %dma_start3A_555] : memref<100096x16xf32, #tpu.memory_space<vmem_shared>> -> memref<100096x16xf32, #tpu.memory_space<vmem_shared>>
      tpu.enqueue_indirect_dma source(%dma_start3A_550 : memref<128x16xf32, #tpu.memory_space<vmem>>) target(%dma_start3A_556 : memref<100096x16xf32, #tpu.memory_space<vmem_shared>>) offsets(%dma_start3A_553 : memref<128xi32, #tpu.memory_space<vmem>>) semaphore(%arg22 : memref<!tpu.dma_semaphore, #tpu.memory_space<semaphore_mem>>) {add = true}
      %dma_start3A_557 = arith.constant 2 : i32
      %dma_start3A_558 = arith.constant 2 : i32
      %dma_start3A_559 = arith.constant 0 : i32
      %dma_start3A_560 = arith.constant 0 : i32
      %dma_start3A_561 = tpu.memref_slice %arg16[%dma_start3A_557, %dma_start3A_559, %dma_start3A_560] : memref<4x128x16xf32, #tpu.memory_space<vmem>> -> memref<1x128x16xf32, #tpu.memory_space<vmem>>
      %dma_start3A_562 = tpu.memref_squeeze %dma_start3A_561 : memref<1x128x16xf32, #tpu.memory_space<vmem>> -> memref<128x16xf32, #tpu.memory_space<vmem>>
      %dma_start3A_563 = arith.constant 0 : i32
      %dma_start3A_564 = tpu.memref_slice %arg13[%dma_start3A_558, %dma_start3A_563] : memref<4x128xi32, #tpu.memory_space<vmem>> -> memref<1x128xi32, #tpu.memory_space<vmem>>
      %dma_start3A_565 = tpu.memref_squeeze %dma_start3A_564 : memref<1x128xi32, #tpu.memory_space<vmem>> -> memref<128xi32, #tpu.memory_space<vmem>>
      %dma_start3A_566 = arith.constant 0 : i32
      %dma_start3A_567 = arith.constant 0 : i32
      %dma_start3A_568 = tpu.memref_slice %arg17[%dma_start3A_566, %dma_start3A_567] : memref<100096x16xf32, #tpu.memory_space<vmem_shared>> -> memref<100096x16xf32, #tpu.memory_space<vmem_shared>>
      tpu.enqueue_indirect_dma source(%dma_start3A_562 : memref<128x16xf32, #tpu.memory_space<vmem>>) target(%dma_start3A_568 : memref<100096x16xf32, #tpu.memory_space<vmem_shared>>) offsets(%dma_start3A_565 : memref<128xi32, #tpu.memory_space<vmem>>) semaphore(%arg22 : memref<!tpu.dma_semaphore, #tpu.memory_space<semaphore_mem>>) {add = true}
      %dma_start3A_569 = arith.constant 3 : i32
      %dma_start3A_570 = arith.constant 3 : i32
      %dma_start3A_571 = arith.constant 0 : i32
      %dma_start3A_572 = arith.constant 0 : i32
      %dma_start3A_573 = tpu.memref_slice %arg16[%dma_start3A_569, %dma_start3A_571, %dma_start3A_572] : memref<4x128x16xf32, #tpu.memory_space<vmem>> -> memref<1x128x16xf32, #tpu.memory_space<vmem>>
      %dma_start3A_574 = tpu.memref_squeeze %dma_start3A_573 : memref<1x128x16xf32, #tpu.memory_space<vmem>> -> memref<128x16xf32, #tpu.memory_space<vmem>>
      %dma_start3A_575 = arith.constant 0 : i32
      %dma_start3A_576 = tpu.memref_slice %arg13[%dma_start3A_570, %dma_start3A_575] : memref<4x128xi32, #tpu.memory_space<vmem>> -> memref<1x128xi32, #tpu.memory_space<vmem>>
      %dma_start3A_577 = tpu.memref_squeeze %dma_start3A_576 : memref<1x128xi32, #tpu.memory_space<vmem>> -> memref<128xi32, #tpu.memory_space<vmem>>
      %dma_start3A_578 = arith.constant 0 : i32
      %dma_start3A_579 = arith.constant 0 : i32
      %dma_start3A_580 = tpu.memref_slice %arg17[%dma_start3A_578, %dma_start3A_579] : memref<100096x16xf32, #tpu.memory_space<vmem_shared>> -> memref<100096x16xf32, #tpu.memory_space<vmem_shared>>
      tpu.enqueue_indirect_dma source(%dma_start3A_574 : memref<128x16xf32, #tpu.memory_space<vmem>>) target(%dma_start3A_580 : memref<100096x16xf32, #tpu.memory_space<vmem_shared>>) offsets(%dma_start3A_577 : memref<128xi32, #tpu.memory_space<vmem>>) semaphore(%arg22 : memref<!tpu.dma_semaphore, #tpu.memory_space<semaphore_mem>>) {add = true}
    }
    %scan3A_99 = arith.constant 66 : i32
    %dma_wait3A_100 = arith.constant 0 : i32
    %dma_wait3A_101 = arith.constant 0 : i32
    %dma_wait3A_102 = arith.constant 0 : i32
    %dma_wait3A_103 = tpu.memref_slice %arg16[%dma_wait3A_100, %dma_wait3A_101, %dma_wait3A_102] : memref<4x128x16xf32, #tpu.memory_space<vmem>> -> memref<1x128x16xf32, #tpu.memory_space<vmem>>
    %dma_wait3A_104 = tpu.memref_squeeze %dma_wait3A_103 : memref<1x128x16xf32, #tpu.memory_space<vmem>> -> memref<128x16xf32, #tpu.memory_space<vmem>>
    %dma_wait3A_105 = arith.constant 0 : i32
    %dma_wait3A_106 = arith.constant 0 : i32
    %dma_wait3A_107 = tpu.memref_slice %arg4[%dma_wait3A_105, %dma_wait3A_106] : memref<100000x16xf32, #tpu.memory_space<hbm>> -> memref<128x16xf32, #tpu.memory_space<hbm>>
    %dma_wait3A_108 = arith.constant 0 : i32
    %dma_wait3A_109 = arith.constant 0 : i32
    %dma_wait3A_110 = tpu.memref_slice %arg16[%dma_wait3A_100, %dma_wait3A_108, %dma_wait3A_109] : memref<4x128x16xf32, #tpu.memory_space<vmem>> -> memref<1x128x16xf32, #tpu.memory_space<vmem>>
    %dma_wait3A_111 = tpu.memref_squeeze %dma_wait3A_110 : memref<1x128x16xf32, #tpu.memory_space<vmem>> -> memref<128x16xf32, #tpu.memory_space<vmem>>
    %dma_wait3A_112 = arith.constant 0 : i32
    %dma_wait3A_113 = arith.constant 0 : i32
    %dma_wait3A_114 = tpu.memref_slice %arg4[%dma_wait3A_112, %dma_wait3A_113] : memref<100000x16xf32, #tpu.memory_space<hbm>> -> memref<128x16xf32, #tpu.memory_space<hbm>>
    tpu.wait_dma2 semaphore(%arg22 : memref<!tpu.dma_semaphore, #tpu.memory_space<semaphore_mem>>) src(%dma_wait3A_114 : memref<128x16xf32, #tpu.memory_space<hbm>>) dst(%dma_wait3A_111 : memref<128x16xf32, #tpu.memory_space<vmem>>)
    %dma_wait3A_115 = arith.constant 1 : i32
    %dma_wait3A_116 = arith.constant 0 : i32
    %dma_wait3A_117 = arith.constant 0 : i32
    %dma_wait3A_118 = tpu.memref_slice %arg16[%dma_wait3A_115, %dma_wait3A_116, %dma_wait3A_117] : memref<4x128x16xf32, #tpu.memory_space<vmem>> -> memref<1x128x16xf32, #tpu.memory_space<vmem>>
    %dma_wait3A_119 = tpu.memref_squeeze %dma_wait3A_118 : memref<1x128x16xf32, #tpu.memory_space<vmem>> -> memref<128x16xf32, #tpu.memory_space<vmem>>
    %dma_wait3A_120 = arith.constant 0 : i32
    %dma_wait3A_121 = arith.constant 0 : i32
    %dma_wait3A_122 = tpu.memref_slice %arg4[%dma_wait3A_120, %dma_wait3A_121] : memref<100000x16xf32, #tpu.memory_space<hbm>> -> memref<128x16xf32, #tpu.memory_space<hbm>>
    %dma_wait3A_123 = arith.constant 0 : i32
    %dma_wait3A_124 = arith.constant 0 : i32
    %dma_wait3A_125 = tpu.memref_slice %arg16[%dma_wait3A_115, %dma_wait3A_123, %dma_wait3A_124] : memref<4x128x16xf32, #tpu.memory_space<vmem>> -> memref<1x128x16xf32, #tpu.memory_space<vmem>>
    %dma_wait3A_126 = tpu.memref_squeeze %dma_wait3A_125 : memref<1x128x16xf32, #tpu.memory_space<vmem>> -> memref<128x16xf32, #tpu.memory_space<vmem>>
    %dma_wait3A_127 = arith.constant 0 : i32
    %dma_wait3A_128 = arith.constant 0 : i32
    %dma_wait3A_129 = tpu.memref_slice %arg4[%dma_wait3A_127, %dma_wait3A_128] : memref<100000x16xf32, #tpu.memory_space<hbm>> -> memref<128x16xf32, #tpu.memory_space<hbm>>
    tpu.wait_dma2 semaphore(%arg22 : memref<!tpu.dma_semaphore, #tpu.memory_space<semaphore_mem>>) src(%dma_wait3A_129 : memref<128x16xf32, #tpu.memory_space<hbm>>) dst(%dma_wait3A_126 : memref<128x16xf32, #tpu.memory_space<vmem>>)
    %dma_wait3A_130 = arith.constant 2 : i32
    %dma_wait3A_131 = arith.constant 0 : i32
    %dma_wait3A_132 = arith.constant 0 : i32
    %dma_wait3A_133 = tpu.memref_slice %arg16[%dma_wait3A_130, %dma_wait3A_131, %dma_wait3A_132] : memref<4x128x16xf32, #tpu.memory_space<vmem>> -> memref<1x128x16xf32, #tpu.memory_space<vmem>>
    %dma_wait3A_134 = tpu.memref_squeeze %dma_wait3A_133 : memref<1x128x16xf32, #tpu.memory_space<vmem>> -> memref<128x16xf32, #tpu.memory_space<vmem>>
    %dma_wait3A_135 = arith.constant 0 : i32
    %dma_wait3A_136 = arith.constant 0 : i32
    %dma_wait3A_137 = tpu.memref_slice %arg4[%dma_wait3A_135, %dma_wait3A_136] : memref<100000x16xf32, #tpu.memory_space<hbm>> -> memref<128x16xf32, #tpu.memory_space<hbm>>
    %dma_wait3A_138 = arith.constant 0 : i32
    %dma_wait3A_139 = arith.constant 0 : i32
    %dma_wait3A_140 = tpu.memref_slice %arg16[%dma_wait3A_130, %dma_wait3A_138, %dma_wait3A_139] : memref<4x128x16xf32, #tpu.memory_space<vmem>> -> memref<1x128x16xf32, #tpu.memory_space<vmem>>
    %dma_wait3A_141 = tpu.memref_squeeze %dma_wait3A_140 : memref<1x128x16xf32, #tpu.memory_space<vmem>> -> memref<128x16xf32, #tpu.memory_space<vmem>>
    %dma_wait3A_142 = arith.constant 0 : i32
    %dma_wait3A_143 = arith.constant 0 : i32
    %dma_wait3A_144 = tpu.memref_slice %arg4[%dma_wait3A_142, %dma_wait3A_143] : memref<100000x16xf32, #tpu.memory_space<hbm>> -> memref<128x16xf32, #tpu.memory_space<hbm>>
    tpu.wait_dma2 semaphore(%arg22 : memref<!tpu.dma_semaphore, #tpu.memory_space<semaphore_mem>>) src(%dma_wait3A_144 : memref<128x16xf32, #tpu.memory_space<hbm>>) dst(%dma_wait3A_141 : memref<128x16xf32, #tpu.memory_space<vmem>>)
    %dma_wait3A_145 = arith.constant 3 : i32
    %dma_wait3A_146 = arith.constant 0 : i32
    %dma_wait3A_147 = arith.constant 0 : i32
    %dma_wait3A_148 = tpu.memref_slice %arg16[%dma_wait3A_145, %dma_wait3A_146, %dma_wait3A_147] : memref<4x128x16xf32, #tpu.memory_space<vmem>> -> memref<1x128x16xf32, #tpu.memory_space<vmem>>
    %dma_wait3A_149 = tpu.memref_squeeze %dma_wait3A_148 : memref<1x128x16xf32, #tpu.memory_space<vmem>> -> memref<128x16xf32, #tpu.memory_space<vmem>>
    %dma_wait3A_150 = arith.constant 0 : i32
    %dma_wait3A_151 = arith.constant 0 : i32
    %dma_wait3A_152 = tpu.memref_slice %arg4[%dma_wait3A_150, %dma_wait3A_151] : memref<100000x16xf32, #tpu.memory_space<hbm>> -> memref<128x16xf32, #tpu.memory_space<hbm>>
    %dma_wait3A_153 = arith.constant 0 : i32
    %dma_wait3A_154 = arith.constant 0 : i32
    %dma_wait3A_155 = tpu.memref_slice %arg16[%dma_wait3A_145, %dma_wait3A_153, %dma_wait3A_154] : memref<4x128x16xf32, #tpu.memory_space<vmem>> -> memref<1x128x16xf32, #tpu.memory_space<vmem>>
    %dma_wait3A_156 = tpu.memref_squeeze %dma_wait3A_155 : memref<1x128x16xf32, #tpu.memory_space<vmem>> -> memref<128x16xf32, #tpu.memory_space<vmem>>
    %dma_wait3A_157 = arith.constant 0 : i32
    %dma_wait3A_158 = arith.constant 0 : i32
    %dma_wait3A_159 = tpu.memref_slice %arg4[%dma_wait3A_157, %dma_wait3A_158] : memref<100000x16xf32, #tpu.memory_space<hbm>> -> memref<128x16xf32, #tpu.memory_space<hbm>>
    tpu.wait_dma2 semaphore(%arg22 : memref<!tpu.dma_semaphore, #tpu.memory_space<semaphore_mem>>) src(%dma_wait3A_159 : memref<128x16xf32, #tpu.memory_space<hbm>>) dst(%dma_wait3A_156 : memref<128x16xf32, #tpu.memory_space<vmem>>)
    %barrier3A_160 = arith.constant 0 : index
    tpu.barrier barrier_id(%barrier3A_160)
    %lt3A = arith.constant 15 : i32
    %lt3A_161 = arith.cmpi slt, %arg1, %lt3A : i32
    %convert_element_type3A = arith.extui %lt3A_161 : i1 to i32
    %cond3A = arith.constant 0 : i32
    %cond3A_162 = arith.cmpi ne, %convert_element_type3A, %cond3A : i32
    scf.if %cond3A_162 {
      %mul3A_167 = arith.constant 6256 : i32
      %mul3A_168 = arith.muli %arg1, %mul3A_167 : i32
      "tpu.region"() ({
        %run_scoped3A = tpu.sem_alloc : memref<!tpu.dma_semaphore, #tpu.memory_space<semaphore_mem>>
        %dma_start3A_169 = arith.constant 0 : i32
        %dma_start3A_170 = tpu.memref_slice %arg7[%arg0, %mul3A_168, %dma_start3A_169] : memref<2x100000x16xf32, #tpu.memory_space<hbm>> -> memref<1x6256x16xf32, #tpu.memory_space<hbm>>
        %dma_start3A_171 = tpu.memref_squeeze %dma_start3A_170 : memref<1x6256x16xf32, #tpu.memory_space<hbm>> -> memref<6256x16xf32, #tpu.memory_space<hbm>>
        %dma_start3A_172 = arith.constant 0 : i32
        %dma_start3A_173 = tpu.memref_slice %arg17[%mul3A_168, %dma_start3A_172] : memref<100096x16xf32, #tpu.memory_space<vmem_shared>> -> memref<6256x16xf32, #tpu.memory_space<vmem_shared>>
        tpu.enqueue_dma source(%dma_start3A_173 : memref<6256x16xf32, #tpu.memory_space<vmem_shared>>) target(%dma_start3A_171 : memref<6256x16xf32, #tpu.memory_space<hbm>>) target_semaphore(%run_scoped3A : memref<!tpu.dma_semaphore, #tpu.memory_space<semaphore_mem>>)
        %dma_wait3A_174 = arith.constant 0 : i32
        %dma_wait3A_175 = tpu.memref_slice %arg7[%arg0, %mul3A_168, %dma_wait3A_174] : memref<2x100000x16xf32, #tpu.memory_space<hbm>> -> memref<1x6256x16xf32, #tpu.memory_space<hbm>>
        %dma_wait3A_176 = tpu.memref_squeeze %dma_wait3A_175 : memref<1x6256x16xf32, #tpu.memory_space<hbm>> -> memref<6256x16xf32, #tpu.memory_space<hbm>>
        %dma_wait3A_177 = arith.constant 0 : i32
        %dma_wait3A_178 = tpu.memref_slice %arg17[%mul3A_168, %dma_wait3A_177] : memref<100096x16xf32, #tpu.memory_space<vmem_shared>> -> memref<6256x16xf32, #tpu.memory_space<vmem_shared>>
        tpu.wait_dma2 semaphore(%run_scoped3A : memref<!tpu.dma_semaphore, #tpu.memory_space<semaphore_mem>>) src(%dma_wait3A_178 : memref<6256x16xf32, #tpu.memory_space<vmem_shared>>) dst(%dma_wait3A_176 : memref<6256x16xf32, #tpu.memory_space<hbm>>)
        tpu.yield
      }) : () -> ()
    } else {
    }
    %eq3A = arith.constant 15 : i32
    %eq3A_163 = arith.cmpi eq, %arg1, %eq3A : i32
    %convert_element_type3A_164 = arith.extui %eq3A_163 : i1 to i32
    %cond3A_165 = arith.constant 0 : i32
    %cond3A_166 = arith.cmpi ne, %convert_element_type3A_164, %cond3A_165 : i32
    scf.if %cond3A_166 {
      "tpu.region"() ({
        %run_scoped3A = tpu.sem_alloc : memref<!tpu.dma_semaphore, #tpu.memory_space<semaphore_mem>>
        %dma_start3A_167 = arith.constant 93840 : i32
        %dma_start3A_168 = arith.constant 0 : i32
        %dma_start3A_169 = tpu.memref_slice %arg7[%arg0, %dma_start3A_167, %dma_start3A_168] : memref<2x100000x16xf32, #tpu.memory_space<hbm>> -> memref<1x6160x16xf32, #tpu.memory_space<hbm>>
        %dma_start3A_170 = tpu.memref_squeeze %dma_start3A_169 : memref<1x6160x16xf32, #tpu.memory_space<hbm>> -> memref<6160x16xf32, #tpu.memory_space<hbm>>
        %dma_start3A_171 = arith.constant 93840 : i32
        %dma_start3A_172 = arith.constant 0 : i32
        %dma_start3A_173 = tpu.memref_slice %arg17[%dma_start3A_171, %dma_start3A_172] : memref<100096x16xf32, #tpu.memory_space<vmem_shared>> -> memref<6160x16xf32, #tpu.memory_space<vmem_shared>>
        tpu.enqueue_dma source(%dma_start3A_173 : memref<6160x16xf32, #tpu.memory_space<vmem_shared>>) target(%dma_start3A_170 : memref<6160x16xf32, #tpu.memory_space<hbm>>) target_semaphore(%run_scoped3A : memref<!tpu.dma_semaphore, #tpu.memory_space<semaphore_mem>>)
        %dma_wait3A_174 = arith.constant 93840 : i32
        %dma_wait3A_175 = arith.constant 0 : i32
        %dma_wait3A_176 = tpu.memref_slice %arg7[%arg0, %dma_wait3A_174, %dma_wait3A_175] : memref<2x100000x16xf32, #tpu.memory_space<hbm>> -> memref<1x6160x16xf32, #tpu.memory_space<hbm>>
        %dma_wait3A_177 = tpu.memref_squeeze %dma_wait3A_176 : memref<1x6160x16xf32, #tpu.memory_space<hbm>> -> memref<6160x16xf32, #tpu.memory_space<hbm>>
        %dma_wait3A_178 = arith.constant 93840 : i32
        %dma_wait3A_179 = arith.constant 0 : i32
        %dma_wait3A_180 = tpu.memref_slice %arg17[%dma_wait3A_178, %dma_wait3A_179] : memref<100096x16xf32, #tpu.memory_space<vmem_shared>> -> memref<6160x16xf32, #tpu.memory_space<vmem_shared>>
        tpu.wait_dma2 semaphore(%run_scoped3A : memref<!tpu.dma_semaphore, #tpu.memory_space<semaphore_mem>>) src(%dma_wait3A_180 : memref<6160x16xf32, #tpu.memory_space<vmem_shared>>) dst(%dma_wait3A_177 : memref<6160x16xf32, #tpu.memory_space<hbm>>)
        tpu.yield
      }) : () -> ()
    } else {
    }
    return
  }
}

module attributes {stable_mosaic.version = 14 : i64} {
  func.func @_stage_a_body(%arg0: i32, %arg1: memref<1x1250x128xf32, #tpu.memory_space<vmem>>, %arg2: memref<128x128xf32, #tpu.memory_space<vmem>>, %arg3: memref<128x128xf32, #tpu.memory_space<vmem>>, %arg4: memref<1x1250x128xf32, #tpu.memory_space<vmem>>, %arg5: memref<1x1250x128xf32, #tpu.memory_space<vmem>>, %arg6: memref<1x1250x128xf32, #tpu.memory_space<vmem>>, %arg7: memref<1x1250x128xf32, #tpu.memory_space<vmem>>, %arg8: memref<1x1250x128xf32, #tpu.memory_space<vmem>>) attributes {dimension_semantics = [#tpu.dimension_semantics<arbitrary>], iteration_bounds = array<i64: 10>, scalar_prefetch = 0 : i64, scratch_operands = 0 : i64, tpu.core_type = #tpu.core_type<tc>, window_params = [{transform_indices = @transform_0, window_bounds = array<i64: 1, 1250, 128>}, {pipeline_mode = #tpu.pipeline_mode<synchronous>, transform_indices = @transform_1, window_bounds = array<i64: 128, 128>}, {pipeline_mode = #tpu.pipeline_mode<synchronous>, transform_indices = @transform_2, window_bounds = array<i64: 128, 128>}, {transform_indices = @transform_3, window_bounds = array<i64: 1, 1250, 128>}, {transform_indices = @transform_4, window_bounds = array<i64: 1, 1250, 128>}, {transform_indices = @transform_5, window_bounds = array<i64: 1, 1250, 128>}, {transform_indices = @transform_6, window_bounds = array<i64: 1, 1250, 128>}, {transform_indices = @transform_7, window_bounds = array<i64: 1, 1250, 128>}]} {
    %get3A = arith.constant 0 : index
    %get3A_0 = arith.constant 0 : index
    %get3A_1 = arith.constant 0 : index
    %get3A_2 = vector.load %arg1[%get3A, %get3A_0, %get3A_1] : memref<1x1250x128xf32, #tpu.memory_space<vmem>>, vector<1x1250x128xf32>
    %get3A_3 = vector.shape_cast %get3A_2 : vector<1x1250x128xf32> to vector<1250x128xf32>
    %get3A_4 = arith.constant 0 : index
    %get3A_5 = arith.constant 0 : index
    %get3A_6 = arith.constant 0 : index
    %get3A_7 = vector.load %arg4[%get3A_4, %get3A_5, %get3A_6] : memref<1x1250x128xf32, #tpu.memory_space<vmem>>, vector<1x1250x128xf32>
    %get3A_8 = vector.shape_cast %get3A_7 : vector<1x1250x128xf32> to vector<1250x128xf32>
    %get3A_9 = arith.constant 0 : index
    %get3A_10 = arith.constant 0 : index
    %get3A_11 = vector.load %arg2[%get3A_9, %get3A_10] : memref<128x128xf32, #tpu.memory_space<vmem>>, vector<128x128xf32>
    %dot_general3A = arith.constant dense<0.000000e+00> : vector<1250x128xf32>
    %dot_general3A_12 = tpu.matmul %get3A_3, %get3A_11, %dot_general3A {dimension_numbers = #tpu.dot_dimension_numbers<[1], [0], [0], [1], [0, 0, 1, 1], [], []>, transpose_lhs_hint = false} : vector<1250x128xf32>, vector<128x128xf32>, vector<1250x128xf32> -> vector<1250x128xf32>
    %get3A_13 = arith.constant 0 : index
    %get3A_14 = arith.constant 0 : index
    %get3A_15 = vector.load %arg3[%get3A_13, %get3A_14] : memref<128x128xf32, #tpu.memory_space<vmem>>, vector<128x128xf32>
    %dot_general3A_16 = arith.constant dense<0.000000e+00> : vector<1250x128xf32>
    %dot_general3A_17 = tpu.matmul %get3A_3, %get3A_15, %dot_general3A_16 {dimension_numbers = #tpu.dot_dimension_numbers<[1], [0], [0], [1], [0, 0, 1, 1], [], []>, transpose_lhs_hint = false} : vector<1250x128xf32>, vector<128x128xf32>, vector<1250x128xf32> -> vector<1250x128xf32>
    %swap3A = arith.constant 0 : index
    %swap3A_18 = arith.constant 0 : index
    %swap3A_19 = arith.constant 0 : index
    %swap3A_20 = vector.load %arg7[%swap3A, %swap3A_18, %swap3A_19] : memref<1x1250x128xf32, #tpu.memory_space<vmem>>, vector<1x1250x128xf32>
    %swap3A_21 = vector.shape_cast %swap3A_20 : vector<1x1250x128xf32> to vector<1250x128xf32>
    %swap3A_22 = vector.shape_cast %dot_general3A_12 : vector<1250x128xf32> to vector<1x1250x128xf32>
    tpu.vector_store %arg7[%swap3A, %swap3A_18, %swap3A_19], %swap3A_22 {strides = array<i32>} : memref<1x1250x128xf32, #tpu.memory_space<vmem>>, vector<1x1250x128xf32>,
    %swap3A_23 = arith.constant 0 : index
    %swap3A_24 = arith.constant 0 : index
    %swap3A_25 = arith.constant 0 : index
    %swap3A_26 = vector.load %arg8[%swap3A_23, %swap3A_24, %swap3A_25] : memref<1x1250x128xf32, #tpu.memory_space<vmem>>, vector<1x1250x128xf32>
    %swap3A_27 = vector.shape_cast %swap3A_26 : vector<1x1250x128xf32> to vector<1250x128xf32>
    %swap3A_28 = vector.shape_cast %dot_general3A_17 : vector<1250x128xf32> to vector<1x1250x128xf32>
    tpu.vector_store %arg8[%swap3A_23, %swap3A_24, %swap3A_25], %swap3A_28 {strides = array<i32>} : memref<1x1250x128xf32, #tpu.memory_space<vmem>>, vector<1x1250x128xf32>,
    %mul3A = arith.mulf %dot_general3A_12, %get3A_8 : vector<1250x128xf32>
    %swap3A_29 = arith.constant 0 : index
    %swap3A_30 = arith.constant 0 : index
    %swap3A_31 = arith.constant 0 : index
    %swap3A_32 = vector.load %arg5[%swap3A_29, %swap3A_30, %swap3A_31] : memref<1x1250x128xf32, #tpu.memory_space<vmem>>, vector<1x1250x128xf32>
    %swap3A_33 = vector.shape_cast %swap3A_32 : vector<1x1250x128xf32> to vector<1250x128xf32>
    %swap3A_34 = vector.shape_cast %mul3A : vector<1250x128xf32> to vector<1x1250x128xf32>
    tpu.vector_store %arg5[%swap3A_29, %swap3A_30, %swap3A_31], %swap3A_34 {strides = array<i32>} : memref<1x1250x128xf32, #tpu.memory_space<vmem>>, vector<1x1250x128xf32>,
    %mul3A_35 = arith.mulf %dot_general3A_17, %get3A_8 : vector<1250x128xf32>
    %swap3A_36 = arith.constant 0 : index
    %swap3A_37 = arith.constant 0 : index
    %swap3A_38 = arith.constant 0 : index
    %swap3A_39 = vector.load %arg6[%swap3A_36, %swap3A_37, %swap3A_38] : memref<1x1250x128xf32, #tpu.memory_space<vmem>>, vector<1x1250x128xf32>
    %swap3A_40 = vector.shape_cast %swap3A_39 : vector<1x1250x128xf32> to vector<1250x128xf32>
    %swap3A_41 = vector.shape_cast %mul3A_35 : vector<1250x128xf32> to vector<1x1250x128xf32>
    tpu.vector_store %arg6[%swap3A_36, %swap3A_37, %swap3A_38], %swap3A_41 {strides = array<i32>} : memref<1x1250x128xf32, #tpu.memory_space<vmem>>, vector<1x1250x128xf32>,
    return
  }
  func.func @transform_0(%arg0: i32) -> (i32, i32, i32) {
    %c0_i32 = arith.constant 0 : i32
    %c0_i32_0 = arith.constant 0 : i32
    %c0_i32_1 = arith.constant 0 : i32
    return %arg0, %c0_i32, %c0_i32_0 : i32, i32, i32
  }
  func.func @transform_1(%arg0: i32) -> (i32, i32) {
    %c0_i32 = arith.constant 0 : i32
    %c0_i32_0 = arith.constant 0 : i32
    %c0_i32_1 = arith.constant 0 : i32
    return %c0_i32, %c0_i32_0 : i32, i32
  }
  func.func @transform_2(%arg0: i32) -> (i32, i32) {
    %c0_i32 = arith.constant 0 : i32
    %c0_i32_0 = arith.constant 0 : i32
    %c0_i32_1 = arith.constant 0 : i32
    return %c0_i32, %c0_i32_0 : i32, i32
  }
  func.func @transform_3(%arg0: i32) -> (i32, i32, i32) {
    %c0_i32 = arith.constant 0 : i32
    %c0_i32_0 = arith.constant 0 : i32
    %c0_i32_1 = arith.constant 0 : i32
    return %arg0, %c0_i32, %c0_i32_0 : i32, i32, i32
  }
  func.func @transform_4(%arg0: i32) -> (i32, i32, i32) {
    %c0_i32 = arith.constant 0 : i32
    %c0_i32_0 = arith.constant 0 : i32
    %c0_i32_1 = arith.constant 0 : i32
    return %arg0, %c0_i32, %c0_i32_0 : i32, i32, i32
  }
  func.func @transform_5(%arg0: i32) -> (i32, i32, i32) {
    %c0_i32 = arith.constant 0 : i32
    %c0_i32_0 = arith.constant 0 : i32
    %c0_i32_1 = arith.constant 0 : i32
    return %arg0, %c0_i32, %c0_i32_0 : i32, i32, i32
  }
  func.func @transform_6(%arg0: i32) -> (i32, i32, i32) {
    %c0_i32 = arith.constant 0 : i32
    %c0_i32_0 = arith.constant 0 : i32
    %c0_i32_1 = arith.constant 0 : i32
    return %arg0, %c0_i32, %c0_i32_0 : i32, i32, i32
  }
  func.func @transform_7(%arg0: i32) -> (i32, i32, i32) {
    %c0_i32 = arith.constant 0 : i32
    %c0_i32_0 = arith.constant 0 : i32
    %c0_i32_1 = arith.constant 0 : i32
    return %arg0, %c0_i32, %c0_i32_0 : i32, i32, i32
  }
}

module attributes {stable_mosaic.version = 14 : i64} {
  func.func @_stage_b_body(%arg0: i32, %arg1: memref<1x1x1250x128xf32, #tpu.memory_space<vmem>>, %arg2: memref<1x1x1250x128xf32, #tpu.memory_space<vmem>>, %arg3: memref<1x1250x128xf32, #tpu.memory_space<vmem>>, %arg4: memref<1x1250x128xf32, #tpu.memory_space<vmem>>, %arg5: memref<1x1250x128xf32, #tpu.memory_space<vmem>>, %arg6: memref<1x128xf32, #tpu.memory_space<vmem>>, %arg7: memref<1x128xf32, #tpu.memory_space<vmem>>, %arg8: memref<128x128xf32, #tpu.memory_space<vmem>>, %arg9: memref<128x128xf32, #tpu.memory_space<vmem>>, %arg10: memref<1x1250x128xf32, #tpu.memory_space<vmem>>, %arg11: memref<1x1250x128xf32, #tpu.memory_space<vmem>>) attributes {dimension_semantics = [#tpu.dimension_semantics<arbitrary>], iteration_bounds = array<i64: 10>, scalar_prefetch = 0 : i64, scratch_operands = 0 : i64, tpu.core_type = #tpu.core_type<tc>, window_params = [{transform_indices = @transform_0, window_bounds = array<i64: 1, 1, 1250, 128>}, {transform_indices = @transform_1, window_bounds = array<i64: 1, 1, 1250, 128>}, {transform_indices = @transform_2, window_bounds = array<i64: 1, 1250, 128>}, {transform_indices = @transform_3, window_bounds = array<i64: 1, 1250, 128>}, {transform_indices = @transform_4, window_bounds = array<i64: 1, 1250, 128>}, {pipeline_mode = #tpu.pipeline_mode<synchronous>, transform_indices = @transform_5, window_bounds = array<i64: 1, 128>}, {pipeline_mode = #tpu.pipeline_mode<synchronous>, transform_indices = @transform_6, window_bounds = array<i64: 1, 128>}, {pipeline_mode = #tpu.pipeline_mode<synchronous>, transform_indices = @transform_7, window_bounds = array<i64: 128, 128>}, {pipeline_mode = #tpu.pipeline_mode<synchronous>, transform_indices = @transform_8, window_bounds = array<i64: 128, 128>}, {transform_indices = @transform_9, window_bounds = array<i64: 1, 1250, 128>}, {transform_indices = @transform_10, window_bounds = array<i64: 1, 1250, 128>}]} {
    %get3A = arith.constant 0 : index
    %get3A_0 = arith.constant 0 : index
    %get3A_1 = arith.constant 0 : index
    %get3A_2 = vector.load %arg5[%get3A, %get3A_0, %get3A_1] : memref<1x1250x128xf32, #tpu.memory_space<vmem>>, vector<1x1250x128xf32>
    %get3A_3 = vector.shape_cast %get3A_2 : vector<1x1250x128xf32> to vector<1250x128xf32>
    %mul3A = arith.mulf %get3A_3, %get3A_3 : vector<1250x128xf32>
    %get3A_4 = arith.constant 0 : index
    %get3A_5 = arith.constant 0 : index
    %get3A_6 = arith.constant 0 : index
    %get3A_7 = arith.constant 0 : index
    %get3A_8 = vector.load %arg1[%get3A_4, %get3A_5, %get3A_6, %get3A_7] : memref<1x1x1250x128xf32, #tpu.memory_space<vmem>>, vector<1x1x1250x128xf32>
    %get3A_9 = vector.shape_cast %get3A_8 : vector<1x1x1250x128xf32> to vector<1250x128xf32>
    %mul3A_10 = arith.mulf %get3A_9, %get3A_3 : vector<1250x128xf32>
    %get3A_11 = arith.constant 0 : index
    %get3A_12 = arith.constant 0 : index
    %get3A_13 = arith.constant 0 : index
    %get3A_14 = vector.load %arg3[%get3A_11, %get3A_12, %get3A_13] : memref<1x1250x128xf32, #tpu.memory_space<vmem>>, vector<1x1250x128xf32>
    %get3A_15 = vector.shape_cast %get3A_14 : vector<1x1250x128xf32> to vector<1250x128xf32>
    %mul3A_16 = arith.mulf %get3A_15, %mul3A : vector<1250x128xf32>
    %add3A = arith.addf %mul3A_10, %mul3A_16 : vector<1250x128xf32>
    %get3A_17 = arith.constant 0 : index
    %get3A_18 = arith.constant 0 : index
    %get3A_19 = vector.load %arg6[%get3A_17, %get3A_18] : memref<1x128xf32, #tpu.memory_space<vmem>>, vector<1x128xf32>
    %add3A_20 = vector.broadcast %get3A_19 : vector<1x128xf32> to vector<1250x128xf32>
    %add3A_21 = arith.addf %add3A, %add3A_20 : vector<1250x128xf32>
    %max3A = arith.constant 0.000000e+00 : f32
    %max3A_22 = vector.broadcast %max3A : f32 to vector<1250x128xf32>
    %max3A_23 = arith.maximumf %add3A_21, %max3A_22 : vector<1250x128xf32>
    %get3A_24 = arith.constant 0 : index
    %get3A_25 = arith.constant 0 : index
    %get3A_26 = arith.constant 0 : index
    %get3A_27 = arith.constant 0 : index
    %get3A_28 = vector.load %arg2[%get3A_24, %get3A_25, %get3A_26, %get3A_27] : memref<1x1x1250x128xf32, #tpu.memory_space<vmem>>, vector<1x1x1250x128xf32>
    %get3A_29 = vector.shape_cast %get3A_28 : vector<1x1x1250x128xf32> to vector<1250x128xf32>
    %mul3A_30 = arith.mulf %get3A_29, %get3A_3 : vector<1250x128xf32>
    %get3A_31 = arith.constant 0 : index
    %get3A_32 = arith.constant 0 : index
    %get3A_33 = arith.constant 0 : index
    %get3A_34 = vector.load %arg4[%get3A_31, %get3A_32, %get3A_33] : memref<1x1250x128xf32, #tpu.memory_space<vmem>>, vector<1x1250x128xf32>
    %get3A_35 = vector.shape_cast %get3A_34 : vector<1x1250x128xf32> to vector<1250x128xf32>
    %mul3A_36 = arith.mulf %get3A_35, %mul3A : vector<1250x128xf32>
    %add3A_37 = arith.addf %mul3A_30, %mul3A_36 : vector<1250x128xf32>
    %get3A_38 = arith.constant 0 : index
    %get3A_39 = arith.constant 0 : index
    %get3A_40 = vector.load %arg7[%get3A_38, %get3A_39] : memref<1x128xf32, #tpu.memory_space<vmem>>, vector<1x128xf32>
    %add3A_41 = vector.broadcast %get3A_40 : vector<1x128xf32> to vector<1250x128xf32>
    %add3A_42 = arith.addf %add3A_37, %add3A_41 : vector<1250x128xf32>
    %max3A_43 = arith.constant 0.000000e+00 : f32
    %max3A_44 = vector.broadcast %max3A_43 : f32 to vector<1250x128xf32>
    %max3A_45 = arith.maximumf %add3A_42, %max3A_44 : vector<1250x128xf32>
    %get3A_46 = arith.constant 0 : index
    %get3A_47 = arith.constant 0 : index
    %get3A_48 = vector.load %arg8[%get3A_46, %get3A_47] : memref<128x128xf32, #tpu.memory_space<vmem>>, vector<128x128xf32>
    %dot_general3A = arith.constant dense<0.000000e+00> : vector<1250x128xf32>
    %dot_general3A_49 = tpu.matmul %max3A_23, %get3A_48, %dot_general3A {dimension_numbers = #tpu.dot_dimension_numbers<[1], [0], [0], [1], [0, 0, 1, 1], [], []>, transpose_lhs_hint = false} : vector<1250x128xf32>, vector<128x128xf32>, vector<1250x128xf32> -> vector<1250x128xf32>
    %get3A_50 = arith.constant 0 : index
    %get3A_51 = arith.constant 0 : index
    %get3A_52 = vector.load %arg9[%get3A_50, %get3A_51] : memref<128x128xf32, #tpu.memory_space<vmem>>, vector<128x128xf32>
    %dot_general3A_53 = arith.constant dense<0.000000e+00> : vector<1250x128xf32>
    %dot_general3A_54 = tpu.matmul %max3A_45, %get3A_52, %dot_general3A_53 {dimension_numbers = #tpu.dot_dimension_numbers<[1], [0], [0], [1], [0, 0, 1, 1], [], []>, transpose_lhs_hint = false} : vector<1250x128xf32>, vector<128x128xf32>, vector<1250x128xf32> -> vector<1250x128xf32>
    %add3A_55 = arith.addf %dot_general3A_49, %dot_general3A_54 : vector<1250x128xf32>
    %swap3A = arith.constant 0 : index
    %swap3A_56 = arith.constant 0 : index
    %swap3A_57 = arith.constant 0 : index
    %swap3A_58 = vector.load %arg11[%swap3A, %swap3A_56, %swap3A_57] : memref<1x1250x128xf32, #tpu.memory_space<vmem>>, vector<1x1250x128xf32>
    %swap3A_59 = vector.shape_cast %swap3A_58 : vector<1x1250x128xf32> to vector<1250x128xf32>
    %swap3A_60 = vector.shape_cast %add3A_55 : vector<1250x128xf32> to vector<1x1250x128xf32>
    tpu.vector_store %arg11[%swap3A, %swap3A_56, %swap3A_57], %swap3A_60 {strides = array<i32>} : memref<1x1250x128xf32, #tpu.memory_space<vmem>>, vector<1x1250x128xf32>,
    %mul3A_61 = arith.mulf %add3A_55, %get3A_3 : vector<1250x128xf32>
    %swap3A_62 = arith.constant 0 : index
    %swap3A_63 = arith.constant 0 : index
    %swap3A_64 = arith.constant 0 : index
    %swap3A_65 = vector.load %arg10[%swap3A_62, %swap3A_63, %swap3A_64] : memref<1x1250x128xf32, #tpu.memory_space<vmem>>, vector<1x1250x128xf32>
    %swap3A_66 = vector.shape_cast %swap3A_65 : vector<1x1250x128xf32> to vector<1250x128xf32>
    %swap3A_67 = vector.shape_cast %mul3A_61 : vector<1250x128xf32> to vector<1x1250x128xf32>
    tpu.vector_store %arg10[%swap3A_62, %swap3A_63, %swap3A_64], %swap3A_67 {strides = array<i32>} : memref<1x1250x128xf32, #tpu.memory_space<vmem>>, vector<1x1250x128xf32>,
    return
  }
  func.func @transform_0(%arg0: i32) -> (i32, i32, i32, i32) {
    %c0_i32 = arith.constant 0 : i32
    %c0_i32_0 = arith.constant 0 : i32
    %c0_i32_1 = arith.constant 0 : i32
    %c0_i32_2 = arith.constant 0 : i32
    return %c0_i32, %arg0, %c0_i32_0, %c0_i32_1 : i32, i32, i32, i32
  }
  func.func @transform_1(%arg0: i32) -> (i32, i32, i32, i32) {
    %c1_i32 = arith.constant 1 : i32
    %c0_i32 = arith.constant 0 : i32
    %c0_i32_0 = arith.constant 0 : i32
    %c0_i32_1 = arith.constant 0 : i32
    return %c1_i32, %arg0, %c0_i32, %c0_i32_0 : i32, i32, i32, i32
  }
  func.func @transform_2(%arg0: i32) -> (i32, i32, i32) {
    %c0_i32 = arith.constant 0 : i32
    %c0_i32_0 = arith.constant 0 : i32
    %c0_i32_1 = arith.constant 0 : i32
    return %arg0, %c0_i32, %c0_i32_0 : i32, i32, i32
  }
  func.func @transform_3(%arg0: i32) -> (i32, i32, i32) {
    %c0_i32 = arith.constant 0 : i32
    %c0_i32_0 = arith.constant 0 : i32
    %c0_i32_1 = arith.constant 0 : i32
    return %arg0, %c0_i32, %c0_i32_0 : i32, i32, i32
  }
  func.func @transform_4(%arg0: i32) -> (i32, i32, i32) {
    %c0_i32 = arith.constant 0 : i32
    %c0_i32_0 = arith.constant 0 : i32
    %c0_i32_1 = arith.constant 0 : i32
    return %arg0, %c0_i32, %c0_i32_0 : i32, i32, i32
  }
  func.func @transform_5(%arg0: i32) -> (i32, i32) {
    %c0_i32 = arith.constant 0 : i32
    %c0_i32_0 = arith.constant 0 : i32
    %c0_i32_1 = arith.constant 0 : i32
    return %c0_i32, %c0_i32_0 : i32, i32
  }
  func.func @transform_6(%arg0: i32) -> (i32, i32) {
    %c0_i32 = arith.constant 0 : i32
    %c0_i32_0 = arith.constant 0 : i32
    %c0_i32_1 = arith.constant 0 : i32
    return %c0_i32, %c0_i32_0 : i32, i32
  }
  func.func @transform_7(%arg0: i32) -> (i32, i32) {
    %c0_i32 = arith.constant 0 : i32
    %c0_i32_0 = arith.constant 0 : i32
    %c0_i32_1 = arith.constant 0 : i32
    return %c0_i32, %c0_i32_0 : i32, i32
  }
  func.func @transform_8(%arg0: i32) -> (i32, i32) {
    %c0_i32 = arith.constant 0 : i32
    %c0_i32_0 = arith.constant 0 : i32
    %c0_i32_1 = arith.constant 0 : i32
    return %c0_i32, %c0_i32_0 : i32, i32
  }
  func.func @transform_9(%arg0: i32) -> (i32, i32, i32) {
    %c0_i32 = arith.constant 0 : i32
    %c0_i32_0 = arith.constant 0 : i32
    %c0_i32_1 = arith.constant 0 : i32
    return %arg0, %c0_i32, %c0_i32_0 : i32, i32, i32
  }
  func.func @transform_10(%arg0: i32) -> (i32, i32, i32) {
    %c0_i32 = arith.constant 0 : i32
    %c0_i32_0 = arith.constant 0 : i32
    %c0_i32_1 = arith.constant 0 : i32
    return %arg0, %c0_i32, %c0_i32_0 : i32, i32, i32
  }
}

module attributes {stable_mosaic.version = 14 : i64} {
  func.func @_stage_c_body(%arg0: i32, %arg1: memref<1x1x1250x128xf32, #tpu.memory_space<vmem>>, %arg2: memref<1x1x1250x128xf32, #tpu.memory_space<vmem>>, %arg3: memref<1x1250x128xf32, #tpu.memory_space<vmem>>, %arg4: memref<1x1250x128xf32, #tpu.memory_space<vmem>>, %arg5: memref<1x128xf32, #tpu.memory_space<vmem>>, %arg6: memref<1x1250x128xf32, #tpu.memory_space<vmem>>) attributes {dimension_semantics = [#tpu.dimension_semantics<arbitrary>], iteration_bounds = array<i64: 10>, scalar_prefetch = 0 : i64, scratch_operands = 0 : i64, tpu.core_type = #tpu.core_type<tc>, window_params = [{transform_indices = @transform_0, window_bounds = array<i64: 1, 1, 1250, 128>}, {transform_indices = @transform_1, window_bounds = array<i64: 1, 1, 1250, 128>}, {transform_indices = @transform_2, window_bounds = array<i64: 1, 1250, 128>}, {transform_indices = @transform_3, window_bounds = array<i64: 1, 1250, 128>}, {pipeline_mode = #tpu.pipeline_mode<synchronous>, transform_indices = @transform_4, window_bounds = array<i64: 1, 128>}, {transform_indices = @transform_5, window_bounds = array<i64: 1, 1250, 128>}]} {
    %get3A = arith.constant 0 : index
    %get3A_0 = arith.constant 0 : index
    %get3A_1 = arith.constant 0 : index
    %get3A_2 = vector.load %arg4[%get3A, %get3A_0, %get3A_1] : memref<1x1250x128xf32, #tpu.memory_space<vmem>>, vector<1x1250x128xf32>
    %get3A_3 = vector.shape_cast %get3A_2 : vector<1x1250x128xf32> to vector<1250x128xf32>
    %get3A_4 = arith.constant 0 : index
    %get3A_5 = arith.constant 0 : index
    %get3A_6 = arith.constant 0 : index
    %get3A_7 = arith.constant 0 : index
    %get3A_8 = vector.load %arg1[%get3A_4, %get3A_5, %get3A_6, %get3A_7] : memref<1x1x1250x128xf32, #tpu.memory_space<vmem>>, vector<1x1x1250x128xf32>
    %get3A_9 = vector.shape_cast %get3A_8 : vector<1x1x1250x128xf32> to vector<1250x128xf32>
    %get3A_10 = arith.constant 0 : index
    %get3A_11 = arith.constant 0 : index
    %get3A_12 = arith.constant 0 : index
    %get3A_13 = arith.constant 0 : index
    %get3A_14 = vector.load %arg2[%get3A_10, %get3A_11, %get3A_12, %get3A_13] : memref<1x1x1250x128xf32, #tpu.memory_space<vmem>>, vector<1x1x1250x128xf32>
    %get3A_15 = vector.shape_cast %get3A_14 : vector<1x1x1250x128xf32> to vector<1250x128xf32>
    %add3A = arith.addf %get3A_9, %get3A_15 : vector<1250x128xf32>
    %mul3A = arith.mulf %get3A_3, %add3A : vector<1250x128xf32>
    %mul3A_16 = arith.mulf %get3A_3, %get3A_3 : vector<1250x128xf32>
    %get3A_17 = arith.constant 0 : index
    %get3A_18 = arith.constant 0 : index
    %get3A_19 = arith.constant 0 : index
    %get3A_20 = vector.load %arg3[%get3A_17, %get3A_18, %get3A_19] : memref<1x1250x128xf32, #tpu.memory_space<vmem>>, vector<1x1250x128xf32>
    %get3A_21 = vector.shape_cast %get3A_20 : vector<1x1250x128xf32> to vector<1250x128xf32>
    %mul3A_22 = arith.mulf %mul3A_16, %get3A_21 : vector<1250x128xf32>
    %add3A_23 = arith.addf %mul3A, %mul3A_22 : vector<1250x128xf32>
    %get3A_24 = arith.constant 0 : index
    %get3A_25 = arith.constant 0 : index
    %get3A_26 = vector.load %arg5[%get3A_24, %get3A_25] : memref<1x128xf32, #tpu.memory_space<vmem>>, vector<1x128xf32>
    %add3A_27 = vector.broadcast %get3A_26 : vector<1x128xf32> to vector<1250x128xf32>
    %add3A_28 = arith.addf %add3A_23, %add3A_27 : vector<1250x128xf32>
    %swap3A = arith.constant 0 : index
    %swap3A_29 = arith.constant 0 : index
    %swap3A_30 = arith.constant 0 : index
    %swap3A_31 = vector.load %arg6[%swap3A, %swap3A_29, %swap3A_30] : memref<1x1250x128xf32, #tpu.memory_space<vmem>>, vector<1x1250x128xf32>
    %swap3A_32 = vector.shape_cast %swap3A_31 : vector<1x1250x128xf32> to vector<1250x128xf32>
    %swap3A_33 = vector.shape_cast %add3A_28 : vector<1250x128xf32> to vector<1x1250x128xf32>
    tpu.vector_store %arg6[%swap3A, %swap3A_29, %swap3A_30], %swap3A_33 {strides = array<i32>} : memref<1x1250x128xf32, #tpu.memory_space<vmem>>, vector<1x1250x128xf32>,
    return
  }
  func.func @transform_0(%arg0: i32) -> (i32, i32, i32, i32) {
    %c0_i32 = arith.constant 0 : i32
    %c0_i32_0 = arith.constant 0 : i32
    %c0_i32_1 = arith.constant 0 : i32
    %c0_i32_2 = arith.constant 0 : i32
    return %c0_i32, %arg0, %c0_i32_0, %c0_i32_1 : i32, i32, i32, i32
  }
  func.func @transform_1(%arg0: i32) -> (i32, i32, i32, i32) {
    %c1_i32 = arith.constant 1 : i32
    %c0_i32 = arith.constant 0 : i32
    %c0_i32_0 = arith.constant 0 : i32
    %c0_i32_1 = arith.constant 0 : i32
    return %c1_i32, %arg0, %c0_i32, %c0_i32_0 : i32, i32, i32, i32
  }
  func.func @transform_2(%arg0: i32) -> (i32, i32, i32) {
    %c0_i32 = arith.constant 0 : i32
    %c0_i32_0 = arith.constant 0 : i32
    %c0_i32_1 = arith.constant 0 : i32
    return %arg0, %c0_i32, %c0_i32_0 : i32, i32, i32
  }
  func.func @transform_3(%arg0: i32) -> (i32, i32, i32) {
    %c0_i32 = arith.constant 0 : i32
    %c0_i32_0 = arith.constant 0 : i32
    %c0_i32_1 = arith.constant 0 : i32
    return %arg0, %c0_i32, %c0_i32_0 : i32, i32, i32
  }
  func.func @transform_4(%arg0: i32) -> (i32, i32) {
    %c0_i32 = arith.constant 0 : i32
    %c0_i32_0 = arith.constant 0 : i32
    %c0_i32_1 = arith.constant 0 : i32
    return %c0_i32, %c0_i32_0 : i32, i32
  }
  func.func @transform_5(%arg0: i32) -> (i32, i32, i32) {
    %c0_i32 = arith.constant 0 : i32
    %c0_i32_0 = arith.constant 0 : i32
    %c0_i32_1 = arith.constant 0 : i32
    return %arg0, %c0_i32, %c0_i32_0 : i32, i32, i32
  }
}

</mosaic_0001>

<sc_bundles>
// kernel: kernel.11.cloned.1.call-start
scs
__scs_entry_jumppad:
0x0: {  	(pc) =	sbr.rel $0x88, $3  }
0x1: {  	(tag) =	ssettag $0x0;
	lr =	simm.s32 $0x1  }
0x2: {  	[smem:$0x3F9B] =	sst lr;
	_ =	strace $0xD0000000  }
0x3: {  	_ = 	snop  }
0x4: {  	_ = 	snop  }
0x5: {  	_ = 	snop  }
0x6: {  	_ = 	snop  }
0x7: {  	_ = 	snop  }
__scs_overlays_trampoline_lowered:
0x8: {  	[smem:$0x3FAA] =	sst s0  }
0x9: {  	[smem:$0x3FAB] =	sst s1  }
0xa: {  	[smem:$0x3FAC] =	sst s2  }
0xb: {  	[smem:$0x3FAD] =	sst s3  }
0xc: {  	[smem:$0x3FAE] =	sst s4  }
0xd: {  	[smem:$0x3FAF] =	sst s5  }
0xe: {  	[smem:$0x3FB0] =	sst s6  }
0xf: {  	[smem:$0x3FB1] =	sst s7  }
0x10: {  	[smem:$0x3FB2] =	sst s8  }
0x11: {  	[smem:$0x3FB3] =	sst s9;
	s0 =	simm.s32 @!p0 $0x0  }
0x12: {  	s1 =	sld [smem:$0x3F99];
	s0 =	simm.s32 @p0 $0x1  }
0x13: {  	[smem:$0x3FB4] =	sst s0;
	s0 =	simm.s32 @!p1 $0x0  }
0x14: {  	s2 =	sld [smem:$0x3F98];
	s0 =	simm.s32 @p1 $0x1  }
0x15: {  	[smem:$0x3FB5] =	sst s0;
	s0 =	simm.s32 @!p2 $0x0  }
0x16: {  	s3 =	sld [smem:$0x3FDB];
	s0 =	simm.s32 @p2 $0x1  }
0x17: {  	s4 =	simm.s32 $0x1BF5;
	[smem:$0x3FB7] =	sst s0  }
0x18: {  	s0 =	sld [smem:$0x3F9A];
	_ =	swait.ge [sflag:s4], $0x0  }
0x19: {  	s7 =	sld [smem:$0x3F9B]  }
0x1a: {  	s8 =	sadd.s32 $0xFFFFE003, lr  }
0x1b: {  	s9 =	sadd.s32 $0xFFFFFEF7, lr;
	s5 =	simm.s32 $0xFFFFFFFF;
	p2 =	slt.u32 s8, $0xFFFFF086  }
0x1c: {  	p1 =	slt.u32 s9, $0xF7A;
	s5 =	simm.s32 @!p2 $0x0  }
0x1d: {  	s5 =	simm.s32 @p1 $0x1;
	p0 =	seq.s32 s7, s2  }
0x1e: {  	s7 =	smul.u32 @!p0 $0xF7A, s2;
	p2 =	seq.s32 @!p0 s5, $0x0  }
0x1f: {  	s9 =	smul.u32 $0xF7A, s1;
	s8 =	simm.s32 @!p0 $0x1BF5;
	p2 =	por !p2, p0  }
0x20: {  	[sflag:s8] =	ssyncset.s32 @!p0 $0xFFFFF086;
	s6 =	sadd.s32 @!p0 s3, s7;
	s7 =	simm.s32 @!p0 $0x108  }
0x21: {  	s3 =	sadd.s32 s3, s9;
	s6 =	sadd.s32 @!p0 $0x88, s6;
	s7 =	simm.s32 @p2 $0x1082  }
0x22: {  	[simem:s7], [sflag:s8] =	dma.local @!p0 [hbm:s6], $0xF7A  }
0x23: {  	s9 =	sor.u32 $0xD0000000, s2;
	s6 =	simm.s32 $0x108;
	_ =	swait.ge @!p0 [sflag:s8], $0x0  }
0x24: {  	s3 =	sadd.s32 $0x88, s3;
	s6 =	simm.s32 @!p1 $0x1082;
	[sflag:s4] =	ssyncset.s32 $0xFFFFF086  }
0x25: {  	[simem:s6], [sflag:s4] =	dma.local [hbm:s3], $0xF7A  }
0x26: {  	[smem:$0x3F9B] =	sst s1;
	(tag) =	ssettag s2;
	_ =	strace s9  }
0x27: {  	s1 =	sld [smem:$0x3FAB]  }
0x28: {  	s2 =	sld [smem:$0x3FAC]  }
0x29: {  	s4 =	sld [smem:$0x3FAE]  }
0x2a: {  	p0 =	seq.s32 s5, $0x0;
	s5 =	sld [smem:$0x3FAF]  }
0x2b: {  	s6 =	sld [smem:$0x3FB0]  }
0x2c: {  	s7 =	sld [smem:$0x3FB1]  }
0x2d: {  	s3 =	simm.s32 $0x108;
	s8 =	sld [smem:$0x3FB2]  }
0x2e: {  	s3 =	simm.s32 @!p0 $0x1082;
	s9 =	sld [smem:$0x3FB3]  }
0x2f: {  	lr =	sadd.s32 s0, s3;
	s0 =	sld [smem:$0x3FAA]  }
0x30: {  	s3 =	sld [smem:$0x3FAD]  }
0x31: {  	[smem:$0x3FB6] =	sst s10  }
0x32: {  	s10 =	sld [smem:$0x3FB4];
	_ =	sdelay $0x3  }
0x33: {  	p0 =	seq.s32 s10, $0x1;
	s10 =	sld [smem:$0x3FB6];
	_ =	sdelay $0x3  }
0x34: {  	[smem:$0x3FB6] =	sst s10  }
0x35: {  	s10 =	sld [smem:$0x3FB5];
	_ =	sdelay $0x3  }
0x36: {  	p1 =	seq.s32 s10, $0x1;
	s10 =	sld [smem:$0x3FB6];
	_ =	sdelay $0x3  }
0x37: {  	[smem:$0x3FB6] =	sst s10  }
0x38: {  	s10 =	sld [smem:$0x3FB7]  }
0x39: {  	_ = 	snop;
	(pc) =	sbr.ind lr, $3  }
0x3a: {  	_ = 	snop  }
0x3b: {  	_ = 	snop  }
0x3c: {  	p2 =	seq.s32 s10, $0x1;
	s10 =	sld [smem:$0x3FB6]  }
0x3d: {  	_ =	shalt  }
0x3e: {  	_ =	shalt  }
0x3f: {  	_ =	shalt  }
0x40: {  	_ =	shalt  }
0x41: {  	_ =	shalt  }
0x42: {  	_ =	shalt  }
0x43: {  	_ =	shalt  }
0x44: {  	_ =	shalt  }
0x45: {  	_ =	shalt  }
0x46: {  	_ =	shalt  }
0x47: {  	_ =	shalt  }
0x48: {  	_ =	shalt  }
0x49: {  	_ =	shalt  }
0x4a: {  	_ =	shalt  }
0x4b: {  	_ =	shalt  }
0x4c: {  	_ =	shalt  }
0x4d: {  	_ =	shalt  }
0x4e: {  	_ =	shalt  }
0x4f: {  	_ =	shalt  }
0x50: {  	_ =	shalt  }
0x51: {  	_ =	shalt  }
0x52: {  	_ =	shalt  }
0x53: {  	_ =	shalt  }
0x54: {  	_ =	shalt  }
0x55: {  	_ =	shalt  }
0x56: {  	_ =	shalt  }
0x57: {  	_ =	shalt  }
0x58: {  	_ =	shalt  }
0x59: {  	_ =	shalt  }
0x5a: {  	_ =	shalt  }
0x5b: {  	_ =	shalt  }
0x5c: {  	_ =	shalt  }
0x5d: {  	_ =	shalt  }
0x5e: {  	_ =	shalt  }
0x5f: {  	_ =	shalt  }
0x60: {  	_ =	shalt  }
0x61: {  	_ =	shalt  }
0x62: {  	_ =	shalt  }
0x63: {  	_ =	shalt  }
0x64: {  	_ =	shalt  }
0x65: {  	_ =	shalt  }
0x66: {  	_ =	shalt  }
0x67: {  	_ =	shalt  }
0x68: {  	_ =	shalt  }
0x69: {  	_ =	shalt  }
0x6a: {  	_ =	shalt  }
0x6b: {  	_ =	shalt  }
0x6c: {  	_ =	shalt  }
0x6d: {  	_ =	shalt  }
0x6e: {  	_ =	shalt  }
0x6f: {  	_ =	shalt  }
0x70: {  	_ =	shalt  }
0x71: {  	_ =	shalt  }
0x72: {  	_ =	shalt  }
0x73: {  	_ =	shalt  }
0x74: {  	_ =	shalt  }
0x75: {  	_ =	shalt  }
0x76: {  	_ =	shalt  }
0x77: {  	_ =	shalt  }
0x78: {  	_ =	shalt  }
0x79: {  	_ =	shalt  }
0x7a: {  	_ =	shalt  }
0x7b: {  	_ =	shalt  }
0x7c: {  	_ =	shalt  }
0x7d: {  	_ =	shalt  }
0x7e: {  	_ =	shalt  }
0x7f: {  	_ =	shalt  }
0x80: {  	_ =	shalt  }
0x81: {  	_ =	shalt  }
0x82: {  	_ =	shalt  }
0x83: {  	_ =	shalt  }
0x84: {  	_ =	shalt  }
0x85: {  	_ =	shalt  }
0x86: {  	_ =	shalt  }
0x87: {  	_ =	shalt  }
.Lfunc_end0:
.L_simem_size_0:
called_computation.1_lowered:
.L_overlay_start_0:
0x88: {  	s2 =	sld [smem:$0x3FD9]  }
0x89: {  	s3 =	sld [smem:$0x3FFE];
	_ =	sdelay $0x1  }
0x8a: {  	s1 =	srdreg.scid  }
0x8b: {  	s0 =	sand.u32 $0x1, s1  }
0x8c: {  	s17 =	sshll.u32 s0, $0xA;
	s2 =	sadd.s32 s3, s2  }
0x8d: {  	s2 =	sadd.s32 s2, s17  }
0x8e: {  	[smem:$0x3FC2] =	sst s2  }
0x8f: {  	_ = 	snop  }
0x90: {  	s2 =	sld [smem:$0x3FD0];
	(tm) =	ssettm $0x1  }
0x91: {  	s18 =	sld [smem:$0x3FFB];
	_ =	sdelay $0x3  }
0x92: {  	_ =	strace s18  }
0x93: {  	s3 =	sld [smem:$0x3FFC];
	_ =	sdelay $0x3  }
0x94: {  	_ =	strace s3  }
0x95: {  	s3 =	sld [smem:$0x3FFD];
	_ =	sdelay $0x3  }
0x96: {  	_ =	strace s3  }
0x97: {  	_ =	strace $0x8FFFFFFF  }
0x98: {  	s19 =	sld [smem:$0x3FDB];
	_ =	sdelay $0x1  }
0x99: {  	s4 =	simm.s32 $_scs_section_size  }
0x9a: {  	s5 =	simm.s32 $_size__tile_overlayer_lowered;
	s6 =	simm.s32 $_tile_overlayer_lowered  }
0x9b: {  	s22 =	simm.s32 $0x1BFF;
	s21 =	sshll.u32 s6, $0x1;
	s3 =	sadd.s32 s4, s19  }
0x9c: {  	s7 =	simm.s32 $0x0;
	s20 =	sshll.u32 s5, $0x1;
	s5 =	sadd.s32 s21, s3  }
0x9d: {  	[timem:s7], [sflag:s22] =	dma.local [hbm:s5], s20  }
0x9e: {  	_ =	swait.ge [sflag:s22], s20  }
0x9f: {  	s4 =	ssub.s32 $0x0, s20;
	[sflag:s22] =	ssyncset.done $0x0  }
0xa0: {  	[sflag:s22] =	ssyncadd.s32 s4;
	_ =	sdelay $0x1  }
0xa1: {  	s23 =	simm.s32 $0x1B8B  }
0xa2: {  	_ =	swait.ge [sflag:s23], $0x1  }
0xa3: {  	[sflag:s23] =	ssyncset.done $0x0  }
0xa4: {  	s25 =	simm.s32 $0x1B8E;
	s24 =	sld [smem:$0x3FFE];
	[sflag:s23] =	ssyncadd.s32 $0xFFFFFFFF  }
0xa5: {  	s26 =	simm.s32 $execute0_lowered;
	[smem:$0x3FD2] =	sst s25  }
0xa6: {  	s5 =	sshll.u32 s26, $0x1;
	_ =	strace $0x80000049;
	[dreg:$0x1] =	wrdreg $0xFFFFFFFF  }
0xa7: {  	s28 =	simm.s32 $_size_execute0_lowered;
	s3 =	sadd.s32 s3, s5;
	[dreg:$0x0] =	wrdreg $0x0  }
0xa8: {  	s5 =	sshll.u32 s28, $0x1;
	[dreg:$0x2] =	wrdreg s3  }
0xa9: {  	[dreg:$0x3] =	wrdreg s5  }
0xaa: {  	[dreg:$0x4] =	wrdreg $0xC0  }
0xab: {  	_ =	task [dreg:s7], $0x5FFFF  }
0xac: {  	[dreg:$0x1] =	wrdreg $0xFFFFFFFF  }
0xad: {  	[dreg:$0x0] =	wrdreg $0x60  }
0xae: {  	[dreg:$0x2] =	wrdreg s24  }
0xaf: {  	[dreg:$0x3] =	wrdreg s2  }
0xb0: {  	[dreg:$0x4] =	wrdreg $0x6C000  }
0xb1: {  	[dreg:$0x5] =	wrdreg $0x9  }
0xb2: {  	_ =	task.clear_ibuf [dreg:s7], $0x6FFFF;
	_ =	strace $0x90000049  }
0xb3: {  	s29 =	simm.s32 $0x9;
	_ =	strace $0x8000004B  }
0xb4: {  	_ =	swait.ge [sflag:s29], $0x1  }
0xb5: {  	[sflag:s29] =	ssyncadd.s32 $0xFFFFFFFF  }
0xb6: {  	_ =	strace $0x9000004B  }
0xb7: {  	_ =	sfence  }
0xb8: {  	s30 =	sld [smem:$0x0];
	_ =	sdelay $0x2  }
0xb9: {  	s31 =	sshll.u32 s1, $0xD;
	s1 =	sshrl.u32 s1, $0x2  }
0xba: {  	s3 =	sand.u32 $0x4000, s31;
	s1 =	sadd.s32 s1, s30  }
0xbb: {  	s0 =	sor.u32 s3, s0;
	s1 =	sshll.u32 s1, $0x11  }
0xbc: {  	s0 =	sor.u32 s1, s0  }
0xbd: {  	s0 =	sadd.s32 $0x8F2B, s0  }
0xbe: {  	[sflag:s0] =	ssyncadd.remote.s32 $0x1  }
0xbf: {  	_ =	sfence.sel $0xFFFF  }
0xc0: {  	[dreg:$0x0] =	wrdreg $0xFFFFFFFF;
	(pc) =	sbr.abs _section_cstart, $3  }
0xc1: {  	[dreg:$0x1] =	wrdreg $0xFFFFFFFF  }
0xc2: {  	_ =	task.clear_ibuf [dreg:s7], $0x2FFFF;
	_ =	strace $0x9FFFFFFF  }
0xc3: {  	(tm) =	ssettm $0x7FFFFFFF  }
tec
execute0_lowered:
.L_overlay_start_1:
0x0: {  	(tag) =	ssettag $0x1  }
0x1: {  	s0 =	rddreg [dreg:$0x0]  }
0x2: {  	s2 =	rddreg [dreg:$0x2];
	s4 =	simm.s32 $0x0;
	s1 =	srdreg.scid  }
0x3: {  	s16 =	stileid.u32;
	s24 =	simm.s32 $0x280;
	s25 =	simm.s32 $0x300  }
0x4: {  	s26 =	simm.s32 $0x380;
	s28 =	simm.s32 $0x680;
	s29 =	simm.s32 $0xA00  }
0x5: {  	s31 =	simm.s32 $0x2C00;
	s30 =	simm.s32 $0x2400;
	[smem:$0x7FF] =	sst s4  }
0x6: {  	s1 =	sand.u32 $0x1, s1;
	s5 =	smul.u32 $0x18700, s16;
	s6 =	sadd.s32 $0x6E400, s0  }
0x7: {  	s8 =	smul.u32 $0x61C00, s16;
	s9 =	sadd.s32 $0x3200, s0;
	s10 =	sadd.s32 $0x195400, s0  }
0x8: {  	s14 =	sshll.u32 s16, $0x6;
	_ =	strace $0x8000004A;
	[dreg:$0x4] =	wrdreg s24  }
0x9: {  	s18 =	smul.u32 $0x6300, s16;
	s3 =	ssub.s32 $0x2, s1;
	[dreg:$0x5] =	wrdreg s25  }
0xa: {  	s20 =	sor.u32 $0x1C06, s14;
	s13 =	smul.u32 $0x186A00, s1;
	[dreg:$0x6] =	wrdreg s26  }
0xb: {  	p0 =	seq.s32 s1, $0x0;
	[dreg:$0x7] =	wrdreg s28;
	s24 =	simm.s32 $0x980  }
0xc: {  	s25 =	simm.s32 $0xA80;
	s26 =	simm.s32 $0xB00;
	[dreg:$0xf] =	wrdreg s24  }
0xd: {  	s28 =	simm.s32 $0xB80;
	s7 =	sshrl.u32 s3, $0x1;
	[dreg:$0x10] =	wrdreg s25  }
0xe: {  	s17 =	sadd.s32 s5, s2;
	s8 =	sshrl.u32 s8, $0x2;
	[dreg:$0x11] =	wrdreg s26  }
0xf: {  	s14 =	sor.u32 $0x40, s18;
	[dreg:$0x12] =	wrdreg s28;
	s24 =	simm.s32 $0x80  }
0x10: {  	s25 =	simm.s32 $0x4;
	[dreg:$0x14] =	wrdreg s20;
	s26 =	simm.s32 $0x1C00  }
0x11: {  	s3 =	ssub.s32 s3, s7;
	s15 =	sadd.s32 s8, s2;
	s7 =	sadd.s32 s6, s18  }
0x12: {  	s8 =	sadd.s32 s9, s18;
	s6 =	sadd.s32 s6, s14;
	s5 =	sadd.s32 s5, s13  }
0x13: {  	s19 =	sadd.s32 s9, s14;
	s21 =	sshrl.u32 s13, $0x3;
	[dreg:$0x13] =	wrdreg s17  }
0x14: {  	s9 =	simm.s32 $0x780;
	s11 =	sadd.s32 $0x6200, s15;
	[dreg:$0x15] =	wrdreg s6  }
0x15: {  	s12 =	sadd.s32 $0xC400, s15;
	s15 =	sadd.s32 $0x12600, s15;
	[dreg:$0x16] =	wrdreg s19  }
0x16: {  	s5 =	sshrl.u32 s5, $0x3;
	s23 =	sadd.s32 s10, s21;
	s3 =	smax.u32 s3, $0x1  }
0x17: {  	s6 =	sshrl.u32 s17, $0x3;
	[dreg:$0x9] =	wrdreg s9;
	s17 =	simm.s32 $0x500  }
0x18: {  	s19 =	simm.s32 $0x580;
	s9 =	simm.s32 $0x3400;
	[dreg:$0x19] =	wrdreg s3  }
0x19: {  	s22 =	sadd.s32 s10, s5;
	s1 =	sadd.s32 $0x2DD20, s23;
	[dreg:$0x1a] =	wrdreg s6  }
0x1a: {  	s5 =	simm.s32 $0x133800;
	s10 =	simm.s32 $0x480;
	[dreg:$0xb] =	wrdreg s17  }
0x1b: {  	s13 =	sshrl.u32 s11, $0x3;
	s18 =	sshrl.u32 s12, $0x3;
	[dreg:$0xc] =	wrdreg s19  }
0x1c: {  	s21 =	sshrl.u32 s15, $0x3;
	s23 =	simm.s32 $0x900;
	[dreg:$0x17] =	wrdreg s22  }
0x1d: {  	s3 =	simm.s32 $0x400;
	s11 =	simm.s32 $0x2;
	[dreg:$0x18] =	wrdreg s1  }
0x1e: {  	s12 =	simm.s32 $0x5;
	s15 =	simm.s32 $0x5400;
	[dreg:$0x1b] =	wrdreg s13  }
0x1f: {  	s17 =	simm.s32 $0x5C00;
	s19 =	simm.s32 $0x3;
	[dreg:$0xa] =	wrdreg s10  }
0x20: {  	s1 =	sadd.s32 $0x16E900, s2;
	s5 =	simm.s32 @!p0 $0x164600;
	[dreg:$0x1c] =	wrdreg s18  }
0x21: {  	[dreg:$0x1d] =	wrdreg s21;
	s22 =	simm.s32 $0x880;
	s21 =	simm.s32 $0x600  }
0x22: {  	[dreg:$0xe] =	wrdreg s23;
	s23 =	simm.s32 $0x1;
	p0 =	seq.s32 s16, $0xF  }
0x23: {  	s10 =	simm.s32 $0x3C00;
	s13 =	simm.s32 $0x4C00;
	s18 =	simm.s32 $0x6400  }
0x24: {  	s14 =	sadd.s32 s5, s0;
	s5 =	simm.s32 $0x700;
	[dreg:$0xd] =	wrdreg s22  }
0x25: {  	s22 =	simm.s32 $0x200;
	s0 =	sshrl.u32 @p0 s1, $0x3;
	[dreg:$0x8] =	wrdreg s5  }
0x26: {  	[dreg:$0x1e] =	wrdreg s0;
	s5 =	simm.s32 $0x4400;
	s0 =	simm.s32 $0x0  }
.LBB2_1:
0x27: {  	[dreg:$0x1f] =	wrdreg s0  }
0x28: {  	s1 =	rddreg [dreg:$0x1]  }
0x29: {  	s6 =	rddreg [dreg:$0x1a]  }
0x2a: {  	[spmem:s6], [sflag:s20] =	dma.local [hbm:s1], $0xC40  }
0x2b: {  	s6 =	simm.s32 $0x6  }
0x2c: {  	_ =	swait.ge [sflag:s6], $0xC40  }
0x2d: {  	[sflag:s6] =	ssyncset.done $0x0  }
0x2e: {  	s16 =	rddreg [dreg:$0x1b];
	[sflag:s6] =	ssyncadd.s32 $0xFFFFF3C0  }
0x2f: {  	[spmem:s16], [sflag:s20] =	dma.local [hbm:s1], $0xC40  }
0x30: {  	_ =	swait.ge [sflag:s6], $0xC40  }
0x31: {  	[sflag:s6] =	ssyncset.done $0x0  }
0x32: {  	s0 =	rddreg [dreg:$0x1c];
	[sflag:s6] =	ssyncadd.s32 $0xFFFFF3C0  }
0x33: {  	[spmem:s0], [sflag:s20] =	dma.local [hbm:s1], $0xC40  }
0x34: {  	_ =	swait.ge [sflag:s6], $0xC40  }
0x35: {  	[sflag:s6] =	ssyncset.done $0x0  }
0x36: {  	s0 =	rddreg [dreg:$0x1d];
	[sflag:s6] =	ssyncadd.s32 $0xFFFFF3C0  }
0x37: {  	[spmem:s0], [sflag:s20] =	dma.local [hbm:s1], $0xC20  }
0x38: {  	_ =	swait.ge [sflag:s6], $0xC20  }
0x39: {  	[sflag:s6] =	ssyncset.done $0x0  }
0x3a: {  	[sflag:s6] =	ssyncadd.s32 $0xFFFFF3E0  }
0x3b: {  	[bflag:$0x0] =	sbarrier.arrive $0xFFFF  }
0x3c: {  	[tilespmem:s4], [sflag:$0x1] =	stream.linear.gather [hbm4b:s7+s4], $0x200, $0x38;
	[tilespmem:$0x1F300] =	vst v63  }
0x3d: {  	_ = 	snop  }
0x3e: {  	[tilespmem:s21], [sflag:$0x1] =	stream.linear.gather [hbm4b:s8+s4], $0x200, $0x38;
	[tilespmem:$0x1F300] =	vst v63  }
0x3f: {  	s6 =	rddreg [dreg:$0x15]  }
0x40: {  	[tilespmem:s22], [sflag:$0x1] =	stream.linear.gather [hbm4b:s6+s4], $0x200, $0x38;
	[tilespmem:$0x1F300] =	vst v63  }
0x41: {  	s20 =	simm.s32 $0x800;
	s16 =	rddreg [dreg:$0x16]  }
0x42: {  	[tilespmem:s20], [sflag:$0x1] =	stream.linear.gather [hbm4b:s16+s4], $0x200, $0x38;
	[tilespmem:$0x1F300] =	vst v63  }
0x43: {  	_ =	swait.ge [sflag:s23], $0x200  }
0x44: {  	[sflag:s23] =	ssyncset.done $0x0  }
0x45: {  	[sflag:s23] =	ssyncadd.s32 $0xFFFFFE00  }
0x46: {  	_ =	swait.ge [sflag:s23], $0x200  }
0x47: {  	[sflag:s23] =	ssyncset.done $0x0  }
0x48: {  	s16 =	simm.s32 $0xC00;
	[sflag:s23] =	ssyncadd.s32 $0xFFFFFE00  }
0x49: {  	[tilespmem:s16], [sflag:$0x2] =	stream.indirect.gather [hbm4b:s14+s24], $0x10, s4, s24, $0xb8;
	[tilespmem:$0x1F300] =	vst v63  }
0x4a: {  	s20 =	simm.s32 $0x1400  }
0x4b: {  	[tilespmem:s20], [sflag:$0x2] =	stream.indirect.gather [hbm4b:s14+s24], $0x10, s24, s24, $0xb8;
	[tilespmem:$0x1F300] =	vst v63  }
0x4c: {  	s28 =	simm.s32 $0x1C00;
	s6 =	simm.s32 $0x100  }
0x4d: {  	[tilespmem:s28], [sflag:$0x2] =	stream.indirect.gather [hbm4b:s14+s24], $0x10, s6, s24, $0xb8;
	[tilespmem:$0x1F300] =	vst v63  }
0x4e: {  	s0 =	simm.s32 $0x180;
	s6 =	simm.s32 $0x2400  }
0x4f: {  	[tilespmem:s6], [sflag:$0x2] =	stream.indirect.gather [hbm4b:s14+s24], $0x10, s0, s24, $0xb8;
	[tilespmem:$0x1F300] =	vst v63  }
0x50: {  	_ =	swait.ge [sflag:s23], $0x200  }
0x51: {  	[sflag:s23] =	ssyncset.done $0x0  }
0x52: {  	[sflag:s23] =	ssyncadd.s32 $0xFFFFFE00  }
0x53: {  	_ =	swait.ge [sflag:s23], $0x200  }
0x54: {  	p1 =	por $0x1, $0x1;
	[sflag:s23] =	ssyncset.done $0x0  }
0x55: {  	s1 =	simm.s32 @!p1 $0x5;
	[sflag:s23] =	ssyncadd.s32 $0xFFFFFE00  }
0x56: {  	_ =	swait.ge @!p1 [sflag:s1], $0x800  }
0x57: {  	[sflag:s1] =	ssyncset.done @!p1 $0x0  }
0x58: {  	[sflag:s1] =	ssyncadd.s32 @!p1 $0xFFFFF800  }
0x59: {  	_ =	swait.ge @!p1 [sflag:s1], $0x800  }
0x5a: {  	[sflag:s1] =	ssyncset.done @!p1 $0x0  }
0x5b: {  	[sflag:s1] =	ssyncadd.s32 @!p1 $0xFFFFF800  }
0x5c: {  	_ =	swait.ge @!p1 [sflag:s1], $0x800  }
0x5d: {  	[sflag:s1] =	ssyncset.done @!p1 $0x0  }
0x5e: {  	[sflag:s1] =	ssyncadd.s32 @!p1 $0xFFFFF800  }
0x5f: {  	_ =	swait.ge @!p1 [sflag:s1], $0x800  }
0x60: {  	s0 =	sadd.s32 $0x0, s7;
	[sflag:s1] =	ssyncset.done @!p1 $0x0  }
0x61: {  	s6 =	sadd.s32 $0x80, s0;
	s0 =	sadd.s32 $0x0, s8;
	[sflag:s1] =	ssyncadd.s32 @!p1 $0xFFFFF800  }
0x62: {  	[tilespmem:s3], [sflag:$0x1] =	stream.linear.gather [hbm4b:s6+s4], $0x200, $0x38;
	[tilespmem:$0x1F300] =	vst v63  }
0x63: {  	s6 =	sadd.s32 $0x80, s0  }
0x64: {  	[tilespmem:s29], [sflag:$0x1] =	stream.linear.gather [hbm4b:s6+s4], $0x200, $0x38;
	[tilespmem:$0x1F300] =	vst v63  }
0x65: {  	_ = 	snop  }
0x66: {  	[tilespmem:s31], [sflag:$0x3] =	stream.indirect.gather [hbm4b:s14+s24], $0x10, s22, s24, $0xb8;
	[tilespmem:$0x1F300] =	vst v63  }
0x67: {  	s0 =	rddreg [dreg:$0x4]  }
0x68: {  	[tilespmem:s9], [sflag:$0x3] =	stream.indirect.gather [hbm4b:s14+s24], $0x10, s0, s24, $0xb8;
	[tilespmem:$0x1F300] =	vst v63  }
0x69: {  	s6 =	rddreg [dreg:$0x5]  }
0x6a: {  	[tilespmem:s10], [sflag:$0x3] =	stream.indirect.gather [hbm4b:s14+s24], $0x10, s6, s24, $0xb8;
	[tilespmem:$0x1F300] =	vst v63  }
0x6b: {  	s0 =	rddreg [dreg:$0x6]  }
0x6c: {  	[tilespmem:s5], [sflag:$0x3] =	stream.indirect.gather [hbm4b:s14+s24], $0x10, s0, s24, $0xb8;
	[tilespmem:$0x1F300] =	vst v63  }
0x6d: {  	_ =	swait.ge [sflag:s11], $0x800  }
0x6e: {  	[sflag:s11] =	ssyncset.done $0x0  }
0x6f: {  	[sflag:s11] =	ssyncadd.s32 $0xFFFFF800  }
0x70: {  	_ =	swait.ge [sflag:s11], $0x800  }
0x71: {  	[sflag:s11] =	ssyncset.done $0x0  }
0x72: {  	[sflag:s11] =	ssyncadd.s32 $0xFFFFF800  }
0x73: {  	_ =	swait.ge [sflag:s11], $0x800  }
0x74: {  	[sflag:s11] =	ssyncset.done $0x0  }
0x75: {  	[sflag:s11] =	ssyncadd.s32 $0xFFFFF800  }
0x76: {  	_ =	swait.ge [sflag:s11], $0x800  }
0x77: {  	[sflag:s11] =	ssyncset.done $0x0  }
0x78: {  	[sflag:s11] =	ssyncadd.s32 $0xFFFFF800  }
0x79: {  	[spmem:s2] =	stream.indirect.scatter.add.f32 [tilespmem:s16], [sflag:$0x5], $0x10, s21, s24, $0xb8;
	[tilespmem:$0x1F300] =	vst v63  }
0x7a: {  	s1 =	rddreg [dreg:$0x7]  }
0x7b: {  	[spmem:s2] =	stream.indirect.scatter.add.f32 [tilespmem:s20], [sflag:$0x5], $0x10, s1, s24, $0xb8;
	[tilespmem:$0x1F300] =	vst v63  }
0x7c: {  	s6 =	rddreg [dreg:$0x8]  }
0x7d: {  	[spmem:s2] =	stream.indirect.scatter.add.f32 [tilespmem:s28], [sflag:$0x5], $0x10, s6, s24, $0xb8;
	[tilespmem:$0x1F300] =	vst v63  }
0x7e: {  	s16 =	rddreg [dreg:$0x9];
	s20 =	simm.s32 $0x2400  }
0x7f: {  	[spmem:s2] =	stream.indirect.scatter.add.f32 [tilespmem:s20], [sflag:$0x5], $0x10, s16, s24, $0xb8;
	[tilespmem:$0x1F300] =	vst v63  }
0x80: {  	_ =	swait.ge [sflag:s23], $0x200  }
0x81: {  	[sflag:s23] =	ssyncset.done $0x0  }
0x82: {  	[sflag:s23] =	ssyncadd.s32 $0xFFFFFE00  }
0x83: {  	_ =	swait.ge [sflag:s23], $0x200  }
0x84: {  	[sflag:s23] =	ssyncset.done $0x0  }
0x85: {  	[sflag:s23] =	ssyncadd.s32 $0xFFFFFE00  }
0x86: {  	_ =	swait.ge [sflag:s12], $0x800  }
0x87: {  	[sflag:s12] =	ssyncset.done $0x0  }
0x88: {  	[sflag:s12] =	ssyncadd.s32 $0xFFFFF800  }
0x89: {  	_ =	swait.ge [sflag:s12], $0x800  }
0x8a: {  	[sflag:s12] =	ssyncset.done $0x0  }
0x8b: {  	[sflag:s12] =	ssyncadd.s32 $0xFFFFF800  }
0x8c: {  	_ =	swait.ge [sflag:s12], $0x800  }
0x8d: {  	[sflag:s12] =	ssyncset.done $0x0  }
0x8e: {  	[sflag:s12] =	ssyncadd.s32 $0xFFFFF800  }
0x8f: {  	p1 =	por $0x0, $0x0;
	_ =	swait.ge [sflag:s12], $0x800  }
0x90: {  	s1 =	sadd.s32 @!p1 $0x0, s7;
	s6 =	sadd.s32 @!p1 $0x0, s8;
	[sflag:s12] =	ssyncset.done $0x0  }
0x91: {  	s28 =	simm.s32 @!p1 $0x0;
	s16 =	sadd.s32 @!p1 $0xC0, s1;
	[sflag:s12] =	ssyncadd.s32 $0xFFFFF800  }
0x92: {  	[tilespmem:s28], [sflag:$0x1] =	stream.linear.gather @!p1 [hbm4b:s16+s28], $0x200, $0x38;
	[tilespmem:$0x1F300] =	vst v63  }
0x93: {  	s20 =	simm.s32 @!p1 $0x600;
	s16 =	sadd.s32 @!p1 $0xC0, s6  }
0x94: {  	[tilespmem:s20], [sflag:$0x1] =	stream.linear.gather @!p1 [hbm4b:s16+s28], $0x200, $0x38;
	[tilespmem:$0x1F300] =	vst v63  }
0x95: {  	_ = 	snop  }
0x96: {  	[tilespmem:s13], [sflag:$0x4] =	stream.indirect.gather [hbm4b:s14+s24], $0x10, s3, s24, $0xb8;
	[tilespmem:$0x1F300] =	vst v63  }
0x97: {  	s16 =	rddreg [dreg:$0xa]  }
0x98: {  	[tilespmem:s15], [sflag:$0x4] =	stream.indirect.gather [hbm4b:s14+s24], $0x10, s16, s24, $0xb8;
	[tilespmem:$0x1F300] =	vst v63  }
0x99: {  	s20 =	rddreg [dreg:$0xb]  }
0x9a: {  	[tilespmem:s17], [sflag:$0x4] =	stream.indirect.gather [hbm4b:s14+s24], $0x10, s20, s24, $0xb8;
	[tilespmem:$0x1F300] =	vst v63  }
0x9b: {  	s16 =	rddreg [dreg:$0xc]  }
0x9c: {  	[tilespmem:s18], [sflag:$0x4] =	stream.indirect.gather [hbm4b:s14+s24], $0x10, s16, s24, $0xb8;
	[tilespmem:$0x1F300] =	vst v63  }
0x9d: {  	_ =	swait.ge [sflag:s19], $0x800  }
0x9e: {  	[sflag:s19] =	ssyncset.done $0x0  }
0x9f: {  	[sflag:s19] =	ssyncadd.s32 $0xFFFFF800  }
0xa0: {  	_ =	swait.ge [sflag:s19], $0x800  }
0xa1: {  	[sflag:s19] =	ssyncset.done $0x0  }
0xa2: {  	[sflag:s19] =	ssyncadd.s32 $0xFFFFF800  }
0xa3: {  	_ =	swait.ge [sflag:s19], $0x800  }
0xa4: {  	[sflag:s19] =	ssyncset.done $0x0  }
0xa5: {  	[sflag:s19] =	ssyncadd.s32 $0xFFFFF800  }
0xa6: {  	_ =	swait.ge [sflag:s19], $0x800  }
0xa7: {  	[sflag:s19] =	ssyncset.done $0x0  }
0xa8: {  	s20 =	simm.s32 $0x800;
	[sflag:s19] =	ssyncadd.s32 $0xFFFFF800  }
0xa9: {  	[spmem:s2] =	stream.indirect.scatter.add.f32 [tilespmem:s31], [sflag:$0x5], $0x10, s20, s24, $0xb8;
	[tilespmem:$0x1F300] =	vst v63  }
0xaa: {  	s16 =	rddreg [dreg:$0xd]  }
0xab: {  	[spmem:s2] =	stream.indirect.scatter.add.f32 [tilespmem:s9], [sflag:$0x5], $0x10, s16, s24, $0xb8;
	[tilespmem:$0x1F300] =	vst v63  }
0xac: {  	s20 =	rddreg [dreg:$0xe]  }
0xad: {  	[spmem:s2] =	stream.indirect.scatter.add.f32 [tilespmem:s10], [sflag:$0x5], $0x10, s20, s24, $0xb8;
	[tilespmem:$0x1F300] =	vst v63  }
0xae: {  	s16 =	rddreg [dreg:$0xf]  }
0xaf: {  	[spmem:s2] =	stream.indirect.scatter.add.f32 [tilespmem:s5], [sflag:$0x5], $0x10, s16, s24, $0xb8;
	[tilespmem:$0x1F300] =	vst v63  }
0xb0: {  	s16 =	simm.s32 @!p1 $0x1  }
0xb1: {  	_ =	swait.ge @!p1 [sflag:s16], $0x200  }
0xb2: {  	[sflag:s16] =	ssyncset.done @!p1 $0x0  }
0xb3: {  	[sflag:s16] =	ssyncadd.s32 @!p1 $0xFFFFFE00  }
0xb4: {  	_ =	swait.ge @!p1 [sflag:s16], $0x200  }
0xb5: {  	[sflag:s16] =	ssyncset.done @!p1 $0x0  }
0xb6: {  	[sflag:s16] =	ssyncadd.s32 @!p1 $0xFFFFFE00  }
0xb7: {  	_ =	swait.ge [sflag:s12], $0x800  }
0xb8: {  	[sflag:s12] =	ssyncset.done $0x0  }
0xb9: {  	[sflag:s12] =	ssyncadd.s32 $0xFFFFF800  }
0xba: {  	_ =	swait.ge [sflag:s12], $0x800  }
0xbb: {  	[sflag:s12] =	ssyncset.done $0x0  }
0xbc: {  	[sflag:s12] =	ssyncadd.s32 $0xFFFFF800  }
0xbd: {  	_ =	swait.ge [sflag:s12], $0x800  }
0xbe: {  	[sflag:s12] =	ssyncset.done $0x0  }
0xbf: {  	[sflag:s12] =	ssyncadd.s32 $0xFFFFF800  }
0xc0: {  	_ =	swait.ge [sflag:s12], $0x800  }
0xc1: {  	s1 =	sadd.s32 @!p1 $0x100, s1;
	[sflag:s12] =	ssyncset.done $0x0  }
0xc2: {  	s20 =	simm.s32 @!p1 $0x0;
	s16 =	simm.s32 @!p1 $0x200;
	[sflag:s12] =	ssyncadd.s32 $0xFFFFF800  }
0xc3: {  	[tilespmem:s16], [sflag:$0x1] =	stream.linear.gather @!p1 [hbm4b:s1+s20], $0x200, $0x38;
	[tilespmem:$0x1F300] =	vst v63  }
0xc4: {  	s1 =	sadd.s32 @!p1 $0x100, s6;
	s6 =	simm.s32 @!p1 $0x800  }
0xc5: {  	[tilespmem:s6], [sflag:$0x1] =	stream.linear.gather @!p1 [hbm4b:s1+s20], $0x200, $0x38;
	[tilespmem:$0x1F300] =	vst v63  }
0xc6: {  	s16 =	simm.s32 @!p1 $0x0;
	s1 =	simm.s32 @!p1 $0x80;
	s6 =	simm.s32 @!p1 $0xC00  }
0xc7: {  	[tilespmem:s6], [sflag:$0x2] =	stream.indirect.gather @!p1 [hbm4b:s14+s1], $0x10, s16, s1, $0xb8;
	[tilespmem:$0x1F300] =	vst v63  }
0xc8: {  	s6 =	simm.s32 @!p1 $0x1400  }
0xc9: {  	[tilespmem:s6], [sflag:$0x2] =	stream.indirect.gather @!p1 [hbm4b:s14+s1], $0x10, s1, s1, $0xb8;
	[tilespmem:$0x1F300] =	vst v63  }
0xca: {  	s16 =	simm.s32 @!p1 $0x1C00;
	s6 =	simm.s32 @!p1 $0x100  }
0xcb: {  	[tilespmem:s16], [sflag:$0x2] =	stream.indirect.gather @!p1 [hbm4b:s14+s1], $0x10, s6, s1, $0xb8;
	[tilespmem:$0x1F300] =	vst v63  }
0xcc: {  	s6 =	simm.s32 @!p1 $0x180;
	s16 =	simm.s32 @!p1 $0x2400  }
0xcd: {  	[tilespmem:s16], [sflag:$0x2] =	stream.indirect.gather @!p1 [hbm4b:s14+s1], $0x10, s6, s1, $0xb8;
	[tilespmem:$0x1F300] =	vst v63  }
0xce: {  	_ =	swait.ge [sflag:s25], $0x800  }
0xcf: {  	[sflag:s25] =	ssyncset.done $0x0  }
0xd0: {  	[sflag:s25] =	ssyncadd.s32 $0xFFFFF800  }
0xd1: {  	_ =	swait.ge [sflag:s25], $0x800  }
0xd2: {  	[sflag:s25] =	ssyncset.done $0x0  }
0xd3: {  	[sflag:s25] =	ssyncadd.s32 $0xFFFFF800  }
0xd4: {  	_ =	swait.ge [sflag:s25], $0x800  }
0xd5: {  	[sflag:s25] =	ssyncset.done $0x0  }
0xd6: {  	[sflag:s25] =	ssyncadd.s32 $0xFFFFF800  }
0xd7: {  	_ =	swait.ge [sflag:s25], $0x800  }
0xd8: {  	[sflag:s25] =	ssyncset.done $0x0  }
0xd9: {  	s16 =	rddreg [dreg:$0x10];
	[sflag:s25] =	ssyncadd.s32 $0xFFFFF800  }
0xda: {  	[spmem:s2] =	stream.indirect.scatter.add.f32 [tilespmem:s13], [sflag:$0x5], $0x10, s29, s24, $0xb8;
	[tilespmem:$0x1F300] =	vst v63  }
0xdb: {  	s0 =	simm.s32 $0x1400;
	s20 =	rddreg [dreg:$0x11]  }
0xdc: {  	[spmem:s2] =	stream.indirect.scatter.add.f32 [tilespmem:s15], [sflag:$0x5], $0x10, s16, s24, $0xb8;
	[tilespmem:$0x1F300] =	vst v63  }
0xdd: {  	s28 =	simm.s32 $0x800;
	s6 =	simm.s32 $0xC0;
	s1 =	rddreg [dreg:$0x12]  }
0xde: {  	[spmem:s2] =	stream.indirect.scatter.add.f32 [tilespmem:s17], [sflag:$0x5], $0x10, s20, s24, $0xb8;
	[tilespmem:$0x1F300] =	vst v63  }
.LBB2_2:
0xdf: {  	[spmem:s2] =	stream.indirect.scatter.add.f32 [tilespmem:s18], [sflag:$0x5], $0x10, s1, s24, $0xb8;
	[tilespmem:$0x1F300] =	vst v63  }
0xe0: {  	_ =	swait.ge [sflag:s23], $0x200  }
0xe1: {  	[sflag:s23] =	ssyncset.done $0x0  }
0xe2: {  	[sflag:s23] =	ssyncadd.s32 $0xFFFFFE00  }
0xe3: {  	s16 =	smov.u32 s6;
	_ =	swait.ge [sflag:s23], $0x200  }
0xe4: {  	p2 =	seq.s32 s16, $0x0;
	[sflag:s23] =	ssyncset.done $0x0  }
0xe5: {  	s1 =	simm.s32 @!p2 $0x5;
	[sflag:s23] =	ssyncadd.s32 $0xFFFFFE00  }
0xe6: {  	_ =	swait.ge @!p2 [sflag:s1], $0x800  }
0xe7: {  	[sflag:s1] =	ssyncset.done @!p2 $0x0  }
0xe8: {  	[sflag:s1] =	ssyncadd.s32 @!p2 $0xFFFFF800  }
0xe9: {  	_ =	swait.ge @!p2 [sflag:s1], $0x800  }
0xea: {  	[sflag:s1] =	ssyncset.done @!p2 $0x0  }
0xeb: {  	[sflag:s1] =	ssyncadd.s32 @!p2 $0xFFFFF800  }
0xec: {  	_ =	swait.ge @!p2 [sflag:s1], $0x800  }
0xed: {  	[sflag:s1] =	ssyncset.done @!p2 $0x0  }
0xee: {  	[sflag:s1] =	ssyncadd.s32 @!p2 $0xFFFFF800  }
0xef: {  	_ =	swait.ge @!p2 [sflag:s1], $0x800  }
0xf0: {  	s20 =	sadd.s32 s16, s7;
	[sflag:s1] =	ssyncset.done @!p2 $0x0  }
0xf1: {  	[sflag:s1] =	ssyncadd.s32 @!p2 $0xFFFFF800;
	s1 =	sadd.s32 $0x80, s20;
	s20 =	sadd.s32 s16, s8  }
0xf2: {  	[tilespmem:s3], [sflag:$0x1] =	stream.linear.gather [hbm4b:s1+s4], $0x200, $0x38;
	[tilespmem:$0x1F300] =	vst v63  }
0xf3: {  	s20 =	sadd.s32 $0x80, s20  }
0xf4: {  	[tilespmem:s29], [sflag:$0x1] =	stream.linear.gather [hbm4b:s20+s4], $0x200, $0x38;
	[tilespmem:$0x1F300] =	vst v63  }
0xf5: {  	_ = 	snop  }
0xf6: {  	[tilespmem:s31], [sflag:$0x3] =	stream.indirect.gather [hbm4b:s14+s24], $0x10, s22, s24, $0xb8;
	[tilespmem:$0x1F300] =	vst v63  }
0xf7: {  	s1 =	rddreg [dreg:$0x4]  }
0xf8: {  	[tilespmem:s9], [sflag:$0x3] =	stream.indirect.gather [hbm4b:s14+s24], $0x10, s1, s24, $0xb8;
	[tilespmem:$0x1F300] =	vst v63  }
0xf9: {  	s20 =	rddreg [dreg:$0x5]  }
0xfa: {  	[tilespmem:s10], [sflag:$0x3] =	stream.indirect.gather [hbm4b:s14+s24], $0x10, s20, s24, $0xb8;
	[tilespmem:$0x1F300] =	vst v63  }
0xfb: {  	s22 =	rddreg [dreg:$0x6]  }
0xfc: {  	[tilespmem:s5], [sflag:$0x3] =	stream.indirect.gather [hbm4b:s14+s24], $0x10, s22, s24, $0xb8;
	[tilespmem:$0x1F300] =	vst v63  }
0xfd: {  	_ =	swait.ge [sflag:s11], $0x800  }
0xfe: {  	[sflag:s11] =	ssyncset.done $0x0  }
0xff: {  	[sflag:s11] =	ssyncadd.s32 $0xFFFFF800  }
0x100: {  	_ =	swait.ge [sflag:s11], $0x800  }
0x101: {  	[sflag:s11] =	ssyncset.done $0x0  }
0x102: {  	[sflag:s11] =	ssyncadd.s32 $0xFFFFF800  }
0x103: {  	_ =	swait.ge [sflag:s11], $0x800  }
0x104: {  	[sflag:s11] =	ssyncset.done $0x0  }
0x105: {  	[sflag:s11] =	ssyncadd.s32 $0xFFFFF800  }
0x106: {  	_ =	swait.ge [sflag:s11], $0x800  }
0x107: {  	[sflag:s11] =	ssyncset.done $0x0  }
0x108: {  	s22 =	simm.s32 $0xC00;
	[sflag:s11] =	ssyncadd.s32 $0xFFFFF800  }
0x109: {  	[spmem:s2] =	stream.indirect.scatter.add.f32 [tilespmem:s22], [sflag:$0x5], $0x10, s21, s24, $0xb8;
	[tilespmem:$0x1F300] =	vst v63  }
0x10a: {  	s1 =	rddreg [dreg:$0x7]  }
0x10b: {  	[spmem:s2] =	stream.indirect.scatter.add.f32 [tilespmem:s0], [sflag:$0x5], $0x10, s1, s24, $0xb8;
	[tilespmem:$0x1F300] =	vst v63  }
0x10c: {  	s21 =	rddreg [dreg:$0x8]  }
0x10d: {  	[spmem:s2] =	stream.indirect.scatter.add.f32 [tilespmem:s26], [sflag:$0x5], $0x10, s21, s24, $0xb8;
	[tilespmem:$0x1F300] =	vst v63  }
0x10e: {  	s22 =	rddreg [dreg:$0x9]  }
0x10f: {  	[spmem:s2] =	stream.indirect.scatter.add.f32 [tilespmem:s30], [sflag:$0x5], $0x10, s22, s24, $0xb8;
	[tilespmem:$0x1F300] =	vst v63  }
0x110: {  	_ =	swait.ge [sflag:s23], $0x200  }
0x111: {  	[sflag:s23] =	ssyncset.done $0x0  }
0x112: {  	[sflag:s23] =	ssyncadd.s32 $0xFFFFFE00  }
0x113: {  	_ =	swait.ge [sflag:s23], $0x200  }
0x114: {  	[sflag:s23] =	ssyncset.done $0x0  }
0x115: {  	[sflag:s23] =	ssyncadd.s32 $0xFFFFFE00  }
0x116: {  	_ =	swait.ge [sflag:s12], $0x800  }
0x117: {  	[sflag:s12] =	ssyncset.done $0x0  }
0x118: {  	[sflag:s12] =	ssyncadd.s32 $0xFFFFF800  }
0x119: {  	_ =	swait.ge [sflag:s12], $0x800  }
0x11a: {  	[sflag:s12] =	ssyncset.done $0x0  }
0x11b: {  	[sflag:s12] =	ssyncadd.s32 $0xFFFFF800  }
0x11c: {  	_ =	swait.ge [sflag:s12], $0x800  }
0x11d: {  	[sflag:s12] =	ssyncset.done $0x0  }
0x11e: {  	[sflag:s12] =	ssyncadd.s32 $0xFFFFF800  }
0x11f: {  	p2 =	seq.s32 s16, $0x6240;
	_ =	swait.ge [sflag:s12], $0x800  }
0x120: {  	s20 =	sadd.s32 @!p2 s16, s8;
	s1 =	sadd.s32 @!p2 s16, s7;
	[sflag:s12] =	ssyncset.done $0x0  }
0x121: {  	s16 =	simm.s32 @!p2 $0x0;
	s21 =	sadd.s32 @!p2 $0xC0, s1;
	[sflag:s12] =	ssyncadd.s32 $0xFFFFF800  }
0x122: {  	[tilespmem:s16], [sflag:$0x1] =	stream.linear.gather @!p2 [hbm4b:s21+s16], $0x200, $0x38;
	[tilespmem:$0x1F300] =	vst v63  }
0x123: {  	s22 =	simm.s32 @!p2 $0x600;
	s21 =	sadd.s32 @!p2 $0xC0, s20  }
0x124: {  	[tilespmem:s22], [sflag:$0x1] =	stream.linear.gather @!p2 [hbm4b:s21+s16], $0x200, $0x38;
	[tilespmem:$0x1F300] =	vst v63  }
0x125: {  	_ = 	snop  }
0x126: {  	[tilespmem:s13], [sflag:$0x4] =	stream.indirect.gather [hbm4b:s14+s24], $0x10, s3, s24, $0xb8;
	[tilespmem:$0x1F300] =	vst v63  }
0x127: {  	s21 =	rddreg [dreg:$0xa]  }
0x128: {  	[tilespmem:s15], [sflag:$0x4] =	stream.indirect.gather [hbm4b:s14+s24], $0x10, s21, s24, $0xb8;
	[tilespmem:$0x1F300] =	vst v63  }
0x129: {  	s22 =	rddreg [dreg:$0xb]  }
0x12a: {  	[tilespmem:s17], [sflag:$0x4] =	stream.indirect.gather [hbm4b:s14+s24], $0x10, s22, s24, $0xb8;
	[tilespmem:$0x1F300] =	vst v63  }
0x12b: {  	s21 =	rddreg [dreg:$0xc]  }
0x12c: {  	[tilespmem:s18], [sflag:$0x4] =	stream.indirect.gather [hbm4b:s14+s24], $0x10, s21, s24, $0xb8;
	[tilespmem:$0x1F300] =	vst v63  }
0x12d: {  	_ =	swait.ge [sflag:s19], $0x800  }
0x12e: {  	[sflag:s19] =	ssyncset.done $0x0  }
0x12f: {  	[sflag:s19] =	ssyncadd.s32 $0xFFFFF800  }
0x130: {  	_ =	swait.ge [sflag:s19], $0x800  }
0x131: {  	[sflag:s19] =	ssyncset.done $0x0  }
0x132: {  	[sflag:s19] =	ssyncadd.s32 $0xFFFFF800  }
0x133: {  	_ =	swait.ge [sflag:s19], $0x800  }
0x134: {  	[sflag:s19] =	ssyncset.done $0x0  }
0x135: {  	[sflag:s19] =	ssyncadd.s32 $0xFFFFF800  }
0x136: {  	_ =	swait.ge [sflag:s19], $0x800  }
0x137: {  	[sflag:s19] =	ssyncset.done $0x0  }
0x138: {  	[sflag:s19] =	ssyncadd.s32 $0xFFFFF800  }
0x139: {  	[spmem:s2] =	stream.indirect.scatter.add.f32 [tilespmem:s31], [sflag:$0x5], $0x10, s28, s24, $0xb8;
	[tilespmem:$0x1F300] =	vst v63  }
0x13a: {  	s21 =	rddreg [dreg:$0xd]  }
0x13b: {  	[spmem:s2] =	stream.indirect.scatter.add.f32 [tilespmem:s9], [sflag:$0x5], $0x10, s21, s24, $0xb8;
	[tilespmem:$0x1F300] =	vst v63  }
0x13c: {  	s22 =	rddreg [dreg:$0xe]  }
0x13d: {  	[spmem:s2] =	stream.indirect.scatter.add.f32 [tilespmem:s10], [sflag:$0x5], $0x10, s22, s24, $0xb8;
	[tilespmem:$0x1F300] =	vst v63  }
0x13e: {  	s21 =	rddreg [dreg:$0xf];
	s22 =	simm.s32 @!p2 $0x1  }
0x13f: {  	[spmem:s2] =	stream.indirect.scatter.add.f32 [tilespmem:s5], [sflag:$0x5], $0x10, s21, s24, $0xb8;
	[tilespmem:$0x1F300] =	vst v63  }
0x140: {  	_ =	swait.ge @!p2 [sflag:s22], $0x200  }
0x141: {  	[sflag:s22] =	ssyncset.done @!p2 $0x0  }
0x142: {  	[sflag:s22] =	ssyncadd.s32 @!p2 $0xFFFFFE00  }
0x143: {  	_ =	swait.ge @!p2 [sflag:s22], $0x200  }
0x144: {  	[sflag:s22] =	ssyncset.done @!p2 $0x0  }
0x145: {  	[sflag:s22] =	ssyncadd.s32 @!p2 $0xFFFFFE00  }
0x146: {  	_ =	swait.ge [sflag:s12], $0x800  }
0x147: {  	[sflag:s12] =	ssyncset.done $0x0  }
0x148: {  	[sflag:s12] =	ssyncadd.s32 $0xFFFFF800  }
0x149: {  	_ =	swait.ge [sflag:s12], $0x800  }
0x14a: {  	[sflag:s12] =	ssyncset.done $0x0  }
0x14b: {  	[sflag:s12] =	ssyncadd.s32 $0xFFFFF800  }
0x14c: {  	_ =	swait.ge [sflag:s12], $0x800  }
0x14d: {  	[sflag:s12] =	ssyncset.done $0x0  }
0x14e: {  	[sflag:s12] =	ssyncadd.s32 $0xFFFFF800  }
0x14f: {  	_ =	swait.ge [sflag:s12], $0x800  }
0x150: {  	[sflag:s12] =	ssyncset.done $0x0  }
0x151: {  	s1 =	sadd.s32 @!p2 $0x100, s1;
	s21 =	simm.s32 @!p2 $0x200;
	[sflag:s12] =	ssyncadd.s32 $0xFFFFF800  }
0x152: {  	[tilespmem:s21], [sflag:$0x1] =	stream.linear.gather @!p2 [hbm4b:s1+s16], $0x200, $0x38;
	[tilespmem:$0x1F300] =	vst v63  }
0x153: {  	s20 =	sadd.s32 @!p2 $0x100, s20;
	s1 =	simm.s32 @!p2 $0x800  }
0x154: {  	[tilespmem:s1], [sflag:$0x1] =	stream.linear.gather @!p2 [hbm4b:s20+s16], $0x200, $0x38;
	[tilespmem:$0x1F300] =	vst v63  }
0x155: {  	s1 =	simm.s32 @!p2 $0x80;
	s20 =	simm.s32 @!p2 $0xC00  }
0x156: {  	[tilespmem:s20], [sflag:$0x2] =	stream.indirect.gather @!p2 [hbm4b:s14+s1], $0x10, s16, s1, $0xb8;
	[tilespmem:$0x1F300] =	vst v63  }
0x157: {  	s16 =	simm.s32 @!p2 $0x1400  }
0x158: {  	[tilespmem:s16], [sflag:$0x2] =	stream.indirect.gather @!p2 [hbm4b:s14+s1], $0x10, s1, s1, $0xb8;
	[tilespmem:$0x1F300] =	vst v63  }
0x159: {  	s20 =	simm.s32 @!p2 $0x1C00;
	s16 =	simm.s32 @!p2 $0x100  }
0x15a: {  	[tilespmem:s20], [sflag:$0x2] =	stream.indirect.gather @!p2 [hbm4b:s14+s1], $0x10, s16, s1, $0xb8;
	[tilespmem:$0x1F300] =	vst v63  }
0x15b: {  	s16 =	simm.s32 @!p2 $0x180;
	s20 =	simm.s32 @!p2 $0x2400  }
0x15c: {  	[tilespmem:s20], [sflag:$0x2] =	stream.indirect.gather @!p2 [hbm4b:s14+s1], $0x10, s16, s1, $0xb8;
	[tilespmem:$0x1F300] =	vst v63  }
0x15d: {  	_ =	swait.ge [sflag:s25], $0x800  }
0x15e: {  	[sflag:s25] =	ssyncset.done $0x0  }
0x15f: {  	[sflag:s25] =	ssyncadd.s32 $0xFFFFF800  }
0x160: {  	_ =	swait.ge [sflag:s25], $0x800  }
0x161: {  	[sflag:s25] =	ssyncset.done $0x0  }
0x162: {  	[sflag:s25] =	ssyncadd.s32 $0xFFFFF800  }
0x163: {  	_ =	swait.ge [sflag:s25], $0x800  }
0x164: {  	[sflag:s25] =	ssyncset.done $0x0  }
0x165: {  	[sflag:s25] =	ssyncadd.s32 $0xFFFFF800  }
0x166: {  	_ =	swait.ge [sflag:s25], $0x800  }
0x167: {  	s6 =	sadd.s32 $0xC0, s6;
	[sflag:s25] =	ssyncset.done $0x0  }
0x168: {  	p1 =	sne.s32 s6, $0x6300;
	[sflag:s25] =	ssyncadd.s32 $0xFFFFF800  }
0x169: {  	[spmem:s2] =	stream.indirect.scatter.add.f32 [tilespmem:s13], [sflag:$0x5], $0x10, s29, s24, $0xb8;
	[tilespmem:$0x1F300] =	vst v63  }
.Ltmp0:
0x16a: {  	s16 =	rddreg [dreg:$0x10];
	(pc) =	sbr.rel @p1 .LBB2_2-.Ltmp0, $4  }
0x16b: {  	s20 =	rddreg [dreg:$0x11]  }
0x16c: {  	[spmem:s2] =	stream.indirect.scatter.add.f32 [tilespmem:s15], [sflag:$0x5], $0x10, s16, s24, $0xb8;
	[tilespmem:$0x1F300] =	vst v63  }
0x16d: {  	s22 =	simm.s32 $0x200;
	s21 =	simm.s32 $0x600;
	s1 =	rddreg [dreg:$0x12]  }
0x16e: {  	[spmem:s2] =	stream.indirect.scatter.add.f32 [tilespmem:s17], [sflag:$0x5], $0x10, s20, s24, $0xb8;
	[tilespmem:$0x1F300] =	vst v63  }
0x16f: {  	[spmem:s2] =	stream.indirect.scatter.add.f32 [tilespmem:s18], [sflag:$0x5], $0x10, s1, s24, $0xb8;
	[tilespmem:$0x1F300] =	vst v63  }
0x170: {  	_ =	swait.ge [sflag:s12], $0x800  }
0x171: {  	[sflag:s12] =	ssyncset.done $0x0  }
0x172: {  	[sflag:s12] =	ssyncadd.s32 $0xFFFFF800  }
0x173: {  	_ =	swait.ge [sflag:s12], $0x800  }
0x174: {  	[sflag:s12] =	ssyncset.done $0x0  }
0x175: {  	[sflag:s12] =	ssyncadd.s32 $0xFFFFF800  }
0x176: {  	_ =	swait.ge [sflag:s12], $0x800  }
0x177: {  	[sflag:s12] =	ssyncset.done $0x0  }
0x178: {  	[sflag:s12] =	ssyncadd.s32 $0xFFFFF800  }
0x179: {  	_ =	swait.ge [sflag:s12], $0x800  }
0x17a: {  	[sflag:s12] =	ssyncset.done $0x0  }
0x17b: {  	[sflag:s12] =	ssyncadd.s32 $0xFFFFF800  }
0x17c: {  	[bflag:$0x0] =	sbarrier.arrive $0xFFFF  }
0x17d: {  	s20 =	rddreg [dreg:$0x14]  }
0x17e: {  	s1 =	rddreg [dreg:$0x18]  }
0x17f: {  	s6 =	rddreg [dreg:$0x1e]  }
0x180: {  	[hbm:s1], [sflag:s20] =	dma.local @p0 [spmem:s6], $0x3020  }
0x181: {  	s1 =	simm.s32 @p0 $0x6  }
0x182: {  	_ =	swait.ge @p0 [sflag:s1], $0x3020  }
0x183: {  	[sflag:s1] =	ssyncset.done @p0 $0x0  }
0x184: {  	[sflag:s1] =	ssyncadd.s32 @p0 $0xFFFFCFE0;
	s1 =	rddreg [dreg:$0x13]  }
0x185: {  	s6 =	rddreg [dreg:$0x17];
	s1 =	sshrl.u32 @!p0 s1, $0x3  }
0x186: {  	[hbm:s6], [sflag:s20] =	dma.local @!p0 [spmem:s1], $0x30E0  }
0x187: {  	s1 =	simm.s32 @!p0 $0x6  }
0x188: {  	_ =	swait.ge @!p0 [sflag:s1], $0x30E0  }
0x189: {  	s0 =	rddreg [dreg:$0x1f]  }
0x18a: {  	s28 =	rddreg [dreg:$0x19];
	s0 =	sadd.s32 $0x1, s0  }
0x18b: {  	p1 =	sne.s32 s0, s28  }
.Ltmp1:
0x18c: {  	_ = 	snop;
	(pc) =	sbr.rel @p1 .LBB2_1-.Ltmp1, $3  }
0x18d: {  	_ =	sdelay $0x1  }
0x18e: {  	[sflag:s1] =	ssyncset.done @!p0 $0x0  }
0x18f: {  	[sflag:s1] =	ssyncadd.s32 @!p0 $0xFFFFCF20  }
0x190: {  	_ =	sfence.sel $0x180000  }
0x191: {  	[bflag:$0x0] =	sbarrier.arrive $0xFFFF  }
0x192: {  	_ =	strace $0x9000004A  }
0x193: {  	s0 =	stileid.u32;
	[bflag:$0x2] =	sbarrier.arrive $0xFFFF  }
0x194: {  	p0 =	sne.s32 s0, $0x0;
	s0 =	rddreg [dreg:$0x3]  }
0x195: {  	s0 =	sadd.s32 @!p0 $0x100000, s0  }
0x196: {  	[sflag:s0] =	ssyncadd.tile.s32 @!p0 $0x1;
	_ =	shalt  }
.Lfunc_end2:
_tile_overlayer_lowered:
.L_overlay_start_2:
0x197: {  	(tag) =	ssettag $0x2  }
0x198: {  	s0 =	rddreg [dreg:$0x0];
	s2 =	stileid.u32  }
0x199: {  	s1 =	rddreg [dreg:$0x1];
	p0 =	sne.s32 s2, $0x0  }
0x19a: {  	s3 =	rddreg [dreg:$0x2];
	[bflag:$0x3] =	sbarrier.arrive $0xFFFF;
	s2 =	simm.s32 @!p0 $0x1C06  }
0x19b: {  	[timem:s3], [sflag:s2] =	dma.local @!p0 [hbm:s0], s1  }
0x19c: {  	s0 =	simm.s32 @!p0 $0x6  }
0x19d: {  	_ =	swait.ge @!p0 [sflag:s0], s1  }
0x19e: {  	s1 =	ssub.s32 @!p0 $0x0, s1;
	[sflag:s0] =	ssyncset.done @!p0 $0x0  }
0x19f: {  	[sflag:s0] =	ssyncadd.s32 @!p0 s1  }
0x1a0: {  	[bflag:$0x3] =	sbarrier.arrive $0xFFFF  }
0x1a1: {  	_ =	shalt  }

// kernel: kernel.14.cloned.1.call-start
scs
__scs_entry_jumppad:
0x0: {  	(pc) =	sbr.rel $0x88, $3  }
0x1: {  	(tag) =	ssettag $0x0;
	lr =	simm.s32 $0x1  }
0x2: {  	[smem:$0x3F9B] =	sst lr;
	_ =	strace $0xD0000000  }
0x3: {  	_ = 	snop  }
0x4: {  	_ = 	snop  }
0x5: {  	_ = 	snop  }
0x6: {  	_ = 	snop  }
0x7: {  	_ = 	snop  }
__scs_overlays_trampoline_lowered:
0x8: {  	[smem:$0x3FAA] =	sst s0  }
0x9: {  	[smem:$0x3FAB] =	sst s1  }
0xa: {  	[smem:$0x3FAC] =	sst s2  }
0xb: {  	[smem:$0x3FAD] =	sst s3  }
0xc: {  	[smem:$0x3FAE] =	sst s4  }
0xd: {  	[smem:$0x3FAF] =	sst s5  }
0xe: {  	[smem:$0x3FB0] =	sst s6  }
0xf: {  	[smem:$0x3FB1] =	sst s7  }
0x10: {  	[smem:$0x3FB2] =	sst s8  }
0x11: {  	[smem:$0x3FB3] =	sst s9;
	s0 =	simm.s32 @!p0 $0x0  }
0x12: {  	s1 =	sld [smem:$0x3F99];
	s0 =	simm.s32 @p0 $0x1  }
0x13: {  	[smem:$0x3FB4] =	sst s0;
	s0 =	simm.s32 @!p1 $0x0  }
0x14: {  	s2 =	sld [smem:$0x3F98];
	s0 =	simm.s32 @p1 $0x1  }
0x15: {  	[smem:$0x3FB5] =	sst s0;
	s0 =	simm.s32 @!p2 $0x0  }
0x16: {  	s3 =	sld [smem:$0x3FDB];
	s0 =	simm.s32 @p2 $0x1  }
0x17: {  	s4 =	simm.s32 $0x1BF5;
	[smem:$0x3FB7] =	sst s0  }
0x18: {  	s0 =	sld [smem:$0x3F9A];
	_ =	swait.ge [sflag:s4], $0x0  }
0x19: {  	s7 =	sld [smem:$0x3F9B]  }
0x1a: {  	s8 =	sadd.s32 $0xFFFFE003, lr  }
0x1b: {  	s9 =	sadd.s32 $0xFFFFFEF7, lr;
	s5 =	simm.s32 $0xFFFFFFFF;
	p2 =	slt.u32 s8, $0xFFFFF086  }
0x1c: {  	p1 =	slt.u32 s9, $0xF7A;
	s5 =	simm.s32 @!p2 $0x0  }
0x1d: {  	s5 =	simm.s32 @p1 $0x1;
	p0 =	seq.s32 s7, s2  }
0x1e: {  	s7 =	smul.u32 @!p0 $0xF7A, s2;
	p2 =	seq.s32 @!p0 s5, $0x0  }
0x1f: {  	s9 =	smul.u32 $0xF7A, s1;
	s8 =	simm.s32 @!p0 $0x1BF5;
	p2 =	por !p2, p0  }
0x20: {  	[sflag:s8] =	ssyncset.s32 @!p0 $0xFFFFF086;
	s6 =	sadd.s32 @!p0 s3, s7;
	s7 =	simm.s32 @!p0 $0x108  }
0x21: {  	s3 =	sadd.s32 s3, s9;
	s6 =	sadd.s32 @!p0 $0x88, s6;
	s7 =	simm.s32 @p2 $0x1082  }
0x22: {  	[simem:s7], [sflag:s8] =	dma.local @!p0 [hbm:s6], $0xF7A  }
0x23: {  	s9 =	sor.u32 $0xD0000000, s2;
	s6 =	simm.s32 $0x108;
	_ =	swait.ge @!p0 [sflag:s8], $0x0  }
0x24: {  	s3 =	sadd.s32 $0x88, s3;
	s6 =	simm.s32 @!p1 $0x1082;
	[sflag:s4] =	ssyncset.s32 $0xFFFFF086  }
0x25: {  	[simem:s6], [sflag:s4] =	dma.local [hbm:s3], $0xF7A  }
0x26: {  	[smem:$0x3F9B] =	sst s1;
	(tag) =	ssettag s2;
	_ =	strace s9  }
0x27: {  	s1 =	sld [smem:$0x3FAB]  }
0x28: {  	s2 =	sld [smem:$0x3FAC]  }
0x29: {  	s4 =	sld [smem:$0x3FAE]  }
0x2a: {  	p0 =	seq.s32 s5, $0x0;
	s5 =	sld [smem:$0x3FAF]  }
0x2b: {  	s6 =	sld [smem:$0x3FB0]  }
0x2c: {  	s7 =	sld [smem:$0x3FB1]  }
0x2d: {  	s3 =	simm.s32 $0x108;
	s8 =	sld [smem:$0x3FB2]  }
0x2e: {  	s3 =	simm.s32 @!p0 $0x1082;
	s9 =	sld [smem:$0x3FB3]  }
0x2f: {  	lr =	sadd.s32 s0, s3;
	s0 =	sld [smem:$0x3FAA]  }
0x30: {  	s3 =	sld [smem:$0x3FAD]  }
0x31: {  	[smem:$0x3FB6] =	sst s10  }
0x32: {  	s10 =	sld [smem:$0x3FB4];
	_ =	sdelay $0x3  }
0x33: {  	p0 =	seq.s32 s10, $0x1;
	s10 =	sld [smem:$0x3FB6];
	_ =	sdelay $0x3  }
0x34: {  	[smem:$0x3FB6] =	sst s10  }
0x35: {  	s10 =	sld [smem:$0x3FB5];
	_ =	sdelay $0x3  }
0x36: {  	p1 =	seq.s32 s10, $0x1;
	s10 =	sld [smem:$0x3FB6];
	_ =	sdelay $0x3  }
0x37: {  	[smem:$0x3FB6] =	sst s10  }
0x38: {  	s10 =	sld [smem:$0x3FB7]  }
0x39: {  	_ = 	snop;
	(pc) =	sbr.ind lr, $3  }
0x3a: {  	_ = 	snop  }
0x3b: {  	_ = 	snop  }
0x3c: {  	p2 =	seq.s32 s10, $0x1;
	s10 =	sld [smem:$0x3FB6]  }
0x3d: {  	_ =	shalt  }
0x3e: {  	_ =	shalt  }
0x3f: {  	_ =	shalt  }
0x40: {  	_ =	shalt  }
0x41: {  	_ =	shalt  }
0x42: {  	_ =	shalt  }
0x43: {  	_ =	shalt  }
0x44: {  	_ =	shalt  }
0x45: {  	_ =	shalt  }
0x46: {  	_ =	shalt  }
0x47: {  	_ =	shalt  }
0x48: {  	_ =	shalt  }
0x49: {  	_ =	shalt  }
0x4a: {  	_ =	shalt  }
0x4b: {  	_ =	shalt  }
0x4c: {  	_ =	shalt  }
0x4d: {  	_ =	shalt  }
0x4e: {  	_ =	shalt  }
0x4f: {  	_ =	shalt  }
0x50: {  	_ =	shalt  }
0x51: {  	_ =	shalt  }
0x52: {  	_ =	shalt  }
0x53: {  	_ =	shalt  }
0x54: {  	_ =	shalt  }
0x55: {  	_ =	shalt  }
0x56: {  	_ =	shalt  }
0x57: {  	_ =	shalt  }
0x58: {  	_ =	shalt  }
0x59: {  	_ =	shalt  }
0x5a: {  	_ =	shalt  }
0x5b: {  	_ =	shalt  }
0x5c: {  	_ =	shalt  }
0x5d: {  	_ =	shalt  }
0x5e: {  	_ =	shalt  }
0x5f: {  	_ =	shalt  }
0x60: {  	_ =	shalt  }
0x61: {  	_ =	shalt  }
0x62: {  	_ =	shalt  }
0x63: {  	_ =	shalt  }
0x64: {  	_ =	shalt  }
0x65: {  	_ =	shalt  }
0x66: {  	_ =	shalt  }
0x67: {  	_ =	shalt  }
0x68: {  	_ =	shalt  }
0x69: {  	_ =	shalt  }
0x6a: {  	_ =	shalt  }
0x6b: {  	_ =	shalt  }
0x6c: {  	_ =	shalt  }
0x6d: {  	_ =	shalt  }
0x6e: {  	_ =	shalt  }
0x6f: {  	_ =	shalt  }
0x70: {  	_ =	shalt  }
0x71: {  	_ =	shalt  }
0x72: {  	_ =	shalt  }
0x73: {  	_ =	shalt  }
0x74: {  	_ =	shalt  }
0x75: {  	_ =	shalt  }
0x76: {  	_ =	shalt  }
0x77: {  	_ =	shalt  }
0x78: {  	_ =	shalt  }
0x79: {  	_ =	shalt  }
0x7a: {  	_ =	shalt  }
0x7b: {  	_ =	shalt  }
0x7c: {  	_ =	shalt  }
0x7d: {  	_ =	shalt  }
0x7e: {  	_ =	shalt  }
0x7f: {  	_ =	shalt  }
0x80: {  	_ =	shalt  }
0x81: {  	_ =	shalt  }
0x82: {  	_ =	shalt  }
0x83: {  	_ =	shalt  }
0x84: {  	_ =	shalt  }
0x85: {  	_ =	shalt  }
0x86: {  	_ =	shalt  }
0x87: {  	_ =	shalt  }
.Lfunc_end0:
.L_simem_size_0:
called_computation.2_lowered:
.L_overlay_start_0:
0x88: {  	s2 =	sld [smem:$0x3FD9]  }
0x89: {  	s3 =	sld [smem:$0x3FFE];
	_ =	sdelay $0x1  }
0x8a: {  	s1 =	srdreg.scid  }
0x8b: {  	s0 =	sand.u32 $0x1, s1  }
0x8c: {  	s17 =	sshll.u32 s0, $0xA;
	s2 =	sadd.s32 s3, s2  }
0x8d: {  	s2 =	sadd.s32 s2, s17  }
0x8e: {  	[smem:$0x3FC2] =	sst s2  }
0x8f: {  	_ = 	snop  }
0x90: {  	s2 =	sld [smem:$0x3FD0];
	(tm) =	ssettm $0x1  }
0x91: {  	s18 =	sld [smem:$0x3FFB];
	_ =	sdelay $0x3  }
0x92: {  	_ =	strace s18  }
0x93: {  	s3 =	sld [smem:$0x3FFC];
	_ =	sdelay $0x3  }
0x94: {  	_ =	strace s3  }
0x95: {  	s3 =	sld [smem:$0x3FFD];
	_ =	sdelay $0x3  }
0x96: {  	_ =	strace s3  }
0x97: {  	_ =	strace $0x8FFFFFFF  }
0x98: {  	s19 =	sld [smem:$0x3FDB];
	_ =	sdelay $0x1  }
0x99: {  	s4 =	simm.s32 $_scs_section_size  }
0x9a: {  	s5 =	simm.s32 $_size__tile_overlayer_lowered;
	s6 =	simm.s32 $_tile_overlayer_lowered  }
0x9b: {  	s22 =	simm.s32 $0x1BFF;
	s21 =	sshll.u32 s6, $0x1;
	s3 =	sadd.s32 s4, s19  }
0x9c: {  	s7 =	simm.s32 $0x0;
	s20 =	sshll.u32 s5, $0x1;
	s5 =	sadd.s32 s21, s3  }
0x9d: {  	[timem:s7], [sflag:s22] =	dma.local [hbm:s5], s20  }
0x9e: {  	_ =	swait.ge [sflag:s22], s20  }
0x9f: {  	s4 =	ssub.s32 $0x0, s20;
	[sflag:s22] =	ssyncset.done $0x0  }
0xa0: {  	[sflag:s22] =	ssyncadd.s32 s4;
	_ =	sdelay $0x1  }
0xa1: {  	s23 =	simm.s32 $0x1B8B  }
0xa2: {  	_ =	swait.ge [sflag:s23], $0x1  }
0xa3: {  	[sflag:s23] =	ssyncset.done $0x0  }
0xa4: {  	s25 =	simm.s32 $0x1B8E;
	s24 =	sld [smem:$0x3FFE];
	[sflag:s23] =	ssyncadd.s32 $0xFFFFFFFF  }
0xa5: {  	s26 =	simm.s32 $execute0_lowered;
	[smem:$0x3FD2] =	sst s25  }
0xa6: {  	s5 =	sshll.u32 s26, $0x1;
	_ =	strace $0x8000004C;
	[dreg:$0x1] =	wrdreg $0xFFFFFFFF  }
0xa7: {  	s28 =	simm.s32 $_size_execute0_lowered;
	s3 =	sadd.s32 s3, s5;
	[dreg:$0x0] =	wrdreg $0x0  }
0xa8: {  	s5 =	sshll.u32 s28, $0x1;
	[dreg:$0x2] =	wrdreg s3  }
0xa9: {  	[dreg:$0x3] =	wrdreg s5  }
0xaa: {  	[dreg:$0x4] =	wrdreg $0xC0  }
0xab: {  	_ =	task [dreg:s7], $0x5FFFF  }
0xac: {  	[dreg:$0x1] =	wrdreg $0xFFFFFFFF  }
0xad: {  	[dreg:$0x0] =	wrdreg $0x60  }
0xae: {  	[dreg:$0x2] =	wrdreg s24  }
0xaf: {  	[dreg:$0x3] =	wrdreg s2  }
0xb0: {  	[dreg:$0x4] =	wrdreg $0x6C000  }
0xb1: {  	[dreg:$0x5] =	wrdreg $0x9  }
0xb2: {  	_ =	task.clear_ibuf [dreg:s7], $0x6FFFF;
	_ =	strace $0x9000004C  }
0xb3: {  	s29 =	simm.s32 $0x9;
	_ =	strace $0x8000004E  }
0xb4: {  	_ =	swait.ge [sflag:s29], $0x1  }
0xb5: {  	[sflag:s29] =	ssyncadd.s32 $0xFFFFFFFF  }
0xb6: {  	_ =	strace $0x9000004E  }
0xb7: {  	_ =	sfence  }
0xb8: {  	s30 =	sld [smem:$0x0];
	_ =	sdelay $0x2  }
0xb9: {  	s31 =	sshll.u32 s1, $0xD;
	s1 =	sshrl.u32 s1, $0x2  }
0xba: {  	s3 =	sand.u32 $0x4000, s31;
	s1 =	sadd.s32 s1, s30  }
0xbb: {  	s0 =	sor.u32 s3, s0;
	s1 =	sshll.u32 s1, $0x11  }
0xbc: {  	s0 =	sor.u32 s1, s0  }
0xbd: {  	s0 =	sadd.s32 $0x8F2B, s0  }
0xbe: {  	[sflag:s0] =	ssyncadd.remote.s32 $0x1  }
0xbf: {  	_ =	sfence.sel $0xFFFF  }
0xc0: {  	[dreg:$0x0] =	wrdreg $0xFFFFFFFF;
	(pc) =	sbr.abs _section_cstart, $3  }
0xc1: {  	[dreg:$0x1] =	wrdreg $0xFFFFFFFF  }
0xc2: {  	_ =	task.clear_ibuf [dreg:s7], $0x2FFFF;
	_ =	strace $0x9FFFFFFF  }
0xc3: {  	(tm) =	ssettm $0x7FFFFFFF  }
tec
execute0_lowered:
.L_overlay_start_1:
0x0: {  	(tag) =	ssettag $0x1  }
0x1: {  	s0 =	rddreg [dreg:$0x0]  }
0x2: {  	s2 =	rddreg [dreg:$0x2]  }
0x3: {  	s3 =	simm.s32 $0x0;
	s1 =	srdreg.scid;
	s17 =	stileid.u32  }
0x4: {  	s29 =	simm.s32 $0x600;
	s28 =	simm.s32 $0x80;
	[smem:$0x7FF] =	sst s3  }
0x5: {  	s5 =	sadd.s32 $0x6E400, s0;
	s1 =	sand.u32 $0x1, s1;
	s8 =	smul.u32 $0x18700, s17  }
0x6: {  	s6 =	sadd.s32 $0x3200, s0;
	s7 =	sadd.s32 $0x102600, s0;
	s25 =	smul.u32 $0x61C00, s17  }
0x7: {  	s0 =	sadd.s32 $0x133400, s0;
	s10 =	sshll.u32 s17, $0x6;
	s13 =	smul.u32 $0x18C00, s17  }
0x8: {  	p0 =	seq.s32 s17, $0xF;
	_ =	strace $0x8000004D;
	s4 =	ssub.s32 $0x2, s1  }
0x9: {  	s11 =	sshll.u32 s1, $0x4;
	s12 =	smul.u32 $0x18C000, s1;
	s22 =	sor.u32 $0x1C06, s10  }
0xa: {  	s1 =	smul.u32 $0x186A00, s1;
	s9 =	sshrl.u32 s4, $0x1;
	s18 =	sadd.s32 s8, s2  }
0xb: {  	s11 =	sor.u32 s17, s11;
	s17 =	simm.s32 $0x0;
	[dreg:$0x18] =	wrdreg s22  }
0xc: {  	s4 =	ssub.s32 s4, s9;
	s26 =	smul.u32 $0x3180, s11;
	[smem:$0x7FD] =	sst s17  }
0xd: {  	s12 =	sadd.s32 s13, s12;
	[dreg:$0x17] =	wrdreg s18;
	s4 =	smax.u32 s4, $0x1  }
0xe: {  	s8 =	sadd.s32 s8, s1;
	s16 =	sadd.s32 s5, s26;
	[dreg:$0x1f] =	wrdreg s4  }
0xf: {  	s8 =	sshrl.u32 s8, $0x3;
	s15 =	sadd.s32 s6, s26;
	[dreg:$0x19] =	wrdreg s16  }
0x10: {  	s10 =	sor.u32 $0x40, s26;
	s26 =	simm.s32 $0x280;
	[dreg:$0x1a] =	wrdreg s15  }
0x11: {  	s19 =	sadd.s32 $0x800, s12;
	s8 =	sadd.s32 s0, s8;
	[dreg:$0x8] =	wrdreg s26  }
0x12: {  	s13 =	sshrl.u32 s19, $0x3;
	s19 =	simm.s32 $0x700;
	[dreg:$0x1d] =	wrdreg s8  }
0x13: {  	s30 =	simm.s32 $0x1400;
	s20 =	sadd.s32 s5, s10;
	[dreg:$0xc] =	wrdreg s19  }
0x14: {  	s9 =	sshrl.u32 s25, $0x2;
	s21 =	sadd.s32 s13, s6;
	[dreg:$0x1b] =	wrdreg s20  }
0x15: {  	s1 =	sshrl.u32 s1, $0x3;
	s13 =	sadd.s32 s13, s5;
	[dreg:$0x4] =	wrdreg s21  }
0x16: {  	s9 =	sadd.s32 s9, s2;
	s10 =	sadd.s32 s6, s10;
	[dreg:$0x5] =	wrdreg s13  }
0x17: {  	s0 =	sadd.s32 s0, s1;
	s15 =	simm.s32 $0x380;
	[dreg:$0x1c] =	wrdreg s10  }
0x18: {  	s11 =	sadd.s32 $0x6200, s9;
	s0 =	sadd.s32 $0x2DD20, s0;
	[dreg:$0xa] =	wrdreg s15  }
0x19: {  	s31 =	simm.s32 $0x1C00;
	s8 =	sshrl.u32 s11, $0x3;
	[dreg:$0x1e] =	wrdreg s0  }
0x1a: {  	s14 =	sadd.s32 $0xC400, s9;
	s26 =	simm.s32 $0x880;
	[smem:$0x7F9] =	sst s8  }
0x1b: {  	s9 =	sadd.s32 $0x12600, s9;
	s11 =	sshrl.u32 s14, $0x3;
	[dreg:$0x11] =	wrdreg s26  }
0x1c: {  	s1 =	sadd.s32 $0x16E900, s2;
	s14 =	simm.s32 $0xA80;
	[smem:$0x7FA] =	sst s11  }
0x1d: {  	s4 =	simm.s32 $0x400;
	s1 =	sshrl.u32 @p0 s1, $0x3;
	[dreg:$0x14] =	wrdreg s14  }
0x1e: {  	s16 =	sadd.s32 $0x400, s12;
	s13 =	simm.s32 $0x300;
	[smem:$0x7FC] =	sst s1  }
0x1f: {  	s23 =	sshrl.u32 s16, $0x3;
	s16 =	simm.s32 $0x680;
	[dreg:$0x9] =	wrdreg s13  }
0x20: {  	s19 =	simm.s32 $0x4C00;
	s20 =	simm.s32 $0x780;
	[dreg:$0xb] =	wrdreg s16  }
0x21: {  	s21 =	simm.s32 $0x480;
	s10 =	simm.s32 $0x900;
	[dreg:$0xd] =	wrdreg s20  }
0x22: {  	s15 =	simm.s32 $0xB00;
	s0 =	simm.s32 $0x800;
	[dreg:$0xe] =	wrdreg s21  }
0x23: {  	s26 =	simm.s32 $0x1;
	s11 =	simm.s32 $0x2C00;
	[dreg:$0x12] =	wrdreg s10  }
0x24: {  	s14 =	simm.s32 $0x4400;
	s24 =	sadd.s32 s23, s6;
	[dreg:$0x15] =	wrdreg s15  }
0x25: {  	s1 =	simm.s32 $0x3;
	s25 =	sadd.s32 s23, s5;
	[dreg:$0x6] =	wrdreg s24  }
0x26: {  	s8 =	simm.s32 $0x4;
	s23 =	simm.s32 $0x500;
	[dreg:$0x7] =	wrdreg s25  }
0x27: {  	s13 =	sshrl.u32 s9, $0x3;
	s16 =	simm.s32 $0xB80;
	[dreg:$0xf] =	wrdreg s23  }
0x28: {  	s10 =	simm.s32 $0xA00;
	s15 =	simm.s32 $0x2;
	[smem:$0x7FB] =	sst s13  }
0x29: {  	s20 =	simm.s32 $0x5400;
	s24 =	sadd.s32 $0x600, s12;
	[dreg:$0x16] =	wrdreg s16  }
0x2a: {  	s21 =	simm.s32 $0x5C00;
	s25 =	simm.s32 $0x580;
	[smem:$0x7F8] =	sst s24  }
0x2b: {  	s12 =	simm.s32 $0x980;
	s23 =	simm.s32 $0x200;
	[dreg:$0x10] =	wrdreg s25  }
0x2c: {  	s13 =	simm.s32 $0x3C00;
	s16 =	simm.s32 $0x5;
	[dreg:$0x13] =	wrdreg s12  }
0x2d: {  	s24 =	simm.s32 $0xC00;
	s12 =	simm.s32 $0x3400;
	s25 =	simm.s32 $0x6400  }
.LBB2_1:
0x2e: {  	s9 =	sshrl.u32 s18, $0x3;
	s17 =	rddreg [dreg:$0x1]  }
0x2f: {  	[spmem:s9], [sflag:s22] =	dma.local [hbm:s17], $0xC40  }
0x30: {  	s9 =	simm.s32 $0x6  }
0x31: {  	_ =	swait.ge [sflag:s9], $0xC40  }
0x32: {  	s18 =	sld [smem:$0x7F9]  }
0x33: {  	[sflag:s9] =	ssyncset.done $0x0  }
0x34: {  	[sflag:s9] =	ssyncadd.s32 $0xFFFFF3C0  }
0x35: {  	[spmem:s18], [sflag:s22] =	dma.local [hbm:s17], $0xC40  }
0x36: {  	_ =	swait.ge [sflag:s9], $0xC40  }
0x37: {  	s18 =	sld [smem:$0x7FA]  }
0x38: {  	[sflag:s9] =	ssyncset.done $0x0  }
0x39: {  	[sflag:s9] =	ssyncadd.s32 $0xFFFFF3C0  }
0x3a: {  	[spmem:s18], [sflag:s22] =	dma.local [hbm:s17], $0xC40  }
0x3b: {  	_ =	swait.ge [sflag:s9], $0xC40  }
0x3c: {  	s18 =	sld [smem:$0x7FB]  }
0x3d: {  	[sflag:s9] =	ssyncset.done $0x0  }
0x3e: {  	[sflag:s9] =	ssyncadd.s32 $0xFFFFF3C0  }
0x3f: {  	[spmem:s18], [sflag:s22] =	dma.local [hbm:s17], $0xC20  }
0x40: {  	_ =	swait.ge [sflag:s9], $0xC20  }
0x41: {  	[sflag:s9] =	ssyncset.done $0x0  }
0x42: {  	[sflag:s9] =	ssyncadd.s32 $0xFFFFF3E0  }
0x43: {  	[bflag:$0x0] =	sbarrier.arrive $0xFFFF  }
0x44: {  	s22 =	rddreg [dreg:$0x19]  }
0x45: {  	[tilespmem:s3], [sflag:$0x1] =	stream.linear.gather [hbm4b:s22+s3], $0x200, $0x38;
	[tilespmem:$0x1F300] =	vst v63  }
0x46: {  	s17 =	rddreg [dreg:$0x1a]  }
0x47: {  	[tilespmem:s29], [sflag:$0x1] =	stream.linear.gather [hbm4b:s17+s3], $0x200, $0x38;
	[tilespmem:$0x1F300] =	vst v63  }
0x48: {  	s18 =	rddreg [dreg:$0x1b]  }
0x49: {  	[tilespmem:s23], [sflag:$0x1] =	stream.linear.gather [hbm4b:s18+s3], $0x200, $0x38;
	[tilespmem:$0x1F300] =	vst v63  }
0x4a: {  	s22 =	rddreg [dreg:$0x1c]  }
0x4b: {  	[tilespmem:s0], [sflag:$0x1] =	stream.linear.gather [hbm4b:s22+s3], $0x200, $0x38;
	[tilespmem:$0x1F300] =	vst v63  }
0x4c: {  	_ =	swait.ge [sflag:s26], $0x200  }
0x4d: {  	[sflag:s26] =	ssyncset.done $0x0  }
0x4e: {  	[sflag:s26] =	ssyncadd.s32 $0xFFFFFE00  }
0x4f: {  	_ =	swait.ge [sflag:s26], $0x200  }
0x50: {  	[sflag:s26] =	ssyncset.done $0x0  }
0x51: {  	[sflag:s26] =	ssyncadd.s32 $0xFFFFFE00  }
0x52: {  	[tilespmem:s24], [sflag:$0x2] =	stream.indirect.gather [hbm4b:s7+s28], $0x10, s3, s28, $0xb8;
	[tilespmem:$0x1F300] =	vst v63  }
0x53: {  	_ = 	snop  }
0x54: {  	[tilespmem:s30], [sflag:$0x2] =	stream.indirect.gather [hbm4b:s7+s28], $0x10, s28, s28, $0xb8;
	[tilespmem:$0x1F300] =	vst v63  }
0x55: {  	s17 =	simm.s32 $0x100  }
0x56: {  	[tilespmem:s31], [sflag:$0x2] =	stream.indirect.gather [hbm4b:s7+s28], $0x10, s17, s28, $0xb8;
	[tilespmem:$0x1F300] =	vst v63  }
0x57: {  	s18 =	simm.s32 $0x180;
	s22 =	simm.s32 $0x2400  }
0x58: {  	[tilespmem:s22], [sflag:$0x2] =	stream.indirect.gather [hbm4b:s7+s28], $0x10, s18, s28, $0xb8;
	[tilespmem:$0x1F300] =	vst v63  }
0x59: {  	_ =	swait.ge [sflag:s26], $0x200  }
0x5a: {  	[sflag:s26] =	ssyncset.done $0x0  }
0x5b: {  	[sflag:s26] =	ssyncadd.s32 $0xFFFFFE00  }
0x5c: {  	_ =	swait.ge [sflag:s26], $0x200  }
0x5d: {  	p1 =	por $0x1, $0x1;
	[sflag:s26] =	ssyncset.done $0x0  }
0x5e: {  	s9 =	simm.s32 @!p1 $0x5;
	[sflag:s26] =	ssyncadd.s32 $0xFFFFFE00  }
0x5f: {  	_ =	swait.ge @!p1 [sflag:s9], $0x800  }
0x60: {  	[sflag:s9] =	ssyncset.done @!p1 $0x0  }
0x61: {  	[sflag:s9] =	ssyncadd.s32 @!p1 $0xFFFFF800  }
0x62: {  	_ =	swait.ge @!p1 [sflag:s9], $0x800  }
0x63: {  	[sflag:s9] =	ssyncset.done @!p1 $0x0  }
0x64: {  	[sflag:s9] =	ssyncadd.s32 @!p1 $0xFFFFF800  }
0x65: {  	_ =	swait.ge @!p1 [sflag:s9], $0x800  }
0x66: {  	[sflag:s9] =	ssyncset.done @!p1 $0x0  }
0x67: {  	[sflag:s9] =	ssyncadd.s32 @!p1 $0xFFFFF800  }
0x68: {  	_ =	swait.ge @!p1 [sflag:s9], $0x800  }
0x69: {  	s17 =	rddreg [dreg:$0x7];
	[sflag:s9] =	ssyncset.done @!p1 $0x0  }
0x6a: {  	s18 =	rddreg [dreg:$0x6];
	[sflag:s9] =	ssyncadd.s32 @!p1 $0xFFFFF800;
	s17 =	sadd.s32 $0x0, s17  }
0x6b: {  	[tilespmem:s4], [sflag:$0x1] =	stream.linear.gather [hbm4b:s17+s3], $0x200, $0x38;
	[tilespmem:$0x1F300] =	vst v63  }
0x6c: {  	s18 =	sadd.s32 $0x0, s18  }
0x6d: {  	[tilespmem:s10], [sflag:$0x1] =	stream.linear.gather [hbm4b:s18+s3], $0x200, $0x38;
	[tilespmem:$0x1F300] =	vst v63  }
0x6e: {  	_ = 	snop  }
0x6f: {  	[tilespmem:s11], [sflag:$0x3] =	stream.indirect.gather [hbm4b:s7+s28], $0x10, s23, s28, $0xb8;
	[tilespmem:$0x1F300] =	vst v63  }
0x70: {  	s17 =	rddreg [dreg:$0x8]  }
0x71: {  	[tilespmem:s12], [sflag:$0x3] =	stream.indirect.gather [hbm4b:s7+s28], $0x10, s17, s28, $0xb8;
	[tilespmem:$0x1F300] =	vst v63  }
0x72: {  	s18 =	rddreg [dreg:$0x9]  }
0x73: {  	[tilespmem:s13], [sflag:$0x3] =	stream.indirect.gather [hbm4b:s7+s28], $0x10, s18, s28, $0xb8;
	[tilespmem:$0x1F300] =	vst v63  }
0x74: {  	s23 =	rddreg [dreg:$0xa]  }
0x75: {  	[tilespmem:s14], [sflag:$0x3] =	stream.indirect.gather [hbm4b:s7+s28], $0x10, s23, s28, $0xb8;
	[tilespmem:$0x1F300] =	vst v63  }
0x76: {  	_ =	swait.ge [sflag:s15], $0x800  }
0x77: {  	[sflag:s15] =	ssyncset.done $0x0  }
0x78: {  	[sflag:s15] =	ssyncadd.s32 $0xFFFFF800  }
0x79: {  	_ =	swait.ge [sflag:s15], $0x800  }
0x7a: {  	[sflag:s15] =	ssyncset.done $0x0  }
0x7b: {  	[sflag:s15] =	ssyncadd.s32 $0xFFFFF800  }
0x7c: {  	_ =	swait.ge [sflag:s15], $0x800  }
0x7d: {  	[sflag:s15] =	ssyncset.done $0x0  }
0x7e: {  	[sflag:s15] =	ssyncadd.s32 $0xFFFFF800  }
0x7f: {  	_ =	swait.ge [sflag:s15], $0x800  }
0x80: {  	[sflag:s15] =	ssyncset.done $0x0  }
0x81: {  	[sflag:s15] =	ssyncadd.s32 $0xFFFFF800  }
0x82: {  	[spmem:s2] =	stream.indirect.scatter.add.f32 [tilespmem:s24], [sflag:$0x5], $0x10, s29, s28, $0xb8;
	[tilespmem:$0x1F300] =	vst v63  }
0x83: {  	s18 =	rddreg [dreg:$0xb]  }
0x84: {  	[spmem:s2] =	stream.indirect.scatter.add.f32 [tilespmem:s30], [sflag:$0x5], $0x10, s18, s28, $0xb8;
	[tilespmem:$0x1F300] =	vst v63  }
0x85: {  	s23 =	rddreg [dreg:$0xc]  }
0x86: {  	[spmem:s2] =	stream.indirect.scatter.add.f32 [tilespmem:s31], [sflag:$0x5], $0x10, s23, s28, $0xb8;
	[tilespmem:$0x1F300] =	vst v63  }
0x87: {  	s24 =	rddreg [dreg:$0xd]  }
0x88: {  	[spmem:s2] =	stream.indirect.scatter.add.f32 [tilespmem:s22], [sflag:$0x5], $0x10, s24, s28, $0xb8;
	[tilespmem:$0x1F300] =	vst v63  }
0x89: {  	_ =	swait.ge [sflag:s26], $0x200  }
0x8a: {  	[sflag:s26] =	ssyncset.done $0x0  }
0x8b: {  	[sflag:s26] =	ssyncadd.s32 $0xFFFFFE00  }
0x8c: {  	_ =	swait.ge [sflag:s26], $0x200  }
0x8d: {  	[sflag:s26] =	ssyncset.done $0x0  }
0x8e: {  	[sflag:s26] =	ssyncadd.s32 $0xFFFFFE00  }
0x8f: {  	_ =	swait.ge [sflag:s16], $0x800  }
0x90: {  	[sflag:s16] =	ssyncset.done $0x0  }
0x91: {  	[sflag:s16] =	ssyncadd.s32 $0xFFFFF800  }
0x92: {  	_ =	swait.ge [sflag:s16], $0x800  }
0x93: {  	[sflag:s16] =	ssyncset.done $0x0  }
0x94: {  	[sflag:s16] =	ssyncadd.s32 $0xFFFFF800  }
0x95: {  	_ =	swait.ge [sflag:s16], $0x800  }
0x96: {  	[sflag:s16] =	ssyncset.done $0x0  }
0x97: {  	[sflag:s16] =	ssyncadd.s32 $0xFFFFF800  }
0x98: {  	_ =	swait.ge [sflag:s16], $0x800  }
0x99: {  	s23 =	sld [smem:$0x7F8];
	_ =	sdelay $0x1  }
0x9a: {  	p1 =	por $0x0, $0x0  }
0x9b: {  	[sflag:s16] =	ssyncset.done $0x0;
	s9 =	sshrl.u32 @!p1 s23, $0x3  }
0x9c: {  	s18 =	simm.s32 @!p1 $0x0;
	[sflag:s16] =	ssyncadd.s32 $0xFFFFF800;
	s17 =	sadd.s32 @!p1 s5, s9  }
0x9d: {  	[tilespmem:s18], [sflag:$0x1] =	stream.linear.gather @!p1 [hbm4b:s17+s18], $0x200, $0x38;
	[tilespmem:$0x1F300] =	vst v63  }
0x9e: {  	s9 =	sadd.s32 @!p1 s6, s9;
	s17 =	simm.s32 @!p1 $0x600  }
0x9f: {  	[tilespmem:s17], [sflag:$0x1] =	stream.linear.gather @!p1 [hbm4b:s9+s18], $0x200, $0x38;
	[tilespmem:$0x1F300] =	vst v63  }
0xa0: {  	_ = 	snop  }
0xa1: {  	[tilespmem:s19], [sflag:$0x4] =	stream.indirect.gather [hbm4b:s7+s28], $0x10, s4, s28, $0xb8;
	[tilespmem:$0x1F300] =	vst v63  }
0xa2: {  	s17 =	rddreg [dreg:$0xe]  }
0xa3: {  	[tilespmem:s20], [sflag:$0x4] =	stream.indirect.gather [hbm4b:s7+s28], $0x10, s17, s28, $0xb8;
	[tilespmem:$0x1F300] =	vst v63  }
0xa4: {  	s22 =	rddreg [dreg:$0xf]  }
0xa5: {  	[tilespmem:s21], [sflag:$0x4] =	stream.indirect.gather [hbm4b:s7+s28], $0x10, s22, s28, $0xb8;
	[tilespmem:$0x1F300] =	vst v63  }
0xa6: {  	s24 =	rddreg [dreg:$0x10]  }
0xa7: {  	[tilespmem:s25], [sflag:$0x4] =	stream.indirect.gather [hbm4b:s7+s28], $0x10, s24, s28, $0xb8;
	[tilespmem:$0x1F300] =	vst v63  }
0xa8: {  	_ =	swait.ge [sflag:s1], $0x800  }
0xa9: {  	[sflag:s1] =	ssyncset.done $0x0  }
0xaa: {  	[sflag:s1] =	ssyncadd.s32 $0xFFFFF800  }
0xab: {  	_ =	swait.ge [sflag:s1], $0x800  }
0xac: {  	[sflag:s1] =	ssyncset.done $0x0  }
0xad: {  	[sflag:s1] =	ssyncadd.s32 $0xFFFFF800  }
0xae: {  	_ =	swait.ge [sflag:s1], $0x800  }
0xaf: {  	[sflag:s1] =	ssyncset.done $0x0  }
0xb0: {  	[sflag:s1] =	ssyncadd.s32 $0xFFFFF800  }
0xb1: {  	_ =	swait.ge [sflag:s1], $0x800  }
0xb2: {  	[sflag:s1] =	ssyncset.done $0x0  }
0xb3: {  	[sflag:s1] =	ssyncadd.s32 $0xFFFFF800  }
0xb4: {  	[spmem:s2] =	stream.indirect.scatter.add.f32 [tilespmem:s11], [sflag:$0x5], $0x10, s0, s28, $0xb8;
	[tilespmem:$0x1F300] =	vst v63  }
0xb5: {  	s22 =	rddreg [dreg:$0x11]  }
0xb6: {  	[spmem:s2] =	stream.indirect.scatter.add.f32 [tilespmem:s12], [sflag:$0x5], $0x10, s22, s28, $0xb8;
	[tilespmem:$0x1F300] =	vst v63  }
0xb7: {  	s24 =	rddreg [dreg:$0x12]  }
0xb8: {  	[spmem:s2] =	stream.indirect.scatter.add.f32 [tilespmem:s13], [sflag:$0x5], $0x10, s24, s28, $0xb8;
	[tilespmem:$0x1F300] =	vst v63  }
0xb9: {  	s17 =	simm.s32 @!p1 $0x1;
	s0 =	rddreg [dreg:$0x13]  }
0xba: {  	[spmem:s2] =	stream.indirect.scatter.add.f32 [tilespmem:s14], [sflag:$0x5], $0x10, s0, s28, $0xb8;
	[tilespmem:$0x1F300] =	vst v63  }
0xbb: {  	_ =	swait.ge @!p1 [sflag:s17], $0x200  }
0xbc: {  	[sflag:s17] =	ssyncset.done @!p1 $0x0  }
0xbd: {  	[sflag:s17] =	ssyncadd.s32 @!p1 $0xFFFFFE00  }
0xbe: {  	_ =	swait.ge @!p1 [sflag:s17], $0x200  }
0xbf: {  	[sflag:s17] =	ssyncset.done @!p1 $0x0  }
0xc0: {  	[sflag:s17] =	ssyncadd.s32 @!p1 $0xFFFFFE00  }
0xc1: {  	_ =	swait.ge [sflag:s16], $0x800  }
0xc2: {  	[sflag:s16] =	ssyncset.done $0x0  }
0xc3: {  	[sflag:s16] =	ssyncadd.s32 $0xFFFFF800  }
0xc4: {  	_ =	swait.ge [sflag:s16], $0x800  }
0xc5: {  	[sflag:s16] =	ssyncset.done $0x0  }
0xc6: {  	[sflag:s16] =	ssyncadd.s32 $0xFFFFF800  }
0xc7: {  	_ =	swait.ge [sflag:s16], $0x800  }
0xc8: {  	[sflag:s16] =	ssyncset.done $0x0  }
0xc9: {  	[sflag:s16] =	ssyncadd.s32 $0xFFFFF800  }
0xca: {  	_ =	swait.ge [sflag:s16], $0x800  }
0xcb: {  	s22 =	simm.s32 @!p1 $0x200;
	s9 =	rddreg [dreg:$0x5];
	[sflag:s16] =	ssyncset.done $0x0  }
0xcc: {  	s17 =	rddreg [dreg:$0x4];
	[sflag:s16] =	ssyncadd.s32 $0xFFFFF800;
	s9 =	sadd.s32 @!p1 $0x0, s9  }
0xcd: {  	[tilespmem:s22], [sflag:$0x1] =	stream.linear.gather @!p1 [hbm4b:s9+s18], $0x200, $0x38;
	[tilespmem:$0x1F300] =	vst v63  }
0xce: {  	s9 =	sadd.s32 @!p1 $0x0, s17;
	s17 =	simm.s32 @!p1 $0x800  }
0xcf: {  	[tilespmem:s17], [sflag:$0x1] =	stream.linear.gather @!p1 [hbm4b:s9+s18], $0x200, $0x38;
	[tilespmem:$0x1F300] =	vst v63  }
0xd0: {  	s9 =	simm.s32 @!p1 $0x80;
	s17 =	simm.s32 @!p1 $0xC00  }
0xd1: {  	[tilespmem:s17], [sflag:$0x2] =	stream.indirect.gather @!p1 [hbm4b:s7+s9], $0x10, s18, s9, $0xb8;
	[tilespmem:$0x1F300] =	vst v63  }
0xd2: {  	s17 =	simm.s32 @!p1 $0x1400  }
0xd3: {  	[tilespmem:s17], [sflag:$0x2] =	stream.indirect.gather @!p1 [hbm4b:s7+s9], $0x10, s9, s9, $0xb8;
	[tilespmem:$0x1F300] =	vst v63  }
0xd4: {  	s18 =	simm.s32 @!p1 $0x1C00;
	s17 =	simm.s32 @!p1 $0x100  }
0xd5: {  	[tilespmem:s18], [sflag:$0x2] =	stream.indirect.gather @!p1 [hbm4b:s7+s9], $0x10, s17, s9, $0xb8;
	[tilespmem:$0x1F300] =	vst v63  }
0xd6: {  	s17 =	simm.s32 @!p1 $0x180;
	s18 =	simm.s32 @!p1 $0x2400  }
0xd7: {  	[tilespmem:s18], [sflag:$0x2] =	stream.indirect.gather @!p1 [hbm4b:s7+s9], $0x10, s17, s9, $0xb8;
	[tilespmem:$0x1F300] =	vst v63  }
0xd8: {  	_ =	swait.ge [sflag:s8], $0x800  }
0xd9: {  	[sflag:s8] =	ssyncset.done $0x0  }
0xda: {  	[sflag:s8] =	ssyncadd.s32 $0xFFFFF800  }
0xdb: {  	_ =	swait.ge [sflag:s8], $0x800  }
0xdc: {  	[sflag:s8] =	ssyncset.done $0x0  }
0xdd: {  	[sflag:s8] =	ssyncadd.s32 $0xFFFFF800  }
0xde: {  	_ =	swait.ge [sflag:s8], $0x800  }
0xdf: {  	[sflag:s8] =	ssyncset.done $0x0  }
0xe0: {  	[sflag:s8] =	ssyncadd.s32 $0xFFFFF800  }
0xe1: {  	_ =	swait.ge [sflag:s8], $0x800  }
0xe2: {  	[sflag:s8] =	ssyncset.done $0x0  }
0xe3: {  	s30 =	simm.s32 $0x1C00;
	s22 =	rddreg [dreg:$0x14];
	[sflag:s8] =	ssyncadd.s32 $0xFFFFF800  }
0xe4: {  	[spmem:s2] =	stream.indirect.scatter.add.f32 [tilespmem:s19], [sflag:$0x5], $0x10, s10, s28, $0xb8;
	[tilespmem:$0x1F300] =	vst v63  }
0xe5: {  	s31 =	simm.s32 $0xC00;
	s0 =	simm.s32 $0x800;
	s24 =	rddreg [dreg:$0x15]  }
0xe6: {  	[spmem:s2] =	stream.indirect.scatter.add.f32 [tilespmem:s20], [sflag:$0x5], $0x10, s22, s28, $0xb8;
	[tilespmem:$0x1F300] =	vst v63  }
0xe7: {  	s9 =	simm.s32 $0xC0;
	s18 =	sadd.s32 $0x600, s23;
	s17 =	rddreg [dreg:$0x16]  }
0xe8: {  	[spmem:s2] =	stream.indirect.scatter.add.f32 [tilespmem:s21], [sflag:$0x5], $0x10, s24, s28, $0xb8;
	[tilespmem:$0x1F300] =	vst v63  }
.LBB2_2:
0xe9: {  	[spmem:s2] =	stream.indirect.scatter.add.f32 [tilespmem:s25], [sflag:$0x5], $0x10, s17, s28, $0xb8;
	[tilespmem:$0x1F300] =	vst v63  }
0xea: {  	_ =	swait.ge [sflag:s26], $0x200  }
0xeb: {  	[sflag:s26] =	ssyncset.done $0x0  }
0xec: {  	[sflag:s26] =	ssyncadd.s32 $0xFFFFFE00  }
0xed: {  	s17 =	smov.u32 s9;
	_ =	swait.ge [sflag:s26], $0x200  }
0xee: {  	p2 =	seq.s32 s17, $0x0;
	[sflag:s26] =	ssyncset.done $0x0  }
0xef: {  	s22 =	simm.s32 @!p2 $0x5;
	[sflag:s26] =	ssyncadd.s32 $0xFFFFFE00  }
0xf0: {  	_ =	swait.ge @!p2 [sflag:s22], $0x800  }
0xf1: {  	[sflag:s22] =	ssyncset.done @!p2 $0x0  }
0xf2: {  	[sflag:s22] =	ssyncadd.s32 @!p2 $0xFFFFF800  }
0xf3: {  	_ =	swait.ge @!p2 [sflag:s22], $0x800  }
0xf4: {  	[sflag:s22] =	ssyncset.done @!p2 $0x0  }
0xf5: {  	[sflag:s22] =	ssyncadd.s32 @!p2 $0xFFFFF800  }
0xf6: {  	_ =	swait.ge @!p2 [sflag:s22], $0x800  }
0xf7: {  	[sflag:s22] =	ssyncset.done @!p2 $0x0  }
0xf8: {  	[sflag:s22] =	ssyncadd.s32 @!p2 $0xFFFFF800  }
0xf9: {  	_ =	swait.ge @!p2 [sflag:s22], $0x800  }
0xfa: {  	s23 =	rddreg [dreg:$0x7];
	[sflag:s22] =	ssyncset.done @!p2 $0x0  }
0xfb: {  	s24 =	rddreg [dreg:$0x6];
	[sflag:s22] =	ssyncadd.s32 @!p2 $0xFFFFF800;
	s23 =	sadd.s32 s17, s23  }
0xfc: {  	[tilespmem:s4], [sflag:$0x1] =	stream.linear.gather [hbm4b:s23+s3], $0x200, $0x38;
	[tilespmem:$0x1F300] =	vst v63  }
0xfd: {  	s23 =	sadd.s32 s17, s24  }
0xfe: {  	[tilespmem:s10], [sflag:$0x1] =	stream.linear.gather [hbm4b:s23+s3], $0x200, $0x38;
	[tilespmem:$0x1F300] =	vst v63  }
0xff: {  	s24 =	simm.s32 $0x200  }
0x100: {  	[tilespmem:s11], [sflag:$0x3] =	stream.indirect.gather [hbm4b:s7+s28], $0x10, s24, s28, $0xb8;
	[tilespmem:$0x1F300] =	vst v63  }
0x101: {  	s22 =	rddreg [dreg:$0x8]  }
0x102: {  	[tilespmem:s12], [sflag:$0x3] =	stream.indirect.gather [hbm4b:s7+s28], $0x10, s22, s28, $0xb8;
	[tilespmem:$0x1F300] =	vst v63  }
0x103: {  	s23 =	rddreg [dreg:$0x9]  }
0x104: {  	[tilespmem:s13], [sflag:$0x3] =	stream.indirect.gather [hbm4b:s7+s28], $0x10, s23, s28, $0xb8;
	[tilespmem:$0x1F300] =	vst v63  }
0x105: {  	s24 =	rddreg [dreg:$0xa]  }
0x106: {  	[tilespmem:s14], [sflag:$0x3] =	stream.indirect.gather [hbm4b:s7+s28], $0x10, s24, s28, $0xb8;
	[tilespmem:$0x1F300] =	vst v63  }
0x107: {  	_ =	swait.ge [sflag:s15], $0x800  }
0x108: {  	[sflag:s15] =	ssyncset.done $0x0  }
0x109: {  	[sflag:s15] =	ssyncadd.s32 $0xFFFFF800  }
0x10a: {  	_ =	swait.ge [sflag:s15], $0x800  }
0x10b: {  	[sflag:s15] =	ssyncset.done $0x0  }
0x10c: {  	[sflag:s15] =	ssyncadd.s32 $0xFFFFF800  }
0x10d: {  	_ =	swait.ge [sflag:s15], $0x800  }
0x10e: {  	[sflag:s15] =	ssyncset.done $0x0  }
0x10f: {  	[sflag:s15] =	ssyncadd.s32 $0xFFFFF800  }
0x110: {  	_ =	swait.ge [sflag:s15], $0x800  }
0x111: {  	[sflag:s15] =	ssyncset.done $0x0  }
0x112: {  	[sflag:s15] =	ssyncadd.s32 $0xFFFFF800  }
0x113: {  	[spmem:s2] =	stream.indirect.scatter.add.f32 [tilespmem:s31], [sflag:$0x5], $0x10, s29, s28, $0xb8;
	[tilespmem:$0x1F300] =	vst v63  }
0x114: {  	s24 =	simm.s32 $0x1400;
	s22 =	rddreg [dreg:$0xb]  }
0x115: {  	[spmem:s2] =	stream.indirect.scatter.add.f32 [tilespmem:s24], [sflag:$0x5], $0x10, s22, s28, $0xb8;
	[tilespmem:$0x1F300] =	vst v63  }
0x116: {  	s23 =	rddreg [dreg:$0xc]  }
0x117: {  	[spmem:s2] =	stream.indirect.scatter.add.f32 [tilespmem:s30], [sflag:$0x5], $0x10, s23, s28, $0xb8;
	[tilespmem:$0x1F300] =	vst v63  }
0x118: {  	s22 =	rddreg [dreg:$0xd];
	s24 =	simm.s32 $0x2400  }
0x119: {  	[spmem:s2] =	stream.indirect.scatter.add.f32 [tilespmem:s24], [sflag:$0x5], $0x10, s22, s28, $0xb8;
	[tilespmem:$0x1F300] =	vst v63  }
0x11a: {  	_ =	swait.ge [sflag:s26], $0x200  }
0x11b: {  	[sflag:s26] =	ssyncset.done $0x0  }
0x11c: {  	[sflag:s26] =	ssyncadd.s32 $0xFFFFFE00  }
0x11d: {  	_ =	swait.ge [sflag:s26], $0x200  }
0x11e: {  	[sflag:s26] =	ssyncset.done $0x0  }
0x11f: {  	[sflag:s26] =	ssyncadd.s32 $0xFFFFFE00  }
0x120: {  	_ =	swait.ge [sflag:s16], $0x800  }
0x121: {  	[sflag:s16] =	ssyncset.done $0x0  }
0x122: {  	[sflag:s16] =	ssyncadd.s32 $0xFFFFF800  }
0x123: {  	_ =	swait.ge [sflag:s16], $0x800  }
0x124: {  	[sflag:s16] =	ssyncset.done $0x0  }
0x125: {  	[sflag:s16] =	ssyncadd.s32 $0xFFFFF800  }
0x126: {  	_ =	swait.ge [sflag:s16], $0x800  }
0x127: {  	[sflag:s16] =	ssyncset.done $0x0  }
0x128: {  	[sflag:s16] =	ssyncadd.s32 $0xFFFFF800  }
0x129: {  	p2 =	seq.s32 s17, $0x30C0;
	_ =	swait.ge [sflag:s16], $0x800  }
0x12a: {  	s23 =	sshrl.u32 @!p2 s18, $0x3;
	[sflag:s16] =	ssyncset.done $0x0  }
0x12b: {  	s24 =	sadd.s32 @!p2 s5, s23;
	s22 =	simm.s32 @!p2 $0x0;
	[sflag:s16] =	ssyncadd.s32 $0xFFFFF800  }
0x12c: {  	[tilespmem:s22], [sflag:$0x1] =	stream.linear.gather @!p2 [hbm4b:s24+s22], $0x200, $0x38;
	[tilespmem:$0x1F300] =	vst v63  }
0x12d: {  	s23 =	sadd.s32 @!p2 s6, s23;
	s24 =	simm.s32 @!p2 $0x600  }
0x12e: {  	[tilespmem:s24], [sflag:$0x1] =	stream.linear.gather @!p2 [hbm4b:s23+s22], $0x200, $0x38;
	[tilespmem:$0x1F300] =	vst v63  }
0x12f: {  	_ = 	snop  }
0x130: {  	[tilespmem:s19], [sflag:$0x4] =	stream.indirect.gather [hbm4b:s7+s28], $0x10, s4, s28, $0xb8;
	[tilespmem:$0x1F300] =	vst v63  }
0x131: {  	s23 =	rddreg [dreg:$0xe]  }
0x132: {  	[tilespmem:s20], [sflag:$0x4] =	stream.indirect.gather [hbm4b:s7+s28], $0x10, s23, s28, $0xb8;
	[tilespmem:$0x1F300] =	vst v63  }
0x133: {  	s24 =	rddreg [dreg:$0xf]  }
0x134: {  	[tilespmem:s21], [sflag:$0x4] =	stream.indirect.gather [hbm4b:s7+s28], $0x10, s24, s28, $0xb8;
	[tilespmem:$0x1F300] =	vst v63  }
0x135: {  	s23 =	rddreg [dreg:$0x10]  }
0x136: {  	[tilespmem:s25], [sflag:$0x4] =	stream.indirect.gather [hbm4b:s7+s28], $0x10, s23, s28, $0xb8;
	[tilespmem:$0x1F300] =	vst v63  }
0x137: {  	_ =	swait.ge [sflag:s1], $0x800  }
0x138: {  	[sflag:s1] =	ssyncset.done $0x0  }
0x139: {  	[sflag:s1] =	ssyncadd.s32 $0xFFFFF800  }
0x13a: {  	_ =	swait.ge [sflag:s1], $0x800  }
0x13b: {  	[sflag:s1] =	ssyncset.done $0x0  }
0x13c: {  	[sflag:s1] =	ssyncadd.s32 $0xFFFFF800  }
0x13d: {  	_ =	swait.ge [sflag:s1], $0x800  }
0x13e: {  	[sflag:s1] =	ssyncset.done $0x0  }
0x13f: {  	[sflag:s1] =	ssyncadd.s32 $0xFFFFF800  }
0x140: {  	_ =	swait.ge [sflag:s1], $0x800  }
0x141: {  	[sflag:s1] =	ssyncset.done $0x0  }
0x142: {  	[sflag:s1] =	ssyncadd.s32 $0xFFFFF800  }
0x143: {  	[spmem:s2] =	stream.indirect.scatter.add.f32 [tilespmem:s11], [sflag:$0x5], $0x10, s0, s28, $0xb8;
	[tilespmem:$0x1F300] =	vst v63  }
0x144: {  	s23 =	rddreg [dreg:$0x11]  }
0x145: {  	[spmem:s2] =	stream.indirect.scatter.add.f32 [tilespmem:s12], [sflag:$0x5], $0x10, s23, s28, $0xb8;
	[tilespmem:$0x1F300] =	vst v63  }
0x146: {  	s24 =	rddreg [dreg:$0x12]  }
0x147: {  	[spmem:s2] =	stream.indirect.scatter.add.f32 [tilespmem:s13], [sflag:$0x5], $0x10, s24, s28, $0xb8;
	[tilespmem:$0x1F300] =	vst v63  }
0x148: {  	s23 =	rddreg [dreg:$0x13];
	s24 =	simm.s32 @!p2 $0x1  }
0x149: {  	[spmem:s2] =	stream.indirect.scatter.add.f32 [tilespmem:s14], [sflag:$0x5], $0x10, s23, s28, $0xb8;
	[tilespmem:$0x1F300] =	vst v63  }
0x14a: {  	_ =	swait.ge @!p2 [sflag:s24], $0x200  }
0x14b: {  	[sflag:s24] =	ssyncset.done @!p2 $0x0  }
0x14c: {  	[sflag:s24] =	ssyncadd.s32 @!p2 $0xFFFFFE00  }
0x14d: {  	_ =	swait.ge @!p2 [sflag:s24], $0x200  }
0x14e: {  	[sflag:s24] =	ssyncset.done @!p2 $0x0  }
0x14f: {  	[sflag:s24] =	ssyncadd.s32 @!p2 $0xFFFFFE00  }
0x150: {  	_ =	swait.ge [sflag:s16], $0x800  }
0x151: {  	[sflag:s16] =	ssyncset.done $0x0  }
0x152: {  	[sflag:s16] =	ssyncadd.s32 $0xFFFFF800  }
0x153: {  	_ =	swait.ge [sflag:s16], $0x800  }
0x154: {  	[sflag:s16] =	ssyncset.done $0x0  }
0x155: {  	[sflag:s16] =	ssyncadd.s32 $0xFFFFF800  }
0x156: {  	_ =	swait.ge [sflag:s16], $0x800  }
0x157: {  	[sflag:s16] =	ssyncset.done $0x0  }
0x158: {  	[sflag:s16] =	ssyncadd.s32 $0xFFFFF800  }
0x159: {  	_ =	swait.ge [sflag:s16], $0x800  }
0x15a: {  	s29 =	simm.s32 @!p2 $0x200;
	s23 =	rddreg [dreg:$0x5];
	[sflag:s16] =	ssyncset.done $0x0  }
0x15b: {  	s24 =	rddreg [dreg:$0x4];
	[sflag:s16] =	ssyncadd.s32 $0xFFFFF800;
	s23 =	sadd.s32 @!p2 s17, s23  }
0x15c: {  	[tilespmem:s29], [sflag:$0x1] =	stream.linear.gather @!p2 [hbm4b:s23+s22], $0x200, $0x38;
	[tilespmem:$0x1F300] =	vst v63  }
0x15d: {  	s17 =	sadd.s32 @!p2 s17, s24;
	s23 =	simm.s32 @!p2 $0x800  }
0x15e: {  	[tilespmem:s23], [sflag:$0x1] =	stream.linear.gather @!p2 [hbm4b:s17+s22], $0x200, $0x38;
	[tilespmem:$0x1F300] =	vst v63  }
0x15f: {  	s17 =	simm.s32 @!p2 $0x80;
	s23 =	simm.s32 @!p2 $0xC00  }
0x160: {  	[tilespmem:s23], [sflag:$0x2] =	stream.indirect.gather @!p2 [hbm4b:s7+s17], $0x10, s22, s17, $0xb8;
	[tilespmem:$0x1F300] =	vst v63  }
0x161: {  	s22 =	simm.s32 @!p2 $0x1400  }
0x162: {  	[tilespmem:s22], [sflag:$0x2] =	stream.indirect.gather @!p2 [hbm4b:s7+s17], $0x10, s17, s17, $0xb8;
	[tilespmem:$0x1F300] =	vst v63  }
0x163: {  	s23 =	simm.s32 @!p2 $0x1C00;
	s22 =	simm.s32 @!p2 $0x100  }
0x164: {  	[tilespmem:s23], [sflag:$0x2] =	stream.indirect.gather @!p2 [hbm4b:s7+s17], $0x10, s22, s17, $0xb8;
	[tilespmem:$0x1F300] =	vst v63  }
0x165: {  	s22 =	simm.s32 @!p2 $0x180;
	s23 =	simm.s32 @!p2 $0x2400  }
0x166: {  	[tilespmem:s23], [sflag:$0x2] =	stream.indirect.gather @!p2 [hbm4b:s7+s17], $0x10, s22, s17, $0xb8;
	[tilespmem:$0x1F300] =	vst v63  }
0x167: {  	_ =	swait.ge [sflag:s8], $0x800  }
0x168: {  	[sflag:s8] =	ssyncset.done $0x0  }
0x169: {  	[sflag:s8] =	ssyncadd.s32 $0xFFFFF800  }
0x16a: {  	_ =	swait.ge [sflag:s8], $0x800  }
0x16b: {  	[sflag:s8] =	ssyncset.done $0x0  }
0x16c: {  	[sflag:s8] =	ssyncadd.s32 $0xFFFFF800  }
0x16d: {  	_ =	swait.ge [sflag:s8], $0x800  }
0x16e: {  	[sflag:s8] =	ssyncset.done $0x0  }
0x16f: {  	[sflag:s8] =	ssyncadd.s32 $0xFFFFF800  }
0x170: {  	_ =	swait.ge [sflag:s8], $0x800  }
0x171: {  	s9 =	sadd.s32 $0xC0, s9;
	[sflag:s8] =	ssyncset.done $0x0  }
0x172: {  	p1 =	sne.s32 s9, $0x3180;
	[sflag:s8] =	ssyncadd.s32 $0xFFFFF800  }
0x173: {  	[spmem:s2] =	stream.indirect.scatter.add.f32 [tilespmem:s19], [sflag:$0x5], $0x10, s10, s28, $0xb8;
	[tilespmem:$0x1F300] =	vst v63  }
.Ltmp0:
0x174: {  	s23 =	rddreg [dreg:$0x14];
	(pc) =	sbr.rel @p1 .LBB2_2-.Ltmp0, $4  }
0x175: {  	s24 =	rddreg [dreg:$0x15]  }
0x176: {  	[spmem:s2] =	stream.indirect.scatter.add.f32 [tilespmem:s20], [sflag:$0x5], $0x10, s23, s28, $0xb8;
	[tilespmem:$0x1F300] =	vst v63  }
0x177: {  	s18 =	sadd.s32 $0x600, s18;
	s29 =	simm.s32 $0x600;
	s17 =	rddreg [dreg:$0x16]  }
0x178: {  	[spmem:s2] =	stream.indirect.scatter.add.f32 [tilespmem:s21], [sflag:$0x5], $0x10, s24, s28, $0xb8;
	[tilespmem:$0x1F300] =	vst v63  }
0x179: {  	[spmem:s2] =	stream.indirect.scatter.add.f32 [tilespmem:s25], [sflag:$0x5], $0x10, s17, s28, $0xb8;
	[tilespmem:$0x1F300] =	vst v63  }
0x17a: {  	_ =	swait.ge [sflag:s16], $0x800  }
0x17b: {  	[sflag:s16] =	ssyncset.done $0x0  }
0x17c: {  	[sflag:s16] =	ssyncadd.s32 $0xFFFFF800  }
0x17d: {  	_ =	swait.ge [sflag:s16], $0x800  }
0x17e: {  	[sflag:s16] =	ssyncset.done $0x0  }
0x17f: {  	[sflag:s16] =	ssyncadd.s32 $0xFFFFF800  }
0x180: {  	_ =	swait.ge [sflag:s16], $0x800  }
0x181: {  	[sflag:s16] =	ssyncset.done $0x0  }
0x182: {  	[sflag:s16] =	ssyncadd.s32 $0xFFFFF800  }
0x183: {  	_ =	swait.ge [sflag:s16], $0x800  }
0x184: {  	[sflag:s16] =	ssyncset.done $0x0  }
0x185: {  	[sflag:s16] =	ssyncadd.s32 $0xFFFFF800  }
0x186: {  	[bflag:$0x0] =	sbarrier.arrive $0xFFFF  }
0x187: {  	s0 =	sld [smem:$0x7FC]  }
0x188: {  	s22 =	rddreg [dreg:$0x18]  }
0x189: {  	s9 =	rddreg [dreg:$0x1e]  }
0x18a: {  	[hbm:s9], [sflag:s22] =	dma.local @p0 [spmem:s0], $0x3020  }
0x18b: {  	s9 =	simm.s32 @p0 $0x6  }
0x18c: {  	_ =	swait.ge @p0 [sflag:s9], $0x3020  }
0x18d: {  	[sflag:s9] =	ssyncset.done @p0 $0x0;
	s18 =	rddreg [dreg:$0x17]  }
0x18e: {  	s17 =	rddreg [dreg:$0x1d];
	[sflag:s9] =	ssyncadd.s32 @p0 $0xFFFFCFE0;
	s9 =	sshrl.u32 @!p0 s18, $0x3  }
0x18f: {  	[hbm:s17], [sflag:s22] =	dma.local @!p0 [spmem:s9], $0x30E0  }
0x190: {  	s9 =	simm.s32 @!p0 $0x6  }
0x191: {  	_ =	swait.ge @!p0 [sflag:s9], $0x30E0  }
0x192: {  	s23 =	sld [smem:$0x7FD];
	_ =	sdelay $0x2  }
0x193: {  	s24 =	rddreg [dreg:$0x1f];
	s0 =	sadd.s32 $0x1, s23  }
0x194: {  	p1 =	sne.s32 s0, s24  }
.Ltmp1:
0x195: {  	_ = 	snop;
	(pc) =	sbr.rel @p1 .LBB2_1-.Ltmp1, $4  }
0x196: {  	_ = 	snop  }
0x197: {  	s30 =	simm.s32 $0x1400;
	[sflag:s9] =	ssyncset.done @!p0 $0x0  }
0x198: {  	s31 =	simm.s32 $0x1C00;
	[sflag:s9] =	ssyncadd.s32 @!p0 $0xFFFFCF20;
	s23 =	simm.s32 $0x200  }
0x199: {  	[smem:$0x7FD] =	sst s0;
	s0 =	simm.s32 $0x800;
	s24 =	simm.s32 $0xC00  }
0x19a: {  	_ =	sfence.sel $0x180000  }
0x19b: {  	[bflag:$0x0] =	sbarrier.arrive $0xFFFF  }
0x19c: {  	_ =	strace $0x9000004D  }
0x19d: {  	s0 =	stileid.u32;
	[bflag:$0x2] =	sbarrier.arrive $0xFFFF  }
0x19e: {  	p0 =	sne.s32 s0, $0x0;
	s0 =	rddreg [dreg:$0x3]  }
0x19f: {  	s0 =	sadd.s32 @!p0 $0x100000, s0  }
0x1a0: {  	[sflag:s0] =	ssyncadd.tile.s32 @!p0 $0x1;
	_ =	shalt  }
.Lfunc_end2:
_tile_overlayer_lowered:
.L_overlay_start_2:
0x1a1: {  	(tag) =	ssettag $0x2  }
0x1a2: {  	s0 =	rddreg [dreg:$0x0];
	s2 =	stileid.u32  }
0x1a3: {  	s1 =	rddreg [dreg:$0x1];
	p0 =	sne.s32 s2, $0x0  }
0x1a4: {  	s3 =	rddreg [dreg:$0x2];
	[bflag:$0x3] =	sbarrier.arrive $0xFFFF;
	s2 =	simm.s32 @!p0 $0x1C06  }
0x1a5: {  	[timem:s3], [sflag:s2] =	dma.local @!p0 [hbm:s0], s1  }
0x1a6: {  	s0 =	simm.s32 @!p0 $0x6  }
0x1a7: {  	_ =	swait.ge @!p0 [sflag:s0], s1  }
0x1a8: {  	s1 =	ssub.s32 @!p0 $0x0, s1;
	[sflag:s0] =	ssyncset.done @!p0 $0x0  }
0x1a9: {  	[sflag:s0] =	ssyncadd.s32 @!p0 s1  }
0x1aa: {  	[bflag:$0x3] =	sbarrier.arrive $0xFFFF  }
0x1ab: {  	_ =	shalt  }

// kernel: kernel.8.cloned.1.call-start
scs
__scs_entry_jumppad:
0x0: {  	(pc) =	sbr.rel $0x88, $3  }
0x1: {  	(tag) =	ssettag $0x0;
	lr =	simm.s32 $0x1  }
0x2: {  	[smem:$0x3F9B] =	sst lr;
	_ =	strace $0xD0000000  }
0x3: {  	_ = 	snop  }
0x4: {  	_ = 	snop  }
0x5: {  	_ = 	snop  }
0x6: {  	_ = 	snop  }
0x7: {  	_ = 	snop  }
__scs_overlays_trampoline_lowered:
0x8: {  	[smem:$0x3FAA] =	sst s0  }
0x9: {  	[smem:$0x3FAB] =	sst s1  }
0xa: {  	[smem:$0x3FAC] =	sst s2  }
0xb: {  	[smem:$0x3FAD] =	sst s3  }
0xc: {  	[smem:$0x3FAE] =	sst s4  }
0xd: {  	[smem:$0x3FAF] =	sst s5  }
0xe: {  	[smem:$0x3FB0] =	sst s6  }
0xf: {  	[smem:$0x3FB1] =	sst s7  }
0x10: {  	[smem:$0x3FB2] =	sst s8  }
0x11: {  	[smem:$0x3FB3] =	sst s9;
	s0 =	simm.s32 @!p0 $0x0  }
0x12: {  	s1 =	sld [smem:$0x3F99];
	s0 =	simm.s32 @p0 $0x1  }
0x13: {  	[smem:$0x3FB4] =	sst s0;
	s0 =	simm.s32 @!p1 $0x0  }
0x14: {  	s2 =	sld [smem:$0x3F98];
	s0 =	simm.s32 @p1 $0x1  }
0x15: {  	[smem:$0x3FB5] =	sst s0;
	s0 =	simm.s32 @!p2 $0x0  }
0x16: {  	s3 =	sld [smem:$0x3FDB];
	s0 =	simm.s32 @p2 $0x1  }
0x17: {  	s4 =	simm.s32 $0x1BF5;
	[smem:$0x3FB7] =	sst s0  }
0x18: {  	s0 =	sld [smem:$0x3F9A];
	_ =	swait.ge [sflag:s4], $0x0  }
0x19: {  	s7 =	sld [smem:$0x3F9B]  }
0x1a: {  	s8 =	sadd.s32 $0xFFFFE003, lr  }
0x1b: {  	s9 =	sadd.s32 $0xFFFFFEF7, lr;
	s5 =	simm.s32 $0xFFFFFFFF;
	p2 =	slt.u32 s8, $0xFFFFF086  }
0x1c: {  	p1 =	slt.u32 s9, $0xF7A;
	s5 =	simm.s32 @!p2 $0x0  }
0x1d: {  	s5 =	simm.s32 @p1 $0x1;
	p0 =	seq.s32 s7, s2  }
0x1e: {  	s7 =	smul.u32 @!p0 $0xF7A, s2;
	p2 =	seq.s32 @!p0 s5, $0x0  }
0x1f: {  	s9 =	smul.u32 $0xF7A, s1;
	s8 =	simm.s32 @!p0 $0x1BF5;
	p2 =	por !p2, p0  }
0x20: {  	[sflag:s8] =	ssyncset.s32 @!p0 $0xFFFFF086;
	s6 =	sadd.s32 @!p0 s3, s7;
	s7 =	simm.s32 @!p0 $0x108  }
0x21: {  	s3 =	sadd.s32 s3, s9;
	s6 =	sadd.s32 @!p0 $0x88, s6;
	s7 =	simm.s32 @p2 $0x1082  }
0x22: {  	[simem:s7], [sflag:s8] =	dma.local @!p0 [hbm:s6], $0xF7A  }
0x23: {  	s9 =	sor.u32 $0xD0000000, s2;
	s6 =	simm.s32 $0x108;
	_ =	swait.ge @!p0 [sflag:s8], $0x0  }
0x24: {  	s3 =	sadd.s32 $0x88, s3;
	s6 =	simm.s32 @!p1 $0x1082;
	[sflag:s4] =	ssyncset.s32 $0xFFFFF086  }
0x25: {  	[simem:s6], [sflag:s4] =	dma.local [hbm:s3], $0xF7A  }
0x26: {  	[smem:$0x3F9B] =	sst s1;
	(tag) =	ssettag s2;
	_ =	strace s9  }
0x27: {  	s1 =	sld [smem:$0x3FAB]  }
0x28: {  	s2 =	sld [smem:$0x3FAC]  }
0x29: {  	s4 =	sld [smem:$0x3FAE]  }
0x2a: {  	p0 =	seq.s32 s5, $0x0;
	s5 =	sld [smem:$0x3FAF]  }
0x2b: {  	s6 =	sld [smem:$0x3FB0]  }
0x2c: {  	s7 =	sld [smem:$0x3FB1]  }
0x2d: {  	s3 =	simm.s32 $0x108;
	s8 =	sld [smem:$0x3FB2]  }
0x2e: {  	s3 =	simm.s32 @!p0 $0x1082;
	s9 =	sld [smem:$0x3FB3]  }
0x2f: {  	lr =	sadd.s32 s0, s3;
	s0 =	sld [smem:$0x3FAA]  }
0x30: {  	s3 =	sld [smem:$0x3FAD]  }
0x31: {  	[smem:$0x3FB6] =	sst s10  }
0x32: {  	s10 =	sld [smem:$0x3FB4];
	_ =	sdelay $0x3  }
0x33: {  	p0 =	seq.s32 s10, $0x1;
	s10 =	sld [smem:$0x3FB6];
	_ =	sdelay $0x3  }
0x34: {  	[smem:$0x3FB6] =	sst s10  }
0x35: {  	s10 =	sld [smem:$0x3FB5];
	_ =	sdelay $0x3  }
0x36: {  	p1 =	seq.s32 s10, $0x1;
	s10 =	sld [smem:$0x3FB6];
	_ =	sdelay $0x3  }
0x37: {  	[smem:$0x3FB6] =	sst s10  }
0x38: {  	s10 =	sld [smem:$0x3FB7]  }
0x39: {  	_ = 	snop;
	(pc) =	sbr.ind lr, $3  }
0x3a: {  	_ = 	snop  }
0x3b: {  	_ = 	snop  }
0x3c: {  	p2 =	seq.s32 s10, $0x1;
	s10 =	sld [smem:$0x3FB6]  }
0x3d: {  	_ =	shalt  }
0x3e: {  	_ =	shalt  }
0x3f: {  	_ =	shalt  }
0x40: {  	_ =	shalt  }
0x41: {  	_ =	shalt  }
0x42: {  	_ =	shalt  }
0x43: {  	_ =	shalt  }
0x44: {  	_ =	shalt  }
0x45: {  	_ =	shalt  }
0x46: {  	_ =	shalt  }
0x47: {  	_ =	shalt  }
0x48: {  	_ =	shalt  }
0x49: {  	_ =	shalt  }
0x4a: {  	_ =	shalt  }
0x4b: {  	_ =	shalt  }
0x4c: {  	_ =	shalt  }
0x4d: {  	_ =	shalt  }
0x4e: {  	_ =	shalt  }
0x4f: {  	_ =	shalt  }
0x50: {  	_ =	shalt  }
0x51: {  	_ =	shalt  }
0x52: {  	_ =	shalt  }
0x53: {  	_ =	shalt  }
0x54: {  	_ =	shalt  }
0x55: {  	_ =	shalt  }
0x56: {  	_ =	shalt  }
0x57: {  	_ =	shalt  }
0x58: {  	_ =	shalt  }
0x59: {  	_ =	shalt  }
0x5a: {  	_ =	shalt  }
0x5b: {  	_ =	shalt  }
0x5c: {  	_ =	shalt  }
0x5d: {  	_ =	shalt  }
0x5e: {  	_ =	shalt  }
0x5f: {  	_ =	shalt  }
0x60: {  	_ =	shalt  }
0x61: {  	_ =	shalt  }
0x62: {  	_ =	shalt  }
0x63: {  	_ =	shalt  }
0x64: {  	_ =	shalt  }
0x65: {  	_ =	shalt  }
0x66: {  	_ =	shalt  }
0x67: {  	_ =	shalt  }
0x68: {  	_ =	shalt  }
0x69: {  	_ =	shalt  }
0x6a: {  	_ =	shalt  }
0x6b: {  	_ =	shalt  }
0x6c: {  	_ =	shalt  }
0x6d: {  	_ =	shalt  }
0x6e: {  	_ =	shalt  }
0x6f: {  	_ =	shalt  }
0x70: {  	_ =	shalt  }
0x71: {  	_ =	shalt  }
0x72: {  	_ =	shalt  }
0x73: {  	_ =	shalt  }
0x74: {  	_ =	shalt  }
0x75: {  	_ =	shalt  }
0x76: {  	_ =	shalt  }
0x77: {  	_ =	shalt  }
0x78: {  	_ =	shalt  }
0x79: {  	_ =	shalt  }
0x7a: {  	_ =	shalt  }
0x7b: {  	_ =	shalt  }
0x7c: {  	_ =	shalt  }
0x7d: {  	_ =	shalt  }
0x7e: {  	_ =	shalt  }
0x7f: {  	_ =	shalt  }
0x80: {  	_ =	shalt  }
0x81: {  	_ =	shalt  }
0x82: {  	_ =	shalt  }
0x83: {  	_ =	shalt  }
0x84: {  	_ =	shalt  }
0x85: {  	_ =	shalt  }
0x86: {  	_ =	shalt  }
0x87: {  	_ =	shalt  }
.Lfunc_end0:
.L_simem_size_0:
called_computation_lowered:
.L_overlay_start_0:
0x88: {  	s2 =	sld [smem:$0x3FD9]  }
0x89: {  	s3 =	sld [smem:$0x3FFE];
	_ =	sdelay $0x1  }
0x8a: {  	s1 =	srdreg.scid  }
0x8b: {  	s0 =	sand.u32 $0x1, s1  }
0x8c: {  	s17 =	sshll.u32 s0, $0xA;
	s2 =	sadd.s32 s3, s2  }
0x8d: {  	s2 =	sadd.s32 s2, s17  }
0x8e: {  	[smem:$0x3FC2] =	sst s2  }
0x8f: {  	_ = 	snop  }
0x90: {  	s2 =	sld [smem:$0x3FD0];
	(tm) =	ssettm $0x1  }
0x91: {  	s18 =	sld [smem:$0x3FFB];
	_ =	sdelay $0x3  }
0x92: {  	_ =	strace s18  }
0x93: {  	s3 =	sld [smem:$0x3FFC];
	_ =	sdelay $0x3  }
0x94: {  	_ =	strace s3  }
0x95: {  	s3 =	sld [smem:$0x3FFD];
	_ =	sdelay $0x3  }
0x96: {  	_ =	strace s3  }
0x97: {  	_ =	strace $0x8FFFFFFF  }
0x98: {  	s19 =	sld [smem:$0x3FDB];
	_ =	sdelay $0x1  }
0x99: {  	s4 =	simm.s32 $_scs_section_size  }
0x9a: {  	s5 =	simm.s32 $_size__tile_overlayer_lowered;
	s6 =	simm.s32 $_tile_overlayer_lowered  }
0x9b: {  	s22 =	simm.s32 $0x1BFF;
	s21 =	sshll.u32 s6, $0x1;
	s3 =	sadd.s32 s4, s19  }
0x9c: {  	s7 =	simm.s32 $0x0;
	s20 =	sshll.u32 s5, $0x1;
	s5 =	sadd.s32 s21, s3  }
0x9d: {  	[timem:s7], [sflag:s22] =	dma.local [hbm:s5], s20  }
0x9e: {  	_ =	swait.ge [sflag:s22], s20  }
0x9f: {  	s4 =	ssub.s32 $0x0, s20;
	[sflag:s22] =	ssyncset.done $0x0  }
0xa0: {  	[sflag:s22] =	ssyncadd.s32 s4;
	_ =	sdelay $0x1  }
0xa1: {  	s23 =	simm.s32 $0x1B8B  }
0xa2: {  	_ =	swait.ge [sflag:s23], $0x1  }
0xa3: {  	[sflag:s23] =	ssyncset.done $0x0  }
0xa4: {  	s25 =	simm.s32 $0x1B8E;
	s24 =	sld [smem:$0x3FFE];
	[sflag:s23] =	ssyncadd.s32 $0xFFFFFFFF  }
0xa5: {  	s26 =	simm.s32 $execute0_lowered;
	[smem:$0x3FD2] =	sst s25  }
0xa6: {  	s5 =	sshll.u32 s26, $0x1;
	_ =	strace $0x80000046;
	[dreg:$0x1] =	wrdreg $0xFFFFFFFF  }
0xa7: {  	s28 =	simm.s32 $_size_execute0_lowered;
	s3 =	sadd.s32 s3, s5;
	[dreg:$0x0] =	wrdreg $0x0  }
0xa8: {  	s5 =	sshll.u32 s28, $0x1;
	[dreg:$0x2] =	wrdreg s3  }
0xa9: {  	[dreg:$0x3] =	wrdreg s5  }
0xaa: {  	[dreg:$0x4] =	wrdreg $0xC0  }
0xab: {  	_ =	task [dreg:s7], $0x5FFFF  }
0xac: {  	[dreg:$0x1] =	wrdreg $0xFFFFFFFF  }
0xad: {  	[dreg:$0x0] =	wrdreg $0x60  }
0xae: {  	[dreg:$0x2] =	wrdreg s24  }
0xaf: {  	[dreg:$0x3] =	wrdreg s2  }
0xb0: {  	[dreg:$0x4] =	wrdreg $0x4800  }
0xb1: {  	[dreg:$0x5] =	wrdreg $0x9  }
0xb2: {  	_ =	task.clear_ibuf [dreg:s7], $0x6FFFF;
	_ =	strace $0x90000046  }
0xb3: {  	s29 =	simm.s32 $0x9;
	_ =	strace $0x80000048  }
0xb4: {  	_ =	swait.ge [sflag:s29], $0x1  }
0xb5: {  	[sflag:s29] =	ssyncadd.s32 $0xFFFFFFFF  }
0xb6: {  	_ =	strace $0x90000048  }
0xb7: {  	_ =	sfence  }
0xb8: {  	s30 =	sld [smem:$0x0];
	_ =	sdelay $0x2  }
0xb9: {  	s31 =	sshll.u32 s1, $0xD;
	s1 =	sshrl.u32 s1, $0x2  }
0xba: {  	s3 =	sand.u32 $0x4000, s31;
	s1 =	sadd.s32 s1, s30  }
0xbb: {  	s0 =	sor.u32 s3, s0;
	s1 =	sshll.u32 s1, $0x11  }
0xbc: {  	s0 =	sor.u32 s1, s0  }
0xbd: {  	s0 =	sadd.s32 $0x8F2B, s0  }
0xbe: {  	[sflag:s0] =	ssyncadd.remote.s32 $0x1  }
0xbf: {  	_ =	sfence.sel $0xFFFF  }
0xc0: {  	[dreg:$0x0] =	wrdreg $0xFFFFFFFF;
	(pc) =	sbr.abs _section_cstart, $3  }
0xc1: {  	[dreg:$0x1] =	wrdreg $0xFFFFFFFF  }
0xc2: {  	_ =	task.clear_ibuf [dreg:s7], $0x2FFFF;
	_ =	strace $0x9FFFFFFF  }
0xc3: {  	(tm) =	ssettm $0x7FFFFFFF  }
tec
execute0_lowered:
.L_overlay_start_1:
0x0: {  	(tag) =	ssettag $0x1  }
0x1: {  	s6 =	rddreg [dreg:$0x0]  }
0x2: {  	s1 =	rddreg [dreg:$0x1]  }
0x3: {  	s2 =	rddreg [dreg:$0x2]  }
0x4: {  	s0 =	rddreg [dreg:$0x3];
	s3 =	simm.s32 $0x0  }
0x5: {  	s5 =	srdreg.scid;
	s4 =	stileid.u32;
	s18 =	simm.s32 $0x1  }
0x6: {  	s19 =	simm.s32 $0x200;
	s20 =	simm.s32 $0x80;
	s21 =	simm.s32 $0x100  }
0x7: {  	s22 =	simm.s32 $0x180;
	s23 =	simm.s32 $0x2;
	s28 =	simm.s32 $0x0  }
0x8: {  	[smem:$0x7FF] =	sst s3;
	s13 =	sadd.s32 $0x3200, s6;
	s7 =	sand.u32 $0x1, s5  }
0x9: {  	s8 =	sshll.u32 s4, $0xD;
	s5 =	sadd.s32 $0x66200, s6;
	s15 =	smul.u32 $0x18C00, s4  }
0xa: {  	s16 =	sshll.u32 s4, $0x6;
	_ =	strace $0x80000047;
	s9 =	sshll.u32 s7, $0x11  }
0xb: {  	s10 =	sshll.u32 s7, $0x4;
	s11 =	ssub.s32 $0x2, s7;
	s17 =	sadd.s32 s8, s2  }
0xc: {  	s14 =	smul.u32 $0x18C000, s7;
	s16 =	sor.u32 $0x1C03, s16;
	s10 =	sor.u32 s4, s10  }
0xd: {  	s9 =	sor.u32 s8, s9;
	s24 =	sshrl.u32 s11, $0x1;
	s12 =	smul.u32 $0x3180, s10  }
0xe: {  	s17 =	sshrl.u32 s17, $0x3;
	s9 =	sshrl.u32 s9, $0x3;
	s10 =	smul.u32 $0x18C00, s10  }
0xf: {  	s11 =	ssub.s32 s11, s24;
	s29 =	sadd.s32 s15, s14;
	s15 =	simm.s32 $0x3  }
0x10: {  	s24 =	simm.s32 $0x280;
	s9 =	sadd.s32 s9, s6;
	s8 =	smax.u32 s11, $0x1  }
0x11: {  	s14 =	sadd.s32 $0x800, s29;
	s11 =	sadd.s32 $0x600, s29;
	s6 =	sadd.s32 s13, s12  }
0x12: {  	s25 =	sor.u32 $0x200, s10;
	s7 =	sadd.s32 $0x66400, s9;
	s10 =	sshrl.u32 s10, $0x3  }
0x13: {  	s14 =	sshrl.u32 s14, $0x3;
	s31 =	sshrl.u32 s11, $0x3;
	s26 =	sshrl.u32 s25, $0x3  }
0x14: {  	s30 =	sadd.s32 s13, s10;
	s12 =	sadd.s32 s14, s13;
	s14 =	simm.s32 $0x400  }
0x15: {  	s25 =	simm.s32 $0x300;
	s9 =	sadd.s32 s13, s26;
	s10 =	sadd.s32 $0x80, s30  }
0x16: {  	s11 =	sadd.s32 $0x3140, s30;
	s13 =	sadd.s32 s31, s13;
	s26 =	simm.s32 $0x380  }
.LBB2_1:
0x17: {  	[tilespmem:s14], [sflag:$0x3] =	stream.linear.gather [hbm4b:s5+s3], $0x80, $0x38;
	[tilespmem:$0x2480] =	vst v63  }
0x18: {  	_ =	swait.ge [sflag:s15], $0x80  }
0x19: {  	[sflag:s15] =	ssyncset.done $0x0  }
0x1a: {  	[sflag:s15] =	ssyncadd.s32 $0xFFFFFF80  }
0x1b: {  	[spmem:s17], [sflag:s16] =	dma.local [hbm:s1], $0x400  }
0x1c: {  	_ =	swait.ge [sflag:s15], $0x400  }
0x1d: {  	[sflag:s15] =	ssyncset.done $0x0  }
0x1e: {  	[sflag:s15] =	ssyncadd.s32 $0xFFFFFC00  }
0x1f: {  	[bflag:$0x0] =	sbarrier.arrive $0xFFFF  }
0x20: {  	[tilespmem:s3], [sflag:$0x1] =	stream.linear.gather [hbm4b:s6+s3], $0x200, $0x38;
	[tilespmem:$0x2480] =	vst v63  }
0x21: {  	_ =	swait.ge [sflag:s18], $0x200  }
0x22: {  	[sflag:s18] =	ssyncset.done $0x0  }
0x23: {  	[sflag:s18] =	ssyncadd.s32 $0xFFFFFE00  }
0x24: {  	[tilespmem:s19], [sflag:$0x1] =	stream.linear.gather [hbm4b:s9+s3], $0x200, $0x38;
	[tilespmem:$0x2480] =	vst v63  }
0x25: {  	_ = 	snop  }
0x26: {  	[spmem:s2] =	stream.indirect.scatter.add.f32 [tilespmem:s14], [sflag:$0x2], $0x1, s3, s20, $0xb8;
	[tilespmem:$0x2480] =	vst v63  }
0x27: {  	_ = 	snop  }
0x28: {  	[spmem:s2] =	stream.indirect.scatter.add.f32 [tilespmem:s14], [sflag:$0x2], $0x1, s20, s20, $0xb8;
	[tilespmem:$0x2480] =	vst v63  }
0x29: {  	_ = 	snop  }
0x2a: {  	[spmem:s2] =	stream.indirect.scatter.add.f32 [tilespmem:s14], [sflag:$0x2], $0x1, s21, s20, $0xb8;
	[tilespmem:$0x2480] =	vst v63  }
0x2b: {  	_ = 	snop  }
0x2c: {  	[spmem:s2] =	stream.indirect.scatter.add.f32 [tilespmem:s14], [sflag:$0x2], $0x1, s22, s20, $0xb8;
	[tilespmem:$0x2480] =	vst v63  }
0x2d: {  	_ =	swait.ge [sflag:s18], $0x200  }
0x2e: {  	[sflag:s18] =	ssyncset.done $0x0  }
0x2f: {  	[sflag:s18] =	ssyncadd.s32 $0xFFFFFE00  }
0x30: {  	_ =	swait.ge [sflag:s23], $0x80  }
0x31: {  	[sflag:s23] =	ssyncset.done $0x0  }
0x32: {  	[sflag:s23] =	ssyncadd.s32 $0xFFFFFF80  }
0x33: {  	_ =	swait.ge [sflag:s23], $0x80  }
0x34: {  	[sflag:s23] =	ssyncset.done $0x0  }
0x35: {  	[sflag:s23] =	ssyncadd.s32 $0xFFFFFF80  }
0x36: {  	_ =	swait.ge [sflag:s23], $0x80  }
0x37: {  	[sflag:s23] =	ssyncset.done $0x0  }
0x38: {  	[sflag:s23] =	ssyncadd.s32 $0xFFFFFF80  }
0x39: {  	_ =	swait.ge [sflag:s23], $0x80  }
0x3a: {  	[sflag:s23] =	ssyncset.done $0x0  }
0x3b: {  	[sflag:s23] =	ssyncadd.s32 $0xFFFFFF80  }
0x3c: {  	[tilespmem:s3], [sflag:$0x1] =	stream.linear.gather [hbm4b:s10+s3], $0x200, $0x38;
	[tilespmem:$0x2480] =	vst v63  }
0x3d: {  	_ = 	snop  }
0x3e: {  	[spmem:s2] =	stream.indirect.scatter.add.f32 [tilespmem:s14], [sflag:$0x2], $0x1, s19, s20, $0xb8;
	[tilespmem:$0x2480] =	vst v63  }
0x3f: {  	_ = 	snop  }
0x40: {  	[spmem:s2] =	stream.indirect.scatter.add.f32 [tilespmem:s14], [sflag:$0x2], $0x1, s24, s20, $0xb8;
	[tilespmem:$0x2480] =	vst v63  }
0x41: {  	_ = 	snop  }
0x42: {  	[spmem:s2] =	stream.indirect.scatter.add.f32 [tilespmem:s14], [sflag:$0x2], $0x1, s25, s20, $0xb8;
	[tilespmem:$0x2480] =	vst v63  }
0x43: {  	_ = 	snop  }
0x44: {  	[spmem:s2] =	stream.indirect.scatter.add.f32 [tilespmem:s14], [sflag:$0x2], $0x1, s26, s20, $0xb8;
	[tilespmem:$0x2480] =	vst v63  }
0x45: {  	_ =	swait.ge [sflag:s18], $0x200  }
0x46: {  	[sflag:s18] =	ssyncset.done $0x0  }
0x47: {  	[sflag:s18] =	ssyncadd.s32 $0xFFFFFE00  }
0x48: {  	_ =	swait.ge [sflag:s23], $0x80  }
0x49: {  	[sflag:s23] =	ssyncset.done $0x0  }
0x4a: {  	[sflag:s23] =	ssyncadd.s32 $0xFFFFFF80  }
0x4b: {  	_ =	swait.ge [sflag:s23], $0x80  }
0x4c: {  	[sflag:s23] =	ssyncset.done $0x0  }
0x4d: {  	[sflag:s23] =	ssyncadd.s32 $0xFFFFFF80  }
0x4e: {  	_ =	swait.ge [sflag:s23], $0x80  }
0x4f: {  	[sflag:s23] =	ssyncset.done $0x0  }
0x50: {  	[sflag:s23] =	ssyncadd.s32 $0xFFFFFF80  }
0x51: {  	_ =	swait.ge [sflag:s23], $0x80  }
0x52: {  	[sflag:s23] =	ssyncset.done $0x0  }
0x53: {  	s29 =	sadd.s32 $0x0, s13;
	[sflag:s23] =	ssyncadd.s32 $0xFFFFFF80  }
0x54: {  	[tilespmem:s19], [sflag:$0x1] =	stream.linear.gather [hbm4b:s29+s3], $0x200, $0x38;
	[tilespmem:$0x2480] =	vst v63  }
0x55: {  	_ = 	snop  }
0x56: {  	[spmem:s2] =	stream.indirect.scatter.add.f32 [tilespmem:s14], [sflag:$0x2], $0x1, s3, s20, $0xb8;
	[tilespmem:$0x2480] =	vst v63  }
0x57: {  	_ = 	snop  }
0x58: {  	[spmem:s2] =	stream.indirect.scatter.add.f32 [tilespmem:s14], [sflag:$0x2], $0x1, s20, s20, $0xb8;
	[tilespmem:$0x2480] =	vst v63  }
0x59: {  	_ = 	snop  }
0x5a: {  	[spmem:s2] =	stream.indirect.scatter.add.f32 [tilespmem:s14], [sflag:$0x2], $0x1, s21, s20, $0xb8;
	[tilespmem:$0x2480] =	vst v63  }
0x5b: {  	_ = 	snop  }
0x5c: {  	[spmem:s2] =	stream.indirect.scatter.add.f32 [tilespmem:s14], [sflag:$0x2], $0x1, s22, s20, $0xb8;
	[tilespmem:$0x2480] =	vst v63  }
0x5d: {  	_ =	swait.ge [sflag:s18], $0x200  }
0x5e: {  	[sflag:s18] =	ssyncset.done $0x0  }
0x5f: {  	[sflag:s18] =	ssyncadd.s32 $0xFFFFFE00  }
0x60: {  	_ =	swait.ge [sflag:s23], $0x80  }
0x61: {  	[sflag:s23] =	ssyncset.done $0x0  }
0x62: {  	[sflag:s23] =	ssyncadd.s32 $0xFFFFFF80  }
0x63: {  	_ =	swait.ge [sflag:s23], $0x80  }
0x64: {  	[sflag:s23] =	ssyncset.done $0x0  }
0x65: {  	[sflag:s23] =	ssyncadd.s32 $0xFFFFFF80  }
0x66: {  	_ =	swait.ge [sflag:s23], $0x80  }
0x67: {  	[sflag:s23] =	ssyncset.done $0x0  }
0x68: {  	[sflag:s23] =	ssyncadd.s32 $0xFFFFFF80  }
0x69: {  	_ =	swait.ge [sflag:s23], $0x80  }
0x6a: {  	[sflag:s23] =	ssyncset.done $0x0  }
0x6b: {  	s29 =	sadd.s32 $0x0, s12;
	[sflag:s23] =	ssyncadd.s32 $0xFFFFFF80  }
0x6c: {  	[tilespmem:s3], [sflag:$0x1] =	stream.linear.gather [hbm4b:s29+s3], $0x200, $0x38;
	[tilespmem:$0x2480] =	vst v63  }
0x6d: {  	_ = 	snop  }
0x6e: {  	[spmem:s2] =	stream.indirect.scatter.add.f32 [tilespmem:s14], [sflag:$0x2], $0x1, s19, s20, $0xb8;
	[tilespmem:$0x2480] =	vst v63  }
0x6f: {  	_ = 	snop  }
0x70: {  	[spmem:s2] =	stream.indirect.scatter.add.f32 [tilespmem:s14], [sflag:$0x2], $0x1, s24, s20, $0xb8;
	[tilespmem:$0x2480] =	vst v63  }
0x71: {  	s29 =	simm.s32 $0x80  }
0x72: {  	[spmem:s2] =	stream.indirect.scatter.add.f32 [tilespmem:s14], [sflag:$0x2], $0x1, s25, s20, $0xb8;
	[tilespmem:$0x2480] =	vst v63  }
.LBB2_2:
0x73: {  	[spmem:s2] =	stream.indirect.scatter.add.f32 [tilespmem:s14], [sflag:$0x2], $0x1, s26, s20, $0xb8;
	[tilespmem:$0x2480] =	vst v63  }
0x74: {  	s30 =	smov.u32 s29  }
0x75: {  	p0 =	sne.s32 s29, $0x3000;
	s29 =	sadd.s32 $0x80, s29;
	_ =	swait.ge [sflag:s18], $0x200  }
0x76: {  	[sflag:s18] =	ssyncset.done $0x0  }
0x77: {  	[sflag:s18] =	ssyncadd.s32 $0xFFFFFE00  }
0x78: {  	_ =	swait.ge [sflag:s23], $0x80  }
0x79: {  	[sflag:s23] =	ssyncset.done $0x0  }
0x7a: {  	[sflag:s23] =	ssyncadd.s32 $0xFFFFFF80  }
0x7b: {  	_ =	swait.ge [sflag:s23], $0x80  }
0x7c: {  	[sflag:s23] =	ssyncset.done $0x0  }
0x7d: {  	[sflag:s23] =	ssyncadd.s32 $0xFFFFFF80  }
0x7e: {  	_ =	swait.ge [sflag:s23], $0x80  }
0x7f: {  	[sflag:s23] =	ssyncset.done $0x0  }
0x80: {  	[sflag:s23] =	ssyncadd.s32 $0xFFFFFF80  }
0x81: {  	_ =	swait.ge [sflag:s23], $0x80  }
0x82: {  	[sflag:s23] =	ssyncset.done $0x0  }
0x83: {  	s31 =	sadd.s32 s30, s13;
	[sflag:s23] =	ssyncadd.s32 $0xFFFFFF80  }
0x84: {  	[tilespmem:s19], [sflag:$0x1] =	stream.linear.gather [hbm4b:s31+s3], $0x200, $0x38;
	[tilespmem:$0x2480] =	vst v63  }
0x85: {  	_ = 	snop  }
0x86: {  	[spmem:s2] =	stream.indirect.scatter.add.f32 [tilespmem:s14], [sflag:$0x2], $0x1, s3, s20, $0xb8;
	[tilespmem:$0x2480] =	vst v63  }
0x87: {  	_ = 	snop  }
0x88: {  	[spmem:s2] =	stream.indirect.scatter.add.f32 [tilespmem:s14], [sflag:$0x2], $0x1, s20, s20, $0xb8;
	[tilespmem:$0x2480] =	vst v63  }
0x89: {  	_ = 	snop  }
0x8a: {  	[spmem:s2] =	stream.indirect.scatter.add.f32 [tilespmem:s14], [sflag:$0x2], $0x1, s21, s20, $0xb8;
	[tilespmem:$0x2480] =	vst v63  }
0x8b: {  	_ = 	snop  }
0x8c: {  	[spmem:s2] =	stream.indirect.scatter.add.f32 [tilespmem:s14], [sflag:$0x2], $0x1, s22, s20, $0xb8;
	[tilespmem:$0x2480] =	vst v63  }
0x8d: {  	_ =	swait.ge [sflag:s18], $0x200  }
0x8e: {  	[sflag:s18] =	ssyncset.done $0x0  }
0x8f: {  	[sflag:s18] =	ssyncadd.s32 $0xFFFFFE00  }
0x90: {  	_ =	swait.ge [sflag:s23], $0x80  }
0x91: {  	[sflag:s23] =	ssyncset.done $0x0  }
0x92: {  	[sflag:s23] =	ssyncadd.s32 $0xFFFFFF80  }
0x93: {  	_ =	swait.ge [sflag:s23], $0x80  }
0x94: {  	[sflag:s23] =	ssyncset.done $0x0  }
0x95: {  	[sflag:s23] =	ssyncadd.s32 $0xFFFFFF80  }
0x96: {  	_ =	swait.ge [sflag:s23], $0x80  }
0x97: {  	[sflag:s23] =	ssyncset.done $0x0  }
0x98: {  	[sflag:s23] =	ssyncadd.s32 $0xFFFFFF80  }
0x99: {  	_ =	swait.ge [sflag:s23], $0x80  }
0x9a: {  	[sflag:s23] =	ssyncset.done $0x0  }
0x9b: {  	s30 =	sadd.s32 s30, s12;
	[sflag:s23] =	ssyncadd.s32 $0xFFFFFF80  }
0x9c: {  	[tilespmem:s3], [sflag:$0x1] =	stream.linear.gather [hbm4b:s30+s3], $0x200, $0x38;
	[tilespmem:$0x2480] =	vst v63  }
0x9d: {  	_ = 	snop  }
0x9e: {  	[spmem:s2] =	stream.indirect.scatter.add.f32 [tilespmem:s14], [sflag:$0x2], $0x1, s19, s20, $0xb8;
	[tilespmem:$0x2480] =	vst v63  }
.Ltmp0:
0x9f: {  	_ = 	snop;
	(pc) =	sbr.rel @p0 .LBB2_2-.Ltmp0, $4  }
0xa0: {  	_ = 	snop  }
0xa1: {  	[spmem:s2] =	stream.indirect.scatter.add.f32 [tilespmem:s14], [sflag:$0x2], $0x1, s24, s20, $0xb8;
	[tilespmem:$0x2480] =	vst v63  }
0xa2: {  	_ = 	snop  }
0xa3: {  	[spmem:s2] =	stream.indirect.scatter.add.f32 [tilespmem:s14], [sflag:$0x2], $0x1, s25, s20, $0xb8;
	[tilespmem:$0x2480] =	vst v63  }
0xa4: {  	[spmem:s2] =	stream.indirect.scatter.add.f32 [tilespmem:s14], [sflag:$0x2], $0x1, s26, s20, $0xb8;
	[tilespmem:$0x2480] =	vst v63  }
0xa5: {  	_ =	swait.ge [sflag:s18], $0x200  }
0xa6: {  	[sflag:s18] =	ssyncset.done $0x0  }
0xa7: {  	[sflag:s18] =	ssyncadd.s32 $0xFFFFFE00  }
0xa8: {  	_ =	swait.ge [sflag:s23], $0x80  }
0xa9: {  	[sflag:s23] =	ssyncset.done $0x0  }
0xaa: {  	[sflag:s23] =	ssyncadd.s32 $0xFFFFFF80  }
0xab: {  	_ =	swait.ge [sflag:s23], $0x80  }
0xac: {  	[sflag:s23] =	ssyncset.done $0x0  }
0xad: {  	[sflag:s23] =	ssyncadd.s32 $0xFFFFFF80  }
0xae: {  	_ =	swait.ge [sflag:s23], $0x80  }
0xaf: {  	[sflag:s23] =	ssyncset.done $0x0  }
0xb0: {  	[sflag:s23] =	ssyncadd.s32 $0xFFFFFF80  }
0xb1: {  	_ =	swait.ge [sflag:s23], $0x80  }
0xb2: {  	[sflag:s23] =	ssyncset.done $0x0  }
0xb3: {  	[sflag:s23] =	ssyncadd.s32 $0xFFFFFF80  }
0xb4: {  	[tilespmem:s19], [sflag:$0x1] =	stream.linear.gather [hbm4b:s11+s3], $0x200, $0x38;
	[tilespmem:$0x2480] =	vst v63  }
0xb5: {  	_ = 	snop  }
0xb6: {  	[spmem:s2] =	stream.indirect.scatter.add.f32 [tilespmem:s14], [sflag:$0x2], $0x1, s3, s20, $0xb8;
	[tilespmem:$0x2480] =	vst v63  }
0xb7: {  	_ = 	snop  }
0xb8: {  	[spmem:s2] =	stream.indirect.scatter.add.f32 [tilespmem:s14], [sflag:$0x2], $0x1, s20, s20, $0xb8;
	[tilespmem:$0x2480] =	vst v63  }
0xb9: {  	_ = 	snop  }
0xba: {  	[spmem:s2] =	stream.indirect.scatter.add.f32 [tilespmem:s14], [sflag:$0x2], $0x1, s21, s20, $0xb8;
	[tilespmem:$0x2480] =	vst v63  }
0xbb: {  	_ = 	snop  }
0xbc: {  	[spmem:s2] =	stream.indirect.scatter.add.f32 [tilespmem:s14], [sflag:$0x2], $0x1, s22, s20, $0xb8;
	[tilespmem:$0x2480] =	vst v63  }
0xbd: {  	_ =	swait.ge [sflag:s18], $0x200  }
0xbe: {  	[sflag:s18] =	ssyncset.done $0x0  }
0xbf: {  	[sflag:s18] =	ssyncadd.s32 $0xFFFFFE00  }
0xc0: {  	_ =	swait.ge [sflag:s23], $0x80  }
0xc1: {  	[sflag:s23] =	ssyncset.done $0x0  }
0xc2: {  	[sflag:s23] =	ssyncadd.s32 $0xFFFFFF80  }
0xc3: {  	_ =	swait.ge [sflag:s23], $0x80  }
0xc4: {  	[sflag:s23] =	ssyncset.done $0x0  }
0xc5: {  	[sflag:s23] =	ssyncadd.s32 $0xFFFFFF80  }
0xc6: {  	_ =	swait.ge [sflag:s23], $0x80  }
0xc7: {  	[sflag:s23] =	ssyncset.done $0x0  }
0xc8: {  	[sflag:s23] =	ssyncadd.s32 $0xFFFFFF80  }
0xc9: {  	_ =	swait.ge [sflag:s23], $0x80  }
0xca: {  	[sflag:s23] =	ssyncset.done $0x0  }
0xcb: {  	[sflag:s23] =	ssyncadd.s32 $0xFFFFFF80  }
0xcc: {  	[spmem:s2] =	stream.indirect.scatter.add.f32 [tilespmem:s14], [sflag:$0x2], $0x1, s19, s20, $0xb8;
	[tilespmem:$0x2480] =	vst v63  }
0xcd: {  	_ = 	snop  }
0xce: {  	[spmem:s2] =	stream.indirect.scatter.add.f32 [tilespmem:s14], [sflag:$0x2], $0x1, s24, s20, $0xb8;
	[tilespmem:$0x2480] =	vst v63  }
0xcf: {  	_ = 	snop  }
0xd0: {  	[spmem:s2] =	stream.indirect.scatter.add.f32 [tilespmem:s14], [sflag:$0x2], $0x1, s25, s20, $0xb8;
	[tilespmem:$0x2480] =	vst v63  }
0xd1: {  	_ = 	snop  }
0xd2: {  	[spmem:s2] =	stream.indirect.scatter.add.f32 [tilespmem:s14], [sflag:$0x2], $0x1, s26, s20, $0xb8;
	[tilespmem:$0x2480] =	vst v63  }
0xd3: {  	_ =	swait.ge [sflag:s23], $0x80  }
0xd4: {  	[sflag:s23] =	ssyncset.done $0x0  }
0xd5: {  	[sflag:s23] =	ssyncadd.s32 $0xFFFFFF80  }
0xd6: {  	_ =	swait.ge [sflag:s23], $0x80  }
0xd7: {  	[sflag:s23] =	ssyncset.done $0x0  }
0xd8: {  	[sflag:s23] =	ssyncadd.s32 $0xFFFFFF80  }
0xd9: {  	_ =	swait.ge [sflag:s23], $0x80  }
0xda: {  	[sflag:s23] =	ssyncset.done $0x0  }
0xdb: {  	[sflag:s23] =	ssyncadd.s32 $0xFFFFFF80  }
0xdc: {  	_ =	swait.ge [sflag:s23], $0x80  }
0xdd: {  	s28 =	sadd.s32 $0x1, s28;
	[sflag:s23] =	ssyncset.done $0x0  }
0xde: {  	p0 =	sne.s32 s28, s8;
	[sflag:s23] =	ssyncadd.s32 $0xFFFFFF80  }
.Ltmp1:
0xdf: {  	[bflag:$0x0] =	sbarrier.arrive $0xFFFF;
	(pc) =	sbr.rel @p0 .LBB2_1-.Ltmp1, $4  }
0xe0: {  	[hbm:s7], [sflag:s16] =	dma.local [spmem:s17], $0x400  }
0xe1: {  	_ =	swait.ge [sflag:s15], $0x400  }
0xe2: {  	[sflag:s15] =	ssyncset.done $0x0  }
0xe3: {  	[sflag:s15] =	ssyncadd.s32 $0xFFFFFC00  }
0xe4: {  	_ =	sfence.sel $0x180000  }
0xe5: {  	[bflag:$0x0] =	sbarrier.arrive $0xFFFF  }
0xe6: {  	p0 =	sne.s32 s4, $0x0;
	_ =	strace $0x90000047  }
0xe7: {  	s0 =	sadd.s32 @!p0 $0x100000, s0;
	[bflag:$0x2] =	sbarrier.arrive $0xFFFF  }
0xe8: {  	[sflag:s0] =	ssyncadd.tile.s32 @!p0 $0x1;
	_ =	shalt  }
.Lfunc_end2:
_tile_overlayer_lowered:
.L_overlay_start_2:
0xe9: {  	(tag) =	ssettag $0x2  }
0xea: {  	s0 =	rddreg [dreg:$0x0];
	s2 =	stileid.u32  }
0xeb: {  	s1 =	rddreg [dreg:$0x1];
	p0 =	sne.s32 s2, $0x0  }
0xec: {  	s3 =	rddreg [dreg:$0x2];
	[bflag:$0x3] =	sbarrier.arrive $0xFFFF;
	s2 =	simm.s32 @!p0 $0x1C03  }
0xed: {  	[timem:s3], [sflag:s2] =	dma.local @!p0 [hbm:s0], s1  }
0xee: {  	s0 =	simm.s32 @!p0 $0x3  }
0xef: {  	_ =	swait.ge @!p0 [sflag:s0], s1  }
0xf0: {  	s1 =	ssub.s32 @!p0 $0x0, s1;
	[sflag:s0] =	ssyncset.done @!p0 $0x0  }
0xf1: {  	[sflag:s0] =	ssyncadd.s32 @!p0 s1  }
0xf2: {  	[bflag:$0x3] =	sbarrier.arrive $0xFFFF  }
0xf3: {  	_ =	shalt  }

</sc_bundles>
